<compile_context>
chip_gen: v7x
topology: tpu7x:2x2x1
jax: 0.10.2.dev20260603
libtpu: 0.0.44.dev20260713+nightly
codegen_flags: <defaults>
</compile_context>

<pallas_src>
import functools

import jax
import jax.numpy as jnp
from jax import lax
from jax.experimental import pallas as pl
from jax.experimental.pallas import tpu as pltpu
from jax.experimental.pallas import tpu_sc as plsc

_N = 10000
_E = 320000
_H = 128
_NG = 200
_NC = 2
_NS = 16
_NW = _NC * _NS
_K = 80
_DEGW = 128
_EPW = _E // _NW
_NCHUNK = _N // _K
_TPS = -(-_NCHUNK // _NS)

_mesh = plsc.VectorSubcoreMesh(core_axis_name="c", subcore_axis_name="s")



@functools.partial(
    pl.kernel,
    out_type=(jax.ShapeDtypeStruct((_N, _H), jnp.float32),
              jax.ShapeDtypeStruct((_NC * _N, _DEGW), jnp.float32)),
    mesh=_mesh,
    scratch_types=[
        [pltpu.VMEM((_K,), jnp.int32) for _ in range(2)],
        [pltpu.VMEM((_K, _H), jnp.float32) for _ in range(2)],
        [pltpu.VMEM((_K,), jnp.int32) for _ in range(2)],
        pltpu.VMEM((_K, _DEGW), jnp.float32),
        pltpu.VMEM_SHARED((_N, _DEGW), jnp.float32),
        [pltpu.SemaphoreType.DMA for _ in range(2)],
        [pltpu.SemaphoreType.DMA for _ in range(2)],
        pltpu.SemaphoreType.DMA,
    ],
)
def _sc_embed_deg(z_hbm, dst_hbm, table_hbm, zeros_hbm, ones_hbm,
                  x_hbm, deg_hbm, zi, rows, di, ones_v, dacc, esem, ssem,
                  isem):
    cid = lax.axis_index("c")
    sid = lax.axis_index("s")
    wid = sid * _NC + cid
    pltpu.sync_copy(zeros_hbm, rows[0])
    for t in range(_TPS):
        c = sid + t * _NS

        @pl.when(c < _NCHUNK)
        def _():
            pltpu.sync_copy(rows[0], dacc.at[pl.ds(c * _K, _K)])

    pltpu.sync_copy(ones_hbm, ones_v)
    plsc.subcore_barrier()

    def chunk_id(t):
        c = wid + t * _NW
        return jnp.where(c < _NCHUNK, c, 0)

    def load_z(t, b):
        pltpu.sync_copy(z_hbm.at[pl.ds(chunk_id(t) * _K, _K)], zi[b])

    def write_x(t, b):
        pltpu.sync_copy(rows[b], x_hbm.at[pl.ds(chunk_id(t) * _K, _K)])

    load_z(0, 0)
    g0 = pltpu.async_copy(table_hbm.at[zi[0]], rows[0], esem[0])
    load_z(1, 1)
    g1 = pltpu.async_copy(table_hbm.at[zi[1]], rows[1], esem[1])
    g0.wait()
    write_x(0, 0)
    load_z(2, 0)
    g2 = pltpu.async_copy(table_hbm.at[zi[0]], rows[0], esem[0])
    g1.wait()
    write_x(1, 1)
    load_z(3, 1)
    g3 = pltpu.async_copy(table_hbm.at[zi[1]], rows[1], esem[1])
    g2.wait()
    write_x(2, 0)
    g3.wait()
    write_x(3, 1)

    ebase = cid * (_E // _NC) + sid * _EPW
    npair = (_EPW // _K) // 2
    nrem = _EPW // _K - 2 * npair

    def dpair(u, carry):
        off = ebase + 2 * u * _K
        i0 = pltpu.async_copy(dst_hbm.at[pl.ds(off, _K)], di[0], isem)
        i1 = pltpu.async_copy(dst_hbm.at[pl.ds(off + _K, _K)], di[1], isem)
        i0.wait()
        s0 = pltpu.async_copy(ones_v, dacc.at[di[0]], ssem[0], add=True)
        i1.wait()
        s1 = pltpu.async_copy(ones_v, dacc.at[di[1]], ssem[1], add=True)
        s0.wait()
        s1.wait()
        return carry

    lax.fori_loop(0, npair, dpair, 0)
    for r in range(nrem):
        off = ebase + (2 * npair + r) * _K
        pltpu.sync_copy(dst_hbm.at[pl.ds(off, _K)], di[0])
        pltpu.sync_copy(ones_v, dacc.at[di[0]], add=True)

    plsc.subcore_barrier()
    for t in range(_TPS):
        c = sid + t * _NS

        @pl.when(c < _NCHUNK)
        def _():
            pltpu.sync_copy(dacc.at[pl.ds(c * _K, _K)],
                            deg_hbm.at[pl.ds(cid * _N + c * _K, _K)])



_KA = 128
_CPW = _EPW // _KA
_TAIL = _EPW - _CPW * _KA
_G = 2
_NGRP = _CPW // _G


@functools.partial(
    pl.kernel,
    out_type=jax.ShapeDtypeStruct((_NC * _N, _H), jnp.float32),
    mesh=_mesh,
    scratch_types=[
        [pltpu.VMEM((_KA,), jnp.int32) for _ in range(_G)],
        [pltpu.VMEM((_KA,), jnp.int32) for _ in range(_G)],
        [pltpu.VMEM((_KA, _H), jnp.float32) for _ in range(_G)],
        pltpu.VMEM((_TAIL,), jnp.int32),
        pltpu.VMEM((_TAIL,), jnp.int32),
        pltpu.VMEM((_TAIL, _H), jnp.float32),
        pltpu.VMEM_SHARED((_N, _H), jnp.float32),
        [pltpu.SemaphoreType.DMA for _ in range(_G)],
        pltpu.SemaphoreType.DMA,
        pltpu.SemaphoreType.DMA,
    ],
)
def _sc_aggregate(y_hbm, src_hbm, dst_hbm, zeros_hbm, p_hbm,
                  si, di, rows, si_t, di_t, rows_t, acc, gsem, ssem, isem):
    cid = lax.axis_index("c")
    sid = lax.axis_index("s")
    pltpu.sync_copy(zeros_hbm, rows[0].at[pl.ds(0, _K)])
    for t in range(_TPS):
        c = sid + t * _NS

        @pl.when(c < _NCHUNK)
        def _():
            pltpu.sync_copy(rows[0].at[pl.ds(0, _K)],
                            acc.at[pl.ds(c * _K, _K)])

    plsc.subcore_barrier()
    ebase = cid * (_E // _NC) + sid * _EPW

    def group(gbase, nj):
        ids = []
        for j in range(nj):
            off = gbase + j * _KA
            ids.append(pltpu.async_copy(src_hbm.at[pl.ds(off, _KA)], si[j],
                                        isem))
            ids.append(pltpu.async_copy(dst_hbm.at[pl.ds(off, _KA)], di[j],
                                        isem))
        for d in ids:
            d.wait()
        gds = []
        for j in range(nj):
            gds.append(pltpu.async_copy(y_hbm.at[si[j]], rows[j], gsem[j]))
        sds = []
        for j in range(nj):
            gds[j].wait()
            sds.append(pltpu.async_copy(rows[j], acc.at[di[j]], ssem,
                                        add=True))
        for j in range(nj):
            sds[j].wait()

    def body(g, carry):
        group(ebase + g * (_G * _KA), _G)
        return carry

    lax.fori_loop(0, _NGRP, body, 0)
    offt = ebase + _CPW * _KA
    pltpu.sync_copy(src_hbm.at[pl.ds(offt, _TAIL)], si_t)
    pltpu.sync_copy(dst_hbm.at[pl.ds(offt, _TAIL)], di_t)
    pltpu.async_copy(y_hbm.at[si_t], rows_t, gsem[0]).wait()
    pltpu.sync_copy(rows_t, acc.at[di_t], add=True)
    plsc.subcore_barrier()
    for t in range(_TPS):
        c = sid + t * _NS

        @pl.when(c < _NCHUNK)
        def _():
            pltpu.sync_copy(acc.at[pl.ds(c * _K, _K)],
                            p_hbm.at[pl.ds(cid * _N + c * _K, _K)])



@functools.partial(
    pl.kernel,
    out_type=(jax.ShapeDtypeStruct((2, 2 * _NG, _H), jnp.float32),
              jax.ShapeDtypeStruct((2 * _NG, _H), jnp.float32),
              jax.ShapeDtypeStruct((2, 2 * _NG, _DEGW), jnp.float32)),
    mesh=_mesh,
    scratch_types=[
        pltpu.VMEM((16,), jnp.int32),
        [pltpu.VMEM((16, _H), jnp.float32) for _ in range(5)],
        [pltpu.SemaphoreType.DMA for _ in range(5)],
    ],
)
def _sc_pool(p_hbm, y_hbm, deg_hbm, ci_hbm, gp_hbm, gy_hbm, gd_hbm,
             idx_v, rows, sem):
    cid = lax.axis_index("c")
    sid = lax.axis_index("s")
    wid = sid * _NC + cid

    @pl.when(wid < (2 * _NG) // 16)
    def _():
        pltpu.sync_copy(ci_hbm.at[pl.ds(wid * 16, 16)], idx_v)
        ds = []
        for h in range(2):
            ds.append(pltpu.async_copy(
                p_hbm.at[pl.ds(h * _N, _N)].at[idx_v], rows[h], sem[h]))
            ds.append(pltpu.async_copy(
                deg_hbm.at[pl.ds(h * _N, _N)].at[idx_v], rows[2 + h],
                sem[2 + h]))
        ds.append(pltpu.async_copy(y_hbm.at[idx_v], rows[4], sem[4]))
        for d in ds:
            d.wait()
        for h in range(2):
            pltpu.sync_copy(rows[h], gp_hbm.at[h, pl.ds(wid * 16, 16)])
            pltpu.sync_copy(rows[2 + h], gd_hbm.at[h, pl.ds(wid * 16, 16)])
        pltpu.sync_copy(rows[4], gy_hbm.at[pl.ds(wid * 16, 16)])



_BM = 1000


def _tc_first_body(deg_ref, x_ref, w_ref, y_ref, dinv_ref):
    deg = deg_ref[0, :, :1] + deg_ref[1, :, :1] + 1.0
    dinv = lax.rsqrt(deg)
    dinv_ref[...] = dinv
    y_ref[...] = dinv * jnp.dot(x_ref[...], w_ref[...],
                                preferred_element_type=jnp.float32)


_tc_first = pl.pallas_call(
    _tc_first_body,
    grid=(_N // _BM,),
    in_specs=[
        pl.BlockSpec((2, _BM, _DEGW), lambda i: (0, i, 0)),
        pl.BlockSpec((_BM, _H), lambda i: (i, 0)),
        pl.BlockSpec((_H, _H), lambda i: (0, 0)),
    ],
    out_specs=[
        pl.BlockSpec((_BM, _H), lambda i: (i, 0)),
        pl.BlockSpec((_BM, 1), lambda i: (i, 0)),
    ],
    out_shape=[
        jax.ShapeDtypeStruct((_N, _H), jnp.float32),
        jax.ShapeDtypeStruct((_N, 1), jnp.float32),
    ],
)


def _tc_mid_body(p_ref, y_ref, dinv_ref, b_ref, w_ref, yo_ref):
    dinv = dinv_ref[...]
    x = jnp.maximum(dinv * (p_ref[0] + p_ref[1] + y_ref[...]) + b_ref[...],
                    0.0)
    yo_ref[...] = dinv * jnp.dot(x, w_ref[...],
                                 preferred_element_type=jnp.float32)


_tc_mid = pl.pallas_call(
    _tc_mid_body,
    grid=(_N // _BM,),
    in_specs=[
        pl.BlockSpec((2, _BM, _H), lambda i: (0, i, 0)),
        pl.BlockSpec((_BM, _H), lambda i: (i, 0)),
        pl.BlockSpec((_BM, 1), lambda i: (i, 0)),
        pl.BlockSpec((1, _H), lambda i: (0, 0)),
        pl.BlockSpec((_H, _H), lambda i: (0, 0)),
    ],
    out_specs=pl.BlockSpec((_BM, _H), lambda i: (i, 0)),
    out_shape=jax.ShapeDtypeStruct((_N, _H), jnp.float32),
)


def _tc_tail_body(gp_ref, gy_ref, gd_ref, b_ref, w1_ref, b1_ref,
                  w2_ref, b2_ref, o_ref):
    deg = gd_ref[0, :, :1] + gd_ref[1, :, :1] + 1.0
    dinv = lax.rsqrt(deg)
    x3 = dinv * (gp_ref[0] + gp_ref[1] + gy_ref[...]) + b_ref[...]
    prod = x3[:_NG] * x3[_NG:]
    h = jnp.maximum(jnp.dot(prod, w1_ref[...],
                            preferred_element_type=jnp.float32) + b1_ref[...],
                    0.0)
    o_ref[...] = (jnp.dot(h, w2_ref[...], preferred_element_type=jnp.float32)
                  + b2_ref[...])


_tc_tail = pl.pallas_call(
    _tc_tail_body,
    out_shape=jax.ShapeDtypeStruct((_NG, 1), jnp.float32),
)



def kernel(z, edge_index, batch, z_table, W0, b0, W1, b1, W2, b2,
           lin1_W, lin1_b, lin2_W, lin2_b):
    z = z.astype(jnp.int32)
    src = edge_index[0].astype(jnp.int32)
    dst = edge_index[1].astype(jnp.int32)
    ci = jnp.searchsorted(batch, jnp.arange(_NG, dtype=batch.dtype))
    poolidx = jnp.concatenate([ci, ci + 1]).astype(jnp.int32)
    zeros_h = jnp.zeros((_K, _H), jnp.float32)
    ones16 = jnp.ones((_K, _DEGW), jnp.float32)

    x0, deg2 = _sc_embed_deg(z, dst, z_table, zeros_h, ones16)
    y, dinv = _tc_first(deg2.reshape(_NC, _N, _DEGW), x0, W0)
    p = _sc_aggregate(y, src, dst, zeros_h)
    y = _tc_mid(p.reshape(_NC, _N, _H), y, dinv, b0.reshape(1, _H), W1)
    p = _sc_aggregate(y, src, dst, zeros_h)
    y = _tc_mid(p.reshape(_NC, _N, _H), y, dinv, b1.reshape(1, _H), W2)
    p = _sc_aggregate(y, src, dst, zeros_h)
    gp, gy, gd = _sc_pool(p, y, deg2, poolidx)
    out = _tc_tail(gp, gy, gd, b2.reshape(1, _H), lin1_W,
                   lin1_b.reshape(1, _H), lin2_W, lin2_b.reshape(1, 1))
    return out

# --- scband reference (transcript-rebuilt; emitter-appended) ---
"""Pipeline reference for scband-gcn-seal-1288490189418 (READ-ONLY COPY).

The authoritative reference and input builder live on the scoring server;
editing this copy changes nothing except your own understanding.
"""

import jax, jax.numpy as jnp
import numpy as np

N = 10000
E = 320000
H = 128
MAXZ = 1000
NG = 200


def _gcn_conv(x, src, dst, W, b, n):
    # PyG GCNConv: add self-loops, symmetric gcn_norm, linear then scatter-add aggregate, bias after
    loop = jnp.arange(n, dtype=src.dtype)
    s = jnp.concatenate([src, loop])
    d = jnp.concatenate([dst, loop])
    ew = jnp.ones(s.shape[0], dtype=x.dtype)
    deg = jnp.zeros((n,), dtype=x.dtype).at[d].add(ew)
    dinv = jnp.where(deg > 0, 1.0 / jnp.sqrt(deg), 0.0)
    norm = dinv[s] * dinv[d]
    xw = x @ W
    msg = xw[s] * norm[:, None]
    out = jnp.zeros((n, W.shape[1]), dtype=x.dtype).at[d].add(msg)
    return out + b


def setup_inputs(seed: int = 0) -> dict:
    key = jax.random.key(seed)
    ks = jax.random.split(key, 12)
    z = jax.random.randint(ks[0], (N,), 0, MAXZ, dtype=jnp.int64)
    edge_index = jax.random.randint(ks[1], (2, E), 0, N, dtype=jnp.int64)
    # sorted segment ids: 200 enclosing subgraphs of 50 nodes each (deterministic so every id appears)
    batch = jnp.repeat(jnp.arange(NG, dtype=jnp.int64), N // NG)
    z_table = jax.random.normal(ks[2], (MAXZ, H), dtype=jnp.float32)
    s = 1.0 / np.sqrt(H)
    W0 = jax.random.normal(ks[3], (H, H), dtype=jnp.float32) * s
    b0 = jnp.zeros((H,), dtype=jnp.float32)
    W1 = jax.random.normal(ks[4], (H, H), dtype=jnp.float32) * s
    b1 = jnp.zeros((H,), dtype=jnp.float32)
    W2 = jax.random.normal(ks[5], (H, H), dtype=jnp.float32) * s
    b2 = jnp.zeros((H,), dtype=jnp.float32)
    lin1_W = jax.random.normal(ks[6], (H, H), dtype=jnp.float32) * s
    lin1_b = jnp.zeros((H,), dtype=jnp.float32)
    lin2_W = jax.random.normal(ks[7], (H, 1), dtype=jnp.float32) * s
    lin2_b = jnp.zeros((1,), dtype=jnp.float32)
    return {"z": z, "edge_index": edge_index, "batch": batch, "z_table": z_table,
            "W0": W0, "b0": b0, "W1": W1, "b1": b1, "W2": W2, "b2": b2,
            "lin1_W": lin1_W, "lin1_b": lin1_b, "lin2_W": lin2_W, "lin2_b": lin2_b}


def reference(z, edge_index, batch, z_table, W0, b0, W1, b1, W2, b2, lin1_W, lin1_b, lin2_W, lin2_b):
    # z_embedding lookup (use_feature=False, node_embedding=None -> x = z_emb)
    x = jnp.take(z_table, z, axis=0)
    src = edge_index[0]
    dst = edge_index[1]
    # convs[:-1] with relu (dropout = identity in eval)
    x = jax.nn.relu(_gcn_conv(x, src, dst, W0, b0, N))
    x = jax.nn.relu(_gcn_conv(x, src, dst, W1, b1, N))
    # last conv, no relu
    x = _gcn_conv(x, src, dst, W2, b2, N)
    # center pooling: first index of each subgraph (src node), next index (dst node)
    center_indices = jnp.searchsorted(batch, jnp.arange(NG, dtype=batch.dtype))
    x_src = x[center_indices]
    x_dst = x[center_indices + 1]
    x = x_src * x_dst
    x = jax.nn.relu(x @ lin1_W + lin1_b)
    x = x @ lin2_W + lin2_b
    return x

if __name__ == "__main__":
    import jax
    _d = setup_inputs()
    print(jax.jit(kernel)(*tuple(_d.values())))

</pallas_src>

<mosaic_0001>
#map = affine_map<(d0, d1) -> (0)>
#map1 = affine_map<(d0, d1) -> (0, 0)>
module attributes {stable_mosaic.version = 14 : i64} {
  func.func @_sc_embed_deg(%arg0: i32, %arg1: i32, %arg2: memref<10000xi32, #tpu.memory_space<hbm>>, %arg3: memref<320000xi32, #tpu.memory_space<hbm>>, %arg4: memref<1000x128xf32, #tpu.memory_space<hbm>>, %arg5: memref<80x128xf32, #tpu.memory_space<hbm>>, %arg6: memref<80x128xf32, #tpu.memory_space<hbm>>, %arg7: memref<10000x128xf32, #tpu.memory_space<hbm>>, %arg8: memref<20000x128xf32, #tpu.memory_space<hbm>>, %arg9: memref<80xi32, #tpu.memory_space<vmem>>, %arg10: memref<80xi32, #tpu.memory_space<vmem>>, %arg11: memref<80x128xf32, #tpu.memory_space<vmem>>, %arg12: memref<80x128xf32, #tpu.memory_space<vmem>>, %arg13: memref<80xi32, #tpu.memory_space<vmem>>, %arg14: memref<80xi32, #tpu.memory_space<vmem>>, %arg15: memref<80x128xf32, #tpu.memory_space<vmem>>, %arg16: memref<10000x128xf32, #tpu.memory_space<vmem_shared>>, %arg17: memref<!tpu.dma_semaphore, #tpu.memory_space<semaphore_mem>>, %arg18: memref<!tpu.dma_semaphore, #tpu.memory_space<semaphore_mem>>, %arg19: memref<!tpu.dma_semaphore, #tpu.memory_space<semaphore_mem>>, %arg20: memref<!tpu.dma_semaphore, #tpu.memory_space<semaphore_mem>>, %arg21: memref<!tpu.dma_semaphore, #tpu.memory_space<semaphore_mem>>) attributes {dimension_semantics = [#tpu.dimension_semantics<core_parallel>, #tpu.dimension_semantics<subcore_parallel>], iteration_bounds = array<i64: 2, 16>, scalar_prefetch = 0 : i64, scratch_operands = 13 : i64, tpu.core_type = #tpu.core_type<sc_vector_subcore>, window_params = [{transform_indices = #map}, {transform_indices = #map}, {transform_indices = #map1}, {transform_indices = #map1}, {transform_indices = #map1}, {transform_indices = #map1}, {transform_indices = #map1}]} {
    %mul3A = arith.constant 2 : i32
    %mul3A_0 = arith.muli %arg1, %mul3A : i32
    %add3A = arith.addi %mul3A_0, %arg0 : i32
    "tpu.region"() ({
      %run_scoped3A = tpu.sem_alloc : memref<!tpu.dma_semaphore, #tpu.memory_space<semaphore_mem>>
      tpu.enqueue_dma source(%arg5 : memref<80x128xf32, #tpu.memory_space<hbm>>) target(%arg11 : memref<80x128xf32, #tpu.memory_space<vmem>>) target_semaphore(%run_scoped3A : memref<!tpu.dma_semaphore, #tpu.memory_space<semaphore_mem>>)
      tpu.wait_dma2 semaphore(%run_scoped3A : memref<!tpu.dma_semaphore, #tpu.memory_space<semaphore_mem>>) src(%arg5 : memref<80x128xf32, #tpu.memory_space<hbm>>) dst(%arg11 : memref<80x128xf32, #tpu.memory_space<vmem>>)
      tpu.yield
    }) : () -> ()
    %add3A_1 = arith.constant 0 : i32
    %add3A_2 = arith.addi %arg1, %add3A_1 : i32
    %lt3A = arith.constant 125 : i32
    %lt3A_3 = arith.cmpi slt, %add3A_2, %lt3A : i32
    %convert_element_type3A = arith.extui %lt3A_3 : i1 to i32
    %cond3A = arith.constant 0 : i32
    %cond3A_4 = arith.cmpi ne, %convert_element_type3A, %cond3A : i32
    scf.if %cond3A_4 {
      %mul3A_207 = arith.constant 80 : i32
      %mul3A_208 = arith.muli %add3A_2, %mul3A_207 : i32
      "tpu.region"() ({
        %run_scoped3A = tpu.sem_alloc : memref<!tpu.dma_semaphore, #tpu.memory_space<semaphore_mem>>
        %dma_start3A_209 = arith.constant 0 : i32
        %dma_start3A_210 = tpu.memref_slice %arg16[%mul3A_208, %dma_start3A_209] : memref<10000x128xf32, #tpu.memory_space<vmem_shared>> -> memref<80x128xf32, #tpu.memory_space<vmem_shared>>
        %dma_start3A_211 = arith.constant 0 : i32
        %dma_start3A_212 = tpu.memref_slice %arg16[%mul3A_208, %dma_start3A_211] : memref<10000x128xf32, #tpu.memory_space<vmem_shared>> -> memref<80x128xf32, #tpu.memory_space<vmem_shared>>
        tpu.enqueue_dma source(%arg11 : memref<80x128xf32, #tpu.memory_space<vmem>>) target(%dma_start3A_212 : memref<80x128xf32, #tpu.memory_space<vmem_shared>>) target_semaphore(%run_scoped3A : memref<!tpu.dma_semaphore, #tpu.memory_space<semaphore_mem>>)
        %dma_wait3A_213 = arith.constant 0 : i32
        %dma_wait3A_214 = tpu.memref_slice %arg16[%mul3A_208, %dma_wait3A_213] : memref<10000x128xf32, #tpu.memory_space<vmem_shared>> -> memref<80x128xf32, #tpu.memory_space<vmem_shared>>
        %dma_wait3A_215 = arith.constant 0 : i32
        %dma_wait3A_216 = tpu.memref_slice %arg16[%mul3A_208, %dma_wait3A_215] : memref<10000x128xf32, #tpu.memory_space<vmem_shared>> -> memref<80x128xf32, #tpu.memory_space<vmem_shared>>
        tpu.wait_dma2 semaphore(%run_scoped3A : memref<!tpu.dma_semaphore, #tpu.memory_space<semaphore_mem>>) src(%arg11 : memref<80x128xf32, #tpu.memory_space<vmem>>) dst(%dma_wait3A_216 : memref<80x128xf32, #tpu.memory_space<vmem_shared>>)
        tpu.yield
      }) : () -> ()
    } else {
    }
    %add3A_5 = arith.constant 16 : i32
    %add3A_6 = arith.addi %arg1, %add3A_5 : i32
    %lt3A_7 = arith.constant 125 : i32
    %lt3A_8 = arith.cmpi slt, %add3A_6, %lt3A_7 : i32
    %convert_element_type3A_9 = arith.extui %lt3A_8 : i1 to i32
    %cond3A_10 = arith.constant 0 : i32
    %cond3A_11 = arith.cmpi ne, %convert_element_type3A_9, %cond3A_10 : i32
    scf.if %cond3A_11 {
      %mul3A_207 = arith.constant 80 : i32
      %mul3A_208 = arith.muli %add3A_6, %mul3A_207 : i32
      "tpu.region"() ({
        %run_scoped3A = tpu.sem_alloc : memref<!tpu.dma_semaphore, #tpu.memory_space<semaphore_mem>>
        %dma_start3A_209 = arith.constant 0 : i32
        %dma_start3A_210 = tpu.memref_slice %arg16[%mul3A_208, %dma_start3A_209] : memref<10000x128xf32, #tpu.memory_space<vmem_shared>> -> memref<80x128xf32, #tpu.memory_space<vmem_shared>>
        %dma_start3A_211 = arith.constant 0 : i32
        %dma_start3A_212 = tpu.memref_slice %arg16[%mul3A_208, %dma_start3A_211] : memref<10000x128xf32, #tpu.memory_space<vmem_shared>> -> memref<80x128xf32, #tpu.memory_space<vmem_shared>>
        tpu.enqueue_dma source(%arg11 : memref<80x128xf32, #tpu.memory_space<vmem>>) target(%dma_start3A_212 : memref<80x128xf32, #tpu.memory_space<vmem_shared>>) target_semaphore(%run_scoped3A : memref<!tpu.dma_semaphore, #tpu.memory_space<semaphore_mem>>)
        %dma_wait3A_213 = arith.constant 0 : i32
        %dma_wait3A_214 = tpu.memref_slice %arg16[%mul3A_208, %dma_wait3A_213] : memref<10000x128xf32, #tpu.memory_space<vmem_shared>> -> memref<80x128xf32, #tpu.memory_space<vmem_shared>>
        %dma_wait3A_215 = arith.constant 0 : i32
        %dma_wait3A_216 = tpu.memref_slice %arg16[%mul3A_208, %dma_wait3A_215] : memref<10000x128xf32, #tpu.memory_space<vmem_shared>> -> memref<80x128xf32, #tpu.memory_space<vmem_shared>>
        tpu.wait_dma2 semaphore(%run_scoped3A : memref<!tpu.dma_semaphore, #tpu.memory_space<semaphore_mem>>) src(%arg11 : memref<80x128xf32, #tpu.memory_space<vmem>>) dst(%dma_wait3A_216 : memref<80x128xf32, #tpu.memory_space<vmem_shared>>)
        tpu.yield
      }) : () -> ()
    } else {
    }
    %add3A_12 = arith.constant 32 : i32
    %add3A_13 = arith.addi %arg1, %add3A_12 : i32
    %lt3A_14 = arith.constant 125 : i32
    %lt3A_15 = arith.cmpi slt, %add3A_13, %lt3A_14 : i32
    %convert_element_type3A_16 = arith.extui %lt3A_15 : i1 to i32
    %cond3A_17 = arith.constant 0 : i32
    %cond3A_18 = arith.cmpi ne, %convert_element_type3A_16, %cond3A_17 : i32
    scf.if %cond3A_18 {
      %mul3A_207 = arith.constant 80 : i32
      %mul3A_208 = arith.muli %add3A_13, %mul3A_207 : i32
      "tpu.region"() ({
        %run_scoped3A = tpu.sem_alloc : memref<!tpu.dma_semaphore, #tpu.memory_space<semaphore_mem>>
        %dma_start3A_209 = arith.constant 0 : i32
        %dma_start3A_210 = tpu.memref_slice %arg16[%mul3A_208, %dma_start3A_209] : memref<10000x128xf32, #tpu.memory_space<vmem_shared>> -> memref<80x128xf32, #tpu.memory_space<vmem_shared>>
        %dma_start3A_211 = arith.constant 0 : i32
        %dma_start3A_212 = tpu.memref_slice %arg16[%mul3A_208, %dma_start3A_211] : memref<10000x128xf32, #tpu.memory_space<vmem_shared>> -> memref<80x128xf32, #tpu.memory_space<vmem_shared>>
        tpu.enqueue_dma source(%arg11 : memref<80x128xf32, #tpu.memory_space<vmem>>) target(%dma_start3A_212 : memref<80x128xf32, #tpu.memory_space<vmem_shared>>) target_semaphore(%run_scoped3A : memref<!tpu.dma_semaphore, #tpu.memory_space<semaphore_mem>>)
        %dma_wait3A_213 = arith.constant 0 : i32
        %dma_wait3A_214 = tpu.memref_slice %arg16[%mul3A_208, %dma_wait3A_213] : memref<10000x128xf32, #tpu.memory_space<vmem_shared>> -> memref<80x128xf32, #tpu.memory_space<vmem_shared>>
        %dma_wait3A_215 = arith.constant 0 : i32
        %dma_wait3A_216 = tpu.memref_slice %arg16[%mul3A_208, %dma_wait3A_215] : memref<10000x128xf32, #tpu.memory_space<vmem_shared>> -> memref<80x128xf32, #tpu.memory_space<vmem_shared>>
        tpu.wait_dma2 semaphore(%run_scoped3A : memref<!tpu.dma_semaphore, #tpu.memory_space<semaphore_mem>>) src(%arg11 : memref<80x128xf32, #tpu.memory_space<vmem>>) dst(%dma_wait3A_216 : memref<80x128xf32, #tpu.memory_space<vmem_shared>>)
        tpu.yield
      }) : () -> ()
    } else {
    }
    %add3A_19 = arith.constant 48 : i32
    %add3A_20 = arith.addi %arg1, %add3A_19 : i32
    %lt3A_21 = arith.constant 125 : i32
    %lt3A_22 = arith.cmpi slt, %add3A_20, %lt3A_21 : i32
    %convert_element_type3A_23 = arith.extui %lt3A_22 : i1 to i32
    %cond3A_24 = arith.constant 0 : i32
    %cond3A_25 = arith.cmpi ne, %convert_element_type3A_23, %cond3A_24 : i32
    scf.if %cond3A_25 {
      %mul3A_207 = arith.constant 80 : i32
      %mul3A_208 = arith.muli %add3A_20, %mul3A_207 : i32
      "tpu.region"() ({
        %run_scoped3A = tpu.sem_alloc : memref<!tpu.dma_semaphore, #tpu.memory_space<semaphore_mem>>
        %dma_start3A_209 = arith.constant 0 : i32
        %dma_start3A_210 = tpu.memref_slice %arg16[%mul3A_208, %dma_start3A_209] : memref<10000x128xf32, #tpu.memory_space<vmem_shared>> -> memref<80x128xf32, #tpu.memory_space<vmem_shared>>
        %dma_start3A_211 = arith.constant 0 : i32
        %dma_start3A_212 = tpu.memref_slice %arg16[%mul3A_208, %dma_start3A_211] : memref<10000x128xf32, #tpu.memory_space<vmem_shared>> -> memref<80x128xf32, #tpu.memory_space<vmem_shared>>
        tpu.enqueue_dma source(%arg11 : memref<80x128xf32, #tpu.memory_space<vmem>>) target(%dma_start3A_212 : memref<80x128xf32, #tpu.memory_space<vmem_shared>>) target_semaphore(%run_scoped3A : memref<!tpu.dma_semaphore, #tpu.memory_space<semaphore_mem>>)
        %dma_wait3A_213 = arith.constant 0 : i32
        %dma_wait3A_214 = tpu.memref_slice %arg16[%mul3A_208, %dma_wait3A_213] : memref<10000x128xf32, #tpu.memory_space<vmem_shared>> -> memref<80x128xf32, #tpu.memory_space<vmem_shared>>
        %dma_wait3A_215 = arith.constant 0 : i32
        %dma_wait3A_216 = tpu.memref_slice %arg16[%mul3A_208, %dma_wait3A_215] : memref<10000x128xf32, #tpu.memory_space<vmem_shared>> -> memref<80x128xf32, #tpu.memory_space<vmem_shared>>
        tpu.wait_dma2 semaphore(%run_scoped3A : memref<!tpu.dma_semaphore, #tpu.memory_space<semaphore_mem>>) src(%arg11 : memref<80x128xf32, #tpu.memory_space<vmem>>) dst(%dma_wait3A_216 : memref<80x128xf32, #tpu.memory_space<vmem_shared>>)
        tpu.yield
      }) : () -> ()
    } else {
    }
    %add3A_26 = arith.constant 64 : i32
    %add3A_27 = arith.addi %arg1, %add3A_26 : i32
    %lt3A_28 = arith.constant 125 : i32
    %lt3A_29 = arith.cmpi slt, %add3A_27, %lt3A_28 : i32
    %convert_element_type3A_30 = arith.extui %lt3A_29 : i1 to i32
    %cond3A_31 = arith.constant 0 : i32
    %cond3A_32 = arith.cmpi ne, %convert_element_type3A_30, %cond3A_31 : i32
    scf.if %cond3A_32 {
      %mul3A_207 = arith.constant 80 : i32
      %mul3A_208 = arith.muli %add3A_27, %mul3A_207 : i32
      "tpu.region"() ({
        %run_scoped3A = tpu.sem_alloc : memref<!tpu.dma_semaphore, #tpu.memory_space<semaphore_mem>>
        %dma_start3A_209 = arith.constant 0 : i32
        %dma_start3A_210 = tpu.memref_slice %arg16[%mul3A_208, %dma_start3A_209] : memref<10000x128xf32, #tpu.memory_space<vmem_shared>> -> memref<80x128xf32, #tpu.memory_space<vmem_shared>>
        %dma_start3A_211 = arith.constant 0 : i32
        %dma_start3A_212 = tpu.memref_slice %arg16[%mul3A_208, %dma_start3A_211] : memref<10000x128xf32, #tpu.memory_space<vmem_shared>> -> memref<80x128xf32, #tpu.memory_space<vmem_shared>>
        tpu.enqueue_dma source(%arg11 : memref<80x128xf32, #tpu.memory_space<vmem>>) target(%dma_start3A_212 : memref<80x128xf32, #tpu.memory_space<vmem_shared>>) target_semaphore(%run_scoped3A : memref<!tpu.dma_semaphore, #tpu.memory_space<semaphore_mem>>)
        %dma_wait3A_213 = arith.constant 0 : i32
        %dma_wait3A_214 = tpu.memref_slice %arg16[%mul3A_208, %dma_wait3A_213] : memref<10000x128xf32, #tpu.memory_space<vmem_shared>> -> memref<80x128xf32, #tpu.memory_space<vmem_shared>>
        %dma_wait3A_215 = arith.constant 0 : i32
        %dma_wait3A_216 = tpu.memref_slice %arg16[%mul3A_208, %dma_wait3A_215] : memref<10000x128xf32, #tpu.memory_space<vmem_shared>> -> memref<80x128xf32, #tpu.memory_space<vmem_shared>>
        tpu.wait_dma2 semaphore(%run_scoped3A : memref<!tpu.dma_semaphore, #tpu.memory_space<semaphore_mem>>) src(%arg11 : memref<80x128xf32, #tpu.memory_space<vmem>>) dst(%dma_wait3A_216 : memref<80x128xf32, #tpu.memory_space<vmem_shared>>)
        tpu.yield
      }) : () -> ()
    } else {
    }
    %add3A_33 = arith.constant 80 : i32
    %add3A_34 = arith.addi %arg1, %add3A_33 : i32
    %lt3A_35 = arith.constant 125 : i32
    %lt3A_36 = arith.cmpi slt, %add3A_34, %lt3A_35 : i32
    %convert_element_type3A_37 = arith.extui %lt3A_36 : i1 to i32
    %cond3A_38 = arith.constant 0 : i32
    %cond3A_39 = arith.cmpi ne, %convert_element_type3A_37, %cond3A_38 : i32
    scf.if %cond3A_39 {
      %mul3A_207 = arith.constant 80 : i32
      %mul3A_208 = arith.muli %add3A_34, %mul3A_207 : i32
      "tpu.region"() ({
        %run_scoped3A = tpu.sem_alloc : memref<!tpu.dma_semaphore, #tpu.memory_space<semaphore_mem>>
        %dma_start3A_209 = arith.constant 0 : i32
        %dma_start3A_210 = tpu.memref_slice %arg16[%mul3A_208, %dma_start3A_209] : memref<10000x128xf32, #tpu.memory_space<vmem_shared>> -> memref<80x128xf32, #tpu.memory_space<vmem_shared>>
        %dma_start3A_211 = arith.constant 0 : i32
        %dma_start3A_212 = tpu.memref_slice %arg16[%mul3A_208, %dma_start3A_211] : memref<10000x128xf32, #tpu.memory_space<vmem_shared>> -> memref<80x128xf32, #tpu.memory_space<vmem_shared>>
        tpu.enqueue_dma source(%arg11 : memref<80x128xf32, #tpu.memory_space<vmem>>) target(%dma_start3A_212 : memref<80x128xf32, #tpu.memory_space<vmem_shared>>) target_semaphore(%run_scoped3A : memref<!tpu.dma_semaphore, #tpu.memory_space<semaphore_mem>>)
        %dma_wait3A_213 = arith.constant 0 : i32
        %dma_wait3A_214 = tpu.memref_slice %arg16[%mul3A_208, %dma_wait3A_213] : memref<10000x128xf32, #tpu.memory_space<vmem_shared>> -> memref<80x128xf32, #tpu.memory_space<vmem_shared>>
        %dma_wait3A_215 = arith.constant 0 : i32
        %dma_wait3A_216 = tpu.memref_slice %arg16[%mul3A_208, %dma_wait3A_215] : memref<10000x128xf32, #tpu.memory_space<vmem_shared>> -> memref<80x128xf32, #tpu.memory_space<vmem_shared>>
        tpu.wait_dma2 semaphore(%run_scoped3A : memref<!tpu.dma_semaphore, #tpu.memory_space<semaphore_mem>>) src(%arg11 : memref<80x128xf32, #tpu.memory_space<vmem>>) dst(%dma_wait3A_216 : memref<80x128xf32, #tpu.memory_space<vmem_shared>>)
        tpu.yield
      }) : () -> ()
    } else {
    }
    %add3A_40 = arith.constant 96 : i32
    %add3A_41 = arith.addi %arg1, %add3A_40 : i32
    %lt3A_42 = arith.constant 125 : i32
    %lt3A_43 = arith.cmpi slt, %add3A_41, %lt3A_42 : i32
    %convert_element_type3A_44 = arith.extui %lt3A_43 : i1 to i32
    %cond3A_45 = arith.constant 0 : i32
    %cond3A_46 = arith.cmpi ne, %convert_element_type3A_44, %cond3A_45 : i32
    scf.if %cond3A_46 {
      %mul3A_207 = arith.constant 80 : i32
      %mul3A_208 = arith.muli %add3A_41, %mul3A_207 : i32
      "tpu.region"() ({
        %run_scoped3A = tpu.sem_alloc : memref<!tpu.dma_semaphore, #tpu.memory_space<semaphore_mem>>
        %dma_start3A_209 = arith.constant 0 : i32
        %dma_start3A_210 = tpu.memref_slice %arg16[%mul3A_208, %dma_start3A_209] : memref<10000x128xf32, #tpu.memory_space<vmem_shared>> -> memref<80x128xf32, #tpu.memory_space<vmem_shared>>
        %dma_start3A_211 = arith.constant 0 : i32
        %dma_start3A_212 = tpu.memref_slice %arg16[%mul3A_208, %dma_start3A_211] : memref<10000x128xf32, #tpu.memory_space<vmem_shared>> -> memref<80x128xf32, #tpu.memory_space<vmem_shared>>
        tpu.enqueue_dma source(%arg11 : memref<80x128xf32, #tpu.memory_space<vmem>>) target(%dma_start3A_212 : memref<80x128xf32, #tpu.memory_space<vmem_shared>>) target_semaphore(%run_scoped3A : memref<!tpu.dma_semaphore, #tpu.memory_space<semaphore_mem>>)
        %dma_wait3A_213 = arith.constant 0 : i32
        %dma_wait3A_214 = tpu.memref_slice %arg16[%mul3A_208, %dma_wait3A_213] : memref<10000x128xf32, #tpu.memory_space<vmem_shared>> -> memref<80x128xf32, #tpu.memory_space<vmem_shared>>
        %dma_wait3A_215 = arith.constant 0 : i32
        %dma_wait3A_216 = tpu.memref_slice %arg16[%mul3A_208, %dma_wait3A_215] : memref<10000x128xf32, #tpu.memory_space<vmem_shared>> -> memref<80x128xf32, #tpu.memory_space<vmem_shared>>
        tpu.wait_dma2 semaphore(%run_scoped3A : memref<!tpu.dma_semaphore, #tpu.memory_space<semaphore_mem>>) src(%arg11 : memref<80x128xf32, #tpu.memory_space<vmem>>) dst(%dma_wait3A_216 : memref<80x128xf32, #tpu.memory_space<vmem_shared>>)
        tpu.yield
      }) : () -> ()
    } else {
    }
    %add3A_47 = arith.constant 112 : i32
    %add3A_48 = arith.addi %arg1, %add3A_47 : i32
    %lt3A_49 = arith.constant 125 : i32
    %lt3A_50 = arith.cmpi slt, %add3A_48, %lt3A_49 : i32
    %convert_element_type3A_51 = arith.extui %lt3A_50 : i1 to i32
    %cond3A_52 = arith.constant 0 : i32
    %cond3A_53 = arith.cmpi ne, %convert_element_type3A_51, %cond3A_52 : i32
    scf.if %cond3A_53 {
      %mul3A_207 = arith.constant 80 : i32
      %mul3A_208 = arith.muli %add3A_48, %mul3A_207 : i32
      "tpu.region"() ({
        %run_scoped3A = tpu.sem_alloc : memref<!tpu.dma_semaphore, #tpu.memory_space<semaphore_mem>>
        %dma_start3A_209 = arith.constant 0 : i32
        %dma_start3A_210 = tpu.memref_slice %arg16[%mul3A_208, %dma_start3A_209] : memref<10000x128xf32, #tpu.memory_space<vmem_shared>> -> memref<80x128xf32, #tpu.memory_space<vmem_shared>>
        %dma_start3A_211 = arith.constant 0 : i32
        %dma_start3A_212 = tpu.memref_slice %arg16[%mul3A_208, %dma_start3A_211] : memref<10000x128xf32, #tpu.memory_space<vmem_shared>> -> memref<80x128xf32, #tpu.memory_space<vmem_shared>>
        tpu.enqueue_dma source(%arg11 : memref<80x128xf32, #tpu.memory_space<vmem>>) target(%dma_start3A_212 : memref<80x128xf32, #tpu.memory_space<vmem_shared>>) target_semaphore(%run_scoped3A : memref<!tpu.dma_semaphore, #tpu.memory_space<semaphore_mem>>)
        %dma_wait3A_213 = arith.constant 0 : i32
        %dma_wait3A_214 = tpu.memref_slice %arg16[%mul3A_208, %dma_wait3A_213] : memref<10000x128xf32, #tpu.memory_space<vmem_shared>> -> memref<80x128xf32, #tpu.memory_space<vmem_shared>>
        %dma_wait3A_215 = arith.constant 0 : i32
        %dma_wait3A_216 = tpu.memref_slice %arg16[%mul3A_208, %dma_wait3A_215] : memref<10000x128xf32, #tpu.memory_space<vmem_shared>> -> memref<80x128xf32, #tpu.memory_space<vmem_shared>>
        tpu.wait_dma2 semaphore(%run_scoped3A : memref<!tpu.dma_semaphore, #tpu.memory_space<semaphore_mem>>) src(%arg11 : memref<80x128xf32, #tpu.memory_space<vmem>>) dst(%dma_wait3A_216 : memref<80x128xf32, #tpu.memory_space<vmem_shared>>)
        tpu.yield
      }) : () -> ()
    } else {
    }
    "tpu.region"() ({
      %run_scoped3A = tpu.sem_alloc : memref<!tpu.dma_semaphore, #tpu.memory_space<semaphore_mem>>
      tpu.enqueue_dma source(%arg6 : memref<80x128xf32, #tpu.memory_space<hbm>>) target(%arg15 : memref<80x128xf32, #tpu.memory_space<vmem>>) target_semaphore(%run_scoped3A : memref<!tpu.dma_semaphore, #tpu.memory_space<semaphore_mem>>)
      tpu.wait_dma2 semaphore(%run_scoped3A : memref<!tpu.dma_semaphore, #tpu.memory_space<semaphore_mem>>) src(%arg6 : memref<80x128xf32, #tpu.memory_space<hbm>>) dst(%arg15 : memref<80x128xf32, #tpu.memory_space<vmem>>)
      tpu.yield
    }) : () -> ()
    %barrier3A = arith.constant 0 : index
    tpu.barrier barrier_id(%barrier3A)
    %add3A_54 = arith.constant 0 : i32
    %add3A_55 = arith.addi %add3A, %add3A_54 : i32
    %lt3A_56 = arith.constant 125 : i32
    %lt3A_57 = arith.cmpi slt, %add3A_55, %lt3A_56 : i32
    %jit3A = arith.constant 0 : i32
    %select_n3A = arith.select %lt3A_57, %add3A_55, %jit3A : i32
    %mul3A_58 = arith.constant 80 : i32
    %mul3A_59 = arith.muli %select_n3A, %mul3A_58 : i32
    "tpu.region"() ({
      %run_scoped3A = tpu.sem_alloc : memref<!tpu.dma_semaphore, #tpu.memory_space<semaphore_mem>>
      %dma_start3A_207 = tpu.memref_slice %arg2[%mul3A_59] : memref<10000xi32, #tpu.memory_space<hbm>> -> memref<80xi32, #tpu.memory_space<hbm>>
      %dma_start3A_208 = tpu.memref_slice %arg2[%mul3A_59] : memref<10000xi32, #tpu.memory_space<hbm>> -> memref<80xi32, #tpu.memory_space<hbm>>
      tpu.enqueue_dma source(%dma_start3A_208 : memref<80xi32, #tpu.memory_space<hbm>>) target(%arg9 : memref<80xi32, #tpu.memory_space<vmem>>) target_semaphore(%run_scoped3A : memref<!tpu.dma_semaphore, #tpu.memory_space<semaphore_mem>>)
      %dma_wait3A_209 = tpu.memref_slice %arg2[%mul3A_59] : memref<10000xi32, #tpu.memory_space<hbm>> -> memref<80xi32, #tpu.memory_space<hbm>>
      %dma_wait3A_210 = tpu.memref_slice %arg2[%mul3A_59] : memref<10000xi32, #tpu.memory_space<hbm>> -> memref<80xi32, #tpu.memory_space<hbm>>
      tpu.wait_dma2 semaphore(%run_scoped3A : memref<!tpu.dma_semaphore, #tpu.memory_space<semaphore_mem>>) src(%dma_wait3A_210 : memref<80xi32, #tpu.memory_space<hbm>>) dst(%arg9 : memref<80xi32, #tpu.memory_space<vmem>>)
      tpu.yield
    }) : () -> ()
    %dma_start3A = arith.constant 0 : i32
    %dma_start3A_60 = arith.constant 0 : i32
    %dma_start3A_61 = tpu.memref_slice %arg4[%dma_start3A, %dma_start3A_60] : memref<1000x128xf32, #tpu.memory_space<hbm>> -> memref<1000x128xf32, #tpu.memory_space<hbm>>
    tpu.enqueue_indirect_dma source(%dma_start3A_61 : memref<1000x128xf32, #tpu.memory_space<hbm>>) target(%arg11 : memref<80x128xf32, #tpu.memory_space<vmem>>) offsets(%arg9 : memref<80xi32, #tpu.memory_space<vmem>>) semaphore(%arg17 : memref<!tpu.dma_semaphore, #tpu.memory_space<semaphore_mem>>)
    %add3A_62 = arith.constant 32 : i32
    %add3A_63 = arith.addi %add3A, %add3A_62 : i32
    %lt3A_64 = arith.constant 125 : i32
    %lt3A_65 = arith.cmpi slt, %add3A_63, %lt3A_64 : i32
    %jit3A_66 = arith.constant 0 : i32
    %select_n3A_67 = arith.select %lt3A_65, %add3A_63, %jit3A_66 : i32
    %mul3A_68 = arith.constant 80 : i32
    %mul3A_69 = arith.muli %select_n3A_67, %mul3A_68 : i32
    "tpu.region"() ({
      %run_scoped3A = tpu.sem_alloc : memref<!tpu.dma_semaphore, #tpu.memory_space<semaphore_mem>>
      %dma_start3A_207 = tpu.memref_slice %arg2[%mul3A_69] : memref<10000xi32, #tpu.memory_space<hbm>> -> memref<80xi32, #tpu.memory_space<hbm>>
      %dma_start3A_208 = tpu.memref_slice %arg2[%mul3A_69] : memref<10000xi32, #tpu.memory_space<hbm>> -> memref<80xi32, #tpu.memory_space<hbm>>
      tpu.enqueue_dma source(%dma_start3A_208 : memref<80xi32, #tpu.memory_space<hbm>>) target(%arg10 : memref<80xi32, #tpu.memory_space<vmem>>) target_semaphore(%run_scoped3A : memref<!tpu.dma_semaphore, #tpu.memory_space<semaphore_mem>>)
      %dma_wait3A_209 = tpu.memref_slice %arg2[%mul3A_69] : memref<10000xi32, #tpu.memory_space<hbm>> -> memref<80xi32, #tpu.memory_space<hbm>>
      %dma_wait3A_210 = tpu.memref_slice %arg2[%mul3A_69] : memref<10000xi32, #tpu.memory_space<hbm>> -> memref<80xi32, #tpu.memory_space<hbm>>
      tpu.wait_dma2 semaphore(%run_scoped3A : memref<!tpu.dma_semaphore, #tpu.memory_space<semaphore_mem>>) src(%dma_wait3A_210 : memref<80xi32, #tpu.memory_space<hbm>>) dst(%arg10 : memref<80xi32, #tpu.memory_space<vmem>>)
      tpu.yield
    }) : () -> ()
    %dma_start3A_70 = arith.constant 0 : i32
    %dma_start3A_71 = arith.constant 0 : i32
    %dma_start3A_72 = tpu.memref_slice %arg4[%dma_start3A_70, %dma_start3A_71] : memref<1000x128xf32, #tpu.memory_space<hbm>> -> memref<1000x128xf32, #tpu.memory_space<hbm>>
    tpu.enqueue_indirect_dma source(%dma_start3A_72 : memref<1000x128xf32, #tpu.memory_space<hbm>>) target(%arg12 : memref<80x128xf32, #tpu.memory_space<vmem>>) offsets(%arg10 : memref<80xi32, #tpu.memory_space<vmem>>) semaphore(%arg18 : memref<!tpu.dma_semaphore, #tpu.memory_space<semaphore_mem>>)
    %dma_wait3A = arith.constant 0 : i32
    %dma_wait3A_73 = arith.constant 0 : i32
    %dma_wait3A_74 = tpu.memref_slice %arg4[%dma_wait3A, %dma_wait3A_73] : memref<1000x128xf32, #tpu.memory_space<hbm>> -> memref<1000x128xf32, #tpu.memory_space<hbm>>
    tpu.wait_indirect_dma semaphore(%arg17 : memref<!tpu.dma_semaphore, #tpu.memory_space<semaphore_mem>>) src(%dma_wait3A_74 : memref<1000x128xf32, #tpu.memory_space<hbm>>) dst(%arg11 : memref<80x128xf32, #tpu.memory_space<vmem>>)
    %add3A_75 = arith.constant 0 : i32
    %add3A_76 = arith.addi %add3A, %add3A_75 : i32
    %lt3A_77 = arith.constant 125 : i32
    %lt3A_78 = arith.cmpi slt, %add3A_76, %lt3A_77 : i32
    %jit3A_79 = arith.constant 0 : i32
    %select_n3A_80 = arith.select %lt3A_78, %add3A_76, %jit3A_79 : i32
    %mul3A_81 = arith.constant 80 : i32
    %mul3A_82 = arith.muli %select_n3A_80, %mul3A_81 : i32
    "tpu.region"() ({
      %run_scoped3A = tpu.sem_alloc : memref<!tpu.dma_semaphore, #tpu.memory_space<semaphore_mem>>
      %dma_start3A_207 = arith.constant 0 : i32
      %dma_start3A_208 = tpu.memref_slice %arg7[%mul3A_82, %dma_start3A_207] : memref<10000x128xf32, #tpu.memory_space<hbm>> -> memref<80x128xf32, #tpu.memory_space<hbm>>
      %dma_start3A_209 = arith.constant 0 : i32
      %dma_start3A_210 = tpu.memref_slice %arg7[%mul3A_82, %dma_start3A_209] : memref<10000x128xf32, #tpu.memory_space<hbm>> -> memref<80x128xf32, #tpu.memory_space<hbm>>
      tpu.enqueue_dma source(%arg11 : memref<80x128xf32, #tpu.memory_space<vmem>>) target(%dma_start3A_210 : memref<80x128xf32, #tpu.memory_space<hbm>>) target_semaphore(%run_scoped3A : memref<!tpu.dma_semaphore, #tpu.memory_space<semaphore_mem>>)
      %dma_wait3A_211 = arith.constant 0 : i32
      %dma_wait3A_212 = tpu.memref_slice %arg7[%mul3A_82, %dma_wait3A_211] : memref<10000x128xf32, #tpu.memory_space<hbm>> -> memref<80x128xf32, #tpu.memory_space<hbm>>
      %dma_wait3A_213 = arith.constant 0 : i32
      %dma_wait3A_214 = tpu.memref_slice %arg7[%mul3A_82, %dma_wait3A_213] : memref<10000x128xf32, #tpu.memory_space<hbm>> -> memref<80x128xf32, #tpu.memory_space<hbm>>
      tpu.wait_dma2 semaphore(%run_scoped3A : memref<!tpu.dma_semaphore, #tpu.memory_space<semaphore_mem>>) src(%arg11 : memref<80x128xf32, #tpu.memory_space<vmem>>) dst(%dma_wait3A_214 : memref<80x128xf32, #tpu.memory_space<hbm>>)
      tpu.yield
    }) : () -> ()
    %add3A_83 = arith.constant 64 : i32
    %add3A_84 = arith.addi %add3A, %add3A_83 : i32
    %lt3A_85 = arith.constant 125 : i32
    %lt3A_86 = arith.cmpi slt, %add3A_84, %lt3A_85 : i32
    %jit3A_87 = arith.constant 0 : i32
    %select_n3A_88 = arith.select %lt3A_86, %add3A_84, %jit3A_87 : i32
    %mul3A_89 = arith.constant 80 : i32
    %mul3A_90 = arith.muli %select_n3A_88, %mul3A_89 : i32
    "tpu.region"() ({
      %run_scoped3A = tpu.sem_alloc : memref<!tpu.dma_semaphore, #tpu.memory_space<semaphore_mem>>
      %dma_start3A_207 = tpu.memref_slice %arg2[%mul3A_90] : memref<10000xi32, #tpu.memory_space<hbm>> -> memref<80xi32, #tpu.memory_space<hbm>>
      %dma_start3A_208 = tpu.memref_slice %arg2[%mul3A_90] : memref<10000xi32, #tpu.memory_space<hbm>> -> memref<80xi32, #tpu.memory_space<hbm>>
      tpu.enqueue_dma source(%dma_start3A_208 : memref<80xi32, #tpu.memory_space<hbm>>) target(%arg9 : memref<80xi32, #tpu.memory_space<vmem>>) target_semaphore(%run_scoped3A : memref<!tpu.dma_semaphore, #tpu.memory_space<semaphore_mem>>)
      %dma_wait3A_209 = tpu.memref_slice %arg2[%mul3A_90] : memref<10000xi32, #tpu.memory_space<hbm>> -> memref<80xi32, #tpu.memory_space<hbm>>
      %dma_wait3A_210 = tpu.memref_slice %arg2[%mul3A_90] : memref<10000xi32, #tpu.memory_space<hbm>> -> memref<80xi32, #tpu.memory_space<hbm>>
      tpu.wait_dma2 semaphore(%run_scoped3A : memref<!tpu.dma_semaphore, #tpu.memory_space<semaphore_mem>>) src(%dma_wait3A_210 : memref<80xi32, #tpu.memory_space<hbm>>) dst(%arg9 : memref<80xi32, #tpu.memory_space<vmem>>)
      tpu.yield
    }) : () -> ()
    %dma_start3A_91 = arith.constant 0 : i32
    %dma_start3A_92 = arith.constant 0 : i32
    %dma_start3A_93 = tpu.memref_slice %arg4[%dma_start3A_91, %dma_start3A_92] : memref<1000x128xf32, #tpu.memory_space<hbm>> -> memref<1000x128xf32, #tpu.memory_space<hbm>>
    tpu.enqueue_indirect_dma source(%dma_start3A_93 : memref<1000x128xf32, #tpu.memory_space<hbm>>) target(%arg11 : memref<80x128xf32, #tpu.memory_space<vmem>>) offsets(%arg9 : memref<80xi32, #tpu.memory_space<vmem>>) semaphore(%arg17 : memref<!tpu.dma_semaphore, #tpu.memory_space<semaphore_mem>>)
    %dma_wait3A_94 = arith.constant 0 : i32
    %dma_wait3A_95 = arith.constant 0 : i32
    %dma_wait3A_96 = tpu.memref_slice %arg4[%dma_wait3A_94, %dma_wait3A_95] : memref<1000x128xf32, #tpu.memory_space<hbm>> -> memref<1000x128xf32, #tpu.memory_space<hbm>>
    tpu.wait_indirect_dma semaphore(%arg18 : memref<!tpu.dma_semaphore, #tpu.memory_space<semaphore_mem>>) src(%dma_wait3A_96 : memref<1000x128xf32, #tpu.memory_space<hbm>>) dst(%arg12 : memref<80x128xf32, #tpu.memory_space<vmem>>)
    %add3A_97 = arith.constant 32 : i32
    %add3A_98 = arith.addi %add3A, %add3A_97 : i32
    %lt3A_99 = arith.constant 125 : i32
    %lt3A_100 = arith.cmpi slt, %add3A_98, %lt3A_99 : i32
    %jit3A_101 = arith.constant 0 : i32
    %select_n3A_102 = arith.select %lt3A_100, %add3A_98, %jit3A_101 : i32
    %mul3A_103 = arith.constant 80 : i32
    %mul3A_104 = arith.muli %select_n3A_102, %mul3A_103 : i32
    "tpu.region"() ({
      %run_scoped3A = tpu.sem_alloc : memref<!tpu.dma_semaphore, #tpu.memory_space<semaphore_mem>>
      %dma_start3A_207 = arith.constant 0 : i32
      %dma_start3A_208 = tpu.memref_slice %arg7[%mul3A_104, %dma_start3A_207] : memref<10000x128xf32, #tpu.memory_space<hbm>> -> memref<80x128xf32, #tpu.memory_space<hbm>>
      %dma_start3A_209 = arith.constant 0 : i32
      %dma_start3A_210 = tpu.memref_slice %arg7[%mul3A_104, %dma_start3A_209] : memref<10000x128xf32, #tpu.memory_space<hbm>> -> memref<80x128xf32, #tpu.memory_space<hbm>>
      tpu.enqueue_dma source(%arg12 : memref<80x128xf32, #tpu.memory_space<vmem>>) target(%dma_start3A_210 : memref<80x128xf32, #tpu.memory_space<hbm>>) target_semaphore(%run_scoped3A : memref<!tpu.dma_semaphore, #tpu.memory_space<semaphore_mem>>)
      %dma_wait3A_211 = arith.constant 0 : i32
      %dma_wait3A_212 = tpu.memref_slice %arg7[%mul3A_104, %dma_wait3A_211] : memref<10000x128xf32, #tpu.memory_space<hbm>> -> memref<80x128xf32, #tpu.memory_space<hbm>>
      %dma_wait3A_213 = arith.constant 0 : i32
      %dma_wait3A_214 = tpu.memref_slice %arg7[%mul3A_104, %dma_wait3A_213] : memref<10000x128xf32, #tpu.memory_space<hbm>> -> memref<80x128xf32, #tpu.memory_space<hbm>>
      tpu.wait_dma2 semaphore(%run_scoped3A : memref<!tpu.dma_semaphore, #tpu.memory_space<semaphore_mem>>) src(%arg12 : memref<80x128xf32, #tpu.memory_space<vmem>>) dst(%dma_wait3A_214 : memref<80x128xf32, #tpu.memory_space<hbm>>)
      tpu.yield
    }) : () -> ()
    %add3A_105 = arith.constant 96 : i32
    %add3A_106 = arith.addi %add3A, %add3A_105 : i32
    %lt3A_107 = arith.constant 125 : i32
    %lt3A_108 = arith.cmpi slt, %add3A_106, %lt3A_107 : i32
    %jit3A_109 = arith.constant 0 : i32
    %select_n3A_110 = arith.select %lt3A_108, %add3A_106, %jit3A_109 : i32
    %mul3A_111 = arith.constant 80 : i32
    %mul3A_112 = arith.muli %select_n3A_110, %mul3A_111 : i32
    "tpu.region"() ({
      %run_scoped3A = tpu.sem_alloc : memref<!tpu.dma_semaphore, #tpu.memory_space<semaphore_mem>>
      %dma_start3A_207 = tpu.memref_slice %arg2[%mul3A_112] : memref<10000xi32, #tpu.memory_space<hbm>> -> memref<80xi32, #tpu.memory_space<hbm>>
      %dma_start3A_208 = tpu.memref_slice %arg2[%mul3A_112] : memref<10000xi32, #tpu.memory_space<hbm>> -> memref<80xi32, #tpu.memory_space<hbm>>
      tpu.enqueue_dma source(%dma_start3A_208 : memref<80xi32, #tpu.memory_space<hbm>>) target(%arg10 : memref<80xi32, #tpu.memory_space<vmem>>) target_semaphore(%run_scoped3A : memref<!tpu.dma_semaphore, #tpu.memory_space<semaphore_mem>>)
      %dma_wait3A_209 = tpu.memref_slice %arg2[%mul3A_112] : memref<10000xi32, #tpu.memory_space<hbm>> -> memref<80xi32, #tpu.memory_space<hbm>>
      %dma_wait3A_210 = tpu.memref_slice %arg2[%mul3A_112] : memref<10000xi32, #tpu.memory_space<hbm>> -> memref<80xi32, #tpu.memory_space<hbm>>
      tpu.wait_dma2 semaphore(%run_scoped3A : memref<!tpu.dma_semaphore, #tpu.memory_space<semaphore_mem>>) src(%dma_wait3A_210 : memref<80xi32, #tpu.memory_space<hbm>>) dst(%arg10 : memref<80xi32, #tpu.memory_space<vmem>>)
      tpu.yield
    }) : () -> ()
    %dma_start3A_113 = arith.constant 0 : i32
    %dma_start3A_114 = arith.constant 0 : i32
    %dma_start3A_115 = tpu.memref_slice %arg4[%dma_start3A_113, %dma_start3A_114] : memref<1000x128xf32, #tpu.memory_space<hbm>> -> memref<1000x128xf32, #tpu.memory_space<hbm>>
    tpu.enqueue_indirect_dma source(%dma_start3A_115 : memref<1000x128xf32, #tpu.memory_space<hbm>>) target(%arg12 : memref<80x128xf32, #tpu.memory_space<vmem>>) offsets(%arg10 : memref<80xi32, #tpu.memory_space<vmem>>) semaphore(%arg18 : memref<!tpu.dma_semaphore, #tpu.memory_space<semaphore_mem>>)
    %dma_wait3A_116 = arith.constant 0 : i32
    %dma_wait3A_117 = arith.constant 0 : i32
    %dma_wait3A_118 = tpu.memref_slice %arg4[%dma_wait3A_116, %dma_wait3A_117] : memref<1000x128xf32, #tpu.memory_space<hbm>> -> memref<1000x128xf32, #tpu.memory_space<hbm>>
    tpu.wait_indirect_dma semaphore(%arg17 : memref<!tpu.dma_semaphore, #tpu.memory_space<semaphore_mem>>) src(%dma_wait3A_118 : memref<1000x128xf32, #tpu.memory_space<hbm>>) dst(%arg11 : memref<80x128xf32, #tpu.memory_space<vmem>>)
    %add3A_119 = arith.constant 64 : i32
    %add3A_120 = arith.addi %add3A, %add3A_119 : i32
    %lt3A_121 = arith.constant 125 : i32
    %lt3A_122 = arith.cmpi slt, %add3A_120, %lt3A_121 : i32
    %jit3A_123 = arith.constant 0 : i32
    %select_n3A_124 = arith.select %lt3A_122, %add3A_120, %jit3A_123 : i32
    %mul3A_125 = arith.constant 80 : i32
    %mul3A_126 = arith.muli %select_n3A_124, %mul3A_125 : i32
    "tpu.region"() ({
      %run_scoped3A = tpu.sem_alloc : memref<!tpu.dma_semaphore, #tpu.memory_space<semaphore_mem>>
      %dma_start3A_207 = arith.constant 0 : i32
      %dma_start3A_208 = tpu.memref_slice %arg7[%mul3A_126, %dma_start3A_207] : memref<10000x128xf32, #tpu.memory_space<hbm>> -> memref<80x128xf32, #tpu.memory_space<hbm>>
      %dma_start3A_209 = arith.constant 0 : i32
      %dma_start3A_210 = tpu.memref_slice %arg7[%mul3A_126, %dma_start3A_209] : memref<10000x128xf32, #tpu.memory_space<hbm>> -> memref<80x128xf32, #tpu.memory_space<hbm>>
      tpu.enqueue_dma source(%arg11 : memref<80x128xf32, #tpu.memory_space<vmem>>) target(%dma_start3A_210 : memref<80x128xf32, #tpu.memory_space<hbm>>) target_semaphore(%run_scoped3A : memref<!tpu.dma_semaphore, #tpu.memory_space<semaphore_mem>>)
      %dma_wait3A_211 = arith.constant 0 : i32
      %dma_wait3A_212 = tpu.memref_slice %arg7[%mul3A_126, %dma_wait3A_211] : memref<10000x128xf32, #tpu.memory_space<hbm>> -> memref<80x128xf32, #tpu.memory_space<hbm>>
      %dma_wait3A_213 = arith.constant 0 : i32
      %dma_wait3A_214 = tpu.memref_slice %arg7[%mul3A_126, %dma_wait3A_213] : memref<10000x128xf32, #tpu.memory_space<hbm>> -> memref<80x128xf32, #tpu.memory_space<hbm>>
      tpu.wait_dma2 semaphore(%run_scoped3A : memref<!tpu.dma_semaphore, #tpu.memory_space<semaphore_mem>>) src(%arg11 : memref<80x128xf32, #tpu.memory_space<vmem>>) dst(%dma_wait3A_214 : memref<80x128xf32, #tpu.memory_space<hbm>>)
      tpu.yield
    }) : () -> ()
    %dma_wait3A_127 = arith.constant 0 : i32
    %dma_wait3A_128 = arith.constant 0 : i32
    %dma_wait3A_129 = tpu.memref_slice %arg4[%dma_wait3A_127, %dma_wait3A_128] : memref<1000x128xf32, #tpu.memory_space<hbm>> -> memref<1000x128xf32, #tpu.memory_space<hbm>>
    tpu.wait_indirect_dma semaphore(%arg18 : memref<!tpu.dma_semaphore, #tpu.memory_space<semaphore_mem>>) src(%dma_wait3A_129 : memref<1000x128xf32, #tpu.memory_space<hbm>>) dst(%arg12 : memref<80x128xf32, #tpu.memory_space<vmem>>)
    %add3A_130 = arith.constant 96 : i32
    %add3A_131 = arith.addi %add3A, %add3A_130 : i32
    %lt3A_132 = arith.constant 125 : i32
    %lt3A_133 = arith.cmpi slt, %add3A_131, %lt3A_132 : i32
    %jit3A_134 = arith.constant 0 : i32
    %select_n3A_135 = arith.select %lt3A_133, %add3A_131, %jit3A_134 : i32
    %mul3A_136 = arith.constant 80 : i32
    %mul3A_137 = arith.muli %select_n3A_135, %mul3A_136 : i32
    "tpu.region"() ({
      %run_scoped3A = tpu.sem_alloc : memref<!tpu.dma_semaphore, #tpu.memory_space<semaphore_mem>>
      %dma_start3A_207 = arith.constant 0 : i32
      %dma_start3A_208 = tpu.memref_slice %arg7[%mul3A_137, %dma_start3A_207] : memref<10000x128xf32, #tpu.memory_space<hbm>> -> memref<80x128xf32, #tpu.memory_space<hbm>>
      %dma_start3A_209 = arith.constant 0 : i32
      %dma_start3A_210 = tpu.memref_slice %arg7[%mul3A_137, %dma_start3A_209] : memref<10000x128xf32, #tpu.memory_space<hbm>> -> memref<80x128xf32, #tpu.memory_space<hbm>>
      tpu.enqueue_dma source(%arg12 : memref<80x128xf32, #tpu.memory_space<vmem>>) target(%dma_start3A_210 : memref<80x128xf32, #tpu.memory_space<hbm>>) target_semaphore(%run_scoped3A : memref<!tpu.dma_semaphore, #tpu.memory_space<semaphore_mem>>)
      %dma_wait3A_211 = arith.constant 0 : i32
      %dma_wait3A_212 = tpu.memref_slice %arg7[%mul3A_137, %dma_wait3A_211] : memref<10000x128xf32, #tpu.memory_space<hbm>> -> memref<80x128xf32, #tpu.memory_space<hbm>>
      %dma_wait3A_213 = arith.constant 0 : i32
      %dma_wait3A_214 = tpu.memref_slice %arg7[%mul3A_137, %dma_wait3A_213] : memref<10000x128xf32, #tpu.memory_space<hbm>> -> memref<80x128xf32, #tpu.memory_space<hbm>>
      tpu.wait_dma2 semaphore(%run_scoped3A : memref<!tpu.dma_semaphore, #tpu.memory_space<semaphore_mem>>) src(%arg12 : memref<80x128xf32, #tpu.memory_space<vmem>>) dst(%dma_wait3A_214 : memref<80x128xf32, #tpu.memory_space<hbm>>)
      tpu.yield
    }) : () -> ()
    %mul3A_138 = arith.constant 160000 : i32
    %mul3A_139 = arith.muli %arg0, %mul3A_138 : i32
    %mul3A_140 = arith.constant 10000 : i32
    %mul3A_141 = arith.muli %arg1, %mul3A_140 : i32
    %add3A_142 = arith.addi %mul3A_139, %mul3A_141 : i32
    %scan3A = arith.constant 0 : i32
    %scan3A_143 = arith.constant 0 : i32
    %scan3A_144 = arith.constant 62 : i32
    %scan3A_145 = arith.addi %scan3A_143, %scan3A_144 : i32
    %scan3A_146 = arith.constant 1 : i32
    scf.for %scan3A_207 = %scan3A_143 to %scan3A_145 step %scan3A_146  : i32 {
      %mul3A_208 = arith.constant 2 : i32
      %mul3A_209 = arith.muli %mul3A_208, %scan3A_207 : i32
      %mul3A_210 = arith.constant 80 : i32
      %mul3A_211 = arith.muli %mul3A_209, %mul3A_210 : i32
      %add3A_212 = arith.addi %add3A_142, %mul3A_211 : i32
      %dma_start3A_213 = tpu.memref_slice %arg3[%add3A_212] : memref<320000xi32, #tpu.memory_space<hbm>> -> memref<80xi32, #tpu.memory_space<hbm>>
      %dma_start3A_214 = tpu.memref_slice %arg3[%add3A_212] : memref<320000xi32, #tpu.memory_space<hbm>> -> memref<80xi32, #tpu.memory_space<hbm>>
      tpu.enqueue_dma source(%dma_start3A_214 : memref<80xi32, #tpu.memory_space<hbm>>) target(%arg13 : memref<80xi32, #tpu.memory_space<vmem>>) target_semaphore(%arg21 : memref<!tpu.dma_semaphore, #tpu.memory_space<semaphore_mem>>)
      %add3A_215 = arith.constant 80 : i32
      %add3A_216 = arith.addi %add3A_212, %add3A_215 : i32
      %dma_start3A_217 = tpu.memref_slice %arg3[%add3A_216] : memref<320000xi32, #tpu.memory_space<hbm>> -> memref<80xi32, #tpu.memory_space<hbm>>
      %dma_start3A_218 = tpu.memref_slice %arg3[%add3A_216] : memref<320000xi32, #tpu.memory_space<hbm>> -> memref<80xi32, #tpu.memory_space<hbm>>
      tpu.enqueue_dma source(%dma_start3A_218 : memref<80xi32, #tpu.memory_space<hbm>>) target(%arg14 : memref<80xi32, #tpu.memory_space<vmem>>) target_semaphore(%arg21 : memref<!tpu.dma_semaphore, #tpu.memory_space<semaphore_mem>>)
      %dma_wait3A_219 = tpu.memref_slice %arg3[%add3A_212] : memref<320000xi32, #tpu.memory_space<hbm>> -> memref<80xi32, #tpu.memory_space<hbm>>
      %dma_wait3A_220 = tpu.memref_slice %arg3[%add3A_212] : memref<320000xi32, #tpu.memory_space<hbm>> -> memref<80xi32, #tpu.memory_space<hbm>>
      tpu.wait_dma2 semaphore(%arg21 : memref<!tpu.dma_semaphore, #tpu.memory_space<semaphore_mem>>) src(%dma_wait3A_220 : memref<80xi32, #tpu.memory_space<hbm>>) dst(%arg13 : memref<80xi32, #tpu.memory_space<vmem>>)
      %dma_start3A_221 = arith.constant 0 : i32
      %dma_start3A_222 = arith.constant 0 : i32
      %dma_start3A_223 = tpu.memref_slice %arg16[%dma_start3A_221, %dma_start3A_222] : memref<10000x128xf32, #tpu.memory_space<vmem_shared>> -> memref<10000x128xf32, #tpu.memory_space<vmem_shared>>
      tpu.enqueue_indirect_dma source(%arg15 : memref<80x128xf32, #tpu.memory_space<vmem>>) target(%dma_start3A_223 : memref<10000x128xf32, #tpu.memory_space<vmem_shared>>) offsets(%arg13 : memref<80xi32, #tpu.memory_space<vmem>>) semaphore(%arg19 : memref<!tpu.dma_semaphore, #tpu.memory_space<semaphore_mem>>) {add = true}
      %dma_wait3A_224 = tpu.memref_slice %arg3[%add3A_216] : memref<320000xi32, #tpu.memory_space<hbm>> -> memref<80xi32, #tpu.memory_space<hbm>>
      %dma_wait3A_225 = tpu.memref_slice %arg3[%add3A_216] : memref<320000xi32, #tpu.memory_space<hbm>> -> memref<80xi32, #tpu.memory_space<hbm>>
      tpu.wait_dma2 semaphore(%arg21 : memref<!tpu.dma_semaphore, #tpu.memory_space<semaphore_mem>>) src(%dma_wait3A_225 : memref<80xi32, #tpu.memory_space<hbm>>) dst(%arg14 : memref<80xi32, #tpu.memory_space<vmem>>)
      %dma_start3A_226 = arith.constant 0 : i32
      %dma_start3A_227 = arith.constant 0 : i32
      %dma_start3A_228 = tpu.memref_slice %arg16[%dma_start3A_226, %dma_start3A_227] : memref<10000x128xf32, #tpu.memory_space<vmem_shared>> -> memref<10000x128xf32, #tpu.memory_space<vmem_shared>>
      tpu.enqueue_indirect_dma source(%arg15 : memref<80x128xf32, #tpu.memory_space<vmem>>) target(%dma_start3A_228 : memref<10000x128xf32, #tpu.memory_space<vmem_shared>>) offsets(%arg14 : memref<80xi32, #tpu.memory_space<vmem>>) semaphore(%arg20 : memref<!tpu.dma_semaphore, #tpu.memory_space<semaphore_mem>>) {add = true}
      %dma_wait3A_229 = arith.constant 0 : i32
      %dma_wait3A_230 = arith.constant 0 : i32
      %dma_wait3A_231 = tpu.memref_slice %arg16[%dma_wait3A_229, %dma_wait3A_230] : memref<10000x128xf32, #tpu.memory_space<vmem_shared>> -> memref<10000x128xf32, #tpu.memory_space<vmem_shared>>
      tpu.wait_indirect_dma semaphore(%arg19 : memref<!tpu.dma_semaphore, #tpu.memory_space<semaphore_mem>>) src(%arg15 : memref<80x128xf32, #tpu.memory_space<vmem>>) dst(%dma_wait3A_231 : memref<10000x128xf32, #tpu.memory_space<vmem_shared>>)
      %dma_wait3A_232 = arith.constant 0 : i32
      %dma_wait3A_233 = arith.constant 0 : i32
      %dma_wait3A_234 = tpu.memref_slice %arg16[%dma_wait3A_232, %dma_wait3A_233] : memref<10000x128xf32, #tpu.memory_space<vmem_shared>> -> memref<10000x128xf32, #tpu.memory_space<vmem_shared>>
      tpu.wait_indirect_dma semaphore(%arg20 : memref<!tpu.dma_semaphore, #tpu.memory_space<semaphore_mem>>) src(%arg15 : memref<80x128xf32, #tpu.memory_space<vmem>>) dst(%dma_wait3A_234 : memref<10000x128xf32, #tpu.memory_space<vmem_shared>>)
    }
    %scan3A_147 = arith.constant 62 : i32
    %add3A_148 = arith.constant 9920 : i32
    %add3A_149 = arith.addi %add3A_142, %add3A_148 : i32
    "tpu.region"() ({
      %run_scoped3A = tpu.sem_alloc : memref<!tpu.dma_semaphore, #tpu.memory_space<semaphore_mem>>
      %dma_start3A_207 = tpu.memref_slice %arg3[%add3A_149] : memref<320000xi32, #tpu.memory_space<hbm>> -> memref<80xi32, #tpu.memory_space<hbm>>
      %dma_start3A_208 = tpu.memref_slice %arg3[%add3A_149] : memref<320000xi32, #tpu.memory_space<hbm>> -> memref<80xi32, #tpu.memory_space<hbm>>
      tpu.enqueue_dma source(%dma_start3A_208 : memref<80xi32, #tpu.memory_space<hbm>>) target(%arg13 : memref<80xi32, #tpu.memory_space<vmem>>) target_semaphore(%run_scoped3A : memref<!tpu.dma_semaphore, #tpu.memory_space<semaphore_mem>>)
      %dma_wait3A_209 = tpu.memref_slice %arg3[%add3A_149] : memref<320000xi32, #tpu.memory_space<hbm>> -> memref<80xi32, #tpu.memory_space<hbm>>
      %dma_wait3A_210 = tpu.memref_slice %arg3[%add3A_149] : memref<320000xi32, #tpu.memory_space<hbm>> -> memref<80xi32, #tpu.memory_space<hbm>>
      tpu.wait_dma2 semaphore(%run_scoped3A : memref<!tpu.dma_semaphore, #tpu.memory_space<semaphore_mem>>) src(%dma_wait3A_210 : memref<80xi32, #tpu.memory_space<hbm>>) dst(%arg13 : memref<80xi32, #tpu.memory_space<vmem>>)
      tpu.yield
    }) : () -> ()
    "tpu.region"() ({
      %run_scoped3A = tpu.sem_alloc : memref<!tpu.dma_semaphore, #tpu.memory_space<semaphore_mem>>
      %dma_start3A_207 = arith.constant 0 : i32
      %dma_start3A_208 = arith.constant 0 : i32
      %dma_start3A_209 = tpu.memref_slice %arg16[%dma_start3A_207, %dma_start3A_208] : memref<10000x128xf32, #tpu.memory_space<vmem_shared>> -> memref<10000x128xf32, #tpu.memory_space<vmem_shared>>
      tpu.enqueue_indirect_dma source(%arg15 : memref<80x128xf32, #tpu.memory_space<vmem>>) target(%dma_start3A_209 : memref<10000x128xf32, #tpu.memory_space<vmem_shared>>) offsets(%arg13 : memref<80xi32, #tpu.memory_space<vmem>>) semaphore(%run_scoped3A : memref<!tpu.dma_semaphore, #tpu.memory_space<semaphore_mem>>) {add = true}
      %dma_wait3A_210 = arith.constant 0 : i32
      %dma_wait3A_211 = arith.constant 0 : i32
      %dma_wait3A_212 = tpu.memref_slice %arg16[%dma_wait3A_210, %dma_wait3A_211] : memref<10000x128xf32, #tpu.memory_space<vmem_shared>> -> memref<10000x128xf32, #tpu.memory_space<vmem_shared>>
      tpu.wait_indirect_dma semaphore(%run_scoped3A : memref<!tpu.dma_semaphore, #tpu.memory_space<semaphore_mem>>) src(%arg15 : memref<80x128xf32, #tpu.memory_space<vmem>>) dst(%dma_wait3A_212 : memref<10000x128xf32, #tpu.memory_space<vmem_shared>>)
      tpu.yield
    }) : () -> ()
    %barrier3A_150 = arith.constant 0 : index
    tpu.barrier barrier_id(%barrier3A_150)
    %add3A_151 = arith.constant 0 : i32
    %add3A_152 = arith.addi %arg1, %add3A_151 : i32
    %lt3A_153 = arith.constant 125 : i32
    %lt3A_154 = arith.cmpi slt, %add3A_152, %lt3A_153 : i32
    %convert_element_type3A_155 = arith.extui %lt3A_154 : i1 to i32
    %cond3A_156 = arith.constant 0 : i32
    %cond3A_157 = arith.cmpi ne, %convert_element_type3A_155, %cond3A_156 : i32
    scf.if %cond3A_157 {
      %mul3A_207 = arith.constant 80 : i32
      %mul3A_208 = arith.muli %add3A_152, %mul3A_207 : i32
      %mul3A_209 = arith.constant 10000 : i32
      %mul3A_210 = arith.muli %arg0, %mul3A_209 : i32
      %mul3A_211 = arith.constant 80 : i32
      %mul3A_212 = arith.muli %add3A_152, %mul3A_211 : i32
      %add3A_213 = arith.addi %mul3A_210, %mul3A_212 : i32
      "tpu.region"() ({
        %run_scoped3A = tpu.sem_alloc : memref<!tpu.dma_semaphore, #tpu.memory_space<semaphore_mem>>
        %dma_start3A_214 = arith.constant 0 : i32
        %dma_start3A_215 = tpu.memref_slice %arg8[%add3A_213, %dma_start3A_214] : memref<20000x128xf32, #tpu.memory_space<hbm>> -> memref<80x128xf32, #tpu.memory_space<hbm>>
        %dma_start3A_216 = arith.constant 0 : i32
        %dma_start3A_217 = tpu.memref_slice %arg16[%mul3A_208, %dma_start3A_216] : memref<10000x128xf32, #tpu.memory_space<vmem_shared>> -> memref<80x128xf32, #tpu.memory_space<vmem_shared>>
        tpu.enqueue_dma source(%dma_start3A_217 : memref<80x128xf32, #tpu.memory_space<vmem_shared>>) target(%dma_start3A_215 : memref<80x128xf32, #tpu.memory_space<hbm>>) target_semaphore(%run_scoped3A : memref<!tpu.dma_semaphore, #tpu.memory_space<semaphore_mem>>)
        %dma_wait3A_218 = arith.constant 0 : i32
        %dma_wait3A_219 = tpu.memref_slice %arg8[%add3A_213, %dma_wait3A_218] : memref<20000x128xf32, #tpu.memory_space<hbm>> -> memref<80x128xf32, #tpu.memory_space<hbm>>
        %dma_wait3A_220 = arith.constant 0 : i32
        %dma_wait3A_221 = tpu.memref_slice %arg16[%mul3A_208, %dma_wait3A_220] : memref<10000x128xf32, #tpu.memory_space<vmem_shared>> -> memref<80x128xf32, #tpu.memory_space<vmem_shared>>
        tpu.wait_dma2 semaphore(%run_scoped3A : memref<!tpu.dma_semaphore, #tpu.memory_space<semaphore_mem>>) src(%dma_wait3A_221 : memref<80x128xf32, #tpu.memory_space<vmem_shared>>) dst(%dma_wait3A_219 : memref<80x128xf32, #tpu.memory_space<hbm>>)
        tpu.yield
      }) : () -> ()
    } else {
    }
    %add3A_158 = arith.constant 16 : i32
    %add3A_159 = arith.addi %arg1, %add3A_158 : i32
    %lt3A_160 = arith.constant 125 : i32
    %lt3A_161 = arith.cmpi slt, %add3A_159, %lt3A_160 : i32
    %convert_element_type3A_162 = arith.extui %lt3A_161 : i1 to i32
    %cond3A_163 = arith.constant 0 : i32
    %cond3A_164 = arith.cmpi ne, %convert_element_type3A_162, %cond3A_163 : i32
    scf.if %cond3A_164 {
      %mul3A_207 = arith.constant 80 : i32
      %mul3A_208 = arith.muli %add3A_159, %mul3A_207 : i32
      %mul3A_209 = arith.constant 10000 : i32
      %mul3A_210 = arith.muli %arg0, %mul3A_209 : i32
      %mul3A_211 = arith.constant 80 : i32
      %mul3A_212 = arith.muli %add3A_159, %mul3A_211 : i32
      %add3A_213 = arith.addi %mul3A_210, %mul3A_212 : i32
      "tpu.region"() ({
        %run_scoped3A = tpu.sem_alloc : memref<!tpu.dma_semaphore, #tpu.memory_space<semaphore_mem>>
        %dma_start3A_214 = arith.constant 0 : i32
        %dma_start3A_215 = tpu.memref_slice %arg8[%add3A_213, %dma_start3A_214] : memref<20000x128xf32, #tpu.memory_space<hbm>> -> memref<80x128xf32, #tpu.memory_space<hbm>>
        %dma_start3A_216 = arith.constant 0 : i32
        %dma_start3A_217 = tpu.memref_slice %arg16[%mul3A_208, %dma_start3A_216] : memref<10000x128xf32, #tpu.memory_space<vmem_shared>> -> memref<80x128xf32, #tpu.memory_space<vmem_shared>>
        tpu.enqueue_dma source(%dma_start3A_217 : memref<80x128xf32, #tpu.memory_space<vmem_shared>>) target(%dma_start3A_215 : memref<80x128xf32, #tpu.memory_space<hbm>>) target_semaphore(%run_scoped3A : memref<!tpu.dma_semaphore, #tpu.memory_space<semaphore_mem>>)
        %dma_wait3A_218 = arith.constant 0 : i32
        %dma_wait3A_219 = tpu.memref_slice %arg8[%add3A_213, %dma_wait3A_218] : memref<20000x128xf32, #tpu.memory_space<hbm>> -> memref<80x128xf32, #tpu.memory_space<hbm>>
        %dma_wait3A_220 = arith.constant 0 : i32
        %dma_wait3A_221 = tpu.memref_slice %arg16[%mul3A_208, %dma_wait3A_220] : memref<10000x128xf32, #tpu.memory_space<vmem_shared>> -> memref<80x128xf32, #tpu.memory_space<vmem_shared>>
        tpu.wait_dma2 semaphore(%run_scoped3A : memref<!tpu.dma_semaphore, #tpu.memory_space<semaphore_mem>>) src(%dma_wait3A_221 : memref<80x128xf32, #tpu.memory_space<vmem_shared>>) dst(%dma_wait3A_219 : memref<80x128xf32, #tpu.memory_space<hbm>>)
        tpu.yield
      }) : () -> ()
    } else {
    }
    %add3A_165 = arith.constant 32 : i32
    %add3A_166 = arith.addi %arg1, %add3A_165 : i32
    %lt3A_167 = arith.constant 125 : i32
    %lt3A_168 = arith.cmpi slt, %add3A_166, %lt3A_167 : i32
    %convert_element_type3A_169 = arith.extui %lt3A_168 : i1 to i32
    %cond3A_170 = arith.constant 0 : i32
    %cond3A_171 = arith.cmpi ne, %convert_element_type3A_169, %cond3A_170 : i32
    scf.if %cond3A_171 {
      %mul3A_207 = arith.constant 80 : i32
      %mul3A_208 = arith.muli %add3A_166, %mul3A_207 : i32
      %mul3A_209 = arith.constant 10000 : i32
      %mul3A_210 = arith.muli %arg0, %mul3A_209 : i32
      %mul3A_211 = arith.constant 80 : i32
      %mul3A_212 = arith.muli %add3A_166, %mul3A_211 : i32
      %add3A_213 = arith.addi %mul3A_210, %mul3A_212 : i32
      "tpu.region"() ({
        %run_scoped3A = tpu.sem_alloc : memref<!tpu.dma_semaphore, #tpu.memory_space<semaphore_mem>>
        %dma_start3A_214 = arith.constant 0 : i32
        %dma_start3A_215 = tpu.memref_slice %arg8[%add3A_213, %dma_start3A_214] : memref<20000x128xf32, #tpu.memory_space<hbm>> -> memref<80x128xf32, #tpu.memory_space<hbm>>
        %dma_start3A_216 = arith.constant 0 : i32
        %dma_start3A_217 = tpu.memref_slice %arg16[%mul3A_208, %dma_start3A_216] : memref<10000x128xf32, #tpu.memory_space<vmem_shared>> -> memref<80x128xf32, #tpu.memory_space<vmem_shared>>
        tpu.enqueue_dma source(%dma_start3A_217 : memref<80x128xf32, #tpu.memory_space<vmem_shared>>) target(%dma_start3A_215 : memref<80x128xf32, #tpu.memory_space<hbm>>) target_semaphore(%run_scoped3A : memref<!tpu.dma_semaphore, #tpu.memory_space<semaphore_mem>>)
        %dma_wait3A_218 = arith.constant 0 : i32
        %dma_wait3A_219 = tpu.memref_slice %arg8[%add3A_213, %dma_wait3A_218] : memref<20000x128xf32, #tpu.memory_space<hbm>> -> memref<80x128xf32, #tpu.memory_space<hbm>>
        %dma_wait3A_220 = arith.constant 0 : i32
        %dma_wait3A_221 = tpu.memref_slice %arg16[%mul3A_208, %dma_wait3A_220] : memref<10000x128xf32, #tpu.memory_space<vmem_shared>> -> memref<80x128xf32, #tpu.memory_space<vmem_shared>>
        tpu.wait_dma2 semaphore(%run_scoped3A : memref<!tpu.dma_semaphore, #tpu.memory_space<semaphore_mem>>) src(%dma_wait3A_221 : memref<80x128xf32, #tpu.memory_space<vmem_shared>>) dst(%dma_wait3A_219 : memref<80x128xf32, #tpu.memory_space<hbm>>)
        tpu.yield
      }) : () -> ()
    } else {
    }
    %add3A_172 = arith.constant 48 : i32
    %add3A_173 = arith.addi %arg1, %add3A_172 : i32
    %lt3A_174 = arith.constant 125 : i32
    %lt3A_175 = arith.cmpi slt, %add3A_173, %lt3A_174 : i32
    %convert_element_type3A_176 = arith.extui %lt3A_175 : i1 to i32
    %cond3A_177 = arith.constant 0 : i32
    %cond3A_178 = arith.cmpi ne, %convert_element_type3A_176, %cond3A_177 : i32
    scf.if %cond3A_178 {
      %mul3A_207 = arith.constant 80 : i32
      %mul3A_208 = arith.muli %add3A_173, %mul3A_207 : i32
      %mul3A_209 = arith.constant 10000 : i32
      %mul3A_210 = arith.muli %arg0, %mul3A_209 : i32
      %mul3A_211 = arith.constant 80 : i32
      %mul3A_212 = arith.muli %add3A_173, %mul3A_211 : i32
      %add3A_213 = arith.addi %mul3A_210, %mul3A_212 : i32
      "tpu.region"() ({
        %run_scoped3A = tpu.sem_alloc : memref<!tpu.dma_semaphore, #tpu.memory_space<semaphore_mem>>
        %dma_start3A_214 = arith.constant 0 : i32
        %dma_start3A_215 = tpu.memref_slice %arg8[%add3A_213, %dma_start3A_214] : memref<20000x128xf32, #tpu.memory_space<hbm>> -> memref<80x128xf32, #tpu.memory_space<hbm>>
        %dma_start3A_216 = arith.constant 0 : i32
        %dma_start3A_217 = tpu.memref_slice %arg16[%mul3A_208, %dma_start3A_216] : memref<10000x128xf32, #tpu.memory_space<vmem_shared>> -> memref<80x128xf32, #tpu.memory_space<vmem_shared>>
        tpu.enqueue_dma source(%dma_start3A_217 : memref<80x128xf32, #tpu.memory_space<vmem_shared>>) target(%dma_start3A_215 : memref<80x128xf32, #tpu.memory_space<hbm>>) target_semaphore(%run_scoped3A : memref<!tpu.dma_semaphore, #tpu.memory_space<semaphore_mem>>)
        %dma_wait3A_218 = arith.constant 0 : i32
        %dma_wait3A_219 = tpu.memref_slice %arg8[%add3A_213, %dma_wait3A_218] : memref<20000x128xf32, #tpu.memory_space<hbm>> -> memref<80x128xf32, #tpu.memory_space<hbm>>
        %dma_wait3A_220 = arith.constant 0 : i32
        %dma_wait3A_221 = tpu.memref_slice %arg16[%mul3A_208, %dma_wait3A_220] : memref<10000x128xf32, #tpu.memory_space<vmem_shared>> -> memref<80x128xf32, #tpu.memory_space<vmem_shared>>
        tpu.wait_dma2 semaphore(%run_scoped3A : memref<!tpu.dma_semaphore, #tpu.memory_space<semaphore_mem>>) src(%dma_wait3A_221 : memref<80x128xf32, #tpu.memory_space<vmem_shared>>) dst(%dma_wait3A_219 : memref<80x128xf32, #tpu.memory_space<hbm>>)
        tpu.yield
      }) : () -> ()
    } else {
    }
    %add3A_179 = arith.constant 64 : i32
    %add3A_180 = arith.addi %arg1, %add3A_179 : i32
    %lt3A_181 = arith.constant 125 : i32
    %lt3A_182 = arith.cmpi slt, %add3A_180, %lt3A_181 : i32
    %convert_element_type3A_183 = arith.extui %lt3A_182 : i1 to i32
    %cond3A_184 = arith.constant 0 : i32
    %cond3A_185 = arith.cmpi ne, %convert_element_type3A_183, %cond3A_184 : i32
    scf.if %cond3A_185 {
      %mul3A_207 = arith.constant 80 : i32
      %mul3A_208 = arith.muli %add3A_180, %mul3A_207 : i32
      %mul3A_209 = arith.constant 10000 : i32
      %mul3A_210 = arith.muli %arg0, %mul3A_209 : i32
      %mul3A_211 = arith.constant 80 : i32
      %mul3A_212 = arith.muli %add3A_180, %mul3A_211 : i32
      %add3A_213 = arith.addi %mul3A_210, %mul3A_212 : i32
      "tpu.region"() ({
        %run_scoped3A = tpu.sem_alloc : memref<!tpu.dma_semaphore, #tpu.memory_space<semaphore_mem>>
        %dma_start3A_214 = arith.constant 0 : i32
        %dma_start3A_215 = tpu.memref_slice %arg8[%add3A_213, %dma_start3A_214] : memref<20000x128xf32, #tpu.memory_space<hbm>> -> memref<80x128xf32, #tpu.memory_space<hbm>>
        %dma_start3A_216 = arith.constant 0 : i32
        %dma_start3A_217 = tpu.memref_slice %arg16[%mul3A_208, %dma_start3A_216] : memref<10000x128xf32, #tpu.memory_space<vmem_shared>> -> memref<80x128xf32, #tpu.memory_space<vmem_shared>>
        tpu.enqueue_dma source(%dma_start3A_217 : memref<80x128xf32, #tpu.memory_space<vmem_shared>>) target(%dma_start3A_215 : memref<80x128xf32, #tpu.memory_space<hbm>>) target_semaphore(%run_scoped3A : memref<!tpu.dma_semaphore, #tpu.memory_space<semaphore_mem>>)
        %dma_wait3A_218 = arith.constant 0 : i32
        %dma_wait3A_219 = tpu.memref_slice %arg8[%add3A_213, %dma_wait3A_218] : memref<20000x128xf32, #tpu.memory_space<hbm>> -> memref<80x128xf32, #tpu.memory_space<hbm>>
        %dma_wait3A_220 = arith.constant 0 : i32
        %dma_wait3A_221 = tpu.memref_slice %arg16[%mul3A_208, %dma_wait3A_220] : memref<10000x128xf32, #tpu.memory_space<vmem_shared>> -> memref<80x128xf32, #tpu.memory_space<vmem_shared>>
        tpu.wait_dma2 semaphore(%run_scoped3A : memref<!tpu.dma_semaphore, #tpu.memory_space<semaphore_mem>>) src(%dma_wait3A_221 : memref<80x128xf32, #tpu.memory_space<vmem_shared>>) dst(%dma_wait3A_219 : memref<80x128xf32, #tpu.memory_space<hbm>>)
        tpu.yield
      }) : () -> ()
    } else {
    }
    %add3A_186 = arith.constant 80 : i32
    %add3A_187 = arith.addi %arg1, %add3A_186 : i32
    %lt3A_188 = arith.constant 125 : i32
    %lt3A_189 = arith.cmpi slt, %add3A_187, %lt3A_188 : i32
    %convert_element_type3A_190 = arith.extui %lt3A_189 : i1 to i32
    %cond3A_191 = arith.constant 0 : i32
    %cond3A_192 = arith.cmpi ne, %convert_element_type3A_190, %cond3A_191 : i32
    scf.if %cond3A_192 {
      %mul3A_207 = arith.constant 80 : i32
      %mul3A_208 = arith.muli %add3A_187, %mul3A_207 : i32
      %mul3A_209 = arith.constant 10000 : i32
      %mul3A_210 = arith.muli %arg0, %mul3A_209 : i32
      %mul3A_211 = arith.constant 80 : i32
      %mul3A_212 = arith.muli %add3A_187, %mul3A_211 : i32
      %add3A_213 = arith.addi %mul3A_210, %mul3A_212 : i32
      "tpu.region"() ({
        %run_scoped3A = tpu.sem_alloc : memref<!tpu.dma_semaphore, #tpu.memory_space<semaphore_mem>>
        %dma_start3A_214 = arith.constant 0 : i32
        %dma_start3A_215 = tpu.memref_slice %arg8[%add3A_213, %dma_start3A_214] : memref<20000x128xf32, #tpu.memory_space<hbm>> -> memref<80x128xf32, #tpu.memory_space<hbm>>
        %dma_start3A_216 = arith.constant 0 : i32
        %dma_start3A_217 = tpu.memref_slice %arg16[%mul3A_208, %dma_start3A_216] : memref<10000x128xf32, #tpu.memory_space<vmem_shared>> -> memref<80x128xf32, #tpu.memory_space<vmem_shared>>
        tpu.enqueue_dma source(%dma_start3A_217 : memref<80x128xf32, #tpu.memory_space<vmem_shared>>) target(%dma_start3A_215 : memref<80x128xf32, #tpu.memory_space<hbm>>) target_semaphore(%run_scoped3A : memref<!tpu.dma_semaphore, #tpu.memory_space<semaphore_mem>>)
        %dma_wait3A_218 = arith.constant 0 : i32
        %dma_wait3A_219 = tpu.memref_slice %arg8[%add3A_213, %dma_wait3A_218] : memref<20000x128xf32, #tpu.memory_space<hbm>> -> memref<80x128xf32, #tpu.memory_space<hbm>>
        %dma_wait3A_220 = arith.constant 0 : i32
        %dma_wait3A_221 = tpu.memref_slice %arg16[%mul3A_208, %dma_wait3A_220] : memref<10000x128xf32, #tpu.memory_space<vmem_shared>> -> memref<80x128xf32, #tpu.memory_space<vmem_shared>>
        tpu.wait_dma2 semaphore(%run_scoped3A : memref<!tpu.dma_semaphore, #tpu.memory_space<semaphore_mem>>) src(%dma_wait3A_221 : memref<80x128xf32, #tpu.memory_space<vmem_shared>>) dst(%dma_wait3A_219 : memref<80x128xf32, #tpu.memory_space<hbm>>)
        tpu.yield
      }) : () -> ()
    } else {
    }
    %add3A_193 = arith.constant 96 : i32
    %add3A_194 = arith.addi %arg1, %add3A_193 : i32
    %lt3A_195 = arith.constant 125 : i32
    %lt3A_196 = arith.cmpi slt, %add3A_194, %lt3A_195 : i32
    %convert_element_type3A_197 = arith.extui %lt3A_196 : i1 to i32
    %cond3A_198 = arith.constant 0 : i32
    %cond3A_199 = arith.cmpi ne, %convert_element_type3A_197, %cond3A_198 : i32
    scf.if %cond3A_199 {
      %mul3A_207 = arith.constant 80 : i32
      %mul3A_208 = arith.muli %add3A_194, %mul3A_207 : i32
      %mul3A_209 = arith.constant 10000 : i32
      %mul3A_210 = arith.muli %arg0, %mul3A_209 : i32
      %mul3A_211 = arith.constant 80 : i32
      %mul3A_212 = arith.muli %add3A_194, %mul3A_211 : i32
      %add3A_213 = arith.addi %mul3A_210, %mul3A_212 : i32
      "tpu.region"() ({
        %run_scoped3A = tpu.sem_alloc : memref<!tpu.dma_semaphore, #tpu.memory_space<semaphore_mem>>
        %dma_start3A_214 = arith.constant 0 : i32
        %dma_start3A_215 = tpu.memref_slice %arg8[%add3A_213, %dma_start3A_214] : memref<20000x128xf32, #tpu.memory_space<hbm>> -> memref<80x128xf32, #tpu.memory_space<hbm>>
        %dma_start3A_216 = arith.constant 0 : i32
        %dma_start3A_217 = tpu.memref_slice %arg16[%mul3A_208, %dma_start3A_216] : memref<10000x128xf32, #tpu.memory_space<vmem_shared>> -> memref<80x128xf32, #tpu.memory_space<vmem_shared>>
        tpu.enqueue_dma source(%dma_start3A_217 : memref<80x128xf32, #tpu.memory_space<vmem_shared>>) target(%dma_start3A_215 : memref<80x128xf32, #tpu.memory_space<hbm>>) target_semaphore(%run_scoped3A : memref<!tpu.dma_semaphore, #tpu.memory_space<semaphore_mem>>)
        %dma_wait3A_218 = arith.constant 0 : i32
        %dma_wait3A_219 = tpu.memref_slice %arg8[%add3A_213, %dma_wait3A_218] : memref<20000x128xf32, #tpu.memory_space<hbm>> -> memref<80x128xf32, #tpu.memory_space<hbm>>
        %dma_wait3A_220 = arith.constant 0 : i32
        %dma_wait3A_221 = tpu.memref_slice %arg16[%mul3A_208, %dma_wait3A_220] : memref<10000x128xf32, #tpu.memory_space<vmem_shared>> -> memref<80x128xf32, #tpu.memory_space<vmem_shared>>
        tpu.wait_dma2 semaphore(%run_scoped3A : memref<!tpu.dma_semaphore, #tpu.memory_space<semaphore_mem>>) src(%dma_wait3A_221 : memref<80x128xf32, #tpu.memory_space<vmem_shared>>) dst(%dma_wait3A_219 : memref<80x128xf32, #tpu.memory_space<hbm>>)
        tpu.yield
      }) : () -> ()
    } else {
    }
    %add3A_200 = arith.constant 112 : i32
    %add3A_201 = arith.addi %arg1, %add3A_200 : i32
    %lt3A_202 = arith.constant 125 : i32
    %lt3A_203 = arith.cmpi slt, %add3A_201, %lt3A_202 : i32
    %convert_element_type3A_204 = arith.extui %lt3A_203 : i1 to i32
    %cond3A_205 = arith.constant 0 : i32
    %cond3A_206 = arith.cmpi ne, %convert_element_type3A_204, %cond3A_205 : i32
    scf.if %cond3A_206 {
      %mul3A_207 = arith.constant 80 : i32
      %mul3A_208 = arith.muli %add3A_201, %mul3A_207 : i32
      %mul3A_209 = arith.constant 10000 : i32
      %mul3A_210 = arith.muli %arg0, %mul3A_209 : i32
      %mul3A_211 = arith.constant 80 : i32
      %mul3A_212 = arith.muli %add3A_201, %mul3A_211 : i32
      %add3A_213 = arith.addi %mul3A_210, %mul3A_212 : i32
      "tpu.region"() ({
        %run_scoped3A = tpu.sem_alloc : memref<!tpu.dma_semaphore, #tpu.memory_space<semaphore_mem>>
        %dma_start3A_214 = arith.constant 0 : i32
        %dma_start3A_215 = tpu.memref_slice %arg8[%add3A_213, %dma_start3A_214] : memref<20000x128xf32, #tpu.memory_space<hbm>> -> memref<80x128xf32, #tpu.memory_space<hbm>>
        %dma_start3A_216 = arith.constant 0 : i32
        %dma_start3A_217 = tpu.memref_slice %arg16[%mul3A_208, %dma_start3A_216] : memref<10000x128xf32, #tpu.memory_space<vmem_shared>> -> memref<80x128xf32, #tpu.memory_space<vmem_shared>>
        tpu.enqueue_dma source(%dma_start3A_217 : memref<80x128xf32, #tpu.memory_space<vmem_shared>>) target(%dma_start3A_215 : memref<80x128xf32, #tpu.memory_space<hbm>>) target_semaphore(%run_scoped3A : memref<!tpu.dma_semaphore, #tpu.memory_space<semaphore_mem>>)
        %dma_wait3A_218 = arith.constant 0 : i32
        %dma_wait3A_219 = tpu.memref_slice %arg8[%add3A_213, %dma_wait3A_218] : memref<20000x128xf32, #tpu.memory_space<hbm>> -> memref<80x128xf32, #tpu.memory_space<hbm>>
        %dma_wait3A_220 = arith.constant 0 : i32
        %dma_wait3A_221 = tpu.memref_slice %arg16[%mul3A_208, %dma_wait3A_220] : memref<10000x128xf32, #tpu.memory_space<vmem_shared>> -> memref<80x128xf32, #tpu.memory_space<vmem_shared>>
        tpu.wait_dma2 semaphore(%run_scoped3A : memref<!tpu.dma_semaphore, #tpu.memory_space<semaphore_mem>>) src(%dma_wait3A_221 : memref<80x128xf32, #tpu.memory_space<vmem_shared>>) dst(%dma_wait3A_219 : memref<80x128xf32, #tpu.memory_space<hbm>>)
        tpu.yield
      }) : () -> ()
    } else {
    }
    return
  }
}

#map = affine_map<(d0, d1) -> (0, 0)>
#map1 = affine_map<(d0, d1) -> (0)>
module attributes {stable_mosaic.version = 14 : i64} {
  func.func @_sc_aggregate(%arg0: i32, %arg1: i32, %arg2: memref<10000x128xf32, #tpu.memory_space<hbm>>, %arg3: memref<320000xi32, #tpu.memory_space<hbm>>, %arg4: memref<320000xi32, #tpu.memory_space<hbm>>, %arg5: memref<80x128xf32, #tpu.memory_space<hbm>>, %arg6: memref<20000x128xf32, #tpu.memory_space<hbm>>, %arg7: memref<128xi32, #tpu.memory_space<vmem>>, %arg8: memref<128xi32, #tpu.memory_space<vmem>>, %arg9: memref<128xi32, #tpu.memory_space<vmem>>, %arg10: memref<128xi32, #tpu.memory_space<vmem>>, %arg11: memref<128x128xf32, #tpu.memory_space<vmem>>, %arg12: memref<128x128xf32, #tpu.memory_space<vmem>>, %arg13: memref<16xi32, #tpu.memory_space<vmem>>, %arg14: memref<16xi32, #tpu.memory_space<vmem>>, %arg15: memref<16x128xf32, #tpu.memory_space<vmem>>, %arg16: memref<10000x128xf32, #tpu.memory_space<vmem_shared>>, %arg17: memref<!tpu.dma_semaphore, #tpu.memory_space<semaphore_mem>>, %arg18: memref<!tpu.dma_semaphore, #tpu.memory_space<semaphore_mem>>, %arg19: memref<!tpu.dma_semaphore, #tpu.memory_space<semaphore_mem>>, %arg20: memref<!tpu.dma_semaphore, #tpu.memory_space<semaphore_mem>>) attributes {dimension_semantics = [#tpu.dimension_semantics<core_parallel>, #tpu.dimension_semantics<subcore_parallel>], iteration_bounds = array<i64: 2, 16>, scalar_prefetch = 0 : i64, scratch_operands = 14 : i64, tpu.core_type = #tpu.core_type<sc_vector_subcore>, window_params = [{transform_indices = #map}, {transform_indices = #map1}, {transform_indices = #map1}, {transform_indices = #map}, {transform_indices = #map}]} {
    "tpu.region"() ({
      %run_scoped3A = tpu.sem_alloc : memref<!tpu.dma_semaphore, #tpu.memory_space<semaphore_mem>>
      %dma_start3A_124 = arith.constant 0 : i32
      %dma_start3A_125 = arith.constant 0 : i32
      %dma_start3A_126 = tpu.memref_slice %arg11[%dma_start3A_124, %dma_start3A_125] : memref<128x128xf32, #tpu.memory_space<vmem>> -> memref<80x128xf32, #tpu.memory_space<vmem>>
      %dma_start3A_127 = arith.constant 0 : i32
      %dma_start3A_128 = arith.constant 0 : i32
      %dma_start3A_129 = tpu.memref_slice %arg11[%dma_start3A_127, %dma_start3A_128] : memref<128x128xf32, #tpu.memory_space<vmem>> -> memref<80x128xf32, #tpu.memory_space<vmem>>
      tpu.enqueue_dma source(%arg5 : memref<80x128xf32, #tpu.memory_space<hbm>>) target(%dma_start3A_129 : memref<80x128xf32, #tpu.memory_space<vmem>>) target_semaphore(%run_scoped3A : memref<!tpu.dma_semaphore, #tpu.memory_space<semaphore_mem>>)
      %dma_wait3A_130 = arith.constant 0 : i32
      %dma_wait3A_131 = arith.constant 0 : i32
      %dma_wait3A_132 = tpu.memref_slice %arg11[%dma_wait3A_130, %dma_wait3A_131] : memref<128x128xf32, #tpu.memory_space<vmem>> -> memref<80x128xf32, #tpu.memory_space<vmem>>
      %dma_wait3A_133 = arith.constant 0 : i32
      %dma_wait3A_134 = arith.constant 0 : i32
      %dma_wait3A_135 = tpu.memref_slice %arg11[%dma_wait3A_133, %dma_wait3A_134] : memref<128x128xf32, #tpu.memory_space<vmem>> -> memref<80x128xf32, #tpu.memory_space<vmem>>
      tpu.wait_dma2 semaphore(%run_scoped3A : memref<!tpu.dma_semaphore, #tpu.memory_space<semaphore_mem>>) src(%arg5 : memref<80x128xf32, #tpu.memory_space<hbm>>) dst(%dma_wait3A_135 : memref<80x128xf32, #tpu.memory_space<vmem>>)
      tpu.yield
    }) : () -> ()
    %add3A = arith.constant 0 : i32
    %add3A_0 = arith.addi %arg1, %add3A : i32
    %lt3A = arith.constant 125 : i32
    %lt3A_1 = arith.cmpi slt, %add3A_0, %lt3A : i32
    %convert_element_type3A = arith.extui %lt3A_1 : i1 to i32
    %cond3A = arith.constant 0 : i32
    %cond3A_2 = arith.cmpi ne, %convert_element_type3A, %cond3A : i32
    scf.if %cond3A_2 {
      %mul3A_124 = arith.constant 80 : i32
      %mul3A_125 = arith.muli %add3A_0, %mul3A_124 : i32
      "tpu.region"() ({
        %run_scoped3A = tpu.sem_alloc : memref<!tpu.dma_semaphore, #tpu.memory_space<semaphore_mem>>
        %dma_start3A_126 = arith.constant 0 : i32
        %dma_start3A_127 = arith.constant 0 : i32
        %dma_start3A_128 = tpu.memref_slice %arg11[%dma_start3A_126, %dma_start3A_127] : memref<128x128xf32, #tpu.memory_space<vmem>> -> memref<80x128xf32, #tpu.memory_space<vmem>>
        %dma_start3A_129 = arith.constant 0 : i32
        %dma_start3A_130 = tpu.memref_slice %arg16[%mul3A_125, %dma_start3A_129] : memref<10000x128xf32, #tpu.memory_space<vmem_shared>> -> memref<80x128xf32, #tpu.memory_space<vmem_shared>>
        %dma_start3A_131 = arith.constant 0 : i32
        %dma_start3A_132 = tpu.memref_slice %arg16[%mul3A_125, %dma_start3A_131] : memref<10000x128xf32, #tpu.memory_space<vmem_shared>> -> memref<80x128xf32, #tpu.memory_space<vmem_shared>>
        %dma_start3A_133 = arith.constant 0 : i32
        %dma_start3A_134 = arith.constant 0 : i32
        %dma_start3A_135 = tpu.memref_slice %arg11[%dma_start3A_133, %dma_start3A_134] : memref<128x128xf32, #tpu.memory_space<vmem>> -> memref<80x128xf32, #tpu.memory_space<vmem>>
        tpu.enqueue_dma source(%dma_start3A_135 : memref<80x128xf32, #tpu.memory_space<vmem>>) target(%dma_start3A_132 : memref<80x128xf32, #tpu.memory_space<vmem_shared>>) target_semaphore(%run_scoped3A : memref<!tpu.dma_semaphore, #tpu.memory_space<semaphore_mem>>)
        %dma_wait3A_136 = arith.constant 0 : i32
        %dma_wait3A_137 = arith.constant 0 : i32
        %dma_wait3A_138 = tpu.memref_slice %arg11[%dma_wait3A_136, %dma_wait3A_137] : memref<128x128xf32, #tpu.memory_space<vmem>> -> memref<80x128xf32, #tpu.memory_space<vmem>>
        %dma_wait3A_139 = arith.constant 0 : i32
        %dma_wait3A_140 = tpu.memref_slice %arg16[%mul3A_125, %dma_wait3A_139] : memref<10000x128xf32, #tpu.memory_space<vmem_shared>> -> memref<80x128xf32, #tpu.memory_space<vmem_shared>>
        %dma_wait3A_141 = arith.constant 0 : i32
        %dma_wait3A_142 = tpu.memref_slice %arg16[%mul3A_125, %dma_wait3A_141] : memref<10000x128xf32, #tpu.memory_space<vmem_shared>> -> memref<80x128xf32, #tpu.memory_space<vmem_shared>>
        %dma_wait3A_143 = arith.constant 0 : i32
        %dma_wait3A_144 = arith.constant 0 : i32
        %dma_wait3A_145 = tpu.memref_slice %arg11[%dma_wait3A_143, %dma_wait3A_144] : memref<128x128xf32, #tpu.memory_space<vmem>> -> memref<80x128xf32, #tpu.memory_space<vmem>>
        tpu.wait_dma2 semaphore(%run_scoped3A : memref<!tpu.dma_semaphore, #tpu.memory_space<semaphore_mem>>) src(%dma_wait3A_145 : memref<80x128xf32, #tpu.memory_space<vmem>>) dst(%dma_wait3A_142 : memref<80x128xf32, #tpu.memory_space<vmem_shared>>)
        tpu.yield
      }) : () -> ()
    } else {
    }
    %add3A_3 = arith.constant 16 : i32
    %add3A_4 = arith.addi %arg1, %add3A_3 : i32
    %lt3A_5 = arith.constant 125 : i32
    %lt3A_6 = arith.cmpi slt, %add3A_4, %lt3A_5 : i32
    %convert_element_type3A_7 = arith.extui %lt3A_6 : i1 to i32
    %cond3A_8 = arith.constant 0 : i32
    %cond3A_9 = arith.cmpi ne, %convert_element_type3A_7, %cond3A_8 : i32
    scf.if %cond3A_9 {
      %mul3A_124 = arith.constant 80 : i32
      %mul3A_125 = arith.muli %add3A_4, %mul3A_124 : i32
      "tpu.region"() ({
        %run_scoped3A = tpu.sem_alloc : memref<!tpu.dma_semaphore, #tpu.memory_space<semaphore_mem>>
        %dma_start3A_126 = arith.constant 0 : i32
        %dma_start3A_127 = arith.constant 0 : i32
        %dma_start3A_128 = tpu.memref_slice %arg11[%dma_start3A_126, %dma_start3A_127] : memref<128x128xf32, #tpu.memory_space<vmem>> -> memref<80x128xf32, #tpu.memory_space<vmem>>
        %dma_start3A_129 = arith.constant 0 : i32
        %dma_start3A_130 = tpu.memref_slice %arg16[%mul3A_125, %dma_start3A_129] : memref<10000x128xf32, #tpu.memory_space<vmem_shared>> -> memref<80x128xf32, #tpu.memory_space<vmem_shared>>
        %dma_start3A_131 = arith.constant 0 : i32
        %dma_start3A_132 = tpu.memref_slice %arg16[%mul3A_125, %dma_start3A_131] : memref<10000x128xf32, #tpu.memory_space<vmem_shared>> -> memref<80x128xf32, #tpu.memory_space<vmem_shared>>
        %dma_start3A_133 = arith.constant 0 : i32
        %dma_start3A_134 = arith.constant 0 : i32
        %dma_start3A_135 = tpu.memref_slice %arg11[%dma_start3A_133, %dma_start3A_134] : memref<128x128xf32, #tpu.memory_space<vmem>> -> memref<80x128xf32, #tpu.memory_space<vmem>>
        tpu.enqueue_dma source(%dma_start3A_135 : memref<80x128xf32, #tpu.memory_space<vmem>>) target(%dma_start3A_132 : memref<80x128xf32, #tpu.memory_space<vmem_shared>>) target_semaphore(%run_scoped3A : memref<!tpu.dma_semaphore, #tpu.memory_space<semaphore_mem>>)
        %dma_wait3A_136 = arith.constant 0 : i32
        %dma_wait3A_137 = arith.constant 0 : i32
        %dma_wait3A_138 = tpu.memref_slice %arg11[%dma_wait3A_136, %dma_wait3A_137] : memref<128x128xf32, #tpu.memory_space<vmem>> -> memref<80x128xf32, #tpu.memory_space<vmem>>
        %dma_wait3A_139 = arith.constant 0 : i32
        %dma_wait3A_140 = tpu.memref_slice %arg16[%mul3A_125, %dma_wait3A_139] : memref<10000x128xf32, #tpu.memory_space<vmem_shared>> -> memref<80x128xf32, #tpu.memory_space<vmem_shared>>
        %dma_wait3A_141 = arith.constant 0 : i32
        %dma_wait3A_142 = tpu.memref_slice %arg16[%mul3A_125, %dma_wait3A_141] : memref<10000x128xf32, #tpu.memory_space<vmem_shared>> -> memref<80x128xf32, #tpu.memory_space<vmem_shared>>
        %dma_wait3A_143 = arith.constant 0 : i32
        %dma_wait3A_144 = arith.constant 0 : i32
        %dma_wait3A_145 = tpu.memref_slice %arg11[%dma_wait3A_143, %dma_wait3A_144] : memref<128x128xf32, #tpu.memory_space<vmem>> -> memref<80x128xf32, #tpu.memory_space<vmem>>
        tpu.wait_dma2 semaphore(%run_scoped3A : memref<!tpu.dma_semaphore, #tpu.memory_space<semaphore_mem>>) src(%dma_wait3A_145 : memref<80x128xf32, #tpu.memory_space<vmem>>) dst(%dma_wait3A_142 : memref<80x128xf32, #tpu.memory_space<vmem_shared>>)
        tpu.yield
      }) : () -> ()
    } else {
    }
    %add3A_10 = arith.constant 32 : i32
    %add3A_11 = arith.addi %arg1, %add3A_10 : i32
    %lt3A_12 = arith.constant 125 : i32
    %lt3A_13 = arith.cmpi slt, %add3A_11, %lt3A_12 : i32
    %convert_element_type3A_14 = arith.extui %lt3A_13 : i1 to i32
    %cond3A_15 = arith.constant 0 : i32
    %cond3A_16 = arith.cmpi ne, %convert_element_type3A_14, %cond3A_15 : i32
    scf.if %cond3A_16 {
      %mul3A_124 = arith.constant 80 : i32
      %mul3A_125 = arith.muli %add3A_11, %mul3A_124 : i32
      "tpu.region"() ({
        %run_scoped3A = tpu.sem_alloc : memref<!tpu.dma_semaphore, #tpu.memory_space<semaphore_mem>>
        %dma_start3A_126 = arith.constant 0 : i32
        %dma_start3A_127 = arith.constant 0 : i32
        %dma_start3A_128 = tpu.memref_slice %arg11[%dma_start3A_126, %dma_start3A_127] : memref<128x128xf32, #tpu.memory_space<vmem>> -> memref<80x128xf32, #tpu.memory_space<vmem>>
        %dma_start3A_129 = arith.constant 0 : i32
        %dma_start3A_130 = tpu.memref_slice %arg16[%mul3A_125, %dma_start3A_129] : memref<10000x128xf32, #tpu.memory_space<vmem_shared>> -> memref<80x128xf32, #tpu.memory_space<vmem_shared>>
        %dma_start3A_131 = arith.constant 0 : i32
        %dma_start3A_132 = tpu.memref_slice %arg16[%mul3A_125, %dma_start3A_131] : memref<10000x128xf32, #tpu.memory_space<vmem_shared>> -> memref<80x128xf32, #tpu.memory_space<vmem_shared>>
        %dma_start3A_133 = arith.constant 0 : i32
        %dma_start3A_134 = arith.constant 0 : i32
        %dma_start3A_135 = tpu.memref_slice %arg11[%dma_start3A_133, %dma_start3A_134] : memref<128x128xf32, #tpu.memory_space<vmem>> -> memref<80x128xf32, #tpu.memory_space<vmem>>
        tpu.enqueue_dma source(%dma_start3A_135 : memref<80x128xf32, #tpu.memory_space<vmem>>) target(%dma_start3A_132 : memref<80x128xf32, #tpu.memory_space<vmem_shared>>) target_semaphore(%run_scoped3A : memref<!tpu.dma_semaphore, #tpu.memory_space<semaphore_mem>>)
        %dma_wait3A_136 = arith.constant 0 : i32
        %dma_wait3A_137 = arith.constant 0 : i32
        %dma_wait3A_138 = tpu.memref_slice %arg11[%dma_wait3A_136, %dma_wait3A_137] : memref<128x128xf32, #tpu.memory_space<vmem>> -> memref<80x128xf32, #tpu.memory_space<vmem>>
        %dma_wait3A_139 = arith.constant 0 : i32
        %dma_wait3A_140 = tpu.memref_slice %arg16[%mul3A_125, %dma_wait3A_139] : memref<10000x128xf32, #tpu.memory_space<vmem_shared>> -> memref<80x128xf32, #tpu.memory_space<vmem_shared>>
        %dma_wait3A_141 = arith.constant 0 : i32
        %dma_wait3A_142 = tpu.memref_slice %arg16[%mul3A_125, %dma_wait3A_141] : memref<10000x128xf32, #tpu.memory_space<vmem_shared>> -> memref<80x128xf32, #tpu.memory_space<vmem_shared>>
        %dma_wait3A_143 = arith.constant 0 : i32
        %dma_wait3A_144 = arith.constant 0 : i32
        %dma_wait3A_145 = tpu.memref_slice %arg11[%dma_wait3A_143, %dma_wait3A_144] : memref<128x128xf32, #tpu.memory_space<vmem>> -> memref<80x128xf32, #tpu.memory_space<vmem>>
        tpu.wait_dma2 semaphore(%run_scoped3A : memref<!tpu.dma_semaphore, #tpu.memory_space<semaphore_mem>>) src(%dma_wait3A_145 : memref<80x128xf32, #tpu.memory_space<vmem>>) dst(%dma_wait3A_142 : memref<80x128xf32, #tpu.memory_space<vmem_shared>>)
        tpu.yield
      }) : () -> ()
    } else {
    }
    %add3A_17 = arith.constant 48 : i32
    %add3A_18 = arith.addi %arg1, %add3A_17 : i32
    %lt3A_19 = arith.constant 125 : i32
    %lt3A_20 = arith.cmpi slt, %add3A_18, %lt3A_19 : i32
    %convert_element_type3A_21 = arith.extui %lt3A_20 : i1 to i32
    %cond3A_22 = arith.constant 0 : i32
    %cond3A_23 = arith.cmpi ne, %convert_element_type3A_21, %cond3A_22 : i32
    scf.if %cond3A_23 {
      %mul3A_124 = arith.constant 80 : i32
      %mul3A_125 = arith.muli %add3A_18, %mul3A_124 : i32
      "tpu.region"() ({
        %run_scoped3A = tpu.sem_alloc : memref<!tpu.dma_semaphore, #tpu.memory_space<semaphore_mem>>
        %dma_start3A_126 = arith.constant 0 : i32
        %dma_start3A_127 = arith.constant 0 : i32
        %dma_start3A_128 = tpu.memref_slice %arg11[%dma_start3A_126, %dma_start3A_127] : memref<128x128xf32, #tpu.memory_space<vmem>> -> memref<80x128xf32, #tpu.memory_space<vmem>>
        %dma_start3A_129 = arith.constant 0 : i32
        %dma_start3A_130 = tpu.memref_slice %arg16[%mul3A_125, %dma_start3A_129] : memref<10000x128xf32, #tpu.memory_space<vmem_shared>> -> memref<80x128xf32, #tpu.memory_space<vmem_shared>>
        %dma_start3A_131 = arith.constant 0 : i32
        %dma_start3A_132 = tpu.memref_slice %arg16[%mul3A_125, %dma_start3A_131] : memref<10000x128xf32, #tpu.memory_space<vmem_shared>> -> memref<80x128xf32, #tpu.memory_space<vmem_shared>>
        %dma_start3A_133 = arith.constant 0 : i32
        %dma_start3A_134 = arith.constant 0 : i32
        %dma_start3A_135 = tpu.memref_slice %arg11[%dma_start3A_133, %dma_start3A_134] : memref<128x128xf32, #tpu.memory_space<vmem>> -> memref<80x128xf32, #tpu.memory_space<vmem>>
        tpu.enqueue_dma source(%dma_start3A_135 : memref<80x128xf32, #tpu.memory_space<vmem>>) target(%dma_start3A_132 : memref<80x128xf32, #tpu.memory_space<vmem_shared>>) target_semaphore(%run_scoped3A : memref<!tpu.dma_semaphore, #tpu.memory_space<semaphore_mem>>)
        %dma_wait3A_136 = arith.constant 0 : i32
        %dma_wait3A_137 = arith.constant 0 : i32
        %dma_wait3A_138 = tpu.memref_slice %arg11[%dma_wait3A_136, %dma_wait3A_137] : memref<128x128xf32, #tpu.memory_space<vmem>> -> memref<80x128xf32, #tpu.memory_space<vmem>>
        %dma_wait3A_139 = arith.constant 0 : i32
        %dma_wait3A_140 = tpu.memref_slice %arg16[%mul3A_125, %dma_wait3A_139] : memref<10000x128xf32, #tpu.memory_space<vmem_shared>> -> memref<80x128xf32, #tpu.memory_space<vmem_shared>>
        %dma_wait3A_141 = arith.constant 0 : i32
        %dma_wait3A_142 = tpu.memref_slice %arg16[%mul3A_125, %dma_wait3A_141] : memref<10000x128xf32, #tpu.memory_space<vmem_shared>> -> memref<80x128xf32, #tpu.memory_space<vmem_shared>>
        %dma_wait3A_143 = arith.constant 0 : i32
        %dma_wait3A_144 = arith.constant 0 : i32
        %dma_wait3A_145 = tpu.memref_slice %arg11[%dma_wait3A_143, %dma_wait3A_144] : memref<128x128xf32, #tpu.memory_space<vmem>> -> memref<80x128xf32, #tpu.memory_space<vmem>>
        tpu.wait_dma2 semaphore(%run_scoped3A : memref<!tpu.dma_semaphore, #tpu.memory_space<semaphore_mem>>) src(%dma_wait3A_145 : memref<80x128xf32, #tpu.memory_space<vmem>>) dst(%dma_wait3A_142 : memref<80x128xf32, #tpu.memory_space<vmem_shared>>)
        tpu.yield
      }) : () -> ()
    } else {
    }
    %add3A_24 = arith.constant 64 : i32
    %add3A_25 = arith.addi %arg1, %add3A_24 : i32
    %lt3A_26 = arith.constant 125 : i32
    %lt3A_27 = arith.cmpi slt, %add3A_25, %lt3A_26 : i32
    %convert_element_type3A_28 = arith.extui %lt3A_27 : i1 to i32
    %cond3A_29 = arith.constant 0 : i32
    %cond3A_30 = arith.cmpi ne, %convert_element_type3A_28, %cond3A_29 : i32
    scf.if %cond3A_30 {
      %mul3A_124 = arith.constant 80 : i32
      %mul3A_125 = arith.muli %add3A_25, %mul3A_124 : i32
      "tpu.region"() ({
        %run_scoped3A = tpu.sem_alloc : memref<!tpu.dma_semaphore, #tpu.memory_space<semaphore_mem>>
        %dma_start3A_126 = arith.constant 0 : i32
        %dma_start3A_127 = arith.constant 0 : i32
        %dma_start3A_128 = tpu.memref_slice %arg11[%dma_start3A_126, %dma_start3A_127] : memref<128x128xf32, #tpu.memory_space<vmem>> -> memref<80x128xf32, #tpu.memory_space<vmem>>
        %dma_start3A_129 = arith.constant 0 : i32
        %dma_start3A_130 = tpu.memref_slice %arg16[%mul3A_125, %dma_start3A_129] : memref<10000x128xf32, #tpu.memory_space<vmem_shared>> -> memref<80x128xf32, #tpu.memory_space<vmem_shared>>
        %dma_start3A_131 = arith.constant 0 : i32
        %dma_start3A_132 = tpu.memref_slice %arg16[%mul3A_125, %dma_start3A_131] : memref<10000x128xf32, #tpu.memory_space<vmem_shared>> -> memref<80x128xf32, #tpu.memory_space<vmem_shared>>
        %dma_start3A_133 = arith.constant 0 : i32
        %dma_start3A_134 = arith.constant 0 : i32
        %dma_start3A_135 = tpu.memref_slice %arg11[%dma_start3A_133, %dma_start3A_134] : memref<128x128xf32, #tpu.memory_space<vmem>> -> memref<80x128xf32, #tpu.memory_space<vmem>>
        tpu.enqueue_dma source(%dma_start3A_135 : memref<80x128xf32, #tpu.memory_space<vmem>>) target(%dma_start3A_132 : memref<80x128xf32, #tpu.memory_space<vmem_shared>>) target_semaphore(%run_scoped3A : memref<!tpu.dma_semaphore, #tpu.memory_space<semaphore_mem>>)
        %dma_wait3A_136 = arith.constant 0 : i32
        %dma_wait3A_137 = arith.constant 0 : i32
        %dma_wait3A_138 = tpu.memref_slice %arg11[%dma_wait3A_136, %dma_wait3A_137] : memref<128x128xf32, #tpu.memory_space<vmem>> -> memref<80x128xf32, #tpu.memory_space<vmem>>
        %dma_wait3A_139 = arith.constant 0 : i32
        %dma_wait3A_140 = tpu.memref_slice %arg16[%mul3A_125, %dma_wait3A_139] : memref<10000x128xf32, #tpu.memory_space<vmem_shared>> -> memref<80x128xf32, #tpu.memory_space<vmem_shared>>
        %dma_wait3A_141 = arith.constant 0 : i32
        %dma_wait3A_142 = tpu.memref_slice %arg16[%mul3A_125, %dma_wait3A_141] : memref<10000x128xf32, #tpu.memory_space<vmem_shared>> -> memref<80x128xf32, #tpu.memory_space<vmem_shared>>
        %dma_wait3A_143 = arith.constant 0 : i32
        %dma_wait3A_144 = arith.constant 0 : i32
        %dma_wait3A_145 = tpu.memref_slice %arg11[%dma_wait3A_143, %dma_wait3A_144] : memref<128x128xf32, #tpu.memory_space<vmem>> -> memref<80x128xf32, #tpu.memory_space<vmem>>
        tpu.wait_dma2 semaphore(%run_scoped3A : memref<!tpu.dma_semaphore, #tpu.memory_space<semaphore_mem>>) src(%dma_wait3A_145 : memref<80x128xf32, #tpu.memory_space<vmem>>) dst(%dma_wait3A_142 : memref<80x128xf32, #tpu.memory_space<vmem_shared>>)
        tpu.yield
      }) : () -> ()
    } else {
    }
    %add3A_31 = arith.constant 80 : i32
    %add3A_32 = arith.addi %arg1, %add3A_31 : i32
    %lt3A_33 = arith.constant 125 : i32
    %lt3A_34 = arith.cmpi slt, %add3A_32, %lt3A_33 : i32
    %convert_element_type3A_35 = arith.extui %lt3A_34 : i1 to i32
    %cond3A_36 = arith.constant 0 : i32
    %cond3A_37 = arith.cmpi ne, %convert_element_type3A_35, %cond3A_36 : i32
    scf.if %cond3A_37 {
      %mul3A_124 = arith.constant 80 : i32
      %mul3A_125 = arith.muli %add3A_32, %mul3A_124 : i32
      "tpu.region"() ({
        %run_scoped3A = tpu.sem_alloc : memref<!tpu.dma_semaphore, #tpu.memory_space<semaphore_mem>>
        %dma_start3A_126 = arith.constant 0 : i32
        %dma_start3A_127 = arith.constant 0 : i32
        %dma_start3A_128 = tpu.memref_slice %arg11[%dma_start3A_126, %dma_start3A_127] : memref<128x128xf32, #tpu.memory_space<vmem>> -> memref<80x128xf32, #tpu.memory_space<vmem>>
        %dma_start3A_129 = arith.constant 0 : i32
        %dma_start3A_130 = tpu.memref_slice %arg16[%mul3A_125, %dma_start3A_129] : memref<10000x128xf32, #tpu.memory_space<vmem_shared>> -> memref<80x128xf32, #tpu.memory_space<vmem_shared>>
        %dma_start3A_131 = arith.constant 0 : i32
        %dma_start3A_132 = tpu.memref_slice %arg16[%mul3A_125, %dma_start3A_131] : memref<10000x128xf32, #tpu.memory_space<vmem_shared>> -> memref<80x128xf32, #tpu.memory_space<vmem_shared>>
        %dma_start3A_133 = arith.constant 0 : i32
        %dma_start3A_134 = arith.constant 0 : i32
        %dma_start3A_135 = tpu.memref_slice %arg11[%dma_start3A_133, %dma_start3A_134] : memref<128x128xf32, #tpu.memory_space<vmem>> -> memref<80x128xf32, #tpu.memory_space<vmem>>
        tpu.enqueue_dma source(%dma_start3A_135 : memref<80x128xf32, #tpu.memory_space<vmem>>) target(%dma_start3A_132 : memref<80x128xf32, #tpu.memory_space<vmem_shared>>) target_semaphore(%run_scoped3A : memref<!tpu.dma_semaphore, #tpu.memory_space<semaphore_mem>>)
        %dma_wait3A_136 = arith.constant 0 : i32
        %dma_wait3A_137 = arith.constant 0 : i32
        %dma_wait3A_138 = tpu.memref_slice %arg11[%dma_wait3A_136, %dma_wait3A_137] : memref<128x128xf32, #tpu.memory_space<vmem>> -> memref<80x128xf32, #tpu.memory_space<vmem>>
        %dma_wait3A_139 = arith.constant 0 : i32
        %dma_wait3A_140 = tpu.memref_slice %arg16[%mul3A_125, %dma_wait3A_139] : memref<10000x128xf32, #tpu.memory_space<vmem_shared>> -> memref<80x128xf32, #tpu.memory_space<vmem_shared>>
        %dma_wait3A_141 = arith.constant 0 : i32
        %dma_wait3A_142 = tpu.memref_slice %arg16[%mul3A_125, %dma_wait3A_141] : memref<10000x128xf32, #tpu.memory_space<vmem_shared>> -> memref<80x128xf32, #tpu.memory_space<vmem_shared>>
        %dma_wait3A_143 = arith.constant 0 : i32
        %dma_wait3A_144 = arith.constant 0 : i32
        %dma_wait3A_145 = tpu.memref_slice %arg11[%dma_wait3A_143, %dma_wait3A_144] : memref<128x128xf32, #tpu.memory_space<vmem>> -> memref<80x128xf32, #tpu.memory_space<vmem>>
        tpu.wait_dma2 semaphore(%run_scoped3A : memref<!tpu.dma_semaphore, #tpu.memory_space<semaphore_mem>>) src(%dma_wait3A_145 : memref<80x128xf32, #tpu.memory_space<vmem>>) dst(%dma_wait3A_142 : memref<80x128xf32, #tpu.memory_space<vmem_shared>>)
        tpu.yield
      }) : () -> ()
    } else {
    }
    %add3A_38 = arith.constant 96 : i32
    %add3A_39 = arith.addi %arg1, %add3A_38 : i32
    %lt3A_40 = arith.constant 125 : i32
    %lt3A_41 = arith.cmpi slt, %add3A_39, %lt3A_40 : i32
    %convert_element_type3A_42 = arith.extui %lt3A_41 : i1 to i32
    %cond3A_43 = arith.constant 0 : i32
    %cond3A_44 = arith.cmpi ne, %convert_element_type3A_42, %cond3A_43 : i32
    scf.if %cond3A_44 {
      %mul3A_124 = arith.constant 80 : i32
      %mul3A_125 = arith.muli %add3A_39, %mul3A_124 : i32
      "tpu.region"() ({
        %run_scoped3A = tpu.sem_alloc : memref<!tpu.dma_semaphore, #tpu.memory_space<semaphore_mem>>
        %dma_start3A_126 = arith.constant 0 : i32
        %dma_start3A_127 = arith.constant 0 : i32
        %dma_start3A_128 = tpu.memref_slice %arg11[%dma_start3A_126, %dma_start3A_127] : memref<128x128xf32, #tpu.memory_space<vmem>> -> memref<80x128xf32, #tpu.memory_space<vmem>>
        %dma_start3A_129 = arith.constant 0 : i32
        %dma_start3A_130 = tpu.memref_slice %arg16[%mul3A_125, %dma_start3A_129] : memref<10000x128xf32, #tpu.memory_space<vmem_shared>> -> memref<80x128xf32, #tpu.memory_space<vmem_shared>>
        %dma_start3A_131 = arith.constant 0 : i32
        %dma_start3A_132 = tpu.memref_slice %arg16[%mul3A_125, %dma_start3A_131] : memref<10000x128xf32, #tpu.memory_space<vmem_shared>> -> memref<80x128xf32, #tpu.memory_space<vmem_shared>>
        %dma_start3A_133 = arith.constant 0 : i32
        %dma_start3A_134 = arith.constant 0 : i32
        %dma_start3A_135 = tpu.memref_slice %arg11[%dma_start3A_133, %dma_start3A_134] : memref<128x128xf32, #tpu.memory_space<vmem>> -> memref<80x128xf32, #tpu.memory_space<vmem>>
        tpu.enqueue_dma source(%dma_start3A_135 : memref<80x128xf32, #tpu.memory_space<vmem>>) target(%dma_start3A_132 : memref<80x128xf32, #tpu.memory_space<vmem_shared>>) target_semaphore(%run_scoped3A : memref<!tpu.dma_semaphore, #tpu.memory_space<semaphore_mem>>)
        %dma_wait3A_136 = arith.constant 0 : i32
        %dma_wait3A_137 = arith.constant 0 : i32
        %dma_wait3A_138 = tpu.memref_slice %arg11[%dma_wait3A_136, %dma_wait3A_137] : memref<128x128xf32, #tpu.memory_space<vmem>> -> memref<80x128xf32, #tpu.memory_space<vmem>>
        %dma_wait3A_139 = arith.constant 0 : i32
        %dma_wait3A_140 = tpu.memref_slice %arg16[%mul3A_125, %dma_wait3A_139] : memref<10000x128xf32, #tpu.memory_space<vmem_shared>> -> memref<80x128xf32, #tpu.memory_space<vmem_shared>>
        %dma_wait3A_141 = arith.constant 0 : i32
        %dma_wait3A_142 = tpu.memref_slice %arg16[%mul3A_125, %dma_wait3A_141] : memref<10000x128xf32, #tpu.memory_space<vmem_shared>> -> memref<80x128xf32, #tpu.memory_space<vmem_shared>>
        %dma_wait3A_143 = arith.constant 0 : i32
        %dma_wait3A_144 = arith.constant 0 : i32
        %dma_wait3A_145 = tpu.memref_slice %arg11[%dma_wait3A_143, %dma_wait3A_144] : memref<128x128xf32, #tpu.memory_space<vmem>> -> memref<80x128xf32, #tpu.memory_space<vmem>>
        tpu.wait_dma2 semaphore(%run_scoped3A : memref<!tpu.dma_semaphore, #tpu.memory_space<semaphore_mem>>) src(%dma_wait3A_145 : memref<80x128xf32, #tpu.memory_space<vmem>>) dst(%dma_wait3A_142 : memref<80x128xf32, #tpu.memory_space<vmem_shared>>)
        tpu.yield
      }) : () -> ()
    } else {
    }
    %add3A_45 = arith.constant 112 : i32
    %add3A_46 = arith.addi %arg1, %add3A_45 : i32
    %lt3A_47 = arith.constant 125 : i32
    %lt3A_48 = arith.cmpi slt, %add3A_46, %lt3A_47 : i32
    %convert_element_type3A_49 = arith.extui %lt3A_48 : i1 to i32
    %cond3A_50 = arith.constant 0 : i32
    %cond3A_51 = arith.cmpi ne, %convert_element_type3A_49, %cond3A_50 : i32
    scf.if %cond3A_51 {
      %mul3A_124 = arith.constant 80 : i32
      %mul3A_125 = arith.muli %add3A_46, %mul3A_124 : i32
      "tpu.region"() ({
        %run_scoped3A = tpu.sem_alloc : memref<!tpu.dma_semaphore, #tpu.memory_space<semaphore_mem>>
        %dma_start3A_126 = arith.constant 0 : i32
        %dma_start3A_127 = arith.constant 0 : i32
        %dma_start3A_128 = tpu.memref_slice %arg11[%dma_start3A_126, %dma_start3A_127] : memref<128x128xf32, #tpu.memory_space<vmem>> -> memref<80x128xf32, #tpu.memory_space<vmem>>
        %dma_start3A_129 = arith.constant 0 : i32
        %dma_start3A_130 = tpu.memref_slice %arg16[%mul3A_125, %dma_start3A_129] : memref<10000x128xf32, #tpu.memory_space<vmem_shared>> -> memref<80x128xf32, #tpu.memory_space<vmem_shared>>
        %dma_start3A_131 = arith.constant 0 : i32
        %dma_start3A_132 = tpu.memref_slice %arg16[%mul3A_125, %dma_start3A_131] : memref<10000x128xf32, #tpu.memory_space<vmem_shared>> -> memref<80x128xf32, #tpu.memory_space<vmem_shared>>
        %dma_start3A_133 = arith.constant 0 : i32
        %dma_start3A_134 = arith.constant 0 : i32
        %dma_start3A_135 = tpu.memref_slice %arg11[%dma_start3A_133, %dma_start3A_134] : memref<128x128xf32, #tpu.memory_space<vmem>> -> memref<80x128xf32, #tpu.memory_space<vmem>>
        tpu.enqueue_dma source(%dma_start3A_135 : memref<80x128xf32, #tpu.memory_space<vmem>>) target(%dma_start3A_132 : memref<80x128xf32, #tpu.memory_space<vmem_shared>>) target_semaphore(%run_scoped3A : memref<!tpu.dma_semaphore, #tpu.memory_space<semaphore_mem>>)
        %dma_wait3A_136 = arith.constant 0 : i32
        %dma_wait3A_137 = arith.constant 0 : i32
        %dma_wait3A_138 = tpu.memref_slice %arg11[%dma_wait3A_136, %dma_wait3A_137] : memref<128x128xf32, #tpu.memory_space<vmem>> -> memref<80x128xf32, #tpu.memory_space<vmem>>
        %dma_wait3A_139 = arith.constant 0 : i32
        %dma_wait3A_140 = tpu.memref_slice %arg16[%mul3A_125, %dma_wait3A_139] : memref<10000x128xf32, #tpu.memory_space<vmem_shared>> -> memref<80x128xf32, #tpu.memory_space<vmem_shared>>
        %dma_wait3A_141 = arith.constant 0 : i32
        %dma_wait3A_142 = tpu.memref_slice %arg16[%mul3A_125, %dma_wait3A_141] : memref<10000x128xf32, #tpu.memory_space<vmem_shared>> -> memref<80x128xf32, #tpu.memory_space<vmem_shared>>
        %dma_wait3A_143 = arith.constant 0 : i32
        %dma_wait3A_144 = arith.constant 0 : i32
        %dma_wait3A_145 = tpu.memref_slice %arg11[%dma_wait3A_143, %dma_wait3A_144] : memref<128x128xf32, #tpu.memory_space<vmem>> -> memref<80x128xf32, #tpu.memory_space<vmem>>
        tpu.wait_dma2 semaphore(%run_scoped3A : memref<!tpu.dma_semaphore, #tpu.memory_space<semaphore_mem>>) src(%dma_wait3A_145 : memref<80x128xf32, #tpu.memory_space<vmem>>) dst(%dma_wait3A_142 : memref<80x128xf32, #tpu.memory_space<vmem_shared>>)
        tpu.yield
      }) : () -> ()
    } else {
    }
    %barrier3A = arith.constant 0 : index
    tpu.barrier barrier_id(%barrier3A)
    %mul3A = arith.constant 160000 : i32
    %mul3A_52 = arith.muli %arg0, %mul3A : i32
    %mul3A_53 = arith.constant 10000 : i32
    %mul3A_54 = arith.muli %arg1, %mul3A_53 : i32
    %add3A_55 = arith.addi %mul3A_52, %mul3A_54 : i32
    %scan3A = arith.constant 0 : i32
    %scan3A_56 = arith.constant 0 : i32
    %scan3A_57 = arith.constant 39 : i32
    %scan3A_58 = arith.addi %scan3A_56, %scan3A_57 : i32
    %scan3A_59 = arith.constant 1 : i32
    scf.for %scan3A_124 = %scan3A_56 to %scan3A_58 step %scan3A_59  : i32 {
      %mul3A_125 = arith.constant 256 : i32
      %mul3A_126 = arith.muli %scan3A_124, %mul3A_125 : i32
      %add3A_127 = arith.addi %add3A_55, %mul3A_126 : i32
      %add3A_128 = arith.constant 0 : i32
      %add3A_129 = arith.addi %add3A_127, %add3A_128 : i32
      %dma_start3A_130 = tpu.memref_slice %arg3[%add3A_129] : memref<320000xi32, #tpu.memory_space<hbm>> -> memref<128xi32, #tpu.memory_space<hbm>>
      %dma_start3A_131 = tpu.memref_slice %arg3[%add3A_129] : memref<320000xi32, #tpu.memory_space<hbm>> -> memref<128xi32, #tpu.memory_space<hbm>>
      tpu.enqueue_dma source(%dma_start3A_131 : memref<128xi32, #tpu.memory_space<hbm>>) target(%arg7 : memref<128xi32, #tpu.memory_space<vmem>>) target_semaphore(%arg20 : memref<!tpu.dma_semaphore, #tpu.memory_space<semaphore_mem>>)
      %dma_start3A_132 = tpu.memref_slice %arg4[%add3A_129] : memref<320000xi32, #tpu.memory_space<hbm>> -> memref<128xi32, #tpu.memory_space<hbm>>
      %dma_start3A_133 = tpu.memref_slice %arg4[%add3A_129] : memref<320000xi32, #tpu.memory_space<hbm>> -> memref<128xi32, #tpu.memory_space<hbm>>
      tpu.enqueue_dma source(%dma_start3A_133 : memref<128xi32, #tpu.memory_space<hbm>>) target(%arg9 : memref<128xi32, #tpu.memory_space<vmem>>) target_semaphore(%arg20 : memref<!tpu.dma_semaphore, #tpu.memory_space<semaphore_mem>>)
      %add3A_134 = arith.constant 128 : i32
      %add3A_135 = arith.addi %add3A_127, %add3A_134 : i32
      %dma_start3A_136 = tpu.memref_slice %arg3[%add3A_135] : memref<320000xi32, #tpu.memory_space<hbm>> -> memref<128xi32, #tpu.memory_space<hbm>>
      %dma_start3A_137 = tpu.memref_slice %arg3[%add3A_135] : memref<320000xi32, #tpu.memory_space<hbm>> -> memref<128xi32, #tpu.memory_space<hbm>>
      tpu.enqueue_dma source(%dma_start3A_137 : memref<128xi32, #tpu.memory_space<hbm>>) target(%arg8 : memref<128xi32, #tpu.memory_space<vmem>>) target_semaphore(%arg20 : memref<!tpu.dma_semaphore, #tpu.memory_space<semaphore_mem>>)
      %dma_start3A_138 = tpu.memref_slice %arg4[%add3A_135] : memref<320000xi32, #tpu.memory_space<hbm>> -> memref<128xi32, #tpu.memory_space<hbm>>
      %dma_start3A_139 = tpu.memref_slice %arg4[%add3A_135] : memref<320000xi32, #tpu.memory_space<hbm>> -> memref<128xi32, #tpu.memory_space<hbm>>
      tpu.enqueue_dma source(%dma_start3A_139 : memref<128xi32, #tpu.memory_space<hbm>>) target(%arg10 : memref<128xi32, #tpu.memory_space<vmem>>) target_semaphore(%arg20 : memref<!tpu.dma_semaphore, #tpu.memory_space<semaphore_mem>>)
      %dma_wait3A_140 = tpu.memref_slice %arg3[%add3A_129] : memref<320000xi32, #tpu.memory_space<hbm>> -> memref<128xi32, #tpu.memory_space<hbm>>
      %dma_wait3A_141 = tpu.memref_slice %arg3[%add3A_129] : memref<320000xi32, #tpu.memory_space<hbm>> -> memref<128xi32, #tpu.memory_space<hbm>>
      tpu.wait_dma2 semaphore(%arg20 : memref<!tpu.dma_semaphore, #tpu.memory_space<semaphore_mem>>) src(%dma_wait3A_141 : memref<128xi32, #tpu.memory_space<hbm>>) dst(%arg7 : memref<128xi32, #tpu.memory_space<vmem>>)
      %dma_wait3A_142 = tpu.memref_slice %arg4[%add3A_129] : memref<320000xi32, #tpu.memory_space<hbm>> -> memref<128xi32, #tpu.memory_space<hbm>>
      %dma_wait3A_143 = tpu.memref_slice %arg4[%add3A_129] : memref<320000xi32, #tpu.memory_space<hbm>> -> memref<128xi32, #tpu.memory_space<hbm>>
      tpu.wait_dma2 semaphore(%arg20 : memref<!tpu.dma_semaphore, #tpu.memory_space<semaphore_mem>>) src(%dma_wait3A_143 : memref<128xi32, #tpu.memory_space<hbm>>) dst(%arg9 : memref<128xi32, #tpu.memory_space<vmem>>)
      %dma_wait3A_144 = tpu.memref_slice %arg3[%add3A_135] : memref<320000xi32, #tpu.memory_space<hbm>> -> memref<128xi32, #tpu.memory_space<hbm>>
      %dma_wait3A_145 = tpu.memref_slice %arg3[%add3A_135] : memref<320000xi32, #tpu.memory_space<hbm>> -> memref<128xi32, #tpu.memory_space<hbm>>
      tpu.wait_dma2 semaphore(%arg20 : memref<!tpu.dma_semaphore, #tpu.memory_space<semaphore_mem>>) src(%dma_wait3A_145 : memref<128xi32, #tpu.memory_space<hbm>>) dst(%arg8 : memref<128xi32, #tpu.memory_space<vmem>>)
      %dma_wait3A_146 = tpu.memref_slice %arg4[%add3A_135] : memref<320000xi32, #tpu.memory_space<hbm>> -> memref<128xi32, #tpu.memory_space<hbm>>
      %dma_wait3A_147 = tpu.memref_slice %arg4[%add3A_135] : memref<320000xi32, #tpu.memory_space<hbm>> -> memref<128xi32, #tpu.memory_space<hbm>>
      tpu.wait_dma2 semaphore(%arg20 : memref<!tpu.dma_semaphore, #tpu.memory_space<semaphore_mem>>) src(%dma_wait3A_147 : memref<128xi32, #tpu.memory_space<hbm>>) dst(%arg10 : memref<128xi32, #tpu.memory_space<vmem>>)
      %dma_start3A_148 = arith.constant 0 : i32
      %dma_start3A_149 = arith.constant 0 : i32
      %dma_start3A_150 = tpu.memref_slice %arg2[%dma_start3A_148, %dma_start3A_149] : memref<10000x128xf32, #tpu.memory_space<hbm>> -> memref<10000x128xf32, #tpu.memory_space<hbm>>
      tpu.enqueue_indirect_dma source(%dma_start3A_150 : memref<10000x128xf32, #tpu.memory_space<hbm>>) target(%arg11 : memref<128x128xf32, #tpu.memory_space<vmem>>) offsets(%arg7 : memref<128xi32, #tpu.memory_space<vmem>>) semaphore(%arg17 : memref<!tpu.dma_semaphore, #tpu.memory_space<semaphore_mem>>)
      %dma_start3A_151 = arith.constant 0 : i32
      %dma_start3A_152 = arith.constant 0 : i32
      %dma_start3A_153 = tpu.memref_slice %arg2[%dma_start3A_151, %dma_start3A_152] : memref<10000x128xf32, #tpu.memory_space<hbm>> -> memref<10000x128xf32, #tpu.memory_space<hbm>>
      tpu.enqueue_indirect_dma source(%dma_start3A_153 : memref<10000x128xf32, #tpu.memory_space<hbm>>) target(%arg12 : memref<128x128xf32, #tpu.memory_space<vmem>>) offsets(%arg8 : memref<128xi32, #tpu.memory_space<vmem>>) semaphore(%arg18 : memref<!tpu.dma_semaphore, #tpu.memory_space<semaphore_mem>>)
      %dma_wait3A_154 = arith.constant 0 : i32
      %dma_wait3A_155 = arith.constant 0 : i32
      %dma_wait3A_156 = tpu.memref_slice %arg2[%dma_wait3A_154, %dma_wait3A_155] : memref<10000x128xf32, #tpu.memory_space<hbm>> -> memref<10000x128xf32, #tpu.memory_space<hbm>>
      tpu.wait_indirect_dma semaphore(%arg17 : memref<!tpu.dma_semaphore, #tpu.memory_space<semaphore_mem>>) src(%dma_wait3A_156 : memref<10000x128xf32, #tpu.memory_space<hbm>>) dst(%arg11 : memref<128x128xf32, #tpu.memory_space<vmem>>)
      %dma_start3A_157 = arith.constant 0 : i32
      %dma_start3A_158 = arith.constant 0 : i32
      %dma_start3A_159 = tpu.memref_slice %arg16[%dma_start3A_157, %dma_start3A_158] : memref<10000x128xf32, #tpu.memory_space<vmem_shared>> -> memref<10000x128xf32, #tpu.memory_space<vmem_shared>>
      tpu.enqueue_indirect_dma source(%arg11 : memref<128x128xf32, #tpu.memory_space<vmem>>) target(%dma_start3A_159 : memref<10000x128xf32, #tpu.memory_space<vmem_shared>>) offsets(%arg9 : memref<128xi32, #tpu.memory_space<vmem>>) semaphore(%arg19 : memref<!tpu.dma_semaphore, #tpu.memory_space<semaphore_mem>>) {add = true}
      %dma_wait3A_160 = arith.constant 0 : i32
      %dma_wait3A_161 = arith.constant 0 : i32
      %dma_wait3A_162 = tpu.memref_slice %arg2[%dma_wait3A_160, %dma_wait3A_161] : memref<10000x128xf32, #tpu.memory_space<hbm>> -> memref<10000x128xf32, #tpu.memory_space<hbm>>
      tpu.wait_indirect_dma semaphore(%arg18 : memref<!tpu.dma_semaphore, #tpu.memory_space<semaphore_mem>>) src(%dma_wait3A_162 : memref<10000x128xf32, #tpu.memory_space<hbm>>) dst(%arg12 : memref<128x128xf32, #tpu.memory_space<vmem>>)
      %dma_start3A_163 = arith.constant 0 : i32
      %dma_start3A_164 = arith.constant 0 : i32
      %dma_start3A_165 = tpu.memref_slice %arg16[%dma_start3A_163, %dma_start3A_164] : memref<10000x128xf32, #tpu.memory_space<vmem_shared>> -> memref<10000x128xf32, #tpu.memory_space<vmem_shared>>
      tpu.enqueue_indirect_dma source(%arg12 : memref<128x128xf32, #tpu.memory_space<vmem>>) target(%dma_start3A_165 : memref<10000x128xf32, #tpu.memory_space<vmem_shared>>) offsets(%arg10 : memref<128xi32, #tpu.memory_space<vmem>>) semaphore(%arg19 : memref<!tpu.dma_semaphore, #tpu.memory_space<semaphore_mem>>) {add = true}
      %dma_wait3A_166 = arith.constant 0 : i32
      %dma_wait3A_167 = arith.constant 0 : i32
      %dma_wait3A_168 = tpu.memref_slice %arg16[%dma_wait3A_166, %dma_wait3A_167] : memref<10000x128xf32, #tpu.memory_space<vmem_shared>> -> memref<10000x128xf32, #tpu.memory_space<vmem_shared>>
      tpu.wait_indirect_dma semaphore(%arg19 : memref<!tpu.dma_semaphore, #tpu.memory_space<semaphore_mem>>) src(%arg11 : memref<128x128xf32, #tpu.memory_space<vmem>>) dst(%dma_wait3A_168 : memref<10000x128xf32, #tpu.memory_space<vmem_shared>>)
      %dma_wait3A_169 = arith.constant 0 : i32
      %dma_wait3A_170 = arith.constant 0 : i32
      %dma_wait3A_171 = tpu.memref_slice %arg16[%dma_wait3A_169, %dma_wait3A_170] : memref<10000x128xf32, #tpu.memory_space<vmem_shared>> -> memref<10000x128xf32, #tpu.memory_space<vmem_shared>>
      tpu.wait_indirect_dma semaphore(%arg19 : memref<!tpu.dma_semaphore, #tpu.memory_space<semaphore_mem>>) src(%arg12 : memref<128x128xf32, #tpu.memory_space<vmem>>) dst(%dma_wait3A_171 : memref<10000x128xf32, #tpu.memory_space<vmem_shared>>)
    }
    %scan3A_60 = arith.constant 39 : i32
    %add3A_61 = arith.constant 9984 : i32
    %add3A_62 = arith.addi %add3A_55, %add3A_61 : i32
    "tpu.region"() ({
      %run_scoped3A = tpu.sem_alloc : memref<!tpu.dma_semaphore, #tpu.memory_space<semaphore_mem>>
      %dma_start3A_124 = tpu.memref_slice %arg3[%add3A_62] : memref<320000xi32, #tpu.memory_space<hbm>> -> memref<16xi32, #tpu.memory_space<hbm>>
      %dma_start3A_125 = tpu.memref_slice %arg3[%add3A_62] : memref<320000xi32, #tpu.memory_space<hbm>> -> memref<16xi32, #tpu.memory_space<hbm>>
      tpu.enqueue_dma source(%dma_start3A_125 : memref<16xi32, #tpu.memory_space<hbm>>) target(%arg13 : memref<16xi32, #tpu.memory_space<vmem>>) target_semaphore(%run_scoped3A : memref<!tpu.dma_semaphore, #tpu.memory_space<semaphore_mem>>)
      %dma_wait3A_126 = tpu.memref_slice %arg3[%add3A_62] : memref<320000xi32, #tpu.memory_space<hbm>> -> memref<16xi32, #tpu.memory_space<hbm>>
      %dma_wait3A_127 = tpu.memref_slice %arg3[%add3A_62] : memref<320000xi32, #tpu.memory_space<hbm>> -> memref<16xi32, #tpu.memory_space<hbm>>
      tpu.wait_dma2 semaphore(%run_scoped3A : memref<!tpu.dma_semaphore, #tpu.memory_space<semaphore_mem>>) src(%dma_wait3A_127 : memref<16xi32, #tpu.memory_space<hbm>>) dst(%arg13 : memref<16xi32, #tpu.memory_space<vmem>>)
      tpu.yield
    }) : () -> ()
    "tpu.region"() ({
      %run_scoped3A = tpu.sem_alloc : memref<!tpu.dma_semaphore, #tpu.memory_space<semaphore_mem>>
      %dma_start3A_124 = tpu.memref_slice %arg4[%add3A_62] : memref<320000xi32, #tpu.memory_space<hbm>> -> memref<16xi32, #tpu.memory_space<hbm>>
      %dma_start3A_125 = tpu.memref_slice %arg4[%add3A_62] : memref<320000xi32, #tpu.memory_space<hbm>> -> memref<16xi32, #tpu.memory_space<hbm>>
      tpu.enqueue_dma source(%dma_start3A_125 : memref<16xi32, #tpu.memory_space<hbm>>) target(%arg14 : memref<16xi32, #tpu.memory_space<vmem>>) target_semaphore(%run_scoped3A : memref<!tpu.dma_semaphore, #tpu.memory_space<semaphore_mem>>)
      %dma_wait3A_126 = tpu.memref_slice %arg4[%add3A_62] : memref<320000xi32, #tpu.memory_space<hbm>> -> memref<16xi32, #tpu.memory_space<hbm>>
      %dma_wait3A_127 = tpu.memref_slice %arg4[%add3A_62] : memref<320000xi32, #tpu.memory_space<hbm>> -> memref<16xi32, #tpu.memory_space<hbm>>
      tpu.wait_dma2 semaphore(%run_scoped3A : memref<!tpu.dma_semaphore, #tpu.memory_space<semaphore_mem>>) src(%dma_wait3A_127 : memref<16xi32, #tpu.memory_space<hbm>>) dst(%arg14 : memref<16xi32, #tpu.memory_space<vmem>>)
      tpu.yield
    }) : () -> ()
    %dma_start3A = arith.constant 0 : i32
    %dma_start3A_63 = arith.constant 0 : i32
    %dma_start3A_64 = tpu.memref_slice %arg2[%dma_start3A, %dma_start3A_63] : memref<10000x128xf32, #tpu.memory_space<hbm>> -> memref<10000x128xf32, #tpu.memory_space<hbm>>
    tpu.enqueue_indirect_dma source(%dma_start3A_64 : memref<10000x128xf32, #tpu.memory_space<hbm>>) target(%arg15 : memref<16x128xf32, #tpu.memory_space<vmem>>) offsets(%arg13 : memref<16xi32, #tpu.memory_space<vmem>>) semaphore(%arg17 : memref<!tpu.dma_semaphore, #tpu.memory_space<semaphore_mem>>)
    %dma_wait3A = arith.constant 0 : i32
    %dma_wait3A_65 = arith.constant 0 : i32
    %dma_wait3A_66 = tpu.memref_slice %arg2[%dma_wait3A, %dma_wait3A_65] : memref<10000x128xf32, #tpu.memory_space<hbm>> -> memref<10000x128xf32, #tpu.memory_space<hbm>>
    tpu.wait_indirect_dma semaphore(%arg17 : memref<!tpu.dma_semaphore, #tpu.memory_space<semaphore_mem>>) src(%dma_wait3A_66 : memref<10000x128xf32, #tpu.memory_space<hbm>>) dst(%arg15 : memref<16x128xf32, #tpu.memory_space<vmem>>)
    "tpu.region"() ({
      %run_scoped3A = tpu.sem_alloc : memref<!tpu.dma_semaphore, #tpu.memory_space<semaphore_mem>>
      %dma_start3A_124 = arith.constant 0 : i32
      %dma_start3A_125 = arith.constant 0 : i32
      %dma_start3A_126 = tpu.memref_slice %arg16[%dma_start3A_124, %dma_start3A_125] : memref<10000x128xf32, #tpu.memory_space<vmem_shared>> -> memref<10000x128xf32, #tpu.memory_space<vmem_shared>>
      tpu.enqueue_indirect_dma source(%arg15 : memref<16x128xf32, #tpu.memory_space<vmem>>) target(%dma_start3A_126 : memref<10000x128xf32, #tpu.memory_space<vmem_shared>>) offsets(%arg14 : memref<16xi32, #tpu.memory_space<vmem>>) semaphore(%run_scoped3A : memref<!tpu.dma_semaphore, #tpu.memory_space<semaphore_mem>>) {add = true}
      %dma_wait3A_127 = arith.constant 0 : i32
      %dma_wait3A_128 = arith.constant 0 : i32
      %dma_wait3A_129 = tpu.memref_slice %arg16[%dma_wait3A_127, %dma_wait3A_128] : memref<10000x128xf32, #tpu.memory_space<vmem_shared>> -> memref<10000x128xf32, #tpu.memory_space<vmem_shared>>
      tpu.wait_indirect_dma semaphore(%run_scoped3A : memref<!tpu.dma_semaphore, #tpu.memory_space<semaphore_mem>>) src(%arg15 : memref<16x128xf32, #tpu.memory_space<vmem>>) dst(%dma_wait3A_129 : memref<10000x128xf32, #tpu.memory_space<vmem_shared>>)
      tpu.yield
    }) : () -> ()
    %barrier3A_67 = arith.constant 0 : index
    tpu.barrier barrier_id(%barrier3A_67)
    %add3A_68 = arith.constant 0 : i32
    %add3A_69 = arith.addi %arg1, %add3A_68 : i32
    %lt3A_70 = arith.constant 125 : i32
    %lt3A_71 = arith.cmpi slt, %add3A_69, %lt3A_70 : i32
    %convert_element_type3A_72 = arith.extui %lt3A_71 : i1 to i32
    %cond3A_73 = arith.constant 0 : i32
    %cond3A_74 = arith.cmpi ne, %convert_element_type3A_72, %cond3A_73 : i32
    scf.if %cond3A_74 {
      %mul3A_124 = arith.constant 80 : i32
      %mul3A_125 = arith.muli %add3A_69, %mul3A_124 : i32
      %mul3A_126 = arith.constant 10000 : i32
      %mul3A_127 = arith.muli %arg0, %mul3A_126 : i32
      %mul3A_128 = arith.constant 80 : i32
      %mul3A_129 = arith.muli %add3A_69, %mul3A_128 : i32
      %add3A_130 = arith.addi %mul3A_127, %mul3A_129 : i32
      "tpu.region"() ({
        %run_scoped3A = tpu.sem_alloc : memref<!tpu.dma_semaphore, #tpu.memory_space<semaphore_mem>>
        %dma_start3A_131 = arith.constant 0 : i32
        %dma_start3A_132 = tpu.memref_slice %arg6[%add3A_130, %dma_start3A_131] : memref<20000x128xf32, #tpu.memory_space<hbm>> -> memref<80x128xf32, #tpu.memory_space<hbm>>
        %dma_start3A_133 = arith.constant 0 : i32
        %dma_start3A_134 = tpu.memref_slice %arg16[%mul3A_125, %dma_start3A_133] : memref<10000x128xf32, #tpu.memory_space<vmem_shared>> -> memref<80x128xf32, #tpu.memory_space<vmem_shared>>
        tpu.enqueue_dma source(%dma_start3A_134 : memref<80x128xf32, #tpu.memory_space<vmem_shared>>) target(%dma_start3A_132 : memref<80x128xf32, #tpu.memory_space<hbm>>) target_semaphore(%run_scoped3A : memref<!tpu.dma_semaphore, #tpu.memory_space<semaphore_mem>>)
        %dma_wait3A_135 = arith.constant 0 : i32
        %dma_wait3A_136 = tpu.memref_slice %arg6[%add3A_130, %dma_wait3A_135] : memref<20000x128xf32, #tpu.memory_space<hbm>> -> memref<80x128xf32, #tpu.memory_space<hbm>>
        %dma_wait3A_137 = arith.constant 0 : i32
        %dma_wait3A_138 = tpu.memref_slice %arg16[%mul3A_125, %dma_wait3A_137] : memref<10000x128xf32, #tpu.memory_space<vmem_shared>> -> memref<80x128xf32, #tpu.memory_space<vmem_shared>>
        tpu.wait_dma2 semaphore(%run_scoped3A : memref<!tpu.dma_semaphore, #tpu.memory_space<semaphore_mem>>) src(%dma_wait3A_138 : memref<80x128xf32, #tpu.memory_space<vmem_shared>>) dst(%dma_wait3A_136 : memref<80x128xf32, #tpu.memory_space<hbm>>)
        tpu.yield
      }) : () -> ()
    } else {
    }
    %add3A_75 = arith.constant 16 : i32
    %add3A_76 = arith.addi %arg1, %add3A_75 : i32
    %lt3A_77 = arith.constant 125 : i32
    %lt3A_78 = arith.cmpi slt, %add3A_76, %lt3A_77 : i32
    %convert_element_type3A_79 = arith.extui %lt3A_78 : i1 to i32
    %cond3A_80 = arith.constant 0 : i32
    %cond3A_81 = arith.cmpi ne, %convert_element_type3A_79, %cond3A_80 : i32
    scf.if %cond3A_81 {
      %mul3A_124 = arith.constant 80 : i32
      %mul3A_125 = arith.muli %add3A_76, %mul3A_124 : i32
      %mul3A_126 = arith.constant 10000 : i32
      %mul3A_127 = arith.muli %arg0, %mul3A_126 : i32
      %mul3A_128 = arith.constant 80 : i32
      %mul3A_129 = arith.muli %add3A_76, %mul3A_128 : i32
      %add3A_130 = arith.addi %mul3A_127, %mul3A_129 : i32
      "tpu.region"() ({
        %run_scoped3A = tpu.sem_alloc : memref<!tpu.dma_semaphore, #tpu.memory_space<semaphore_mem>>
        %dma_start3A_131 = arith.constant 0 : i32
        %dma_start3A_132 = tpu.memref_slice %arg6[%add3A_130, %dma_start3A_131] : memref<20000x128xf32, #tpu.memory_space<hbm>> -> memref<80x128xf32, #tpu.memory_space<hbm>>
        %dma_start3A_133 = arith.constant 0 : i32
        %dma_start3A_134 = tpu.memref_slice %arg16[%mul3A_125, %dma_start3A_133] : memref<10000x128xf32, #tpu.memory_space<vmem_shared>> -> memref<80x128xf32, #tpu.memory_space<vmem_shared>>
        tpu.enqueue_dma source(%dma_start3A_134 : memref<80x128xf32, #tpu.memory_space<vmem_shared>>) target(%dma_start3A_132 : memref<80x128xf32, #tpu.memory_space<hbm>>) target_semaphore(%run_scoped3A : memref<!tpu.dma_semaphore, #tpu.memory_space<semaphore_mem>>)
        %dma_wait3A_135 = arith.constant 0 : i32
        %dma_wait3A_136 = tpu.memref_slice %arg6[%add3A_130, %dma_wait3A_135] : memref<20000x128xf32, #tpu.memory_space<hbm>> -> memref<80x128xf32, #tpu.memory_space<hbm>>
        %dma_wait3A_137 = arith.constant 0 : i32
        %dma_wait3A_138 = tpu.memref_slice %arg16[%mul3A_125, %dma_wait3A_137] : memref<10000x128xf32, #tpu.memory_space<vmem_shared>> -> memref<80x128xf32, #tpu.memory_space<vmem_shared>>
        tpu.wait_dma2 semaphore(%run_scoped3A : memref<!tpu.dma_semaphore, #tpu.memory_space<semaphore_mem>>) src(%dma_wait3A_138 : memref<80x128xf32, #tpu.memory_space<vmem_shared>>) dst(%dma_wait3A_136 : memref<80x128xf32, #tpu.memory_space<hbm>>)
        tpu.yield
      }) : () -> ()
    } else {
    }
    %add3A_82 = arith.constant 32 : i32
    %add3A_83 = arith.addi %arg1, %add3A_82 : i32
    %lt3A_84 = arith.constant 125 : i32
    %lt3A_85 = arith.cmpi slt, %add3A_83, %lt3A_84 : i32
    %convert_element_type3A_86 = arith.extui %lt3A_85 : i1 to i32
    %cond3A_87 = arith.constant 0 : i32
    %cond3A_88 = arith.cmpi ne, %convert_element_type3A_86, %cond3A_87 : i32
    scf.if %cond3A_88 {
      %mul3A_124 = arith.constant 80 : i32
      %mul3A_125 = arith.muli %add3A_83, %mul3A_124 : i32
      %mul3A_126 = arith.constant 10000 : i32
      %mul3A_127 = arith.muli %arg0, %mul3A_126 : i32
      %mul3A_128 = arith.constant 80 : i32
      %mul3A_129 = arith.muli %add3A_83, %mul3A_128 : i32
      %add3A_130 = arith.addi %mul3A_127, %mul3A_129 : i32
      "tpu.region"() ({
        %run_scoped3A = tpu.sem_alloc : memref<!tpu.dma_semaphore, #tpu.memory_space<semaphore_mem>>
        %dma_start3A_131 = arith.constant 0 : i32
        %dma_start3A_132 = tpu.memref_slice %arg6[%add3A_130, %dma_start3A_131] : memref<20000x128xf32, #tpu.memory_space<hbm>> -> memref<80x128xf32, #tpu.memory_space<hbm>>
        %dma_start3A_133 = arith.constant 0 : i32
        %dma_start3A_134 = tpu.memref_slice %arg16[%mul3A_125, %dma_start3A_133] : memref<10000x128xf32, #tpu.memory_space<vmem_shared>> -> memref<80x128xf32, #tpu.memory_space<vmem_shared>>
        tpu.enqueue_dma source(%dma_start3A_134 : memref<80x128xf32, #tpu.memory_space<vmem_shared>>) target(%dma_start3A_132 : memref<80x128xf32, #tpu.memory_space<hbm>>) target_semaphore(%run_scoped3A : memref<!tpu.dma_semaphore, #tpu.memory_space<semaphore_mem>>)
        %dma_wait3A_135 = arith.constant 0 : i32
        %dma_wait3A_136 = tpu.memref_slice %arg6[%add3A_130, %dma_wait3A_135] : memref<20000x128xf32, #tpu.memory_space<hbm>> -> memref<80x128xf32, #tpu.memory_space<hbm>>
        %dma_wait3A_137 = arith.constant 0 : i32
        %dma_wait3A_138 = tpu.memref_slice %arg16[%mul3A_125, %dma_wait3A_137] : memref<10000x128xf32, #tpu.memory_space<vmem_shared>> -> memref<80x128xf32, #tpu.memory_space<vmem_shared>>
        tpu.wait_dma2 semaphore(%run_scoped3A : memref<!tpu.dma_semaphore, #tpu.memory_space<semaphore_mem>>) src(%dma_wait3A_138 : memref<80x128xf32, #tpu.memory_space<vmem_shared>>) dst(%dma_wait3A_136 : memref<80x128xf32, #tpu.memory_space<hbm>>)
        tpu.yield
      }) : () -> ()
    } else {
    }
    %add3A_89 = arith.constant 48 : i32
    %add3A_90 = arith.addi %arg1, %add3A_89 : i32
    %lt3A_91 = arith.constant 125 : i32
    %lt3A_92 = arith.cmpi slt, %add3A_90, %lt3A_91 : i32
    %convert_element_type3A_93 = arith.extui %lt3A_92 : i1 to i32
    %cond3A_94 = arith.constant 0 : i32
    %cond3A_95 = arith.cmpi ne, %convert_element_type3A_93, %cond3A_94 : i32
    scf.if %cond3A_95 {
      %mul3A_124 = arith.constant 80 : i32
      %mul3A_125 = arith.muli %add3A_90, %mul3A_124 : i32
      %mul3A_126 = arith.constant 10000 : i32
      %mul3A_127 = arith.muli %arg0, %mul3A_126 : i32
      %mul3A_128 = arith.constant 80 : i32
      %mul3A_129 = arith.muli %add3A_90, %mul3A_128 : i32
      %add3A_130 = arith.addi %mul3A_127, %mul3A_129 : i32
      "tpu.region"() ({
        %run_scoped3A = tpu.sem_alloc : memref<!tpu.dma_semaphore, #tpu.memory_space<semaphore_mem>>
        %dma_start3A_131 = arith.constant 0 : i32
        %dma_start3A_132 = tpu.memref_slice %arg6[%add3A_130, %dma_start3A_131] : memref<20000x128xf32, #tpu.memory_space<hbm>> -> memref<80x128xf32, #tpu.memory_space<hbm>>
        %dma_start3A_133 = arith.constant 0 : i32
        %dma_start3A_134 = tpu.memref_slice %arg16[%mul3A_125, %dma_start3A_133] : memref<10000x128xf32, #tpu.memory_space<vmem_shared>> -> memref<80x128xf32, #tpu.memory_space<vmem_shared>>
        tpu.enqueue_dma source(%dma_start3A_134 : memref<80x128xf32, #tpu.memory_space<vmem_shared>>) target(%dma_start3A_132 : memref<80x128xf32, #tpu.memory_space<hbm>>) target_semaphore(%run_scoped3A : memref<!tpu.dma_semaphore, #tpu.memory_space<semaphore_mem>>)
        %dma_wait3A_135 = arith.constant 0 : i32
        %dma_wait3A_136 = tpu.memref_slice %arg6[%add3A_130, %dma_wait3A_135] : memref<20000x128xf32, #tpu.memory_space<hbm>> -> memref<80x128xf32, #tpu.memory_space<hbm>>
        %dma_wait3A_137 = arith.constant 0 : i32
        %dma_wait3A_138 = tpu.memref_slice %arg16[%mul3A_125, %dma_wait3A_137] : memref<10000x128xf32, #tpu.memory_space<vmem_shared>> -> memref<80x128xf32, #tpu.memory_space<vmem_shared>>
        tpu.wait_dma2 semaphore(%run_scoped3A : memref<!tpu.dma_semaphore, #tpu.memory_space<semaphore_mem>>) src(%dma_wait3A_138 : memref<80x128xf32, #tpu.memory_space<vmem_shared>>) dst(%dma_wait3A_136 : memref<80x128xf32, #tpu.memory_space<hbm>>)
        tpu.yield
      }) : () -> ()
    } else {
    }
    %add3A_96 = arith.constant 64 : i32
    %add3A_97 = arith.addi %arg1, %add3A_96 : i32
    %lt3A_98 = arith.constant 125 : i32
    %lt3A_99 = arith.cmpi slt, %add3A_97, %lt3A_98 : i32
    %convert_element_type3A_100 = arith.extui %lt3A_99 : i1 to i32
    %cond3A_101 = arith.constant 0 : i32
    %cond3A_102 = arith.cmpi ne, %convert_element_type3A_100, %cond3A_101 : i32
    scf.if %cond3A_102 {
      %mul3A_124 = arith.constant 80 : i32
      %mul3A_125 = arith.muli %add3A_97, %mul3A_124 : i32
      %mul3A_126 = arith.constant 10000 : i32
      %mul3A_127 = arith.muli %arg0, %mul3A_126 : i32
      %mul3A_128 = arith.constant 80 : i32
      %mul3A_129 = arith.muli %add3A_97, %mul3A_128 : i32
      %add3A_130 = arith.addi %mul3A_127, %mul3A_129 : i32
      "tpu.region"() ({
        %run_scoped3A = tpu.sem_alloc : memref<!tpu.dma_semaphore, #tpu.memory_space<semaphore_mem>>
        %dma_start3A_131 = arith.constant 0 : i32
        %dma_start3A_132 = tpu.memref_slice %arg6[%add3A_130, %dma_start3A_131] : memref<20000x128xf32, #tpu.memory_space<hbm>> -> memref<80x128xf32, #tpu.memory_space<hbm>>
        %dma_start3A_133 = arith.constant 0 : i32
        %dma_start3A_134 = tpu.memref_slice %arg16[%mul3A_125, %dma_start3A_133] : memref<10000x128xf32, #tpu.memory_space<vmem_shared>> -> memref<80x128xf32, #tpu.memory_space<vmem_shared>>
        tpu.enqueue_dma source(%dma_start3A_134 : memref<80x128xf32, #tpu.memory_space<vmem_shared>>) target(%dma_start3A_132 : memref<80x128xf32, #tpu.memory_space<hbm>>) target_semaphore(%run_scoped3A : memref<!tpu.dma_semaphore, #tpu.memory_space<semaphore_mem>>)
        %dma_wait3A_135 = arith.constant 0 : i32
        %dma_wait3A_136 = tpu.memref_slice %arg6[%add3A_130, %dma_wait3A_135] : memref<20000x128xf32, #tpu.memory_space<hbm>> -> memref<80x128xf32, #tpu.memory_space<hbm>>
        %dma_wait3A_137 = arith.constant 0 : i32
        %dma_wait3A_138 = tpu.memref_slice %arg16[%mul3A_125, %dma_wait3A_137] : memref<10000x128xf32, #tpu.memory_space<vmem_shared>> -> memref<80x128xf32, #tpu.memory_space<vmem_shared>>
        tpu.wait_dma2 semaphore(%run_scoped3A : memref<!tpu.dma_semaphore, #tpu.memory_space<semaphore_mem>>) src(%dma_wait3A_138 : memref<80x128xf32, #tpu.memory_space<vmem_shared>>) dst(%dma_wait3A_136 : memref<80x128xf32, #tpu.memory_space<hbm>>)
        tpu.yield
      }) : () -> ()
    } else {
    }
    %add3A_103 = arith.constant 80 : i32
    %add3A_104 = arith.addi %arg1, %add3A_103 : i32
    %lt3A_105 = arith.constant 125 : i32
    %lt3A_106 = arith.cmpi slt, %add3A_104, %lt3A_105 : i32
    %convert_element_type3A_107 = arith.extui %lt3A_106 : i1 to i32
    %cond3A_108 = arith.constant 0 : i32
    %cond3A_109 = arith.cmpi ne, %convert_element_type3A_107, %cond3A_108 : i32
    scf.if %cond3A_109 {
      %mul3A_124 = arith.constant 80 : i32
      %mul3A_125 = arith.muli %add3A_104, %mul3A_124 : i32
      %mul3A_126 = arith.constant 10000 : i32
      %mul3A_127 = arith.muli %arg0, %mul3A_126 : i32
      %mul3A_128 = arith.constant 80 : i32
      %mul3A_129 = arith.muli %add3A_104, %mul3A_128 : i32
      %add3A_130 = arith.addi %mul3A_127, %mul3A_129 : i32
      "tpu.region"() ({
        %run_scoped3A = tpu.sem_alloc : memref<!tpu.dma_semaphore, #tpu.memory_space<semaphore_mem>>
        %dma_start3A_131 = arith.constant 0 : i32
        %dma_start3A_132 = tpu.memref_slice %arg6[%add3A_130, %dma_start3A_131] : memref<20000x128xf32, #tpu.memory_space<hbm>> -> memref<80x128xf32, #tpu.memory_space<hbm>>
        %dma_start3A_133 = arith.constant 0 : i32
        %dma_start3A_134 = tpu.memref_slice %arg16[%mul3A_125, %dma_start3A_133] : memref<10000x128xf32, #tpu.memory_space<vmem_shared>> -> memref<80x128xf32, #tpu.memory_space<vmem_shared>>
        tpu.enqueue_dma source(%dma_start3A_134 : memref<80x128xf32, #tpu.memory_space<vmem_shared>>) target(%dma_start3A_132 : memref<80x128xf32, #tpu.memory_space<hbm>>) target_semaphore(%run_scoped3A : memref<!tpu.dma_semaphore, #tpu.memory_space<semaphore_mem>>)
        %dma_wait3A_135 = arith.constant 0 : i32
        %dma_wait3A_136 = tpu.memref_slice %arg6[%add3A_130, %dma_wait3A_135] : memref<20000x128xf32, #tpu.memory_space<hbm>> -> memref<80x128xf32, #tpu.memory_space<hbm>>
        %dma_wait3A_137 = arith.constant 0 : i32
        %dma_wait3A_138 = tpu.memref_slice %arg16[%mul3A_125, %dma_wait3A_137] : memref<10000x128xf32, #tpu.memory_space<vmem_shared>> -> memref<80x128xf32, #tpu.memory_space<vmem_shared>>
        tpu.wait_dma2 semaphore(%run_scoped3A : memref<!tpu.dma_semaphore, #tpu.memory_space<semaphore_mem>>) src(%dma_wait3A_138 : memref<80x128xf32, #tpu.memory_space<vmem_shared>>) dst(%dma_wait3A_136 : memref<80x128xf32, #tpu.memory_space<hbm>>)
        tpu.yield
      }) : () -> ()
    } else {
    }
    %add3A_110 = arith.constant 96 : i32
    %add3A_111 = arith.addi %arg1, %add3A_110 : i32
    %lt3A_112 = arith.constant 125 : i32
    %lt3A_113 = arith.cmpi slt, %add3A_111, %lt3A_112 : i32
    %convert_element_type3A_114 = arith.extui %lt3A_113 : i1 to i32
    %cond3A_115 = arith.constant 0 : i32
    %cond3A_116 = arith.cmpi ne, %convert_element_type3A_114, %cond3A_115 : i32
    scf.if %cond3A_116 {
      %mul3A_124 = arith.constant 80 : i32
      %mul3A_125 = arith.muli %add3A_111, %mul3A_124 : i32
      %mul3A_126 = arith.constant 10000 : i32
      %mul3A_127 = arith.muli %arg0, %mul3A_126 : i32
      %mul3A_128 = arith.constant 80 : i32
      %mul3A_129 = arith.muli %add3A_111, %mul3A_128 : i32
      %add3A_130 = arith.addi %mul3A_127, %mul3A_129 : i32
      "tpu.region"() ({
        %run_scoped3A = tpu.sem_alloc : memref<!tpu.dma_semaphore, #tpu.memory_space<semaphore_mem>>
        %dma_start3A_131 = arith.constant 0 : i32
        %dma_start3A_132 = tpu.memref_slice %arg6[%add3A_130, %dma_start3A_131] : memref<20000x128xf32, #tpu.memory_space<hbm>> -> memref<80x128xf32, #tpu.memory_space<hbm>>
        %dma_start3A_133 = arith.constant 0 : i32
        %dma_start3A_134 = tpu.memref_slice %arg16[%mul3A_125, %dma_start3A_133] : memref<10000x128xf32, #tpu.memory_space<vmem_shared>> -> memref<80x128xf32, #tpu.memory_space<vmem_shared>>
        tpu.enqueue_dma source(%dma_start3A_134 : memref<80x128xf32, #tpu.memory_space<vmem_shared>>) target(%dma_start3A_132 : memref<80x128xf32, #tpu.memory_space<hbm>>) target_semaphore(%run_scoped3A : memref<!tpu.dma_semaphore, #tpu.memory_space<semaphore_mem>>)
        %dma_wait3A_135 = arith.constant 0 : i32
        %dma_wait3A_136 = tpu.memref_slice %arg6[%add3A_130, %dma_wait3A_135] : memref<20000x128xf32, #tpu.memory_space<hbm>> -> memref<80x128xf32, #tpu.memory_space<hbm>>
        %dma_wait3A_137 = arith.constant 0 : i32
        %dma_wait3A_138 = tpu.memref_slice %arg16[%mul3A_125, %dma_wait3A_137] : memref<10000x128xf32, #tpu.memory_space<vmem_shared>> -> memref<80x128xf32, #tpu.memory_space<vmem_shared>>
        tpu.wait_dma2 semaphore(%run_scoped3A : memref<!tpu.dma_semaphore, #tpu.memory_space<semaphore_mem>>) src(%dma_wait3A_138 : memref<80x128xf32, #tpu.memory_space<vmem_shared>>) dst(%dma_wait3A_136 : memref<80x128xf32, #tpu.memory_space<hbm>>)
        tpu.yield
      }) : () -> ()
    } else {
    }
    %add3A_117 = arith.constant 112 : i32
    %add3A_118 = arith.addi %arg1, %add3A_117 : i32
    %lt3A_119 = arith.constant 125 : i32
    %lt3A_120 = arith.cmpi slt, %add3A_118, %lt3A_119 : i32
    %convert_element_type3A_121 = arith.extui %lt3A_120 : i1 to i32
    %cond3A_122 = arith.constant 0 : i32
    %cond3A_123 = arith.cmpi ne, %convert_element_type3A_121, %cond3A_122 : i32
    scf.if %cond3A_123 {
      %mul3A_124 = arith.constant 80 : i32
      %mul3A_125 = arith.muli %add3A_118, %mul3A_124 : i32
      %mul3A_126 = arith.constant 10000 : i32
      %mul3A_127 = arith.muli %arg0, %mul3A_126 : i32
      %mul3A_128 = arith.constant 80 : i32
      %mul3A_129 = arith.muli %add3A_118, %mul3A_128 : i32
      %add3A_130 = arith.addi %mul3A_127, %mul3A_129 : i32
      "tpu.region"() ({
        %run_scoped3A = tpu.sem_alloc : memref<!tpu.dma_semaphore, #tpu.memory_space<semaphore_mem>>
        %dma_start3A_131 = arith.constant 0 : i32
        %dma_start3A_132 = tpu.memref_slice %arg6[%add3A_130, %dma_start3A_131] : memref<20000x128xf32, #tpu.memory_space<hbm>> -> memref<80x128xf32, #tpu.memory_space<hbm>>
        %dma_start3A_133 = arith.constant 0 : i32
        %dma_start3A_134 = tpu.memref_slice %arg16[%mul3A_125, %dma_start3A_133] : memref<10000x128xf32, #tpu.memory_space<vmem_shared>> -> memref<80x128xf32, #tpu.memory_space<vmem_shared>>
        tpu.enqueue_dma source(%dma_start3A_134 : memref<80x128xf32, #tpu.memory_space<vmem_shared>>) target(%dma_start3A_132 : memref<80x128xf32, #tpu.memory_space<hbm>>) target_semaphore(%run_scoped3A : memref<!tpu.dma_semaphore, #tpu.memory_space<semaphore_mem>>)
        %dma_wait3A_135 = arith.constant 0 : i32
        %dma_wait3A_136 = tpu.memref_slice %arg6[%add3A_130, %dma_wait3A_135] : memref<20000x128xf32, #tpu.memory_space<hbm>> -> memref<80x128xf32, #tpu.memory_space<hbm>>
        %dma_wait3A_137 = arith.constant 0 : i32
        %dma_wait3A_138 = tpu.memref_slice %arg16[%mul3A_125, %dma_wait3A_137] : memref<10000x128xf32, #tpu.memory_space<vmem_shared>> -> memref<80x128xf32, #tpu.memory_space<vmem_shared>>
        tpu.wait_dma2 semaphore(%run_scoped3A : memref<!tpu.dma_semaphore, #tpu.memory_space<semaphore_mem>>) src(%dma_wait3A_138 : memref<80x128xf32, #tpu.memory_space<vmem_shared>>) dst(%dma_wait3A_136 : memref<80x128xf32, #tpu.memory_space<hbm>>)
        tpu.yield
      }) : () -> ()
    } else {
    }
    return
  }
}

#map = affine_map<(d0, d1) -> (0, 0)>
#map1 = affine_map<(d0, d1) -> (0)>
module attributes {stable_mosaic.version = 14 : i64} {
  func.func @_sc_aggregate(%arg0: i32, %arg1: i32, %arg2: memref<10000x128xf32, #tpu.memory_space<hbm>>, %arg3: memref<320000xi32, #tpu.memory_space<hbm>>, %arg4: memref<320000xi32, #tpu.memory_space<hbm>>, %arg5: memref<80x128xf32, #tpu.memory_space<hbm>>, %arg6: memref<20000x128xf32, #tpu.memory_space<hbm>>, %arg7: memref<128xi32, #tpu.memory_space<vmem>>, %arg8: memref<128xi32, #tpu.memory_space<vmem>>, %arg9: memref<128xi32, #tpu.memory_space<vmem>>, %arg10: memref<128xi32, #tpu.memory_space<vmem>>, %arg11: memref<128x128xf32, #tpu.memory_space<vmem>>, %arg12: memref<128x128xf32, #tpu.memory_space<vmem>>, %arg13: memref<16xi32, #tpu.memory_space<vmem>>, %arg14: memref<16xi32, #tpu.memory_space<vmem>>, %arg15: memref<16x128xf32, #tpu.memory_space<vmem>>, %arg16: memref<10000x128xf32, #tpu.memory_space<vmem_shared>>, %arg17: memref<!tpu.dma_semaphore, #tpu.memory_space<semaphore_mem>>, %arg18: memref<!tpu.dma_semaphore, #tpu.memory_space<semaphore_mem>>, %arg19: memref<!tpu.dma_semaphore, #tpu.memory_space<semaphore_mem>>, %arg20: memref<!tpu.dma_semaphore, #tpu.memory_space<semaphore_mem>>) attributes {dimension_semantics = [#tpu.dimension_semantics<core_parallel>, #tpu.dimension_semantics<subcore_parallel>], iteration_bounds = array<i64: 2, 16>, scalar_prefetch = 0 : i64, scratch_operands = 14 : i64, tpu.core_type = #tpu.core_type<sc_vector_subcore>, window_params = [{transform_indices = #map}, {transform_indices = #map1}, {transform_indices = #map1}, {transform_indices = #map}, {transform_indices = #map}]} {
    "tpu.region"() ({
      %run_scoped3A = tpu.sem_alloc : memref<!tpu.dma_semaphore, #tpu.memory_space<semaphore_mem>>
      %dma_start3A_124 = arith.constant 0 : i32
      %dma_start3A_125 = arith.constant 0 : i32
      %dma_start3A_126 = tpu.memref_slice %arg11[%dma_start3A_124, %dma_start3A_125] : memref<128x128xf32, #tpu.memory_space<vmem>> -> memref<80x128xf32, #tpu.memory_space<vmem>>
      %dma_start3A_127 = arith.constant 0 : i32
      %dma_start3A_128 = arith.constant 0 : i32
      %dma_start3A_129 = tpu.memref_slice %arg11[%dma_start3A_127, %dma_start3A_128] : memref<128x128xf32, #tpu.memory_space<vmem>> -> memref<80x128xf32, #tpu.memory_space<vmem>>
      tpu.enqueue_dma source(%arg5 : memref<80x128xf32, #tpu.memory_space<hbm>>) target(%dma_start3A_129 : memref<80x128xf32, #tpu.memory_space<vmem>>) target_semaphore(%run_scoped3A : memref<!tpu.dma_semaphore, #tpu.memory_space<semaphore_mem>>)
      %dma_wait3A_130 = arith.constant 0 : i32
      %dma_wait3A_131 = arith.constant 0 : i32
      %dma_wait3A_132 = tpu.memref_slice %arg11[%dma_wait3A_130, %dma_wait3A_131] : memref<128x128xf32, #tpu.memory_space<vmem>> -> memref<80x128xf32, #tpu.memory_space<vmem>>
      %dma_wait3A_133 = arith.constant 0 : i32
      %dma_wait3A_134 = arith.constant 0 : i32
      %dma_wait3A_135 = tpu.memref_slice %arg11[%dma_wait3A_133, %dma_wait3A_134] : memref<128x128xf32, #tpu.memory_space<vmem>> -> memref<80x128xf32, #tpu.memory_space<vmem>>
      tpu.wait_dma2 semaphore(%run_scoped3A : memref<!tpu.dma_semaphore, #tpu.memory_space<semaphore_mem>>) src(%arg5 : memref<80x128xf32, #tpu.memory_space<hbm>>) dst(%dma_wait3A_135 : memref<80x128xf32, #tpu.memory_space<vmem>>)
      tpu.yield
    }) : () -> ()
    %add3A = arith.constant 0 : i32
    %add3A_0 = arith.addi %arg1, %add3A : i32
    %lt3A = arith.constant 125 : i32
    %lt3A_1 = arith.cmpi slt, %add3A_0, %lt3A : i32
    %convert_element_type3A = arith.extui %lt3A_1 : i1 to i32
    %cond3A = arith.constant 0 : i32
    %cond3A_2 = arith.cmpi ne, %convert_element_type3A, %cond3A : i32
    scf.if %cond3A_2 {
      %mul3A_124 = arith.constant 80 : i32
      %mul3A_125 = arith.muli %add3A_0, %mul3A_124 : i32
      "tpu.region"() ({
        %run_scoped3A = tpu.sem_alloc : memref<!tpu.dma_semaphore, #tpu.memory_space<semaphore_mem>>
        %dma_start3A_126 = arith.constant 0 : i32
        %dma_start3A_127 = arith.constant 0 : i32
        %dma_start3A_128 = tpu.memref_slice %arg11[%dma_start3A_126, %dma_start3A_127] : memref<128x128xf32, #tpu.memory_space<vmem>> -> memref<80x128xf32, #tpu.memory_space<vmem>>
        %dma_start3A_129 = arith.constant 0 : i32
        %dma_start3A_130 = tpu.memref_slice %arg16[%mul3A_125, %dma_start3A_129] : memref<10000x128xf32, #tpu.memory_space<vmem_shared>> -> memref<80x128xf32, #tpu.memory_space<vmem_shared>>
        %dma_start3A_131 = arith.constant 0 : i32
        %dma_start3A_132 = tpu.memref_slice %arg16[%mul3A_125, %dma_start3A_131] : memref<10000x128xf32, #tpu.memory_space<vmem_shared>> -> memref<80x128xf32, #tpu.memory_space<vmem_shared>>
        %dma_start3A_133 = arith.constant 0 : i32
        %dma_start3A_134 = arith.constant 0 : i32
        %dma_start3A_135 = tpu.memref_slice %arg11[%dma_start3A_133, %dma_start3A_134] : memref<128x128xf32, #tpu.memory_space<vmem>> -> memref<80x128xf32, #tpu.memory_space<vmem>>
        tpu.enqueue_dma source(%dma_start3A_135 : memref<80x128xf32, #tpu.memory_space<vmem>>) target(%dma_start3A_132 : memref<80x128xf32, #tpu.memory_space<vmem_shared>>) target_semaphore(%run_scoped3A : memref<!tpu.dma_semaphore, #tpu.memory_space<semaphore_mem>>)
        %dma_wait3A_136 = arith.constant 0 : i32
        %dma_wait3A_137 = arith.constant 0 : i32
        %dma_wait3A_138 = tpu.memref_slice %arg11[%dma_wait3A_136, %dma_wait3A_137] : memref<128x128xf32, #tpu.memory_space<vmem>> -> memref<80x128xf32, #tpu.memory_space<vmem>>
        %dma_wait3A_139 = arith.constant 0 : i32
        %dma_wait3A_140 = tpu.memref_slice %arg16[%mul3A_125, %dma_wait3A_139] : memref<10000x128xf32, #tpu.memory_space<vmem_shared>> -> memref<80x128xf32, #tpu.memory_space<vmem_shared>>
        %dma_wait3A_141 = arith.constant 0 : i32
        %dma_wait3A_142 = tpu.memref_slice %arg16[%mul3A_125, %dma_wait3A_141] : memref<10000x128xf32, #tpu.memory_space<vmem_shared>> -> memref<80x128xf32, #tpu.memory_space<vmem_shared>>
        %dma_wait3A_143 = arith.constant 0 : i32
        %dma_wait3A_144 = arith.constant 0 : i32
        %dma_wait3A_145 = tpu.memref_slice %arg11[%dma_wait3A_143, %dma_wait3A_144] : memref<128x128xf32, #tpu.memory_space<vmem>> -> memref<80x128xf32, #tpu.memory_space<vmem>>
        tpu.wait_dma2 semaphore(%run_scoped3A : memref<!tpu.dma_semaphore, #tpu.memory_space<semaphore_mem>>) src(%dma_wait3A_145 : memref<80x128xf32, #tpu.memory_space<vmem>>) dst(%dma_wait3A_142 : memref<80x128xf32, #tpu.memory_space<vmem_shared>>)
        tpu.yield
      }) : () -> ()
    } else {
    }
    %add3A_3 = arith.constant 16 : i32
    %add3A_4 = arith.addi %arg1, %add3A_3 : i32
    %lt3A_5 = arith.constant 125 : i32
    %lt3A_6 = arith.cmpi slt, %add3A_4, %lt3A_5 : i32
    %convert_element_type3A_7 = arith.extui %lt3A_6 : i1 to i32
    %cond3A_8 = arith.constant 0 : i32
    %cond3A_9 = arith.cmpi ne, %convert_element_type3A_7, %cond3A_8 : i32
    scf.if %cond3A_9 {
      %mul3A_124 = arith.constant 80 : i32
      %mul3A_125 = arith.muli %add3A_4, %mul3A_124 : i32
      "tpu.region"() ({
        %run_scoped3A = tpu.sem_alloc : memref<!tpu.dma_semaphore, #tpu.memory_space<semaphore_mem>>
        %dma_start3A_126 = arith.constant 0 : i32
        %dma_start3A_127 = arith.constant 0 : i32
        %dma_start3A_128 = tpu.memref_slice %arg11[%dma_start3A_126, %dma_start3A_127] : memref<128x128xf32, #tpu.memory_space<vmem>> -> memref<80x128xf32, #tpu.memory_space<vmem>>
        %dma_start3A_129 = arith.constant 0 : i32
        %dma_start3A_130 = tpu.memref_slice %arg16[%mul3A_125, %dma_start3A_129] : memref<10000x128xf32, #tpu.memory_space<vmem_shared>> -> memref<80x128xf32, #tpu.memory_space<vmem_shared>>
        %dma_start3A_131 = arith.constant 0 : i32
        %dma_start3A_132 = tpu.memref_slice %arg16[%mul3A_125, %dma_start3A_131] : memref<10000x128xf32, #tpu.memory_space<vmem_shared>> -> memref<80x128xf32, #tpu.memory_space<vmem_shared>>
        %dma_start3A_133 = arith.constant 0 : i32
        %dma_start3A_134 = arith.constant 0 : i32
        %dma_start3A_135 = tpu.memref_slice %arg11[%dma_start3A_133, %dma_start3A_134] : memref<128x128xf32, #tpu.memory_space<vmem>> -> memref<80x128xf32, #tpu.memory_space<vmem>>
        tpu.enqueue_dma source(%dma_start3A_135 : memref<80x128xf32, #tpu.memory_space<vmem>>) target(%dma_start3A_132 : memref<80x128xf32, #tpu.memory_space<vmem_shared>>) target_semaphore(%run_scoped3A : memref<!tpu.dma_semaphore, #tpu.memory_space<semaphore_mem>>)
        %dma_wait3A_136 = arith.constant 0 : i32
        %dma_wait3A_137 = arith.constant 0 : i32
        %dma_wait3A_138 = tpu.memref_slice %arg11[%dma_wait3A_136, %dma_wait3A_137] : memref<128x128xf32, #tpu.memory_space<vmem>> -> memref<80x128xf32, #tpu.memory_space<vmem>>
        %dma_wait3A_139 = arith.constant 0 : i32
        %dma_wait3A_140 = tpu.memref_slice %arg16[%mul3A_125, %dma_wait3A_139] : memref<10000x128xf32, #tpu.memory_space<vmem_shared>> -> memref<80x128xf32, #tpu.memory_space<vmem_shared>>
        %dma_wait3A_141 = arith.constant 0 : i32
        %dma_wait3A_142 = tpu.memref_slice %arg16[%mul3A_125, %dma_wait3A_141] : memref<10000x128xf32, #tpu.memory_space<vmem_shared>> -> memref<80x128xf32, #tpu.memory_space<vmem_shared>>
        %dma_wait3A_143 = arith.constant 0 : i32
        %dma_wait3A_144 = arith.constant 0 : i32
        %dma_wait3A_145 = tpu.memref_slice %arg11[%dma_wait3A_143, %dma_wait3A_144] : memref<128x128xf32, #tpu.memory_space<vmem>> -> memref<80x128xf32, #tpu.memory_space<vmem>>
        tpu.wait_dma2 semaphore(%run_scoped3A : memref<!tpu.dma_semaphore, #tpu.memory_space<semaphore_mem>>) src(%dma_wait3A_145 : memref<80x128xf32, #tpu.memory_space<vmem>>) dst(%dma_wait3A_142 : memref<80x128xf32, #tpu.memory_space<vmem_shared>>)
        tpu.yield
      }) : () -> ()
    } else {
    }
    %add3A_10 = arith.constant 32 : i32
    %add3A_11 = arith.addi %arg1, %add3A_10 : i32
    %lt3A_12 = arith.constant 125 : i32
    %lt3A_13 = arith.cmpi slt, %add3A_11, %lt3A_12 : i32
    %convert_element_type3A_14 = arith.extui %lt3A_13 : i1 to i32
    %cond3A_15 = arith.constant 0 : i32
    %cond3A_16 = arith.cmpi ne, %convert_element_type3A_14, %cond3A_15 : i32
    scf.if %cond3A_16 {
      %mul3A_124 = arith.constant 80 : i32
      %mul3A_125 = arith.muli %add3A_11, %mul3A_124 : i32
      "tpu.region"() ({
        %run_scoped3A = tpu.sem_alloc : memref<!tpu.dma_semaphore, #tpu.memory_space<semaphore_mem>>
        %dma_start3A_126 = arith.constant 0 : i32
        %dma_start3A_127 = arith.constant 0 : i32
        %dma_start3A_128 = tpu.memref_slice %arg11[%dma_start3A_126, %dma_start3A_127] : memref<128x128xf32, #tpu.memory_space<vmem>> -> memref<80x128xf32, #tpu.memory_space<vmem>>
        %dma_start3A_129 = arith.constant 0 : i32
        %dma_start3A_130 = tpu.memref_slice %arg16[%mul3A_125, %dma_start3A_129] : memref<10000x128xf32, #tpu.memory_space<vmem_shared>> -> memref<80x128xf32, #tpu.memory_space<vmem_shared>>
        %dma_start3A_131 = arith.constant 0 : i32
        %dma_start3A_132 = tpu.memref_slice %arg16[%mul3A_125, %dma_start3A_131] : memref<10000x128xf32, #tpu.memory_space<vmem_shared>> -> memref<80x128xf32, #tpu.memory_space<vmem_shared>>
        %dma_start3A_133 = arith.constant 0 : i32
        %dma_start3A_134 = arith.constant 0 : i32
        %dma_start3A_135 = tpu.memref_slice %arg11[%dma_start3A_133, %dma_start3A_134] : memref<128x128xf32, #tpu.memory_space<vmem>> -> memref<80x128xf32, #tpu.memory_space<vmem>>
        tpu.enqueue_dma source(%dma_start3A_135 : memref<80x128xf32, #tpu.memory_space<vmem>>) target(%dma_start3A_132 : memref<80x128xf32, #tpu.memory_space<vmem_shared>>) target_semaphore(%run_scoped3A : memref<!tpu.dma_semaphore, #tpu.memory_space<semaphore_mem>>)
        %dma_wait3A_136 = arith.constant 0 : i32
        %dma_wait3A_137 = arith.constant 0 : i32
        %dma_wait3A_138 = tpu.memref_slice %arg11[%dma_wait3A_136, %dma_wait3A_137] : memref<128x128xf32, #tpu.memory_space<vmem>> -> memref<80x128xf32, #tpu.memory_space<vmem>>
        %dma_wait3A_139 = arith.constant 0 : i32
        %dma_wait3A_140 = tpu.memref_slice %arg16[%mul3A_125, %dma_wait3A_139] : memref<10000x128xf32, #tpu.memory_space<vmem_shared>> -> memref<80x128xf32, #tpu.memory_space<vmem_shared>>
        %dma_wait3A_141 = arith.constant 0 : i32
        %dma_wait3A_142 = tpu.memref_slice %arg16[%mul3A_125, %dma_wait3A_141] : memref<10000x128xf32, #tpu.memory_space<vmem_shared>> -> memref<80x128xf32, #tpu.memory_space<vmem_shared>>
        %dma_wait3A_143 = arith.constant 0 : i32
        %dma_wait3A_144 = arith.constant 0 : i32
        %dma_wait3A_145 = tpu.memref_slice %arg11[%dma_wait3A_143, %dma_wait3A_144] : memref<128x128xf32, #tpu.memory_space<vmem>> -> memref<80x128xf32, #tpu.memory_space<vmem>>
        tpu.wait_dma2 semaphore(%run_scoped3A : memref<!tpu.dma_semaphore, #tpu.memory_space<semaphore_mem>>) src(%dma_wait3A_145 : memref<80x128xf32, #tpu.memory_space<vmem>>) dst(%dma_wait3A_142 : memref<80x128xf32, #tpu.memory_space<vmem_shared>>)
        tpu.yield
      }) : () -> ()
    } else {
    }
    %add3A_17 = arith.constant 48 : i32
    %add3A_18 = arith.addi %arg1, %add3A_17 : i32
    %lt3A_19 = arith.constant 125 : i32
    %lt3A_20 = arith.cmpi slt, %add3A_18, %lt3A_19 : i32
    %convert_element_type3A_21 = arith.extui %lt3A_20 : i1 to i32
    %cond3A_22 = arith.constant 0 : i32
    %cond3A_23 = arith.cmpi ne, %convert_element_type3A_21, %cond3A_22 : i32
    scf.if %cond3A_23 {
      %mul3A_124 = arith.constant 80 : i32
      %mul3A_125 = arith.muli %add3A_18, %mul3A_124 : i32
      "tpu.region"() ({
        %run_scoped3A = tpu.sem_alloc : memref<!tpu.dma_semaphore, #tpu.memory_space<semaphore_mem>>
        %dma_start3A_126 = arith.constant 0 : i32
        %dma_start3A_127 = arith.constant 0 : i32
        %dma_start3A_128 = tpu.memref_slice %arg11[%dma_start3A_126, %dma_start3A_127] : memref<128x128xf32, #tpu.memory_space<vmem>> -> memref<80x128xf32, #tpu.memory_space<vmem>>
        %dma_start3A_129 = arith.constant 0 : i32
        %dma_start3A_130 = tpu.memref_slice %arg16[%mul3A_125, %dma_start3A_129] : memref<10000x128xf32, #tpu.memory_space<vmem_shared>> -> memref<80x128xf32, #tpu.memory_space<vmem_shared>>
        %dma_start3A_131 = arith.constant 0 : i32
        %dma_start3A_132 = tpu.memref_slice %arg16[%mul3A_125, %dma_start3A_131] : memref<10000x128xf32, #tpu.memory_space<vmem_shared>> -> memref<80x128xf32, #tpu.memory_space<vmem_shared>>
        %dma_start3A_133 = arith.constant 0 : i32
        %dma_start3A_134 = arith.constant 0 : i32
        %dma_start3A_135 = tpu.memref_slice %arg11[%dma_start3A_133, %dma_start3A_134] : memref<128x128xf32, #tpu.memory_space<vmem>> -> memref<80x128xf32, #tpu.memory_space<vmem>>
        tpu.enqueue_dma source(%dma_start3A_135 : memref<80x128xf32, #tpu.memory_space<vmem>>) target(%dma_start3A_132 : memref<80x128xf32, #tpu.memory_space<vmem_shared>>) target_semaphore(%run_scoped3A : memref<!tpu.dma_semaphore, #tpu.memory_space<semaphore_mem>>)
        %dma_wait3A_136 = arith.constant 0 : i32
        %dma_wait3A_137 = arith.constant 0 : i32
        %dma_wait3A_138 = tpu.memref_slice %arg11[%dma_wait3A_136, %dma_wait3A_137] : memref<128x128xf32, #tpu.memory_space<vmem>> -> memref<80x128xf32, #tpu.memory_space<vmem>>
        %dma_wait3A_139 = arith.constant 0 : i32
        %dma_wait3A_140 = tpu.memref_slice %arg16[%mul3A_125, %dma_wait3A_139] : memref<10000x128xf32, #tpu.memory_space<vmem_shared>> -> memref<80x128xf32, #tpu.memory_space<vmem_shared>>
        %dma_wait3A_141 = arith.constant 0 : i32
        %dma_wait3A_142 = tpu.memref_slice %arg16[%mul3A_125, %dma_wait3A_141] : memref<10000x128xf32, #tpu.memory_space<vmem_shared>> -> memref<80x128xf32, #tpu.memory_space<vmem_shared>>
        %dma_wait3A_143 = arith.constant 0 : i32
        %dma_wait3A_144 = arith.constant 0 : i32
        %dma_wait3A_145 = tpu.memref_slice %arg11[%dma_wait3A_143, %dma_wait3A_144] : memref<128x128xf32, #tpu.memory_space<vmem>> -> memref<80x128xf32, #tpu.memory_space<vmem>>
        tpu.wait_dma2 semaphore(%run_scoped3A : memref<!tpu.dma_semaphore, #tpu.memory_space<semaphore_mem>>) src(%dma_wait3A_145 : memref<80x128xf32, #tpu.memory_space<vmem>>) dst(%dma_wait3A_142 : memref<80x128xf32, #tpu.memory_space<vmem_shared>>)
        tpu.yield
      }) : () -> ()
    } else {
    }
    %add3A_24 = arith.constant 64 : i32
    %add3A_25 = arith.addi %arg1, %add3A_24 : i32
    %lt3A_26 = arith.constant 125 : i32
    %lt3A_27 = arith.cmpi slt, %add3A_25, %lt3A_26 : i32
    %convert_element_type3A_28 = arith.extui %lt3A_27 : i1 to i32
    %cond3A_29 = arith.constant 0 : i32
    %cond3A_30 = arith.cmpi ne, %convert_element_type3A_28, %cond3A_29 : i32
    scf.if %cond3A_30 {
      %mul3A_124 = arith.constant 80 : i32
      %mul3A_125 = arith.muli %add3A_25, %mul3A_124 : i32
      "tpu.region"() ({
        %run_scoped3A = tpu.sem_alloc : memref<!tpu.dma_semaphore, #tpu.memory_space<semaphore_mem>>
        %dma_start3A_126 = arith.constant 0 : i32
        %dma_start3A_127 = arith.constant 0 : i32
        %dma_start3A_128 = tpu.memref_slice %arg11[%dma_start3A_126, %dma_start3A_127] : memref<128x128xf32, #tpu.memory_space<vmem>> -> memref<80x128xf32, #tpu.memory_space<vmem>>
        %dma_start3A_129 = arith.constant 0 : i32
        %dma_start3A_130 = tpu.memref_slice %arg16[%mul3A_125, %dma_start3A_129] : memref<10000x128xf32, #tpu.memory_space<vmem_shared>> -> memref<80x128xf32, #tpu.memory_space<vmem_shared>>
        %dma_start3A_131 = arith.constant 0 : i32
        %dma_start3A_132 = tpu.memref_slice %arg16[%mul3A_125, %dma_start3A_131] : memref<10000x128xf32, #tpu.memory_space<vmem_shared>> -> memref<80x128xf32, #tpu.memory_space<vmem_shared>>
        %dma_start3A_133 = arith.constant 0 : i32
        %dma_start3A_134 = arith.constant 0 : i32
        %dma_start3A_135 = tpu.memref_slice %arg11[%dma_start3A_133, %dma_start3A_134] : memref<128x128xf32, #tpu.memory_space<vmem>> -> memref<80x128xf32, #tpu.memory_space<vmem>>
        tpu.enqueue_dma source(%dma_start3A_135 : memref<80x128xf32, #tpu.memory_space<vmem>>) target(%dma_start3A_132 : memref<80x128xf32, #tpu.memory_space<vmem_shared>>) target_semaphore(%run_scoped3A : memref<!tpu.dma_semaphore, #tpu.memory_space<semaphore_mem>>)
        %dma_wait3A_136 = arith.constant 0 : i32
        %dma_wait3A_137 = arith.constant 0 : i32
        %dma_wait3A_138 = tpu.memref_slice %arg11[%dma_wait3A_136, %dma_wait3A_137] : memref<128x128xf32, #tpu.memory_space<vmem>> -> memref<80x128xf32, #tpu.memory_space<vmem>>
        %dma_wait3A_139 = arith.constant 0 : i32
        %dma_wait3A_140 = tpu.memref_slice %arg16[%mul3A_125, %dma_wait3A_139] : memref<10000x128xf32, #tpu.memory_space<vmem_shared>> -> memref<80x128xf32, #tpu.memory_space<vmem_shared>>
        %dma_wait3A_141 = arith.constant 0 : i32
        %dma_wait3A_142 = tpu.memref_slice %arg16[%mul3A_125, %dma_wait3A_141] : memref<10000x128xf32, #tpu.memory_space<vmem_shared>> -> memref<80x128xf32, #tpu.memory_space<vmem_shared>>
        %dma_wait3A_143 = arith.constant 0 : i32
        %dma_wait3A_144 = arith.constant 0 : i32
        %dma_wait3A_145 = tpu.memref_slice %arg11[%dma_wait3A_143, %dma_wait3A_144] : memref<128x128xf32, #tpu.memory_space<vmem>> -> memref<80x128xf32, #tpu.memory_space<vmem>>
        tpu.wait_dma2 semaphore(%run_scoped3A : memref<!tpu.dma_semaphore, #tpu.memory_space<semaphore_mem>>) src(%dma_wait3A_145 : memref<80x128xf32, #tpu.memory_space<vmem>>) dst(%dma_wait3A_142 : memref<80x128xf32, #tpu.memory_space<vmem_shared>>)
        tpu.yield
      }) : () -> ()
    } else {
    }
    %add3A_31 = arith.constant 80 : i32
    %add3A_32 = arith.addi %arg1, %add3A_31 : i32
    %lt3A_33 = arith.constant 125 : i32
    %lt3A_34 = arith.cmpi slt, %add3A_32, %lt3A_33 : i32
    %convert_element_type3A_35 = arith.extui %lt3A_34 : i1 to i32
    %cond3A_36 = arith.constant 0 : i32
    %cond3A_37 = arith.cmpi ne, %convert_element_type3A_35, %cond3A_36 : i32
    scf.if %cond3A_37 {
      %mul3A_124 = arith.constant 80 : i32
      %mul3A_125 = arith.muli %add3A_32, %mul3A_124 : i32
      "tpu.region"() ({
        %run_scoped3A = tpu.sem_alloc : memref<!tpu.dma_semaphore, #tpu.memory_space<semaphore_mem>>
        %dma_start3A_126 = arith.constant 0 : i32
        %dma_start3A_127 = arith.constant 0 : i32
        %dma_start3A_128 = tpu.memref_slice %arg11[%dma_start3A_126, %dma_start3A_127] : memref<128x128xf32, #tpu.memory_space<vmem>> -> memref<80x128xf32, #tpu.memory_space<vmem>>
        %dma_start3A_129 = arith.constant 0 : i32
        %dma_start3A_130 = tpu.memref_slice %arg16[%mul3A_125, %dma_start3A_129] : memref<10000x128xf32, #tpu.memory_space<vmem_shared>> -> memref<80x128xf32, #tpu.memory_space<vmem_shared>>
        %dma_start3A_131 = arith.constant 0 : i32
        %dma_start3A_132 = tpu.memref_slice %arg16[%mul3A_125, %dma_start3A_131] : memref<10000x128xf32, #tpu.memory_space<vmem_shared>> -> memref<80x128xf32, #tpu.memory_space<vmem_shared>>
        %dma_start3A_133 = arith.constant 0 : i32
        %dma_start3A_134 = arith.constant 0 : i32
        %dma_start3A_135 = tpu.memref_slice %arg11[%dma_start3A_133, %dma_start3A_134] : memref<128x128xf32, #tpu.memory_space<vmem>> -> memref<80x128xf32, #tpu.memory_space<vmem>>
        tpu.enqueue_dma source(%dma_start3A_135 : memref<80x128xf32, #tpu.memory_space<vmem>>) target(%dma_start3A_132 : memref<80x128xf32, #tpu.memory_space<vmem_shared>>) target_semaphore(%run_scoped3A : memref<!tpu.dma_semaphore, #tpu.memory_space<semaphore_mem>>)
        %dma_wait3A_136 = arith.constant 0 : i32
        %dma_wait3A_137 = arith.constant 0 : i32
        %dma_wait3A_138 = tpu.memref_slice %arg11[%dma_wait3A_136, %dma_wait3A_137] : memref<128x128xf32, #tpu.memory_space<vmem>> -> memref<80x128xf32, #tpu.memory_space<vmem>>
        %dma_wait3A_139 = arith.constant 0 : i32
        %dma_wait3A_140 = tpu.memref_slice %arg16[%mul3A_125, %dma_wait3A_139] : memref<10000x128xf32, #tpu.memory_space<vmem_shared>> -> memref<80x128xf32, #tpu.memory_space<vmem_shared>>
        %dma_wait3A_141 = arith.constant 0 : i32
        %dma_wait3A_142 = tpu.memref_slice %arg16[%mul3A_125, %dma_wait3A_141] : memref<10000x128xf32, #tpu.memory_space<vmem_shared>> -> memref<80x128xf32, #tpu.memory_space<vmem_shared>>
        %dma_wait3A_143 = arith.constant 0 : i32
        %dma_wait3A_144 = arith.constant 0 : i32
        %dma_wait3A_145 = tpu.memref_slice %arg11[%dma_wait3A_143, %dma_wait3A_144] : memref<128x128xf32, #tpu.memory_space<vmem>> -> memref<80x128xf32, #tpu.memory_space<vmem>>
        tpu.wait_dma2 semaphore(%run_scoped3A : memref<!tpu.dma_semaphore, #tpu.memory_space<semaphore_mem>>) src(%dma_wait3A_145 : memref<80x128xf32, #tpu.memory_space<vmem>>) dst(%dma_wait3A_142 : memref<80x128xf32, #tpu.memory_space<vmem_shared>>)
        tpu.yield
      }) : () -> ()
    } else {
    }
    %add3A_38 = arith.constant 96 : i32
    %add3A_39 = arith.addi %arg1, %add3A_38 : i32
    %lt3A_40 = arith.constant 125 : i32
    %lt3A_41 = arith.cmpi slt, %add3A_39, %lt3A_40 : i32
    %convert_element_type3A_42 = arith.extui %lt3A_41 : i1 to i32
    %cond3A_43 = arith.constant 0 : i32
    %cond3A_44 = arith.cmpi ne, %convert_element_type3A_42, %cond3A_43 : i32
    scf.if %cond3A_44 {
      %mul3A_124 = arith.constant 80 : i32
      %mul3A_125 = arith.muli %add3A_39, %mul3A_124 : i32
      "tpu.region"() ({
        %run_scoped3A = tpu.sem_alloc : memref<!tpu.dma_semaphore, #tpu.memory_space<semaphore_mem>>
        %dma_start3A_126 = arith.constant 0 : i32
        %dma_start3A_127 = arith.constant 0 : i32
        %dma_start3A_128 = tpu.memref_slice %arg11[%dma_start3A_126, %dma_start3A_127] : memref<128x128xf32, #tpu.memory_space<vmem>> -> memref<80x128xf32, #tpu.memory_space<vmem>>
        %dma_start3A_129 = arith.constant 0 : i32
        %dma_start3A_130 = tpu.memref_slice %arg16[%mul3A_125, %dma_start3A_129] : memref<10000x128xf32, #tpu.memory_space<vmem_shared>> -> memref<80x128xf32, #tpu.memory_space<vmem_shared>>
        %dma_start3A_131 = arith.constant 0 : i32
        %dma_start3A_132 = tpu.memref_slice %arg16[%mul3A_125, %dma_start3A_131] : memref<10000x128xf32, #tpu.memory_space<vmem_shared>> -> memref<80x128xf32, #tpu.memory_space<vmem_shared>>
        %dma_start3A_133 = arith.constant 0 : i32
        %dma_start3A_134 = arith.constant 0 : i32
        %dma_start3A_135 = tpu.memref_slice %arg11[%dma_start3A_133, %dma_start3A_134] : memref<128x128xf32, #tpu.memory_space<vmem>> -> memref<80x128xf32, #tpu.memory_space<vmem>>
        tpu.enqueue_dma source(%dma_start3A_135 : memref<80x128xf32, #tpu.memory_space<vmem>>) target(%dma_start3A_132 : memref<80x128xf32, #tpu.memory_space<vmem_shared>>) target_semaphore(%run_scoped3A : memref<!tpu.dma_semaphore, #tpu.memory_space<semaphore_mem>>)
        %dma_wait3A_136 = arith.constant 0 : i32
        %dma_wait3A_137 = arith.constant 0 : i32
        %dma_wait3A_138 = tpu.memref_slice %arg11[%dma_wait3A_136, %dma_wait3A_137] : memref<128x128xf32, #tpu.memory_space<vmem>> -> memref<80x128xf32, #tpu.memory_space<vmem>>
        %dma_wait3A_139 = arith.constant 0 : i32
        %dma_wait3A_140 = tpu.memref_slice %arg16[%mul3A_125, %dma_wait3A_139] : memref<10000x128xf32, #tpu.memory_space<vmem_shared>> -> memref<80x128xf32, #tpu.memory_space<vmem_shared>>
        %dma_wait3A_141 = arith.constant 0 : i32
        %dma_wait3A_142 = tpu.memref_slice %arg16[%mul3A_125, %dma_wait3A_141] : memref<10000x128xf32, #tpu.memory_space<vmem_shared>> -> memref<80x128xf32, #tpu.memory_space<vmem_shared>>
        %dma_wait3A_143 = arith.constant 0 : i32
        %dma_wait3A_144 = arith.constant 0 : i32
        %dma_wait3A_145 = tpu.memref_slice %arg11[%dma_wait3A_143, %dma_wait3A_144] : memref<128x128xf32, #tpu.memory_space<vmem>> -> memref<80x128xf32, #tpu.memory_space<vmem>>
        tpu.wait_dma2 semaphore(%run_scoped3A : memref<!tpu.dma_semaphore, #tpu.memory_space<semaphore_mem>>) src(%dma_wait3A_145 : memref<80x128xf32, #tpu.memory_space<vmem>>) dst(%dma_wait3A_142 : memref<80x128xf32, #tpu.memory_space<vmem_shared>>)
        tpu.yield
      }) : () -> ()
    } else {
    }
    %add3A_45 = arith.constant 112 : i32
    %add3A_46 = arith.addi %arg1, %add3A_45 : i32
    %lt3A_47 = arith.constant 125 : i32
    %lt3A_48 = arith.cmpi slt, %add3A_46, %lt3A_47 : i32
    %convert_element_type3A_49 = arith.extui %lt3A_48 : i1 to i32
    %cond3A_50 = arith.constant 0 : i32
    %cond3A_51 = arith.cmpi ne, %convert_element_type3A_49, %cond3A_50 : i32
    scf.if %cond3A_51 {
      %mul3A_124 = arith.constant 80 : i32
      %mul3A_125 = arith.muli %add3A_46, %mul3A_124 : i32
      "tpu.region"() ({
        %run_scoped3A = tpu.sem_alloc : memref<!tpu.dma_semaphore, #tpu.memory_space<semaphore_mem>>
        %dma_start3A_126 = arith.constant 0 : i32
        %dma_start3A_127 = arith.constant 0 : i32
        %dma_start3A_128 = tpu.memref_slice %arg11[%dma_start3A_126, %dma_start3A_127] : memref<128x128xf32, #tpu.memory_space<vmem>> -> memref<80x128xf32, #tpu.memory_space<vmem>>
        %dma_start3A_129 = arith.constant 0 : i32
        %dma_start3A_130 = tpu.memref_slice %arg16[%mul3A_125, %dma_start3A_129] : memref<10000x128xf32, #tpu.memory_space<vmem_shared>> -> memref<80x128xf32, #tpu.memory_space<vmem_shared>>
        %dma_start3A_131 = arith.constant 0 : i32
        %dma_start3A_132 = tpu.memref_slice %arg16[%mul3A_125, %dma_start3A_131] : memref<10000x128xf32, #tpu.memory_space<vmem_shared>> -> memref<80x128xf32, #tpu.memory_space<vmem_shared>>
        %dma_start3A_133 = arith.constant 0 : i32
        %dma_start3A_134 = arith.constant 0 : i32
        %dma_start3A_135 = tpu.memref_slice %arg11[%dma_start3A_133, %dma_start3A_134] : memref<128x128xf32, #tpu.memory_space<vmem>> -> memref<80x128xf32, #tpu.memory_space<vmem>>
        tpu.enqueue_dma source(%dma_start3A_135 : memref<80x128xf32, #tpu.memory_space<vmem>>) target(%dma_start3A_132 : memref<80x128xf32, #tpu.memory_space<vmem_shared>>) target_semaphore(%run_scoped3A : memref<!tpu.dma_semaphore, #tpu.memory_space<semaphore_mem>>)
        %dma_wait3A_136 = arith.constant 0 : i32
        %dma_wait3A_137 = arith.constant 0 : i32
        %dma_wait3A_138 = tpu.memref_slice %arg11[%dma_wait3A_136, %dma_wait3A_137] : memref<128x128xf32, #tpu.memory_space<vmem>> -> memref<80x128xf32, #tpu.memory_space<vmem>>
        %dma_wait3A_139 = arith.constant 0 : i32
        %dma_wait3A_140 = tpu.memref_slice %arg16[%mul3A_125, %dma_wait3A_139] : memref<10000x128xf32, #tpu.memory_space<vmem_shared>> -> memref<80x128xf32, #tpu.memory_space<vmem_shared>>
        %dma_wait3A_141 = arith.constant 0 : i32
        %dma_wait3A_142 = tpu.memref_slice %arg16[%mul3A_125, %dma_wait3A_141] : memref<10000x128xf32, #tpu.memory_space<vmem_shared>> -> memref<80x128xf32, #tpu.memory_space<vmem_shared>>
        %dma_wait3A_143 = arith.constant 0 : i32
        %dma_wait3A_144 = arith.constant 0 : i32
        %dma_wait3A_145 = tpu.memref_slice %arg11[%dma_wait3A_143, %dma_wait3A_144] : memref<128x128xf32, #tpu.memory_space<vmem>> -> memref<80x128xf32, #tpu.memory_space<vmem>>
        tpu.wait_dma2 semaphore(%run_scoped3A : memref<!tpu.dma_semaphore, #tpu.memory_space<semaphore_mem>>) src(%dma_wait3A_145 : memref<80x128xf32, #tpu.memory_space<vmem>>) dst(%dma_wait3A_142 : memref<80x128xf32, #tpu.memory_space<vmem_shared>>)
        tpu.yield
      }) : () -> ()
    } else {
    }
    %barrier3A = arith.constant 0 : index
    tpu.barrier barrier_id(%barrier3A)
    %mul3A = arith.constant 160000 : i32
    %mul3A_52 = arith.muli %arg0, %mul3A : i32
    %mul3A_53 = arith.constant 10000 : i32
    %mul3A_54 = arith.muli %arg1, %mul3A_53 : i32
    %add3A_55 = arith.addi %mul3A_52, %mul3A_54 : i32
    %scan3A = arith.constant 0 : i32
    %scan3A_56 = arith.constant 0 : i32
    %scan3A_57 = arith.constant 39 : i32
    %scan3A_58 = arith.addi %scan3A_56, %scan3A_57 : i32
    %scan3A_59 = arith.constant 1 : i32
    scf.for %scan3A_124 = %scan3A_56 to %scan3A_58 step %scan3A_59  : i32 {
      %mul3A_125 = arith.constant 256 : i32
      %mul3A_126 = arith.muli %scan3A_124, %mul3A_125 : i32
      %add3A_127 = arith.addi %add3A_55, %mul3A_126 : i32
      %add3A_128 = arith.constant 0 : i32
      %add3A_129 = arith.addi %add3A_127, %add3A_128 : i32
      %dma_start3A_130 = tpu.memref_slice %arg3[%add3A_129] : memref<320000xi32, #tpu.memory_space<hbm>> -> memref<128xi32, #tpu.memory_space<hbm>>
      %dma_start3A_131 = tpu.memref_slice %arg3[%add3A_129] : memref<320000xi32, #tpu.memory_space<hbm>> -> memref<128xi32, #tpu.memory_space<hbm>>
      tpu.enqueue_dma source(%dma_start3A_131 : memref<128xi32, #tpu.memory_space<hbm>>) target(%arg7 : memref<128xi32, #tpu.memory_space<vmem>>) target_semaphore(%arg20 : memref<!tpu.dma_semaphore, #tpu.memory_space<semaphore_mem>>)
      %dma_start3A_132 = tpu.memref_slice %arg4[%add3A_129] : memref<320000xi32, #tpu.memory_space<hbm>> -> memref<128xi32, #tpu.memory_space<hbm>>
      %dma_start3A_133 = tpu.memref_slice %arg4[%add3A_129] : memref<320000xi32, #tpu.memory_space<hbm>> -> memref<128xi32, #tpu.memory_space<hbm>>
      tpu.enqueue_dma source(%dma_start3A_133 : memref<128xi32, #tpu.memory_space<hbm>>) target(%arg9 : memref<128xi32, #tpu.memory_space<vmem>>) target_semaphore(%arg20 : memref<!tpu.dma_semaphore, #tpu.memory_space<semaphore_mem>>)
      %add3A_134 = arith.constant 128 : i32
      %add3A_135 = arith.addi %add3A_127, %add3A_134 : i32
      %dma_start3A_136 = tpu.memref_slice %arg3[%add3A_135] : memref<320000xi32, #tpu.memory_space<hbm>> -> memref<128xi32, #tpu.memory_space<hbm>>
      %dma_start3A_137 = tpu.memref_slice %arg3[%add3A_135] : memref<320000xi32, #tpu.memory_space<hbm>> -> memref<128xi32, #tpu.memory_space<hbm>>
      tpu.enqueue_dma source(%dma_start3A_137 : memref<128xi32, #tpu.memory_space<hbm>>) target(%arg8 : memref<128xi32, #tpu.memory_space<vmem>>) target_semaphore(%arg20 : memref<!tpu.dma_semaphore, #tpu.memory_space<semaphore_mem>>)
      %dma_start3A_138 = tpu.memref_slice %arg4[%add3A_135] : memref<320000xi32, #tpu.memory_space<hbm>> -> memref<128xi32, #tpu.memory_space<hbm>>
      %dma_start3A_139 = tpu.memref_slice %arg4[%add3A_135] : memref<320000xi32, #tpu.memory_space<hbm>> -> memref<128xi32, #tpu.memory_space<hbm>>
      tpu.enqueue_dma source(%dma_start3A_139 : memref<128xi32, #tpu.memory_space<hbm>>) target(%arg10 : memref<128xi32, #tpu.memory_space<vmem>>) target_semaphore(%arg20 : memref<!tpu.dma_semaphore, #tpu.memory_space<semaphore_mem>>)
      %dma_wait3A_140 = tpu.memref_slice %arg3[%add3A_129] : memref<320000xi32, #tpu.memory_space<hbm>> -> memref<128xi32, #tpu.memory_space<hbm>>
      %dma_wait3A_141 = tpu.memref_slice %arg3[%add3A_129] : memref<320000xi32, #tpu.memory_space<hbm>> -> memref<128xi32, #tpu.memory_space<hbm>>
      tpu.wait_dma2 semaphore(%arg20 : memref<!tpu.dma_semaphore, #tpu.memory_space<semaphore_mem>>) src(%dma_wait3A_141 : memref<128xi32, #tpu.memory_space<hbm>>) dst(%arg7 : memref<128xi32, #tpu.memory_space<vmem>>)
      %dma_wait3A_142 = tpu.memref_slice %arg4[%add3A_129] : memref<320000xi32, #tpu.memory_space<hbm>> -> memref<128xi32, #tpu.memory_space<hbm>>
      %dma_wait3A_143 = tpu.memref_slice %arg4[%add3A_129] : memref<320000xi32, #tpu.memory_space<hbm>> -> memref<128xi32, #tpu.memory_space<hbm>>
      tpu.wait_dma2 semaphore(%arg20 : memref<!tpu.dma_semaphore, #tpu.memory_space<semaphore_mem>>) src(%dma_wait3A_143 : memref<128xi32, #tpu.memory_space<hbm>>) dst(%arg9 : memref<128xi32, #tpu.memory_space<vmem>>)
      %dma_wait3A_144 = tpu.memref_slice %arg3[%add3A_135] : memref<320000xi32, #tpu.memory_space<hbm>> -> memref<128xi32, #tpu.memory_space<hbm>>
      %dma_wait3A_145 = tpu.memref_slice %arg3[%add3A_135] : memref<320000xi32, #tpu.memory_space<hbm>> -> memref<128xi32, #tpu.memory_space<hbm>>
      tpu.wait_dma2 semaphore(%arg20 : memref<!tpu.dma_semaphore, #tpu.memory_space<semaphore_mem>>) src(%dma_wait3A_145 : memref<128xi32, #tpu.memory_space<hbm>>) dst(%arg8 : memref<128xi32, #tpu.memory_space<vmem>>)
      %dma_wait3A_146 = tpu.memref_slice %arg4[%add3A_135] : memref<320000xi32, #tpu.memory_space<hbm>> -> memref<128xi32, #tpu.memory_space<hbm>>
      %dma_wait3A_147 = tpu.memref_slice %arg4[%add3A_135] : memref<320000xi32, #tpu.memory_space<hbm>> -> memref<128xi32, #tpu.memory_space<hbm>>
      tpu.wait_dma2 semaphore(%arg20 : memref<!tpu.dma_semaphore, #tpu.memory_space<semaphore_mem>>) src(%dma_wait3A_147 : memref<128xi32, #tpu.memory_space<hbm>>) dst(%arg10 : memref<128xi32, #tpu.memory_space<vmem>>)
      %dma_start3A_148 = arith.constant 0 : i32
      %dma_start3A_149 = arith.constant 0 : i32
      %dma_start3A_150 = tpu.memref_slice %arg2[%dma_start3A_148, %dma_start3A_149] : memref<10000x128xf32, #tpu.memory_space<hbm>> -> memref<10000x128xf32, #tpu.memory_space<hbm>>
      tpu.enqueue_indirect_dma source(%dma_start3A_150 : memref<10000x128xf32, #tpu.memory_space<hbm>>) target(%arg11 : memref<128x128xf32, #tpu.memory_space<vmem>>) offsets(%arg7 : memref<128xi32, #tpu.memory_space<vmem>>) semaphore(%arg17 : memref<!tpu.dma_semaphore, #tpu.memory_space<semaphore_mem>>)
      %dma_start3A_151 = arith.constant 0 : i32
      %dma_start3A_152 = arith.constant 0 : i32
      %dma_start3A_153 = tpu.memref_slice %arg2[%dma_start3A_151, %dma_start3A_152] : memref<10000x128xf32, #tpu.memory_space<hbm>> -> memref<10000x128xf32, #tpu.memory_space<hbm>>
      tpu.enqueue_indirect_dma source(%dma_start3A_153 : memref<10000x128xf32, #tpu.memory_space<hbm>>) target(%arg12 : memref<128x128xf32, #tpu.memory_space<vmem>>) offsets(%arg8 : memref<128xi32, #tpu.memory_space<vmem>>) semaphore(%arg18 : memref<!tpu.dma_semaphore, #tpu.memory_space<semaphore_mem>>)
      %dma_wait3A_154 = arith.constant 0 : i32
      %dma_wait3A_155 = arith.constant 0 : i32
      %dma_wait3A_156 = tpu.memref_slice %arg2[%dma_wait3A_154, %dma_wait3A_155] : memref<10000x128xf32, #tpu.memory_space<hbm>> -> memref<10000x128xf32, #tpu.memory_space<hbm>>
      tpu.wait_indirect_dma semaphore(%arg17 : memref<!tpu.dma_semaphore, #tpu.memory_space<semaphore_mem>>) src(%dma_wait3A_156 : memref<10000x128xf32, #tpu.memory_space<hbm>>) dst(%arg11 : memref<128x128xf32, #tpu.memory_space<vmem>>)
      %dma_start3A_157 = arith.constant 0 : i32
      %dma_start3A_158 = arith.constant 0 : i32
      %dma_start3A_159 = tpu.memref_slice %arg16[%dma_start3A_157, %dma_start3A_158] : memref<10000x128xf32, #tpu.memory_space<vmem_shared>> -> memref<10000x128xf32, #tpu.memory_space<vmem_shared>>
      tpu.enqueue_indirect_dma source(%arg11 : memref<128x128xf32, #tpu.memory_space<vmem>>) target(%dma_start3A_159 : memref<10000x128xf32, #tpu.memory_space<vmem_shared>>) offsets(%arg9 : memref<128xi32, #tpu.memory_space<vmem>>) semaphore(%arg19 : memref<!tpu.dma_semaphore, #tpu.memory_space<semaphore_mem>>) {add = true}
      %dma_wait3A_160 = arith.constant 0 : i32
      %dma_wait3A_161 = arith.constant 0 : i32
      %dma_wait3A_162 = tpu.memref_slice %arg2[%dma_wait3A_160, %dma_wait3A_161] : memref<10000x128xf32, #tpu.memory_space<hbm>> -> memref<10000x128xf32, #tpu.memory_space<hbm>>
      tpu.wait_indirect_dma semaphore(%arg18 : memref<!tpu.dma_semaphore, #tpu.memory_space<semaphore_mem>>) src(%dma_wait3A_162 : memref<10000x128xf32, #tpu.memory_space<hbm>>) dst(%arg12 : memref<128x128xf32, #tpu.memory_space<vmem>>)
      %dma_start3A_163 = arith.constant 0 : i32
      %dma_start3A_164 = arith.constant 0 : i32
      %dma_start3A_165 = tpu.memref_slice %arg16[%dma_start3A_163, %dma_start3A_164] : memref<10000x128xf32, #tpu.memory_space<vmem_shared>> -> memref<10000x128xf32, #tpu.memory_space<vmem_shared>>
      tpu.enqueue_indirect_dma source(%arg12 : memref<128x128xf32, #tpu.memory_space<vmem>>) target(%dma_start3A_165 : memref<10000x128xf32, #tpu.memory_space<vmem_shared>>) offsets(%arg10 : memref<128xi32, #tpu.memory_space<vmem>>) semaphore(%arg19 : memref<!tpu.dma_semaphore, #tpu.memory_space<semaphore_mem>>) {add = true}
      %dma_wait3A_166 = arith.constant 0 : i32
      %dma_wait3A_167 = arith.constant 0 : i32
      %dma_wait3A_168 = tpu.memref_slice %arg16[%dma_wait3A_166, %dma_wait3A_167] : memref<10000x128xf32, #tpu.memory_space<vmem_shared>> -> memref<10000x128xf32, #tpu.memory_space<vmem_shared>>
      tpu.wait_indirect_dma semaphore(%arg19 : memref<!tpu.dma_semaphore, #tpu.memory_space<semaphore_mem>>) src(%arg11 : memref<128x128xf32, #tpu.memory_space<vmem>>) dst(%dma_wait3A_168 : memref<10000x128xf32, #tpu.memory_space<vmem_shared>>)
      %dma_wait3A_169 = arith.constant 0 : i32
      %dma_wait3A_170 = arith.constant 0 : i32
      %dma_wait3A_171 = tpu.memref_slice %arg16[%dma_wait3A_169, %dma_wait3A_170] : memref<10000x128xf32, #tpu.memory_space<vmem_shared>> -> memref<10000x128xf32, #tpu.memory_space<vmem_shared>>
      tpu.wait_indirect_dma semaphore(%arg19 : memref<!tpu.dma_semaphore, #tpu.memory_space<semaphore_mem>>) src(%arg12 : memref<128x128xf32, #tpu.memory_space<vmem>>) dst(%dma_wait3A_171 : memref<10000x128xf32, #tpu.memory_space<vmem_shared>>)
    }
    %scan3A_60 = arith.constant 39 : i32
    %add3A_61 = arith.constant 9984 : i32
    %add3A_62 = arith.addi %add3A_55, %add3A_61 : i32
    "tpu.region"() ({
      %run_scoped3A = tpu.sem_alloc : memref<!tpu.dma_semaphore, #tpu.memory_space<semaphore_mem>>
      %dma_start3A_124 = tpu.memref_slice %arg3[%add3A_62] : memref<320000xi32, #tpu.memory_space<hbm>> -> memref<16xi32, #tpu.memory_space<hbm>>
      %dma_start3A_125 = tpu.memref_slice %arg3[%add3A_62] : memref<320000xi32, #tpu.memory_space<hbm>> -> memref<16xi32, #tpu.memory_space<hbm>>
      tpu.enqueue_dma source(%dma_start3A_125 : memref<16xi32, #tpu.memory_space<hbm>>) target(%arg13 : memref<16xi32, #tpu.memory_space<vmem>>) target_semaphore(%run_scoped3A : memref<!tpu.dma_semaphore, #tpu.memory_space<semaphore_mem>>)
      %dma_wait3A_126 = tpu.memref_slice %arg3[%add3A_62] : memref<320000xi32, #tpu.memory_space<hbm>> -> memref<16xi32, #tpu.memory_space<hbm>>
      %dma_wait3A_127 = tpu.memref_slice %arg3[%add3A_62] : memref<320000xi32, #tpu.memory_space<hbm>> -> memref<16xi32, #tpu.memory_space<hbm>>
      tpu.wait_dma2 semaphore(%run_scoped3A : memref<!tpu.dma_semaphore, #tpu.memory_space<semaphore_mem>>) src(%dma_wait3A_127 : memref<16xi32, #tpu.memory_space<hbm>>) dst(%arg13 : memref<16xi32, #tpu.memory_space<vmem>>)
      tpu.yield
    }) : () -> ()
    "tpu.region"() ({
      %run_scoped3A = tpu.sem_alloc : memref<!tpu.dma_semaphore, #tpu.memory_space<semaphore_mem>>
      %dma_start3A_124 = tpu.memref_slice %arg4[%add3A_62] : memref<320000xi32, #tpu.memory_space<hbm>> -> memref<16xi32, #tpu.memory_space<hbm>>
      %dma_start3A_125 = tpu.memref_slice %arg4[%add3A_62] : memref<320000xi32, #tpu.memory_space<hbm>> -> memref<16xi32, #tpu.memory_space<hbm>>
      tpu.enqueue_dma source(%dma_start3A_125 : memref<16xi32, #tpu.memory_space<hbm>>) target(%arg14 : memref<16xi32, #tpu.memory_space<vmem>>) target_semaphore(%run_scoped3A : memref<!tpu.dma_semaphore, #tpu.memory_space<semaphore_mem>>)
      %dma_wait3A_126 = tpu.memref_slice %arg4[%add3A_62] : memref<320000xi32, #tpu.memory_space<hbm>> -> memref<16xi32, #tpu.memory_space<hbm>>
      %dma_wait3A_127 = tpu.memref_slice %arg4[%add3A_62] : memref<320000xi32, #tpu.memory_space<hbm>> -> memref<16xi32, #tpu.memory_space<hbm>>
      tpu.wait_dma2 semaphore(%run_scoped3A : memref<!tpu.dma_semaphore, #tpu.memory_space<semaphore_mem>>) src(%dma_wait3A_127 : memref<16xi32, #tpu.memory_space<hbm>>) dst(%arg14 : memref<16xi32, #tpu.memory_space<vmem>>)
      tpu.yield
    }) : () -> ()
    %dma_start3A = arith.constant 0 : i32
    %dma_start3A_63 = arith.constant 0 : i32
    %dma_start3A_64 = tpu.memref_slice %arg2[%dma_start3A, %dma_start3A_63] : memref<10000x128xf32, #tpu.memory_space<hbm>> -> memref<10000x128xf32, #tpu.memory_space<hbm>>
    tpu.enqueue_indirect_dma source(%dma_start3A_64 : memref<10000x128xf32, #tpu.memory_space<hbm>>) target(%arg15 : memref<16x128xf32, #tpu.memory_space<vmem>>) offsets(%arg13 : memref<16xi32, #tpu.memory_space<vmem>>) semaphore(%arg17 : memref<!tpu.dma_semaphore, #tpu.memory_space<semaphore_mem>>)
    %dma_wait3A = arith.constant 0 : i32
    %dma_wait3A_65 = arith.constant 0 : i32
    %dma_wait3A_66 = tpu.memref_slice %arg2[%dma_wait3A, %dma_wait3A_65] : memref<10000x128xf32, #tpu.memory_space<hbm>> -> memref<10000x128xf32, #tpu.memory_space<hbm>>
    tpu.wait_indirect_dma semaphore(%arg17 : memref<!tpu.dma_semaphore, #tpu.memory_space<semaphore_mem>>) src(%dma_wait3A_66 : memref<10000x128xf32, #tpu.memory_space<hbm>>) dst(%arg15 : memref<16x128xf32, #tpu.memory_space<vmem>>)
    "tpu.region"() ({
      %run_scoped3A = tpu.sem_alloc : memref<!tpu.dma_semaphore, #tpu.memory_space<semaphore_mem>>
      %dma_start3A_124 = arith.constant 0 : i32
      %dma_start3A_125 = arith.constant 0 : i32
      %dma_start3A_126 = tpu.memref_slice %arg16[%dma_start3A_124, %dma_start3A_125] : memref<10000x128xf32, #tpu.memory_space<vmem_shared>> -> memref<10000x128xf32, #tpu.memory_space<vmem_shared>>
      tpu.enqueue_indirect_dma source(%arg15 : memref<16x128xf32, #tpu.memory_space<vmem>>) target(%dma_start3A_126 : memref<10000x128xf32, #tpu.memory_space<vmem_shared>>) offsets(%arg14 : memref<16xi32, #tpu.memory_space<vmem>>) semaphore(%run_scoped3A : memref<!tpu.dma_semaphore, #tpu.memory_space<semaphore_mem>>) {add = true}
      %dma_wait3A_127 = arith.constant 0 : i32
      %dma_wait3A_128 = arith.constant 0 : i32
      %dma_wait3A_129 = tpu.memref_slice %arg16[%dma_wait3A_127, %dma_wait3A_128] : memref<10000x128xf32, #tpu.memory_space<vmem_shared>> -> memref<10000x128xf32, #tpu.memory_space<vmem_shared>>
      tpu.wait_indirect_dma semaphore(%run_scoped3A : memref<!tpu.dma_semaphore, #tpu.memory_space<semaphore_mem>>) src(%arg15 : memref<16x128xf32, #tpu.memory_space<vmem>>) dst(%dma_wait3A_129 : memref<10000x128xf32, #tpu.memory_space<vmem_shared>>)
      tpu.yield
    }) : () -> ()
    %barrier3A_67 = arith.constant 0 : index
    tpu.barrier barrier_id(%barrier3A_67)
    %add3A_68 = arith.constant 0 : i32
    %add3A_69 = arith.addi %arg1, %add3A_68 : i32
    %lt3A_70 = arith.constant 125 : i32
    %lt3A_71 = arith.cmpi slt, %add3A_69, %lt3A_70 : i32
    %convert_element_type3A_72 = arith.extui %lt3A_71 : i1 to i32
    %cond3A_73 = arith.constant 0 : i32
    %cond3A_74 = arith.cmpi ne, %convert_element_type3A_72, %cond3A_73 : i32
    scf.if %cond3A_74 {
      %mul3A_124 = arith.constant 80 : i32
      %mul3A_125 = arith.muli %add3A_69, %mul3A_124 : i32
      %mul3A_126 = arith.constant 10000 : i32
      %mul3A_127 = arith.muli %arg0, %mul3A_126 : i32
      %mul3A_128 = arith.constant 80 : i32
      %mul3A_129 = arith.muli %add3A_69, %mul3A_128 : i32
      %add3A_130 = arith.addi %mul3A_127, %mul3A_129 : i32
      "tpu.region"() ({
        %run_scoped3A = tpu.sem_alloc : memref<!tpu.dma_semaphore, #tpu.memory_space<semaphore_mem>>
        %dma_start3A_131 = arith.constant 0 : i32
        %dma_start3A_132 = tpu.memref_slice %arg6[%add3A_130, %dma_start3A_131] : memref<20000x128xf32, #tpu.memory_space<hbm>> -> memref<80x128xf32, #tpu.memory_space<hbm>>
        %dma_start3A_133 = arith.constant 0 : i32
        %dma_start3A_134 = tpu.memref_slice %arg16[%mul3A_125, %dma_start3A_133] : memref<10000x128xf32, #tpu.memory_space<vmem_shared>> -> memref<80x128xf32, #tpu.memory_space<vmem_shared>>
        tpu.enqueue_dma source(%dma_start3A_134 : memref<80x128xf32, #tpu.memory_space<vmem_shared>>) target(%dma_start3A_132 : memref<80x128xf32, #tpu.memory_space<hbm>>) target_semaphore(%run_scoped3A : memref<!tpu.dma_semaphore, #tpu.memory_space<semaphore_mem>>)
        %dma_wait3A_135 = arith.constant 0 : i32
        %dma_wait3A_136 = tpu.memref_slice %arg6[%add3A_130, %dma_wait3A_135] : memref<20000x128xf32, #tpu.memory_space<hbm>> -> memref<80x128xf32, #tpu.memory_space<hbm>>
        %dma_wait3A_137 = arith.constant 0 : i32
        %dma_wait3A_138 = tpu.memref_slice %arg16[%mul3A_125, %dma_wait3A_137] : memref<10000x128xf32, #tpu.memory_space<vmem_shared>> -> memref<80x128xf32, #tpu.memory_space<vmem_shared>>
        tpu.wait_dma2 semaphore(%run_scoped3A : memref<!tpu.dma_semaphore, #tpu.memory_space<semaphore_mem>>) src(%dma_wait3A_138 : memref<80x128xf32, #tpu.memory_space<vmem_shared>>) dst(%dma_wait3A_136 : memref<80x128xf32, #tpu.memory_space<hbm>>)
        tpu.yield
      }) : () -> ()
    } else {
    }
    %add3A_75 = arith.constant 16 : i32
    %add3A_76 = arith.addi %arg1, %add3A_75 : i32
    %lt3A_77 = arith.constant 125 : i32
    %lt3A_78 = arith.cmpi slt, %add3A_76, %lt3A_77 : i32
    %convert_element_type3A_79 = arith.extui %lt3A_78 : i1 to i32
    %cond3A_80 = arith.constant 0 : i32
    %cond3A_81 = arith.cmpi ne, %convert_element_type3A_79, %cond3A_80 : i32
    scf.if %cond3A_81 {
      %mul3A_124 = arith.constant 80 : i32
      %mul3A_125 = arith.muli %add3A_76, %mul3A_124 : i32
      %mul3A_126 = arith.constant 10000 : i32
      %mul3A_127 = arith.muli %arg0, %mul3A_126 : i32
      %mul3A_128 = arith.constant 80 : i32
      %mul3A_129 = arith.muli %add3A_76, %mul3A_128 : i32
      %add3A_130 = arith.addi %mul3A_127, %mul3A_129 : i32
      "tpu.region"() ({
        %run_scoped3A = tpu.sem_alloc : memref<!tpu.dma_semaphore, #tpu.memory_space<semaphore_mem>>
        %dma_start3A_131 = arith.constant 0 : i32
        %dma_start3A_132 = tpu.memref_slice %arg6[%add3A_130, %dma_start3A_131] : memref<20000x128xf32, #tpu.memory_space<hbm>> -> memref<80x128xf32, #tpu.memory_space<hbm>>
        %dma_start3A_133 = arith.constant 0 : i32
        %dma_start3A_134 = tpu.memref_slice %arg16[%mul3A_125, %dma_start3A_133] : memref<10000x128xf32, #tpu.memory_space<vmem_shared>> -> memref<80x128xf32, #tpu.memory_space<vmem_shared>>
        tpu.enqueue_dma source(%dma_start3A_134 : memref<80x128xf32, #tpu.memory_space<vmem_shared>>) target(%dma_start3A_132 : memref<80x128xf32, #tpu.memory_space<hbm>>) target_semaphore(%run_scoped3A : memref<!tpu.dma_semaphore, #tpu.memory_space<semaphore_mem>>)
        %dma_wait3A_135 = arith.constant 0 : i32
        %dma_wait3A_136 = tpu.memref_slice %arg6[%add3A_130, %dma_wait3A_135] : memref<20000x128xf32, #tpu.memory_space<hbm>> -> memref<80x128xf32, #tpu.memory_space<hbm>>
        %dma_wait3A_137 = arith.constant 0 : i32
        %dma_wait3A_138 = tpu.memref_slice %arg16[%mul3A_125, %dma_wait3A_137] : memref<10000x128xf32, #tpu.memory_space<vmem_shared>> -> memref<80x128xf32, #tpu.memory_space<vmem_shared>>
        tpu.wait_dma2 semaphore(%run_scoped3A : memref<!tpu.dma_semaphore, #tpu.memory_space<semaphore_mem>>) src(%dma_wait3A_138 : memref<80x128xf32, #tpu.memory_space<vmem_shared>>) dst(%dma_wait3A_136 : memref<80x128xf32, #tpu.memory_space<hbm>>)
        tpu.yield
      }) : () -> ()
    } else {
    }
    %add3A_82 = arith.constant 32 : i32
    %add3A_83 = arith.addi %arg1, %add3A_82 : i32
    %lt3A_84 = arith.constant 125 : i32
    %lt3A_85 = arith.cmpi slt, %add3A_83, %lt3A_84 : i32
    %convert_element_type3A_86 = arith.extui %lt3A_85 : i1 to i32
    %cond3A_87 = arith.constant 0 : i32
    %cond3A_88 = arith.cmpi ne, %convert_element_type3A_86, %cond3A_87 : i32
    scf.if %cond3A_88 {
      %mul3A_124 = arith.constant 80 : i32
      %mul3A_125 = arith.muli %add3A_83, %mul3A_124 : i32
      %mul3A_126 = arith.constant 10000 : i32
      %mul3A_127 = arith.muli %arg0, %mul3A_126 : i32
      %mul3A_128 = arith.constant 80 : i32
      %mul3A_129 = arith.muli %add3A_83, %mul3A_128 : i32
      %add3A_130 = arith.addi %mul3A_127, %mul3A_129 : i32
      "tpu.region"() ({
        %run_scoped3A = tpu.sem_alloc : memref<!tpu.dma_semaphore, #tpu.memory_space<semaphore_mem>>
        %dma_start3A_131 = arith.constant 0 : i32
        %dma_start3A_132 = tpu.memref_slice %arg6[%add3A_130, %dma_start3A_131] : memref<20000x128xf32, #tpu.memory_space<hbm>> -> memref<80x128xf32, #tpu.memory_space<hbm>>
        %dma_start3A_133 = arith.constant 0 : i32
        %dma_start3A_134 = tpu.memref_slice %arg16[%mul3A_125, %dma_start3A_133] : memref<10000x128xf32, #tpu.memory_space<vmem_shared>> -> memref<80x128xf32, #tpu.memory_space<vmem_shared>>
        tpu.enqueue_dma source(%dma_start3A_134 : memref<80x128xf32, #tpu.memory_space<vmem_shared>>) target(%dma_start3A_132 : memref<80x128xf32, #tpu.memory_space<hbm>>) target_semaphore(%run_scoped3A : memref<!tpu.dma_semaphore, #tpu.memory_space<semaphore_mem>>)
        %dma_wait3A_135 = arith.constant 0 : i32
        %dma_wait3A_136 = tpu.memref_slice %arg6[%add3A_130, %dma_wait3A_135] : memref<20000x128xf32, #tpu.memory_space<hbm>> -> memref<80x128xf32, #tpu.memory_space<hbm>>
        %dma_wait3A_137 = arith.constant 0 : i32
        %dma_wait3A_138 = tpu.memref_slice %arg16[%mul3A_125, %dma_wait3A_137] : memref<10000x128xf32, #tpu.memory_space<vmem_shared>> -> memref<80x128xf32, #tpu.memory_space<vmem_shared>>
        tpu.wait_dma2 semaphore(%run_scoped3A : memref<!tpu.dma_semaphore, #tpu.memory_space<semaphore_mem>>) src(%dma_wait3A_138 : memref<80x128xf32, #tpu.memory_space<vmem_shared>>) dst(%dma_wait3A_136 : memref<80x128xf32, #tpu.memory_space<hbm>>)
        tpu.yield
      }) : () -> ()
    } else {
    }
    %add3A_89 = arith.constant 48 : i32
    %add3A_90 = arith.addi %arg1, %add3A_89 : i32
    %lt3A_91 = arith.constant 125 : i32
    %lt3A_92 = arith.cmpi slt, %add3A_90, %lt3A_91 : i32
    %convert_element_type3A_93 = arith.extui %lt3A_92 : i1 to i32
    %cond3A_94 = arith.constant 0 : i32
    %cond3A_95 = arith.cmpi ne, %convert_element_type3A_93, %cond3A_94 : i32
    scf.if %cond3A_95 {
      %mul3A_124 = arith.constant 80 : i32
      %mul3A_125 = arith.muli %add3A_90, %mul3A_124 : i32
      %mul3A_126 = arith.constant 10000 : i32
      %mul3A_127 = arith.muli %arg0, %mul3A_126 : i32
      %mul3A_128 = arith.constant 80 : i32
      %mul3A_129 = arith.muli %add3A_90, %mul3A_128 : i32
      %add3A_130 = arith.addi %mul3A_127, %mul3A_129 : i32
      "tpu.region"() ({
        %run_scoped3A = tpu.sem_alloc : memref<!tpu.dma_semaphore, #tpu.memory_space<semaphore_mem>>
        %dma_start3A_131 = arith.constant 0 : i32
        %dma_start3A_132 = tpu.memref_slice %arg6[%add3A_130, %dma_start3A_131] : memref<20000x128xf32, #tpu.memory_space<hbm>> -> memref<80x128xf32, #tpu.memory_space<hbm>>
        %dma_start3A_133 = arith.constant 0 : i32
        %dma_start3A_134 = tpu.memref_slice %arg16[%mul3A_125, %dma_start3A_133] : memref<10000x128xf32, #tpu.memory_space<vmem_shared>> -> memref<80x128xf32, #tpu.memory_space<vmem_shared>>
        tpu.enqueue_dma source(%dma_start3A_134 : memref<80x128xf32, #tpu.memory_space<vmem_shared>>) target(%dma_start3A_132 : memref<80x128xf32, #tpu.memory_space<hbm>>) target_semaphore(%run_scoped3A : memref<!tpu.dma_semaphore, #tpu.memory_space<semaphore_mem>>)
        %dma_wait3A_135 = arith.constant 0 : i32
        %dma_wait3A_136 = tpu.memref_slice %arg6[%add3A_130, %dma_wait3A_135] : memref<20000x128xf32, #tpu.memory_space<hbm>> -> memref<80x128xf32, #tpu.memory_space<hbm>>
        %dma_wait3A_137 = arith.constant 0 : i32
        %dma_wait3A_138 = tpu.memref_slice %arg16[%mul3A_125, %dma_wait3A_137] : memref<10000x128xf32, #tpu.memory_space<vmem_shared>> -> memref<80x128xf32, #tpu.memory_space<vmem_shared>>
        tpu.wait_dma2 semaphore(%run_scoped3A : memref<!tpu.dma_semaphore, #tpu.memory_space<semaphore_mem>>) src(%dma_wait3A_138 : memref<80x128xf32, #tpu.memory_space<vmem_shared>>) dst(%dma_wait3A_136 : memref<80x128xf32, #tpu.memory_space<hbm>>)
        tpu.yield
      }) : () -> ()
    } else {
    }
    %add3A_96 = arith.constant 64 : i32
    %add3A_97 = arith.addi %arg1, %add3A_96 : i32
    %lt3A_98 = arith.constant 125 : i32
    %lt3A_99 = arith.cmpi slt, %add3A_97, %lt3A_98 : i32
    %convert_element_type3A_100 = arith.extui %lt3A_99 : i1 to i32
    %cond3A_101 = arith.constant 0 : i32
    %cond3A_102 = arith.cmpi ne, %convert_element_type3A_100, %cond3A_101 : i32
    scf.if %cond3A_102 {
      %mul3A_124 = arith.constant 80 : i32
      %mul3A_125 = arith.muli %add3A_97, %mul3A_124 : i32
      %mul3A_126 = arith.constant 10000 : i32
      %mul3A_127 = arith.muli %arg0, %mul3A_126 : i32
      %mul3A_128 = arith.constant 80 : i32
      %mul3A_129 = arith.muli %add3A_97, %mul3A_128 : i32
      %add3A_130 = arith.addi %mul3A_127, %mul3A_129 : i32
      "tpu.region"() ({
        %run_scoped3A = tpu.sem_alloc : memref<!tpu.dma_semaphore, #tpu.memory_space<semaphore_mem>>
        %dma_start3A_131 = arith.constant 0 : i32
        %dma_start3A_132 = tpu.memref_slice %arg6[%add3A_130, %dma_start3A_131] : memref<20000x128xf32, #tpu.memory_space<hbm>> -> memref<80x128xf32, #tpu.memory_space<hbm>>
        %dma_start3A_133 = arith.constant 0 : i32
        %dma_start3A_134 = tpu.memref_slice %arg16[%mul3A_125, %dma_start3A_133] : memref<10000x128xf32, #tpu.memory_space<vmem_shared>> -> memref<80x128xf32, #tpu.memory_space<vmem_shared>>
        tpu.enqueue_dma source(%dma_start3A_134 : memref<80x128xf32, #tpu.memory_space<vmem_shared>>) target(%dma_start3A_132 : memref<80x128xf32, #tpu.memory_space<hbm>>) target_semaphore(%run_scoped3A : memref<!tpu.dma_semaphore, #tpu.memory_space<semaphore_mem>>)
        %dma_wait3A_135 = arith.constant 0 : i32
        %dma_wait3A_136 = tpu.memref_slice %arg6[%add3A_130, %dma_wait3A_135] : memref<20000x128xf32, #tpu.memory_space<hbm>> -> memref<80x128xf32, #tpu.memory_space<hbm>>
        %dma_wait3A_137 = arith.constant 0 : i32
        %dma_wait3A_138 = tpu.memref_slice %arg16[%mul3A_125, %dma_wait3A_137] : memref<10000x128xf32, #tpu.memory_space<vmem_shared>> -> memref<80x128xf32, #tpu.memory_space<vmem_shared>>
        tpu.wait_dma2 semaphore(%run_scoped3A : memref<!tpu.dma_semaphore, #tpu.memory_space<semaphore_mem>>) src(%dma_wait3A_138 : memref<80x128xf32, #tpu.memory_space<vmem_shared>>) dst(%dma_wait3A_136 : memref<80x128xf32, #tpu.memory_space<hbm>>)
        tpu.yield
      }) : () -> ()
    } else {
    }
    %add3A_103 = arith.constant 80 : i32
    %add3A_104 = arith.addi %arg1, %add3A_103 : i32
    %lt3A_105 = arith.constant 125 : i32
    %lt3A_106 = arith.cmpi slt, %add3A_104, %lt3A_105 : i32
    %convert_element_type3A_107 = arith.extui %lt3A_106 : i1 to i32
    %cond3A_108 = arith.constant 0 : i32
    %cond3A_109 = arith.cmpi ne, %convert_element_type3A_107, %cond3A_108 : i32
    scf.if %cond3A_109 {
      %mul3A_124 = arith.constant 80 : i32
      %mul3A_125 = arith.muli %add3A_104, %mul3A_124 : i32
      %mul3A_126 = arith.constant 10000 : i32
      %mul3A_127 = arith.muli %arg0, %mul3A_126 : i32
      %mul3A_128 = arith.constant 80 : i32
      %mul3A_129 = arith.muli %add3A_104, %mul3A_128 : i32
      %add3A_130 = arith.addi %mul3A_127, %mul3A_129 : i32
      "tpu.region"() ({
        %run_scoped3A = tpu.sem_alloc : memref<!tpu.dma_semaphore, #tpu.memory_space<semaphore_mem>>
        %dma_start3A_131 = arith.constant 0 : i32
        %dma_start3A_132 = tpu.memref_slice %arg6[%add3A_130, %dma_start3A_131] : memref<20000x128xf32, #tpu.memory_space<hbm>> -> memref<80x128xf32, #tpu.memory_space<hbm>>
        %dma_start3A_133 = arith.constant 0 : i32
        %dma_start3A_134 = tpu.memref_slice %arg16[%mul3A_125, %dma_start3A_133] : memref<10000x128xf32, #tpu.memory_space<vmem_shared>> -> memref<80x128xf32, #tpu.memory_space<vmem_shared>>
        tpu.enqueue_dma source(%dma_start3A_134 : memref<80x128xf32, #tpu.memory_space<vmem_shared>>) target(%dma_start3A_132 : memref<80x128xf32, #tpu.memory_space<hbm>>) target_semaphore(%run_scoped3A : memref<!tpu.dma_semaphore, #tpu.memory_space<semaphore_mem>>)
        %dma_wait3A_135 = arith.constant 0 : i32
        %dma_wait3A_136 = tpu.memref_slice %arg6[%add3A_130, %dma_wait3A_135] : memref<20000x128xf32, #tpu.memory_space<hbm>> -> memref<80x128xf32, #tpu.memory_space<hbm>>
        %dma_wait3A_137 = arith.constant 0 : i32
        %dma_wait3A_138 = tpu.memref_slice %arg16[%mul3A_125, %dma_wait3A_137] : memref<10000x128xf32, #tpu.memory_space<vmem_shared>> -> memref<80x128xf32, #tpu.memory_space<vmem_shared>>
        tpu.wait_dma2 semaphore(%run_scoped3A : memref<!tpu.dma_semaphore, #tpu.memory_space<semaphore_mem>>) src(%dma_wait3A_138 : memref<80x128xf32, #tpu.memory_space<vmem_shared>>) dst(%dma_wait3A_136 : memref<80x128xf32, #tpu.memory_space<hbm>>)
        tpu.yield
      }) : () -> ()
    } else {
    }
    %add3A_110 = arith.constant 96 : i32
    %add3A_111 = arith.addi %arg1, %add3A_110 : i32
    %lt3A_112 = arith.constant 125 : i32
    %lt3A_113 = arith.cmpi slt, %add3A_111, %lt3A_112 : i32
    %convert_element_type3A_114 = arith.extui %lt3A_113 : i1 to i32
    %cond3A_115 = arith.constant 0 : i32
    %cond3A_116 = arith.cmpi ne, %convert_element_type3A_114, %cond3A_115 : i32
    scf.if %cond3A_116 {
      %mul3A_124 = arith.constant 80 : i32
      %mul3A_125 = arith.muli %add3A_111, %mul3A_124 : i32
      %mul3A_126 = arith.constant 10000 : i32
      %mul3A_127 = arith.muli %arg0, %mul3A_126 : i32
      %mul3A_128 = arith.constant 80 : i32
      %mul3A_129 = arith.muli %add3A_111, %mul3A_128 : i32
      %add3A_130 = arith.addi %mul3A_127, %mul3A_129 : i32
      "tpu.region"() ({
        %run_scoped3A = tpu.sem_alloc : memref<!tpu.dma_semaphore, #tpu.memory_space<semaphore_mem>>
        %dma_start3A_131 = arith.constant 0 : i32
        %dma_start3A_132 = tpu.memref_slice %arg6[%add3A_130, %dma_start3A_131] : memref<20000x128xf32, #tpu.memory_space<hbm>> -> memref<80x128xf32, #tpu.memory_space<hbm>>
        %dma_start3A_133 = arith.constant 0 : i32
        %dma_start3A_134 = tpu.memref_slice %arg16[%mul3A_125, %dma_start3A_133] : memref<10000x128xf32, #tpu.memory_space<vmem_shared>> -> memref<80x128xf32, #tpu.memory_space<vmem_shared>>
        tpu.enqueue_dma source(%dma_start3A_134 : memref<80x128xf32, #tpu.memory_space<vmem_shared>>) target(%dma_start3A_132 : memref<80x128xf32, #tpu.memory_space<hbm>>) target_semaphore(%run_scoped3A : memref<!tpu.dma_semaphore, #tpu.memory_space<semaphore_mem>>)
        %dma_wait3A_135 = arith.constant 0 : i32
        %dma_wait3A_136 = tpu.memref_slice %arg6[%add3A_130, %dma_wait3A_135] : memref<20000x128xf32, #tpu.memory_space<hbm>> -> memref<80x128xf32, #tpu.memory_space<hbm>>
        %dma_wait3A_137 = arith.constant 0 : i32
        %dma_wait3A_138 = tpu.memref_slice %arg16[%mul3A_125, %dma_wait3A_137] : memref<10000x128xf32, #tpu.memory_space<vmem_shared>> -> memref<80x128xf32, #tpu.memory_space<vmem_shared>>
        tpu.wait_dma2 semaphore(%run_scoped3A : memref<!tpu.dma_semaphore, #tpu.memory_space<semaphore_mem>>) src(%dma_wait3A_138 : memref<80x128xf32, #tpu.memory_space<vmem_shared>>) dst(%dma_wait3A_136 : memref<80x128xf32, #tpu.memory_space<hbm>>)
        tpu.yield
      }) : () -> ()
    } else {
    }
    %add3A_117 = arith.constant 112 : i32
    %add3A_118 = arith.addi %arg1, %add3A_117 : i32
    %lt3A_119 = arith.constant 125 : i32
    %lt3A_120 = arith.cmpi slt, %add3A_118, %lt3A_119 : i32
    %convert_element_type3A_121 = arith.extui %lt3A_120 : i1 to i32
    %cond3A_122 = arith.constant 0 : i32
    %cond3A_123 = arith.cmpi ne, %convert_element_type3A_121, %cond3A_122 : i32
    scf.if %cond3A_123 {
      %mul3A_124 = arith.constant 80 : i32
      %mul3A_125 = arith.muli %add3A_118, %mul3A_124 : i32
      %mul3A_126 = arith.constant 10000 : i32
      %mul3A_127 = arith.muli %arg0, %mul3A_126 : i32
      %mul3A_128 = arith.constant 80 : i32
      %mul3A_129 = arith.muli %add3A_118, %mul3A_128 : i32
      %add3A_130 = arith.addi %mul3A_127, %mul3A_129 : i32
      "tpu.region"() ({
        %run_scoped3A = tpu.sem_alloc : memref<!tpu.dma_semaphore, #tpu.memory_space<semaphore_mem>>
        %dma_start3A_131 = arith.constant 0 : i32
        %dma_start3A_132 = tpu.memref_slice %arg6[%add3A_130, %dma_start3A_131] : memref<20000x128xf32, #tpu.memory_space<hbm>> -> memref<80x128xf32, #tpu.memory_space<hbm>>
        %dma_start3A_133 = arith.constant 0 : i32
        %dma_start3A_134 = tpu.memref_slice %arg16[%mul3A_125, %dma_start3A_133] : memref<10000x128xf32, #tpu.memory_space<vmem_shared>> -> memref<80x128xf32, #tpu.memory_space<vmem_shared>>
        tpu.enqueue_dma source(%dma_start3A_134 : memref<80x128xf32, #tpu.memory_space<vmem_shared>>) target(%dma_start3A_132 : memref<80x128xf32, #tpu.memory_space<hbm>>) target_semaphore(%run_scoped3A : memref<!tpu.dma_semaphore, #tpu.memory_space<semaphore_mem>>)
        %dma_wait3A_135 = arith.constant 0 : i32
        %dma_wait3A_136 = tpu.memref_slice %arg6[%add3A_130, %dma_wait3A_135] : memref<20000x128xf32, #tpu.memory_space<hbm>> -> memref<80x128xf32, #tpu.memory_space<hbm>>
        %dma_wait3A_137 = arith.constant 0 : i32
        %dma_wait3A_138 = tpu.memref_slice %arg16[%mul3A_125, %dma_wait3A_137] : memref<10000x128xf32, #tpu.memory_space<vmem_shared>> -> memref<80x128xf32, #tpu.memory_space<vmem_shared>>
        tpu.wait_dma2 semaphore(%run_scoped3A : memref<!tpu.dma_semaphore, #tpu.memory_space<semaphore_mem>>) src(%dma_wait3A_138 : memref<80x128xf32, #tpu.memory_space<vmem_shared>>) dst(%dma_wait3A_136 : memref<80x128xf32, #tpu.memory_space<hbm>>)
        tpu.yield
      }) : () -> ()
    } else {
    }
    return
  }
}

#map = affine_map<(d0, d1) -> (0, 0)>
#map1 = affine_map<(d0, d1) -> (0)>
module attributes {stable_mosaic.version = 14 : i64} {
  func.func @_sc_aggregate(%arg0: i32, %arg1: i32, %arg2: memref<10000x128xf32, #tpu.memory_space<hbm>>, %arg3: memref<320000xi32, #tpu.memory_space<hbm>>, %arg4: memref<320000xi32, #tpu.memory_space<hbm>>, %arg5: memref<80x128xf32, #tpu.memory_space<hbm>>, %arg6: memref<20000x128xf32, #tpu.memory_space<hbm>>, %arg7: memref<128xi32, #tpu.memory_space<vmem>>, %arg8: memref<128xi32, #tpu.memory_space<vmem>>, %arg9: memref<128xi32, #tpu.memory_space<vmem>>, %arg10: memref<128xi32, #tpu.memory_space<vmem>>, %arg11: memref<128x128xf32, #tpu.memory_space<vmem>>, %arg12: memref<128x128xf32, #tpu.memory_space<vmem>>, %arg13: memref<16xi32, #tpu.memory_space<vmem>>, %arg14: memref<16xi32, #tpu.memory_space<vmem>>, %arg15: memref<16x128xf32, #tpu.memory_space<vmem>>, %arg16: memref<10000x128xf32, #tpu.memory_space<vmem_shared>>, %arg17: memref<!tpu.dma_semaphore, #tpu.memory_space<semaphore_mem>>, %arg18: memref<!tpu.dma_semaphore, #tpu.memory_space<semaphore_mem>>, %arg19: memref<!tpu.dma_semaphore, #tpu.memory_space<semaphore_mem>>, %arg20: memref<!tpu.dma_semaphore, #tpu.memory_space<semaphore_mem>>) attributes {dimension_semantics = [#tpu.dimension_semantics<core_parallel>, #tpu.dimension_semantics<subcore_parallel>], iteration_bounds = array<i64: 2, 16>, scalar_prefetch = 0 : i64, scratch_operands = 14 : i64, tpu.core_type = #tpu.core_type<sc_vector_subcore>, window_params = [{transform_indices = #map}, {transform_indices = #map1}, {transform_indices = #map1}, {transform_indices = #map}, {transform_indices = #map}]} {
    "tpu.region"() ({
      %run_scoped3A = tpu.sem_alloc : memref<!tpu.dma_semaphore, #tpu.memory_space<semaphore_mem>>
      %dma_start3A_124 = arith.constant 0 : i32
      %dma_start3A_125 = arith.constant 0 : i32
      %dma_start3A_126 = tpu.memref_slice %arg11[%dma_start3A_124, %dma_start3A_125] : memref<128x128xf32, #tpu.memory_space<vmem>> -> memref<80x128xf32, #tpu.memory_space<vmem>>
      %dma_start3A_127 = arith.constant 0 : i32
      %dma_start3A_128 = arith.constant 0 : i32
      %dma_start3A_129 = tpu.memref_slice %arg11[%dma_start3A_127, %dma_start3A_128] : memref<128x128xf32, #tpu.memory_space<vmem>> -> memref<80x128xf32, #tpu.memory_space<vmem>>
      tpu.enqueue_dma source(%arg5 : memref<80x128xf32, #tpu.memory_space<hbm>>) target(%dma_start3A_129 : memref<80x128xf32, #tpu.memory_space<vmem>>) target_semaphore(%run_scoped3A : memref<!tpu.dma_semaphore, #tpu.memory_space<semaphore_mem>>)
      %dma_wait3A_130 = arith.constant 0 : i32
      %dma_wait3A_131 = arith.constant 0 : i32
      %dma_wait3A_132 = tpu.memref_slice %arg11[%dma_wait3A_130, %dma_wait3A_131] : memref<128x128xf32, #tpu.memory_space<vmem>> -> memref<80x128xf32, #tpu.memory_space<vmem>>
      %dma_wait3A_133 = arith.constant 0 : i32
      %dma_wait3A_134 = arith.constant 0 : i32
      %dma_wait3A_135 = tpu.memref_slice %arg11[%dma_wait3A_133, %dma_wait3A_134] : memref<128x128xf32, #tpu.memory_space<vmem>> -> memref<80x128xf32, #tpu.memory_space<vmem>>
      tpu.wait_dma2 semaphore(%run_scoped3A : memref<!tpu.dma_semaphore, #tpu.memory_space<semaphore_mem>>) src(%arg5 : memref<80x128xf32, #tpu.memory_space<hbm>>) dst(%dma_wait3A_135 : memref<80x128xf32, #tpu.memory_space<vmem>>)
      tpu.yield
    }) : () -> ()
    %add3A = arith.constant 0 : i32
    %add3A_0 = arith.addi %arg1, %add3A : i32
    %lt3A = arith.constant 125 : i32
    %lt3A_1 = arith.cmpi slt, %add3A_0, %lt3A : i32
    %convert_element_type3A = arith.extui %lt3A_1 : i1 to i32
    %cond3A = arith.constant 0 : i32
    %cond3A_2 = arith.cmpi ne, %convert_element_type3A, %cond3A : i32
    scf.if %cond3A_2 {
      %mul3A_124 = arith.constant 80 : i32
      %mul3A_125 = arith.muli %add3A_0, %mul3A_124 : i32
      "tpu.region"() ({
        %run_scoped3A = tpu.sem_alloc : memref<!tpu.dma_semaphore, #tpu.memory_space<semaphore_mem>>
        %dma_start3A_126 = arith.constant 0 : i32
        %dma_start3A_127 = arith.constant 0 : i32
        %dma_start3A_128 = tpu.memref_slice %arg11[%dma_start3A_126, %dma_start3A_127] : memref<128x128xf32, #tpu.memory_space<vmem>> -> memref<80x128xf32, #tpu.memory_space<vmem>>
        %dma_start3A_129 = arith.constant 0 : i32
        %dma_start3A_130 = tpu.memref_slice %arg16[%mul3A_125, %dma_start3A_129] : memref<10000x128xf32, #tpu.memory_space<vmem_shared>> -> memref<80x128xf32, #tpu.memory_space<vmem_shared>>
        %dma_start3A_131 = arith.constant 0 : i32
        %dma_start3A_132 = tpu.memref_slice %arg16[%mul3A_125, %dma_start3A_131] : memref<10000x128xf32, #tpu.memory_space<vmem_shared>> -> memref<80x128xf32, #tpu.memory_space<vmem_shared>>
        %dma_start3A_133 = arith.constant 0 : i32
        %dma_start3A_134 = arith.constant 0 : i32
        %dma_start3A_135 = tpu.memref_slice %arg11[%dma_start3A_133, %dma_start3A_134] : memref<128x128xf32, #tpu.memory_space<vmem>> -> memref<80x128xf32, #tpu.memory_space<vmem>>
        tpu.enqueue_dma source(%dma_start3A_135 : memref<80x128xf32, #tpu.memory_space<vmem>>) target(%dma_start3A_132 : memref<80x128xf32, #tpu.memory_space<vmem_shared>>) target_semaphore(%run_scoped3A : memref<!tpu.dma_semaphore, #tpu.memory_space<semaphore_mem>>)
        %dma_wait3A_136 = arith.constant 0 : i32
        %dma_wait3A_137 = arith.constant 0 : i32
        %dma_wait3A_138 = tpu.memref_slice %arg11[%dma_wait3A_136, %dma_wait3A_137] : memref<128x128xf32, #tpu.memory_space<vmem>> -> memref<80x128xf32, #tpu.memory_space<vmem>>
        %dma_wait3A_139 = arith.constant 0 : i32
        %dma_wait3A_140 = tpu.memref_slice %arg16[%mul3A_125, %dma_wait3A_139] : memref<10000x128xf32, #tpu.memory_space<vmem_shared>> -> memref<80x128xf32, #tpu.memory_space<vmem_shared>>
        %dma_wait3A_141 = arith.constant 0 : i32
        %dma_wait3A_142 = tpu.memref_slice %arg16[%mul3A_125, %dma_wait3A_141] : memref<10000x128xf32, #tpu.memory_space<vmem_shared>> -> memref<80x128xf32, #tpu.memory_space<vmem_shared>>
        %dma_wait3A_143 = arith.constant 0 : i32
        %dma_wait3A_144 = arith.constant 0 : i32
        %dma_wait3A_145 = tpu.memref_slice %arg11[%dma_wait3A_143, %dma_wait3A_144] : memref<128x128xf32, #tpu.memory_space<vmem>> -> memref<80x128xf32, #tpu.memory_space<vmem>>
        tpu.wait_dma2 semaphore(%run_scoped3A : memref<!tpu.dma_semaphore, #tpu.memory_space<semaphore_mem>>) src(%dma_wait3A_145 : memref<80x128xf32, #tpu.memory_space<vmem>>) dst(%dma_wait3A_142 : memref<80x128xf32, #tpu.memory_space<vmem_shared>>)
        tpu.yield
      }) : () -> ()
    } else {
    }
    %add3A_3 = arith.constant 16 : i32
    %add3A_4 = arith.addi %arg1, %add3A_3 : i32
    %lt3A_5 = arith.constant 125 : i32
    %lt3A_6 = arith.cmpi slt, %add3A_4, %lt3A_5 : i32
    %convert_element_type3A_7 = arith.extui %lt3A_6 : i1 to i32
    %cond3A_8 = arith.constant 0 : i32
    %cond3A_9 = arith.cmpi ne, %convert_element_type3A_7, %cond3A_8 : i32
    scf.if %cond3A_9 {
      %mul3A_124 = arith.constant 80 : i32
      %mul3A_125 = arith.muli %add3A_4, %mul3A_124 : i32
      "tpu.region"() ({
        %run_scoped3A = tpu.sem_alloc : memref<!tpu.dma_semaphore, #tpu.memory_space<semaphore_mem>>
        %dma_start3A_126 = arith.constant 0 : i32
        %dma_start3A_127 = arith.constant 0 : i32
        %dma_start3A_128 = tpu.memref_slice %arg11[%dma_start3A_126, %dma_start3A_127] : memref<128x128xf32, #tpu.memory_space<vmem>> -> memref<80x128xf32, #tpu.memory_space<vmem>>
        %dma_start3A_129 = arith.constant 0 : i32
        %dma_start3A_130 = tpu.memref_slice %arg16[%mul3A_125, %dma_start3A_129] : memref<10000x128xf32, #tpu.memory_space<vmem_shared>> -> memref<80x128xf32, #tpu.memory_space<vmem_shared>>
        %dma_start3A_131 = arith.constant 0 : i32
        %dma_start3A_132 = tpu.memref_slice %arg16[%mul3A_125, %dma_start3A_131] : memref<10000x128xf32, #tpu.memory_space<vmem_shared>> -> memref<80x128xf32, #tpu.memory_space<vmem_shared>>
        %dma_start3A_133 = arith.constant 0 : i32
        %dma_start3A_134 = arith.constant 0 : i32
        %dma_start3A_135 = tpu.memref_slice %arg11[%dma_start3A_133, %dma_start3A_134] : memref<128x128xf32, #tpu.memory_space<vmem>> -> memref<80x128xf32, #tpu.memory_space<vmem>>
        tpu.enqueue_dma source(%dma_start3A_135 : memref<80x128xf32, #tpu.memory_space<vmem>>) target(%dma_start3A_132 : memref<80x128xf32, #tpu.memory_space<vmem_shared>>) target_semaphore(%run_scoped3A : memref<!tpu.dma_semaphore, #tpu.memory_space<semaphore_mem>>)
        %dma_wait3A_136 = arith.constant 0 : i32
        %dma_wait3A_137 = arith.constant 0 : i32
        %dma_wait3A_138 = tpu.memref_slice %arg11[%dma_wait3A_136, %dma_wait3A_137] : memref<128x128xf32, #tpu.memory_space<vmem>> -> memref<80x128xf32, #tpu.memory_space<vmem>>
        %dma_wait3A_139 = arith.constant 0 : i32
        %dma_wait3A_140 = tpu.memref_slice %arg16[%mul3A_125, %dma_wait3A_139] : memref<10000x128xf32, #tpu.memory_space<vmem_shared>> -> memref<80x128xf32, #tpu.memory_space<vmem_shared>>
        %dma_wait3A_141 = arith.constant 0 : i32
        %dma_wait3A_142 = tpu.memref_slice %arg16[%mul3A_125, %dma_wait3A_141] : memref<10000x128xf32, #tpu.memory_space<vmem_shared>> -> memref<80x128xf32, #tpu.memory_space<vmem_shared>>
        %dma_wait3A_143 = arith.constant 0 : i32
        %dma_wait3A_144 = arith.constant 0 : i32
        %dma_wait3A_145 = tpu.memref_slice %arg11[%dma_wait3A_143, %dma_wait3A_144] : memref<128x128xf32, #tpu.memory_space<vmem>> -> memref<80x128xf32, #tpu.memory_space<vmem>>
        tpu.wait_dma2 semaphore(%run_scoped3A : memref<!tpu.dma_semaphore, #tpu.memory_space<semaphore_mem>>) src(%dma_wait3A_145 : memref<80x128xf32, #tpu.memory_space<vmem>>) dst(%dma_wait3A_142 : memref<80x128xf32, #tpu.memory_space<vmem_shared>>)
        tpu.yield
      }) : () -> ()
    } else {
    }
    %add3A_10 = arith.constant 32 : i32
    %add3A_11 = arith.addi %arg1, %add3A_10 : i32
    %lt3A_12 = arith.constant 125 : i32
    %lt3A_13 = arith.cmpi slt, %add3A_11, %lt3A_12 : i32
    %convert_element_type3A_14 = arith.extui %lt3A_13 : i1 to i32
    %cond3A_15 = arith.constant 0 : i32
    %cond3A_16 = arith.cmpi ne, %convert_element_type3A_14, %cond3A_15 : i32
    scf.if %cond3A_16 {
      %mul3A_124 = arith.constant 80 : i32
      %mul3A_125 = arith.muli %add3A_11, %mul3A_124 : i32
      "tpu.region"() ({
        %run_scoped3A = tpu.sem_alloc : memref<!tpu.dma_semaphore, #tpu.memory_space<semaphore_mem>>
        %dma_start3A_126 = arith.constant 0 : i32
        %dma_start3A_127 = arith.constant 0 : i32
        %dma_start3A_128 = tpu.memref_slice %arg11[%dma_start3A_126, %dma_start3A_127] : memref<128x128xf32, #tpu.memory_space<vmem>> -> memref<80x128xf32, #tpu.memory_space<vmem>>
        %dma_start3A_129 = arith.constant 0 : i32
        %dma_start3A_130 = tpu.memref_slice %arg16[%mul3A_125, %dma_start3A_129] : memref<10000x128xf32, #tpu.memory_space<vmem_shared>> -> memref<80x128xf32, #tpu.memory_space<vmem_shared>>
        %dma_start3A_131 = arith.constant 0 : i32
        %dma_start3A_132 = tpu.memref_slice %arg16[%mul3A_125, %dma_start3A_131] : memref<10000x128xf32, #tpu.memory_space<vmem_shared>> -> memref<80x128xf32, #tpu.memory_space<vmem_shared>>
        %dma_start3A_133 = arith.constant 0 : i32
        %dma_start3A_134 = arith.constant 0 : i32
        %dma_start3A_135 = tpu.memref_slice %arg11[%dma_start3A_133, %dma_start3A_134] : memref<128x128xf32, #tpu.memory_space<vmem>> -> memref<80x128xf32, #tpu.memory_space<vmem>>
        tpu.enqueue_dma source(%dma_start3A_135 : memref<80x128xf32, #tpu.memory_space<vmem>>) target(%dma_start3A_132 : memref<80x128xf32, #tpu.memory_space<vmem_shared>>) target_semaphore(%run_scoped3A : memref<!tpu.dma_semaphore, #tpu.memory_space<semaphore_mem>>)
        %dma_wait3A_136 = arith.constant 0 : i32
        %dma_wait3A_137 = arith.constant 0 : i32
        %dma_wait3A_138 = tpu.memref_slice %arg11[%dma_wait3A_136, %dma_wait3A_137] : memref<128x128xf32, #tpu.memory_space<vmem>> -> memref<80x128xf32, #tpu.memory_space<vmem>>
        %dma_wait3A_139 = arith.constant 0 : i32
        %dma_wait3A_140 = tpu.memref_slice %arg16[%mul3A_125, %dma_wait3A_139] : memref<10000x128xf32, #tpu.memory_space<vmem_shared>> -> memref<80x128xf32, #tpu.memory_space<vmem_shared>>
        %dma_wait3A_141 = arith.constant 0 : i32
        %dma_wait3A_142 = tpu.memref_slice %arg16[%mul3A_125, %dma_wait3A_141] : memref<10000x128xf32, #tpu.memory_space<vmem_shared>> -> memref<80x128xf32, #tpu.memory_space<vmem_shared>>
        %dma_wait3A_143 = arith.constant 0 : i32
        %dma_wait3A_144 = arith.constant 0 : i32
        %dma_wait3A_145 = tpu.memref_slice %arg11[%dma_wait3A_143, %dma_wait3A_144] : memref<128x128xf32, #tpu.memory_space<vmem>> -> memref<80x128xf32, #tpu.memory_space<vmem>>
        tpu.wait_dma2 semaphore(%run_scoped3A : memref<!tpu.dma_semaphore, #tpu.memory_space<semaphore_mem>>) src(%dma_wait3A_145 : memref<80x128xf32, #tpu.memory_space<vmem>>) dst(%dma_wait3A_142 : memref<80x128xf32, #tpu.memory_space<vmem_shared>>)
        tpu.yield
      }) : () -> ()
    } else {
    }
    %add3A_17 = arith.constant 48 : i32
    %add3A_18 = arith.addi %arg1, %add3A_17 : i32
    %lt3A_19 = arith.constant 125 : i32
    %lt3A_20 = arith.cmpi slt, %add3A_18, %lt3A_19 : i32
    %convert_element_type3A_21 = arith.extui %lt3A_20 : i1 to i32
    %cond3A_22 = arith.constant 0 : i32
    %cond3A_23 = arith.cmpi ne, %convert_element_type3A_21, %cond3A_22 : i32
    scf.if %cond3A_23 {
      %mul3A_124 = arith.constant 80 : i32
      %mul3A_125 = arith.muli %add3A_18, %mul3A_124 : i32
      "tpu.region"() ({
        %run_scoped3A = tpu.sem_alloc : memref<!tpu.dma_semaphore, #tpu.memory_space<semaphore_mem>>
        %dma_start3A_126 = arith.constant 0 : i32
        %dma_start3A_127 = arith.constant 0 : i32
        %dma_start3A_128 = tpu.memref_slice %arg11[%dma_start3A_126, %dma_start3A_127] : memref<128x128xf32, #tpu.memory_space<vmem>> -> memref<80x128xf32, #tpu.memory_space<vmem>>
        %dma_start3A_129 = arith.constant 0 : i32
        %dma_start3A_130 = tpu.memref_slice %arg16[%mul3A_125, %dma_start3A_129] : memref<10000x128xf32, #tpu.memory_space<vmem_shared>> -> memref<80x128xf32, #tpu.memory_space<vmem_shared>>
        %dma_start3A_131 = arith.constant 0 : i32
        %dma_start3A_132 = tpu.memref_slice %arg16[%mul3A_125, %dma_start3A_131] : memref<10000x128xf32, #tpu.memory_space<vmem_shared>> -> memref<80x128xf32, #tpu.memory_space<vmem_shared>>
        %dma_start3A_133 = arith.constant 0 : i32
        %dma_start3A_134 = arith.constant 0 : i32
        %dma_start3A_135 = tpu.memref_slice %arg11[%dma_start3A_133, %dma_start3A_134] : memref<128x128xf32, #tpu.memory_space<vmem>> -> memref<80x128xf32, #tpu.memory_space<vmem>>
        tpu.enqueue_dma source(%dma_start3A_135 : memref<80x128xf32, #tpu.memory_space<vmem>>) target(%dma_start3A_132 : memref<80x128xf32, #tpu.memory_space<vmem_shared>>) target_semaphore(%run_scoped3A : memref<!tpu.dma_semaphore, #tpu.memory_space<semaphore_mem>>)
        %dma_wait3A_136 = arith.constant 0 : i32
        %dma_wait3A_137 = arith.constant 0 : i32
        %dma_wait3A_138 = tpu.memref_slice %arg11[%dma_wait3A_136, %dma_wait3A_137] : memref<128x128xf32, #tpu.memory_space<vmem>> -> memref<80x128xf32, #tpu.memory_space<vmem>>
        %dma_wait3A_139 = arith.constant 0 : i32
        %dma_wait3A_140 = tpu.memref_slice %arg16[%mul3A_125, %dma_wait3A_139] : memref<10000x128xf32, #tpu.memory_space<vmem_shared>> -> memref<80x128xf32, #tpu.memory_space<vmem_shared>>
        %dma_wait3A_141 = arith.constant 0 : i32
        %dma_wait3A_142 = tpu.memref_slice %arg16[%mul3A_125, %dma_wait3A_141] : memref<10000x128xf32, #tpu.memory_space<vmem_shared>> -> memref<80x128xf32, #tpu.memory_space<vmem_shared>>
        %dma_wait3A_143 = arith.constant 0 : i32
        %dma_wait3A_144 = arith.constant 0 : i32
        %dma_wait3A_145 = tpu.memref_slice %arg11[%dma_wait3A_143, %dma_wait3A_144] : memref<128x128xf32, #tpu.memory_space<vmem>> -> memref<80x128xf32, #tpu.memory_space<vmem>>
        tpu.wait_dma2 semaphore(%run_scoped3A : memref<!tpu.dma_semaphore, #tpu.memory_space<semaphore_mem>>) src(%dma_wait3A_145 : memref<80x128xf32, #tpu.memory_space<vmem>>) dst(%dma_wait3A_142 : memref<80x128xf32, #tpu.memory_space<vmem_shared>>)
        tpu.yield
      }) : () -> ()
    } else {
    }
    %add3A_24 = arith.constant 64 : i32
    %add3A_25 = arith.addi %arg1, %add3A_24 : i32
    %lt3A_26 = arith.constant 125 : i32
    %lt3A_27 = arith.cmpi slt, %add3A_25, %lt3A_26 : i32
    %convert_element_type3A_28 = arith.extui %lt3A_27 : i1 to i32
    %cond3A_29 = arith.constant 0 : i32
    %cond3A_30 = arith.cmpi ne, %convert_element_type3A_28, %cond3A_29 : i32
    scf.if %cond3A_30 {
      %mul3A_124 = arith.constant 80 : i32
      %mul3A_125 = arith.muli %add3A_25, %mul3A_124 : i32
      "tpu.region"() ({
        %run_scoped3A = tpu.sem_alloc : memref<!tpu.dma_semaphore, #tpu.memory_space<semaphore_mem>>
        %dma_start3A_126 = arith.constant 0 : i32
        %dma_start3A_127 = arith.constant 0 : i32
        %dma_start3A_128 = tpu.memref_slice %arg11[%dma_start3A_126, %dma_start3A_127] : memref<128x128xf32, #tpu.memory_space<vmem>> -> memref<80x128xf32, #tpu.memory_space<vmem>>
        %dma_start3A_129 = arith.constant 0 : i32
        %dma_start3A_130 = tpu.memref_slice %arg16[%mul3A_125, %dma_start3A_129] : memref<10000x128xf32, #tpu.memory_space<vmem_shared>> -> memref<80x128xf32, #tpu.memory_space<vmem_shared>>
        %dma_start3A_131 = arith.constant 0 : i32
        %dma_start3A_132 = tpu.memref_slice %arg16[%mul3A_125, %dma_start3A_131] : memref<10000x128xf32, #tpu.memory_space<vmem_shared>> -> memref<80x128xf32, #tpu.memory_space<vmem_shared>>
        %dma_start3A_133 = arith.constant 0 : i32
        %dma_start3A_134 = arith.constant 0 : i32
        %dma_start3A_135 = tpu.memref_slice %arg11[%dma_start3A_133, %dma_start3A_134] : memref<128x128xf32, #tpu.memory_space<vmem>> -> memref<80x128xf32, #tpu.memory_space<vmem>>
        tpu.enqueue_dma source(%dma_start3A_135 : memref<80x128xf32, #tpu.memory_space<vmem>>) target(%dma_start3A_132 : memref<80x128xf32, #tpu.memory_space<vmem_shared>>) target_semaphore(%run_scoped3A : memref<!tpu.dma_semaphore, #tpu.memory_space<semaphore_mem>>)
        %dma_wait3A_136 = arith.constant 0 : i32
        %dma_wait3A_137 = arith.constant 0 : i32
        %dma_wait3A_138 = tpu.memref_slice %arg11[%dma_wait3A_136, %dma_wait3A_137] : memref<128x128xf32, #tpu.memory_space<vmem>> -> memref<80x128xf32, #tpu.memory_space<vmem>>
        %dma_wait3A_139 = arith.constant 0 : i32
        %dma_wait3A_140 = tpu.memref_slice %arg16[%mul3A_125, %dma_wait3A_139] : memref<10000x128xf32, #tpu.memory_space<vmem_shared>> -> memref<80x128xf32, #tpu.memory_space<vmem_shared>>
        %dma_wait3A_141 = arith.constant 0 : i32
        %dma_wait3A_142 = tpu.memref_slice %arg16[%mul3A_125, %dma_wait3A_141] : memref<10000x128xf32, #tpu.memory_space<vmem_shared>> -> memref<80x128xf32, #tpu.memory_space<vmem_shared>>
        %dma_wait3A_143 = arith.constant 0 : i32
        %dma_wait3A_144 = arith.constant 0 : i32
        %dma_wait3A_145 = tpu.memref_slice %arg11[%dma_wait3A_143, %dma_wait3A_144] : memref<128x128xf32, #tpu.memory_space<vmem>> -> memref<80x128xf32, #tpu.memory_space<vmem>>
        tpu.wait_dma2 semaphore(%run_scoped3A : memref<!tpu.dma_semaphore, #tpu.memory_space<semaphore_mem>>) src(%dma_wait3A_145 : memref<80x128xf32, #tpu.memory_space<vmem>>) dst(%dma_wait3A_142 : memref<80x128xf32, #tpu.memory_space<vmem_shared>>)
        tpu.yield
      }) : () -> ()
    } else {
    }
    %add3A_31 = arith.constant 80 : i32
    %add3A_32 = arith.addi %arg1, %add3A_31 : i32
    %lt3A_33 = arith.constant 125 : i32
    %lt3A_34 = arith.cmpi slt, %add3A_32, %lt3A_33 : i32
    %convert_element_type3A_35 = arith.extui %lt3A_34 : i1 to i32
    %cond3A_36 = arith.constant 0 : i32
    %cond3A_37 = arith.cmpi ne, %convert_element_type3A_35, %cond3A_36 : i32
    scf.if %cond3A_37 {
      %mul3A_124 = arith.constant 80 : i32
      %mul3A_125 = arith.muli %add3A_32, %mul3A_124 : i32
      "tpu.region"() ({
        %run_scoped3A = tpu.sem_alloc : memref<!tpu.dma_semaphore, #tpu.memory_space<semaphore_mem>>
        %dma_start3A_126 = arith.constant 0 : i32
        %dma_start3A_127 = arith.constant 0 : i32
        %dma_start3A_128 = tpu.memref_slice %arg11[%dma_start3A_126, %dma_start3A_127] : memref<128x128xf32, #tpu.memory_space<vmem>> -> memref<80x128xf32, #tpu.memory_space<vmem>>
        %dma_start3A_129 = arith.constant 0 : i32
        %dma_start3A_130 = tpu.memref_slice %arg16[%mul3A_125, %dma_start3A_129] : memref<10000x128xf32, #tpu.memory_space<vmem_shared>> -> memref<80x128xf32, #tpu.memory_space<vmem_shared>>
        %dma_start3A_131 = arith.constant 0 : i32
        %dma_start3A_132 = tpu.memref_slice %arg16[%mul3A_125, %dma_start3A_131] : memref<10000x128xf32, #tpu.memory_space<vmem_shared>> -> memref<80x128xf32, #tpu.memory_space<vmem_shared>>
        %dma_start3A_133 = arith.constant 0 : i32
        %dma_start3A_134 = arith.constant 0 : i32
        %dma_start3A_135 = tpu.memref_slice %arg11[%dma_start3A_133, %dma_start3A_134] : memref<128x128xf32, #tpu.memory_space<vmem>> -> memref<80x128xf32, #tpu.memory_space<vmem>>
        tpu.enqueue_dma source(%dma_start3A_135 : memref<80x128xf32, #tpu.memory_space<vmem>>) target(%dma_start3A_132 : memref<80x128xf32, #tpu.memory_space<vmem_shared>>) target_semaphore(%run_scoped3A : memref<!tpu.dma_semaphore, #tpu.memory_space<semaphore_mem>>)
        %dma_wait3A_136 = arith.constant 0 : i32
        %dma_wait3A_137 = arith.constant 0 : i32
        %dma_wait3A_138 = tpu.memref_slice %arg11[%dma_wait3A_136, %dma_wait3A_137] : memref<128x128xf32, #tpu.memory_space<vmem>> -> memref<80x128xf32, #tpu.memory_space<vmem>>
        %dma_wait3A_139 = arith.constant 0 : i32
        %dma_wait3A_140 = tpu.memref_slice %arg16[%mul3A_125, %dma_wait3A_139] : memref<10000x128xf32, #tpu.memory_space<vmem_shared>> -> memref<80x128xf32, #tpu.memory_space<vmem_shared>>
        %dma_wait3A_141 = arith.constant 0 : i32
        %dma_wait3A_142 = tpu.memref_slice %arg16[%mul3A_125, %dma_wait3A_141] : memref<10000x128xf32, #tpu.memory_space<vmem_shared>> -> memref<80x128xf32, #tpu.memory_space<vmem_shared>>
        %dma_wait3A_143 = arith.constant 0 : i32
        %dma_wait3A_144 = arith.constant 0 : i32
        %dma_wait3A_145 = tpu.memref_slice %arg11[%dma_wait3A_143, %dma_wait3A_144] : memref<128x128xf32, #tpu.memory_space<vmem>> -> memref<80x128xf32, #tpu.memory_space<vmem>>
        tpu.wait_dma2 semaphore(%run_scoped3A : memref<!tpu.dma_semaphore, #tpu.memory_space<semaphore_mem>>) src(%dma_wait3A_145 : memref<80x128xf32, #tpu.memory_space<vmem>>) dst(%dma_wait3A_142 : memref<80x128xf32, #tpu.memory_space<vmem_shared>>)
        tpu.yield
      }) : () -> ()
    } else {
    }
    %add3A_38 = arith.constant 96 : i32
    %add3A_39 = arith.addi %arg1, %add3A_38 : i32
    %lt3A_40 = arith.constant 125 : i32
    %lt3A_41 = arith.cmpi slt, %add3A_39, %lt3A_40 : i32
    %convert_element_type3A_42 = arith.extui %lt3A_41 : i1 to i32
    %cond3A_43 = arith.constant 0 : i32
    %cond3A_44 = arith.cmpi ne, %convert_element_type3A_42, %cond3A_43 : i32
    scf.if %cond3A_44 {
      %mul3A_124 = arith.constant 80 : i32
      %mul3A_125 = arith.muli %add3A_39, %mul3A_124 : i32
      "tpu.region"() ({
        %run_scoped3A = tpu.sem_alloc : memref<!tpu.dma_semaphore, #tpu.memory_space<semaphore_mem>>
        %dma_start3A_126 = arith.constant 0 : i32
        %dma_start3A_127 = arith.constant 0 : i32
        %dma_start3A_128 = tpu.memref_slice %arg11[%dma_start3A_126, %dma_start3A_127] : memref<128x128xf32, #tpu.memory_space<vmem>> -> memref<80x128xf32, #tpu.memory_space<vmem>>
        %dma_start3A_129 = arith.constant 0 : i32
        %dma_start3A_130 = tpu.memref_slice %arg16[%mul3A_125, %dma_start3A_129] : memref<10000x128xf32, #tpu.memory_space<vmem_shared>> -> memref<80x128xf32, #tpu.memory_space<vmem_shared>>
        %dma_start3A_131 = arith.constant 0 : i32
        %dma_start3A_132 = tpu.memref_slice %arg16[%mul3A_125, %dma_start3A_131] : memref<10000x128xf32, #tpu.memory_space<vmem_shared>> -> memref<80x128xf32, #tpu.memory_space<vmem_shared>>
        %dma_start3A_133 = arith.constant 0 : i32
        %dma_start3A_134 = arith.constant 0 : i32
        %dma_start3A_135 = tpu.memref_slice %arg11[%dma_start3A_133, %dma_start3A_134] : memref<128x128xf32, #tpu.memory_space<vmem>> -> memref<80x128xf32, #tpu.memory_space<vmem>>
        tpu.enqueue_dma source(%dma_start3A_135 : memref<80x128xf32, #tpu.memory_space<vmem>>) target(%dma_start3A_132 : memref<80x128xf32, #tpu.memory_space<vmem_shared>>) target_semaphore(%run_scoped3A : memref<!tpu.dma_semaphore, #tpu.memory_space<semaphore_mem>>)
        %dma_wait3A_136 = arith.constant 0 : i32
        %dma_wait3A_137 = arith.constant 0 : i32
        %dma_wait3A_138 = tpu.memref_slice %arg11[%dma_wait3A_136, %dma_wait3A_137] : memref<128x128xf32, #tpu.memory_space<vmem>> -> memref<80x128xf32, #tpu.memory_space<vmem>>
        %dma_wait3A_139 = arith.constant 0 : i32
        %dma_wait3A_140 = tpu.memref_slice %arg16[%mul3A_125, %dma_wait3A_139] : memref<10000x128xf32, #tpu.memory_space<vmem_shared>> -> memref<80x128xf32, #tpu.memory_space<vmem_shared>>
        %dma_wait3A_141 = arith.constant 0 : i32
        %dma_wait3A_142 = tpu.memref_slice %arg16[%mul3A_125, %dma_wait3A_141] : memref<10000x128xf32, #tpu.memory_space<vmem_shared>> -> memref<80x128xf32, #tpu.memory_space<vmem_shared>>
        %dma_wait3A_143 = arith.constant 0 : i32
        %dma_wait3A_144 = arith.constant 0 : i32
        %dma_wait3A_145 = tpu.memref_slice %arg11[%dma_wait3A_143, %dma_wait3A_144] : memref<128x128xf32, #tpu.memory_space<vmem>> -> memref<80x128xf32, #tpu.memory_space<vmem>>
        tpu.wait_dma2 semaphore(%run_scoped3A : memref<!tpu.dma_semaphore, #tpu.memory_space<semaphore_mem>>) src(%dma_wait3A_145 : memref<80x128xf32, #tpu.memory_space<vmem>>) dst(%dma_wait3A_142 : memref<80x128xf32, #tpu.memory_space<vmem_shared>>)
        tpu.yield
      }) : () -> ()
    } else {
    }
    %add3A_45 = arith.constant 112 : i32
    %add3A_46 = arith.addi %arg1, %add3A_45 : i32
    %lt3A_47 = arith.constant 125 : i32
    %lt3A_48 = arith.cmpi slt, %add3A_46, %lt3A_47 : i32
    %convert_element_type3A_49 = arith.extui %lt3A_48 : i1 to i32
    %cond3A_50 = arith.constant 0 : i32
    %cond3A_51 = arith.cmpi ne, %convert_element_type3A_49, %cond3A_50 : i32
    scf.if %cond3A_51 {
      %mul3A_124 = arith.constant 80 : i32
      %mul3A_125 = arith.muli %add3A_46, %mul3A_124 : i32
      "tpu.region"() ({
        %run_scoped3A = tpu.sem_alloc : memref<!tpu.dma_semaphore, #tpu.memory_space<semaphore_mem>>
        %dma_start3A_126 = arith.constant 0 : i32
        %dma_start3A_127 = arith.constant 0 : i32
        %dma_start3A_128 = tpu.memref_slice %arg11[%dma_start3A_126, %dma_start3A_127] : memref<128x128xf32, #tpu.memory_space<vmem>> -> memref<80x128xf32, #tpu.memory_space<vmem>>
        %dma_start3A_129 = arith.constant 0 : i32
        %dma_start3A_130 = tpu.memref_slice %arg16[%mul3A_125, %dma_start3A_129] : memref<10000x128xf32, #tpu.memory_space<vmem_shared>> -> memref<80x128xf32, #tpu.memory_space<vmem_shared>>
        %dma_start3A_131 = arith.constant 0 : i32
        %dma_start3A_132 = tpu.memref_slice %arg16[%mul3A_125, %dma_start3A_131] : memref<10000x128xf32, #tpu.memory_space<vmem_shared>> -> memref<80x128xf32, #tpu.memory_space<vmem_shared>>
        %dma_start3A_133 = arith.constant 0 : i32
        %dma_start3A_134 = arith.constant 0 : i32
        %dma_start3A_135 = tpu.memref_slice %arg11[%dma_start3A_133, %dma_start3A_134] : memref<128x128xf32, #tpu.memory_space<vmem>> -> memref<80x128xf32, #tpu.memory_space<vmem>>
        tpu.enqueue_dma source(%dma_start3A_135 : memref<80x128xf32, #tpu.memory_space<vmem>>) target(%dma_start3A_132 : memref<80x128xf32, #tpu.memory_space<vmem_shared>>) target_semaphore(%run_scoped3A : memref<!tpu.dma_semaphore, #tpu.memory_space<semaphore_mem>>)
        %dma_wait3A_136 = arith.constant 0 : i32
        %dma_wait3A_137 = arith.constant 0 : i32
        %dma_wait3A_138 = tpu.memref_slice %arg11[%dma_wait3A_136, %dma_wait3A_137] : memref<128x128xf32, #tpu.memory_space<vmem>> -> memref<80x128xf32, #tpu.memory_space<vmem>>
        %dma_wait3A_139 = arith.constant 0 : i32
        %dma_wait3A_140 = tpu.memref_slice %arg16[%mul3A_125, %dma_wait3A_139] : memref<10000x128xf32, #tpu.memory_space<vmem_shared>> -> memref<80x128xf32, #tpu.memory_space<vmem_shared>>
        %dma_wait3A_141 = arith.constant 0 : i32
        %dma_wait3A_142 = tpu.memref_slice %arg16[%mul3A_125, %dma_wait3A_141] : memref<10000x128xf32, #tpu.memory_space<vmem_shared>> -> memref<80x128xf32, #tpu.memory_space<vmem_shared>>
        %dma_wait3A_143 = arith.constant 0 : i32
        %dma_wait3A_144 = arith.constant 0 : i32
        %dma_wait3A_145 = tpu.memref_slice %arg11[%dma_wait3A_143, %dma_wait3A_144] : memref<128x128xf32, #tpu.memory_space<vmem>> -> memref<80x128xf32, #tpu.memory_space<vmem>>
        tpu.wait_dma2 semaphore(%run_scoped3A : memref<!tpu.dma_semaphore, #tpu.memory_space<semaphore_mem>>) src(%dma_wait3A_145 : memref<80x128xf32, #tpu.memory_space<vmem>>) dst(%dma_wait3A_142 : memref<80x128xf32, #tpu.memory_space<vmem_shared>>)
        tpu.yield
      }) : () -> ()
    } else {
    }
    %barrier3A = arith.constant 0 : index
    tpu.barrier barrier_id(%barrier3A)
    %mul3A = arith.constant 160000 : i32
    %mul3A_52 = arith.muli %arg0, %mul3A : i32
    %mul3A_53 = arith.constant 10000 : i32
    %mul3A_54 = arith.muli %arg1, %mul3A_53 : i32
    %add3A_55 = arith.addi %mul3A_52, %mul3A_54 : i32
    %scan3A = arith.constant 0 : i32
    %scan3A_56 = arith.constant 0 : i32
    %scan3A_57 = arith.constant 39 : i32
    %scan3A_58 = arith.addi %scan3A_56, %scan3A_57 : i32
    %scan3A_59 = arith.constant 1 : i32
    scf.for %scan3A_124 = %scan3A_56 to %scan3A_58 step %scan3A_59  : i32 {
      %mul3A_125 = arith.constant 256 : i32
      %mul3A_126 = arith.muli %scan3A_124, %mul3A_125 : i32
      %add3A_127 = arith.addi %add3A_55, %mul3A_126 : i32
      %add3A_128 = arith.constant 0 : i32
      %add3A_129 = arith.addi %add3A_127, %add3A_128 : i32
      %dma_start3A_130 = tpu.memref_slice %arg3[%add3A_129] : memref<320000xi32, #tpu.memory_space<hbm>> -> memref<128xi32, #tpu.memory_space<hbm>>
      %dma_start3A_131 = tpu.memref_slice %arg3[%add3A_129] : memref<320000xi32, #tpu.memory_space<hbm>> -> memref<128xi32, #tpu.memory_space<hbm>>
      tpu.enqueue_dma source(%dma_start3A_131 : memref<128xi32, #tpu.memory_space<hbm>>) target(%arg7 : memref<128xi32, #tpu.memory_space<vmem>>) target_semaphore(%arg20 : memref<!tpu.dma_semaphore, #tpu.memory_space<semaphore_mem>>)
      %dma_start3A_132 = tpu.memref_slice %arg4[%add3A_129] : memref<320000xi32, #tpu.memory_space<hbm>> -> memref<128xi32, #tpu.memory_space<hbm>>
      %dma_start3A_133 = tpu.memref_slice %arg4[%add3A_129] : memref<320000xi32, #tpu.memory_space<hbm>> -> memref<128xi32, #tpu.memory_space<hbm>>
      tpu.enqueue_dma source(%dma_start3A_133 : memref<128xi32, #tpu.memory_space<hbm>>) target(%arg9 : memref<128xi32, #tpu.memory_space<vmem>>) target_semaphore(%arg20 : memref<!tpu.dma_semaphore, #tpu.memory_space<semaphore_mem>>)
      %add3A_134 = arith.constant 128 : i32
      %add3A_135 = arith.addi %add3A_127, %add3A_134 : i32
      %dma_start3A_136 = tpu.memref_slice %arg3[%add3A_135] : memref<320000xi32, #tpu.memory_space<hbm>> -> memref<128xi32, #tpu.memory_space<hbm>>
      %dma_start3A_137 = tpu.memref_slice %arg3[%add3A_135] : memref<320000xi32, #tpu.memory_space<hbm>> -> memref<128xi32, #tpu.memory_space<hbm>>
      tpu.enqueue_dma source(%dma_start3A_137 : memref<128xi32, #tpu.memory_space<hbm>>) target(%arg8 : memref<128xi32, #tpu.memory_space<vmem>>) target_semaphore(%arg20 : memref<!tpu.dma_semaphore, #tpu.memory_space<semaphore_mem>>)
      %dma_start3A_138 = tpu.memref_slice %arg4[%add3A_135] : memref<320000xi32, #tpu.memory_space<hbm>> -> memref<128xi32, #tpu.memory_space<hbm>>
      %dma_start3A_139 = tpu.memref_slice %arg4[%add3A_135] : memref<320000xi32, #tpu.memory_space<hbm>> -> memref<128xi32, #tpu.memory_space<hbm>>
      tpu.enqueue_dma source(%dma_start3A_139 : memref<128xi32, #tpu.memory_space<hbm>>) target(%arg10 : memref<128xi32, #tpu.memory_space<vmem>>) target_semaphore(%arg20 : memref<!tpu.dma_semaphore, #tpu.memory_space<semaphore_mem>>)
      %dma_wait3A_140 = tpu.memref_slice %arg3[%add3A_129] : memref<320000xi32, #tpu.memory_space<hbm>> -> memref<128xi32, #tpu.memory_space<hbm>>
      %dma_wait3A_141 = tpu.memref_slice %arg3[%add3A_129] : memref<320000xi32, #tpu.memory_space<hbm>> -> memref<128xi32, #tpu.memory_space<hbm>>
      tpu.wait_dma2 semaphore(%arg20 : memref<!tpu.dma_semaphore, #tpu.memory_space<semaphore_mem>>) src(%dma_wait3A_141 : memref<128xi32, #tpu.memory_space<hbm>>) dst(%arg7 : memref<128xi32, #tpu.memory_space<vmem>>)
      %dma_wait3A_142 = tpu.memref_slice %arg4[%add3A_129] : memref<320000xi32, #tpu.memory_space<hbm>> -> memref<128xi32, #tpu.memory_space<hbm>>
      %dma_wait3A_143 = tpu.memref_slice %arg4[%add3A_129] : memref<320000xi32, #tpu.memory_space<hbm>> -> memref<128xi32, #tpu.memory_space<hbm>>
      tpu.wait_dma2 semaphore(%arg20 : memref<!tpu.dma_semaphore, #tpu.memory_space<semaphore_mem>>) src(%dma_wait3A_143 : memref<128xi32, #tpu.memory_space<hbm>>) dst(%arg9 : memref<128xi32, #tpu.memory_space<vmem>>)
      %dma_wait3A_144 = tpu.memref_slice %arg3[%add3A_135] : memref<320000xi32, #tpu.memory_space<hbm>> -> memref<128xi32, #tpu.memory_space<hbm>>
      %dma_wait3A_145 = tpu.memref_slice %arg3[%add3A_135] : memref<320000xi32, #tpu.memory_space<hbm>> -> memref<128xi32, #tpu.memory_space<hbm>>
      tpu.wait_dma2 semaphore(%arg20 : memref<!tpu.dma_semaphore, #tpu.memory_space<semaphore_mem>>) src(%dma_wait3A_145 : memref<128xi32, #tpu.memory_space<hbm>>) dst(%arg8 : memref<128xi32, #tpu.memory_space<vmem>>)
      %dma_wait3A_146 = tpu.memref_slice %arg4[%add3A_135] : memref<320000xi32, #tpu.memory_space<hbm>> -> memref<128xi32, #tpu.memory_space<hbm>>
      %dma_wait3A_147 = tpu.memref_slice %arg4[%add3A_135] : memref<320000xi32, #tpu.memory_space<hbm>> -> memref<128xi32, #tpu.memory_space<hbm>>
      tpu.wait_dma2 semaphore(%arg20 : memref<!tpu.dma_semaphore, #tpu.memory_space<semaphore_mem>>) src(%dma_wait3A_147 : memref<128xi32, #tpu.memory_space<hbm>>) dst(%arg10 : memref<128xi32, #tpu.memory_space<vmem>>)
      %dma_start3A_148 = arith.constant 0 : i32
      %dma_start3A_149 = arith.constant 0 : i32
      %dma_start3A_150 = tpu.memref_slice %arg2[%dma_start3A_148, %dma_start3A_149] : memref<10000x128xf32, #tpu.memory_space<hbm>> -> memref<10000x128xf32, #tpu.memory_space<hbm>>
      tpu.enqueue_indirect_dma source(%dma_start3A_150 : memref<10000x128xf32, #tpu.memory_space<hbm>>) target(%arg11 : memref<128x128xf32, #tpu.memory_space<vmem>>) offsets(%arg7 : memref<128xi32, #tpu.memory_space<vmem>>) semaphore(%arg17 : memref<!tpu.dma_semaphore, #tpu.memory_space<semaphore_mem>>)
      %dma_start3A_151 = arith.constant 0 : i32
      %dma_start3A_152 = arith.constant 0 : i32
      %dma_start3A_153 = tpu.memref_slice %arg2[%dma_start3A_151, %dma_start3A_152] : memref<10000x128xf32, #tpu.memory_space<hbm>> -> memref<10000x128xf32, #tpu.memory_space<hbm>>
      tpu.enqueue_indirect_dma source(%dma_start3A_153 : memref<10000x128xf32, #tpu.memory_space<hbm>>) target(%arg12 : memref<128x128xf32, #tpu.memory_space<vmem>>) offsets(%arg8 : memref<128xi32, #tpu.memory_space<vmem>>) semaphore(%arg18 : memref<!tpu.dma_semaphore, #tpu.memory_space<semaphore_mem>>)
      %dma_wait3A_154 = arith.constant 0 : i32
      %dma_wait3A_155 = arith.constant 0 : i32
      %dma_wait3A_156 = tpu.memref_slice %arg2[%dma_wait3A_154, %dma_wait3A_155] : memref<10000x128xf32, #tpu.memory_space<hbm>> -> memref<10000x128xf32, #tpu.memory_space<hbm>>
      tpu.wait_indirect_dma semaphore(%arg17 : memref<!tpu.dma_semaphore, #tpu.memory_space<semaphore_mem>>) src(%dma_wait3A_156 : memref<10000x128xf32, #tpu.memory_space<hbm>>) dst(%arg11 : memref<128x128xf32, #tpu.memory_space<vmem>>)
      %dma_start3A_157 = arith.constant 0 : i32
      %dma_start3A_158 = arith.constant 0 : i32
      %dma_start3A_159 = tpu.memref_slice %arg16[%dma_start3A_157, %dma_start3A_158] : memref<10000x128xf32, #tpu.memory_space<vmem_shared>> -> memref<10000x128xf32, #tpu.memory_space<vmem_shared>>
      tpu.enqueue_indirect_dma source(%arg11 : memref<128x128xf32, #tpu.memory_space<vmem>>) target(%dma_start3A_159 : memref<10000x128xf32, #tpu.memory_space<vmem_shared>>) offsets(%arg9 : memref<128xi32, #tpu.memory_space<vmem>>) semaphore(%arg19 : memref<!tpu.dma_semaphore, #tpu.memory_space<semaphore_mem>>) {add = true}
      %dma_wait3A_160 = arith.constant 0 : i32
      %dma_wait3A_161 = arith.constant 0 : i32
      %dma_wait3A_162 = tpu.memref_slice %arg2[%dma_wait3A_160, %dma_wait3A_161] : memref<10000x128xf32, #tpu.memory_space<hbm>> -> memref<10000x128xf32, #tpu.memory_space<hbm>>
      tpu.wait_indirect_dma semaphore(%arg18 : memref<!tpu.dma_semaphore, #tpu.memory_space<semaphore_mem>>) src(%dma_wait3A_162 : memref<10000x128xf32, #tpu.memory_space<hbm>>) dst(%arg12 : memref<128x128xf32, #tpu.memory_space<vmem>>)
      %dma_start3A_163 = arith.constant 0 : i32
      %dma_start3A_164 = arith.constant 0 : i32
      %dma_start3A_165 = tpu.memref_slice %arg16[%dma_start3A_163, %dma_start3A_164] : memref<10000x128xf32, #tpu.memory_space<vmem_shared>> -> memref<10000x128xf32, #tpu.memory_space<vmem_shared>>
      tpu.enqueue_indirect_dma source(%arg12 : memref<128x128xf32, #tpu.memory_space<vmem>>) target(%dma_start3A_165 : memref<10000x128xf32, #tpu.memory_space<vmem_shared>>) offsets(%arg10 : memref<128xi32, #tpu.memory_space<vmem>>) semaphore(%arg19 : memref<!tpu.dma_semaphore, #tpu.memory_space<semaphore_mem>>) {add = true}
      %dma_wait3A_166 = arith.constant 0 : i32
      %dma_wait3A_167 = arith.constant 0 : i32
      %dma_wait3A_168 = tpu.memref_slice %arg16[%dma_wait3A_166, %dma_wait3A_167] : memref<10000x128xf32, #tpu.memory_space<vmem_shared>> -> memref<10000x128xf32, #tpu.memory_space<vmem_shared>>
      tpu.wait_indirect_dma semaphore(%arg19 : memref<!tpu.dma_semaphore, #tpu.memory_space<semaphore_mem>>) src(%arg11 : memref<128x128xf32, #tpu.memory_space<vmem>>) dst(%dma_wait3A_168 : memref<10000x128xf32, #tpu.memory_space<vmem_shared>>)
      %dma_wait3A_169 = arith.constant 0 : i32
      %dma_wait3A_170 = arith.constant 0 : i32
      %dma_wait3A_171 = tpu.memref_slice %arg16[%dma_wait3A_169, %dma_wait3A_170] : memref<10000x128xf32, #tpu.memory_space<vmem_shared>> -> memref<10000x128xf32, #tpu.memory_space<vmem_shared>>
      tpu.wait_indirect_dma semaphore(%arg19 : memref<!tpu.dma_semaphore, #tpu.memory_space<semaphore_mem>>) src(%arg12 : memref<128x128xf32, #tpu.memory_space<vmem>>) dst(%dma_wait3A_171 : memref<10000x128xf32, #tpu.memory_space<vmem_shared>>)
    }
    %scan3A_60 = arith.constant 39 : i32
    %add3A_61 = arith.constant 9984 : i32
    %add3A_62 = arith.addi %add3A_55, %add3A_61 : i32
    "tpu.region"() ({
      %run_scoped3A = tpu.sem_alloc : memref<!tpu.dma_semaphore, #tpu.memory_space<semaphore_mem>>
      %dma_start3A_124 = tpu.memref_slice %arg3[%add3A_62] : memref<320000xi32, #tpu.memory_space<hbm>> -> memref<16xi32, #tpu.memory_space<hbm>>
      %dma_start3A_125 = tpu.memref_slice %arg3[%add3A_62] : memref<320000xi32, #tpu.memory_space<hbm>> -> memref<16xi32, #tpu.memory_space<hbm>>
      tpu.enqueue_dma source(%dma_start3A_125 : memref<16xi32, #tpu.memory_space<hbm>>) target(%arg13 : memref<16xi32, #tpu.memory_space<vmem>>) target_semaphore(%run_scoped3A : memref<!tpu.dma_semaphore, #tpu.memory_space<semaphore_mem>>)
      %dma_wait3A_126 = tpu.memref_slice %arg3[%add3A_62] : memref<320000xi32, #tpu.memory_space<hbm>> -> memref<16xi32, #tpu.memory_space<hbm>>
      %dma_wait3A_127 = tpu.memref_slice %arg3[%add3A_62] : memref<320000xi32, #tpu.memory_space<hbm>> -> memref<16xi32, #tpu.memory_space<hbm>>
      tpu.wait_dma2 semaphore(%run_scoped3A : memref<!tpu.dma_semaphore, #tpu.memory_space<semaphore_mem>>) src(%dma_wait3A_127 : memref<16xi32, #tpu.memory_space<hbm>>) dst(%arg13 : memref<16xi32, #tpu.memory_space<vmem>>)
      tpu.yield
    }) : () -> ()
    "tpu.region"() ({
      %run_scoped3A = tpu.sem_alloc : memref<!tpu.dma_semaphore, #tpu.memory_space<semaphore_mem>>
      %dma_start3A_124 = tpu.memref_slice %arg4[%add3A_62] : memref<320000xi32, #tpu.memory_space<hbm>> -> memref<16xi32, #tpu.memory_space<hbm>>
      %dma_start3A_125 = tpu.memref_slice %arg4[%add3A_62] : memref<320000xi32, #tpu.memory_space<hbm>> -> memref<16xi32, #tpu.memory_space<hbm>>
      tpu.enqueue_dma source(%dma_start3A_125 : memref<16xi32, #tpu.memory_space<hbm>>) target(%arg14 : memref<16xi32, #tpu.memory_space<vmem>>) target_semaphore(%run_scoped3A : memref<!tpu.dma_semaphore, #tpu.memory_space<semaphore_mem>>)
      %dma_wait3A_126 = tpu.memref_slice %arg4[%add3A_62] : memref<320000xi32, #tpu.memory_space<hbm>> -> memref<16xi32, #tpu.memory_space<hbm>>
      %dma_wait3A_127 = tpu.memref_slice %arg4[%add3A_62] : memref<320000xi32, #tpu.memory_space<hbm>> -> memref<16xi32, #tpu.memory_space<hbm>>
      tpu.wait_dma2 semaphore(%run_scoped3A : memref<!tpu.dma_semaphore, #tpu.memory_space<semaphore_mem>>) src(%dma_wait3A_127 : memref<16xi32, #tpu.memory_space<hbm>>) dst(%arg14 : memref<16xi32, #tpu.memory_space<vmem>>)
      tpu.yield
    }) : () -> ()
    %dma_start3A = arith.constant 0 : i32
    %dma_start3A_63 = arith.constant 0 : i32
    %dma_start3A_64 = tpu.memref_slice %arg2[%dma_start3A, %dma_start3A_63] : memref<10000x128xf32, #tpu.memory_space<hbm>> -> memref<10000x128xf32, #tpu.memory_space<hbm>>
    tpu.enqueue_indirect_dma source(%dma_start3A_64 : memref<10000x128xf32, #tpu.memory_space<hbm>>) target(%arg15 : memref<16x128xf32, #tpu.memory_space<vmem>>) offsets(%arg13 : memref<16xi32, #tpu.memory_space<vmem>>) semaphore(%arg17 : memref<!tpu.dma_semaphore, #tpu.memory_space<semaphore_mem>>)
    %dma_wait3A = arith.constant 0 : i32
    %dma_wait3A_65 = arith.constant 0 : i32
    %dma_wait3A_66 = tpu.memref_slice %arg2[%dma_wait3A, %dma_wait3A_65] : memref<10000x128xf32, #tpu.memory_space<hbm>> -> memref<10000x128xf32, #tpu.memory_space<hbm>>
    tpu.wait_indirect_dma semaphore(%arg17 : memref<!tpu.dma_semaphore, #tpu.memory_space<semaphore_mem>>) src(%dma_wait3A_66 : memref<10000x128xf32, #tpu.memory_space<hbm>>) dst(%arg15 : memref<16x128xf32, #tpu.memory_space<vmem>>)
    "tpu.region"() ({
      %run_scoped3A = tpu.sem_alloc : memref<!tpu.dma_semaphore, #tpu.memory_space<semaphore_mem>>
      %dma_start3A_124 = arith.constant 0 : i32
      %dma_start3A_125 = arith.constant 0 : i32
      %dma_start3A_126 = tpu.memref_slice %arg16[%dma_start3A_124, %dma_start3A_125] : memref<10000x128xf32, #tpu.memory_space<vmem_shared>> -> memref<10000x128xf32, #tpu.memory_space<vmem_shared>>
      tpu.enqueue_indirect_dma source(%arg15 : memref<16x128xf32, #tpu.memory_space<vmem>>) target(%dma_start3A_126 : memref<10000x128xf32, #tpu.memory_space<vmem_shared>>) offsets(%arg14 : memref<16xi32, #tpu.memory_space<vmem>>) semaphore(%run_scoped3A : memref<!tpu.dma_semaphore, #tpu.memory_space<semaphore_mem>>) {add = true}
      %dma_wait3A_127 = arith.constant 0 : i32
      %dma_wait3A_128 = arith.constant 0 : i32
      %dma_wait3A_129 = tpu.memref_slice %arg16[%dma_wait3A_127, %dma_wait3A_128] : memref<10000x128xf32, #tpu.memory_space<vmem_shared>> -> memref<10000x128xf32, #tpu.memory_space<vmem_shared>>
      tpu.wait_indirect_dma semaphore(%run_scoped3A : memref<!tpu.dma_semaphore, #tpu.memory_space<semaphore_mem>>) src(%arg15 : memref<16x128xf32, #tpu.memory_space<vmem>>) dst(%dma_wait3A_129 : memref<10000x128xf32, #tpu.memory_space<vmem_shared>>)
      tpu.yield
    }) : () -> ()
    %barrier3A_67 = arith.constant 0 : index
    tpu.barrier barrier_id(%barrier3A_67)
    %add3A_68 = arith.constant 0 : i32
    %add3A_69 = arith.addi %arg1, %add3A_68 : i32
    %lt3A_70 = arith.constant 125 : i32
    %lt3A_71 = arith.cmpi slt, %add3A_69, %lt3A_70 : i32
    %convert_element_type3A_72 = arith.extui %lt3A_71 : i1 to i32
    %cond3A_73 = arith.constant 0 : i32
    %cond3A_74 = arith.cmpi ne, %convert_element_type3A_72, %cond3A_73 : i32
    scf.if %cond3A_74 {
      %mul3A_124 = arith.constant 80 : i32
      %mul3A_125 = arith.muli %add3A_69, %mul3A_124 : i32
      %mul3A_126 = arith.constant 10000 : i32
      %mul3A_127 = arith.muli %arg0, %mul3A_126 : i32
      %mul3A_128 = arith.constant 80 : i32
      %mul3A_129 = arith.muli %add3A_69, %mul3A_128 : i32
      %add3A_130 = arith.addi %mul3A_127, %mul3A_129 : i32
      "tpu.region"() ({
        %run_scoped3A = tpu.sem_alloc : memref<!tpu.dma_semaphore, #tpu.memory_space<semaphore_mem>>
        %dma_start3A_131 = arith.constant 0 : i32
        %dma_start3A_132 = tpu.memref_slice %arg6[%add3A_130, %dma_start3A_131] : memref<20000x128xf32, #tpu.memory_space<hbm>> -> memref<80x128xf32, #tpu.memory_space<hbm>>
        %dma_start3A_133 = arith.constant 0 : i32
        %dma_start3A_134 = tpu.memref_slice %arg16[%mul3A_125, %dma_start3A_133] : memref<10000x128xf32, #tpu.memory_space<vmem_shared>> -> memref<80x128xf32, #tpu.memory_space<vmem_shared>>
        tpu.enqueue_dma source(%dma_start3A_134 : memref<80x128xf32, #tpu.memory_space<vmem_shared>>) target(%dma_start3A_132 : memref<80x128xf32, #tpu.memory_space<hbm>>) target_semaphore(%run_scoped3A : memref<!tpu.dma_semaphore, #tpu.memory_space<semaphore_mem>>)
        %dma_wait3A_135 = arith.constant 0 : i32
        %dma_wait3A_136 = tpu.memref_slice %arg6[%add3A_130, %dma_wait3A_135] : memref<20000x128xf32, #tpu.memory_space<hbm>> -> memref<80x128xf32, #tpu.memory_space<hbm>>
        %dma_wait3A_137 = arith.constant 0 : i32
        %dma_wait3A_138 = tpu.memref_slice %arg16[%mul3A_125, %dma_wait3A_137] : memref<10000x128xf32, #tpu.memory_space<vmem_shared>> -> memref<80x128xf32, #tpu.memory_space<vmem_shared>>
        tpu.wait_dma2 semaphore(%run_scoped3A : memref<!tpu.dma_semaphore, #tpu.memory_space<semaphore_mem>>) src(%dma_wait3A_138 : memref<80x128xf32, #tpu.memory_space<vmem_shared>>) dst(%dma_wait3A_136 : memref<80x128xf32, #tpu.memory_space<hbm>>)
        tpu.yield
      }) : () -> ()
    } else {
    }
    %add3A_75 = arith.constant 16 : i32
    %add3A_76 = arith.addi %arg1, %add3A_75 : i32
    %lt3A_77 = arith.constant 125 : i32
    %lt3A_78 = arith.cmpi slt, %add3A_76, %lt3A_77 : i32
    %convert_element_type3A_79 = arith.extui %lt3A_78 : i1 to i32
    %cond3A_80 = arith.constant 0 : i32
    %cond3A_81 = arith.cmpi ne, %convert_element_type3A_79, %cond3A_80 : i32
    scf.if %cond3A_81 {
      %mul3A_124 = arith.constant 80 : i32
      %mul3A_125 = arith.muli %add3A_76, %mul3A_124 : i32
      %mul3A_126 = arith.constant 10000 : i32
      %mul3A_127 = arith.muli %arg0, %mul3A_126 : i32
      %mul3A_128 = arith.constant 80 : i32
      %mul3A_129 = arith.muli %add3A_76, %mul3A_128 : i32
      %add3A_130 = arith.addi %mul3A_127, %mul3A_129 : i32
      "tpu.region"() ({
        %run_scoped3A = tpu.sem_alloc : memref<!tpu.dma_semaphore, #tpu.memory_space<semaphore_mem>>
        %dma_start3A_131 = arith.constant 0 : i32
        %dma_start3A_132 = tpu.memref_slice %arg6[%add3A_130, %dma_start3A_131] : memref<20000x128xf32, #tpu.memory_space<hbm>> -> memref<80x128xf32, #tpu.memory_space<hbm>>
        %dma_start3A_133 = arith.constant 0 : i32
        %dma_start3A_134 = tpu.memref_slice %arg16[%mul3A_125, %dma_start3A_133] : memref<10000x128xf32, #tpu.memory_space<vmem_shared>> -> memref<80x128xf32, #tpu.memory_space<vmem_shared>>
        tpu.enqueue_dma source(%dma_start3A_134 : memref<80x128xf32, #tpu.memory_space<vmem_shared>>) target(%dma_start3A_132 : memref<80x128xf32, #tpu.memory_space<hbm>>) target_semaphore(%run_scoped3A : memref<!tpu.dma_semaphore, #tpu.memory_space<semaphore_mem>>)
        %dma_wait3A_135 = arith.constant 0 : i32
        %dma_wait3A_136 = tpu.memref_slice %arg6[%add3A_130, %dma_wait3A_135] : memref<20000x128xf32, #tpu.memory_space<hbm>> -> memref<80x128xf32, #tpu.memory_space<hbm>>
        %dma_wait3A_137 = arith.constant 0 : i32
        %dma_wait3A_138 = tpu.memref_slice %arg16[%mul3A_125, %dma_wait3A_137] : memref<10000x128xf32, #tpu.memory_space<vmem_shared>> -> memref<80x128xf32, #tpu.memory_space<vmem_shared>>
        tpu.wait_dma2 semaphore(%run_scoped3A : memref<!tpu.dma_semaphore, #tpu.memory_space<semaphore_mem>>) src(%dma_wait3A_138 : memref<80x128xf32, #tpu.memory_space<vmem_shared>>) dst(%dma_wait3A_136 : memref<80x128xf32, #tpu.memory_space<hbm>>)
        tpu.yield
      }) : () -> ()
    } else {
    }
    %add3A_82 = arith.constant 32 : i32
    %add3A_83 = arith.addi %arg1, %add3A_82 : i32
    %lt3A_84 = arith.constant 125 : i32
    %lt3A_85 = arith.cmpi slt, %add3A_83, %lt3A_84 : i32
    %convert_element_type3A_86 = arith.extui %lt3A_85 : i1 to i32
    %cond3A_87 = arith.constant 0 : i32
    %cond3A_88 = arith.cmpi ne, %convert_element_type3A_86, %cond3A_87 : i32
    scf.if %cond3A_88 {
      %mul3A_124 = arith.constant 80 : i32
      %mul3A_125 = arith.muli %add3A_83, %mul3A_124 : i32
      %mul3A_126 = arith.constant 10000 : i32
      %mul3A_127 = arith.muli %arg0, %mul3A_126 : i32
      %mul3A_128 = arith.constant 80 : i32
      %mul3A_129 = arith.muli %add3A_83, %mul3A_128 : i32
      %add3A_130 = arith.addi %mul3A_127, %mul3A_129 : i32
      "tpu.region"() ({
        %run_scoped3A = tpu.sem_alloc : memref<!tpu.dma_semaphore, #tpu.memory_space<semaphore_mem>>
        %dma_start3A_131 = arith.constant 0 : i32
        %dma_start3A_132 = tpu.memref_slice %arg6[%add3A_130, %dma_start3A_131] : memref<20000x128xf32, #tpu.memory_space<hbm>> -> memref<80x128xf32, #tpu.memory_space<hbm>>
        %dma_start3A_133 = arith.constant 0 : i32
        %dma_start3A_134 = tpu.memref_slice %arg16[%mul3A_125, %dma_start3A_133] : memref<10000x128xf32, #tpu.memory_space<vmem_shared>> -> memref<80x128xf32, #tpu.memory_space<vmem_shared>>
        tpu.enqueue_dma source(%dma_start3A_134 : memref<80x128xf32, #tpu.memory_space<vmem_shared>>) target(%dma_start3A_132 : memref<80x128xf32, #tpu.memory_space<hbm>>) target_semaphore(%run_scoped3A : memref<!tpu.dma_semaphore, #tpu.memory_space<semaphore_mem>>)
        %dma_wait3A_135 = arith.constant 0 : i32
        %dma_wait3A_136 = tpu.memref_slice %arg6[%add3A_130, %dma_wait3A_135] : memref<20000x128xf32, #tpu.memory_space<hbm>> -> memref<80x128xf32, #tpu.memory_space<hbm>>
        %dma_wait3A_137 = arith.constant 0 : i32
        %dma_wait3A_138 = tpu.memref_slice %arg16[%mul3A_125, %dma_wait3A_137] : memref<10000x128xf32, #tpu.memory_space<vmem_shared>> -> memref<80x128xf32, #tpu.memory_space<vmem_shared>>
        tpu.wait_dma2 semaphore(%run_scoped3A : memref<!tpu.dma_semaphore, #tpu.memory_space<semaphore_mem>>) src(%dma_wait3A_138 : memref<80x128xf32, #tpu.memory_space<vmem_shared>>) dst(%dma_wait3A_136 : memref<80x128xf32, #tpu.memory_space<hbm>>)
        tpu.yield
      }) : () -> ()
    } else {
    }
    %add3A_89 = arith.constant 48 : i32
    %add3A_90 = arith.addi %arg1, %add3A_89 : i32
    %lt3A_91 = arith.constant 125 : i32
    %lt3A_92 = arith.cmpi slt, %add3A_90, %lt3A_91 : i32
    %convert_element_type3A_93 = arith.extui %lt3A_92 : i1 to i32
    %cond3A_94 = arith.constant 0 : i32
    %cond3A_95 = arith.cmpi ne, %convert_element_type3A_93, %cond3A_94 : i32
    scf.if %cond3A_95 {
      %mul3A_124 = arith.constant 80 : i32
      %mul3A_125 = arith.muli %add3A_90, %mul3A_124 : i32
      %mul3A_126 = arith.constant 10000 : i32
      %mul3A_127 = arith.muli %arg0, %mul3A_126 : i32
      %mul3A_128 = arith.constant 80 : i32
      %mul3A_129 = arith.muli %add3A_90, %mul3A_128 : i32
      %add3A_130 = arith.addi %mul3A_127, %mul3A_129 : i32
      "tpu.region"() ({
        %run_scoped3A = tpu.sem_alloc : memref<!tpu.dma_semaphore, #tpu.memory_space<semaphore_mem>>
        %dma_start3A_131 = arith.constant 0 : i32
        %dma_start3A_132 = tpu.memref_slice %arg6[%add3A_130, %dma_start3A_131] : memref<20000x128xf32, #tpu.memory_space<hbm>> -> memref<80x128xf32, #tpu.memory_space<hbm>>
        %dma_start3A_133 = arith.constant 0 : i32
        %dma_start3A_134 = tpu.memref_slice %arg16[%mul3A_125, %dma_start3A_133] : memref<10000x128xf32, #tpu.memory_space<vmem_shared>> -> memref<80x128xf32, #tpu.memory_space<vmem_shared>>
        tpu.enqueue_dma source(%dma_start3A_134 : memref<80x128xf32, #tpu.memory_space<vmem_shared>>) target(%dma_start3A_132 : memref<80x128xf32, #tpu.memory_space<hbm>>) target_semaphore(%run_scoped3A : memref<!tpu.dma_semaphore, #tpu.memory_space<semaphore_mem>>)
        %dma_wait3A_135 = arith.constant 0 : i32
        %dma_wait3A_136 = tpu.memref_slice %arg6[%add3A_130, %dma_wait3A_135] : memref<20000x128xf32, #tpu.memory_space<hbm>> -> memref<80x128xf32, #tpu.memory_space<hbm>>
        %dma_wait3A_137 = arith.constant 0 : i32
        %dma_wait3A_138 = tpu.memref_slice %arg16[%mul3A_125, %dma_wait3A_137] : memref<10000x128xf32, #tpu.memory_space<vmem_shared>> -> memref<80x128xf32, #tpu.memory_space<vmem_shared>>
        tpu.wait_dma2 semaphore(%run_scoped3A : memref<!tpu.dma_semaphore, #tpu.memory_space<semaphore_mem>>) src(%dma_wait3A_138 : memref<80x128xf32, #tpu.memory_space<vmem_shared>>) dst(%dma_wait3A_136 : memref<80x128xf32, #tpu.memory_space<hbm>>)
        tpu.yield
      }) : () -> ()
    } else {
    }
    %add3A_96 = arith.constant 64 : i32
    %add3A_97 = arith.addi %arg1, %add3A_96 : i32
    %lt3A_98 = arith.constant 125 : i32
    %lt3A_99 = arith.cmpi slt, %add3A_97, %lt3A_98 : i32
    %convert_element_type3A_100 = arith.extui %lt3A_99 : i1 to i32
    %cond3A_101 = arith.constant 0 : i32
    %cond3A_102 = arith.cmpi ne, %convert_element_type3A_100, %cond3A_101 : i32
    scf.if %cond3A_102 {
      %mul3A_124 = arith.constant 80 : i32
      %mul3A_125 = arith.muli %add3A_97, %mul3A_124 : i32
      %mul3A_126 = arith.constant 10000 : i32
      %mul3A_127 = arith.muli %arg0, %mul3A_126 : i32
      %mul3A_128 = arith.constant 80 : i32
      %mul3A_129 = arith.muli %add3A_97, %mul3A_128 : i32
      %add3A_130 = arith.addi %mul3A_127, %mul3A_129 : i32
      "tpu.region"() ({
        %run_scoped3A = tpu.sem_alloc : memref<!tpu.dma_semaphore, #tpu.memory_space<semaphore_mem>>
        %dma_start3A_131 = arith.constant 0 : i32
        %dma_start3A_132 = tpu.memref_slice %arg6[%add3A_130, %dma_start3A_131] : memref<20000x128xf32, #tpu.memory_space<hbm>> -> memref<80x128xf32, #tpu.memory_space<hbm>>
        %dma_start3A_133 = arith.constant 0 : i32
        %dma_start3A_134 = tpu.memref_slice %arg16[%mul3A_125, %dma_start3A_133] : memref<10000x128xf32, #tpu.memory_space<vmem_shared>> -> memref<80x128xf32, #tpu.memory_space<vmem_shared>>
        tpu.enqueue_dma source(%dma_start3A_134 : memref<80x128xf32, #tpu.memory_space<vmem_shared>>) target(%dma_start3A_132 : memref<80x128xf32, #tpu.memory_space<hbm>>) target_semaphore(%run_scoped3A : memref<!tpu.dma_semaphore, #tpu.memory_space<semaphore_mem>>)
        %dma_wait3A_135 = arith.constant 0 : i32
        %dma_wait3A_136 = tpu.memref_slice %arg6[%add3A_130, %dma_wait3A_135] : memref<20000x128xf32, #tpu.memory_space<hbm>> -> memref<80x128xf32, #tpu.memory_space<hbm>>
        %dma_wait3A_137 = arith.constant 0 : i32
        %dma_wait3A_138 = tpu.memref_slice %arg16[%mul3A_125, %dma_wait3A_137] : memref<10000x128xf32, #tpu.memory_space<vmem_shared>> -> memref<80x128xf32, #tpu.memory_space<vmem_shared>>
        tpu.wait_dma2 semaphore(%run_scoped3A : memref<!tpu.dma_semaphore, #tpu.memory_space<semaphore_mem>>) src(%dma_wait3A_138 : memref<80x128xf32, #tpu.memory_space<vmem_shared>>) dst(%dma_wait3A_136 : memref<80x128xf32, #tpu.memory_space<hbm>>)
        tpu.yield
      }) : () -> ()
    } else {
    }
    %add3A_103 = arith.constant 80 : i32
    %add3A_104 = arith.addi %arg1, %add3A_103 : i32
    %lt3A_105 = arith.constant 125 : i32
    %lt3A_106 = arith.cmpi slt, %add3A_104, %lt3A_105 : i32
    %convert_element_type3A_107 = arith.extui %lt3A_106 : i1 to i32
    %cond3A_108 = arith.constant 0 : i32
    %cond3A_109 = arith.cmpi ne, %convert_element_type3A_107, %cond3A_108 : i32
    scf.if %cond3A_109 {
      %mul3A_124 = arith.constant 80 : i32
      %mul3A_125 = arith.muli %add3A_104, %mul3A_124 : i32
      %mul3A_126 = arith.constant 10000 : i32
      %mul3A_127 = arith.muli %arg0, %mul3A_126 : i32
      %mul3A_128 = arith.constant 80 : i32
      %mul3A_129 = arith.muli %add3A_104, %mul3A_128 : i32
      %add3A_130 = arith.addi %mul3A_127, %mul3A_129 : i32
      "tpu.region"() ({
        %run_scoped3A = tpu.sem_alloc : memref<!tpu.dma_semaphore, #tpu.memory_space<semaphore_mem>>
        %dma_start3A_131 = arith.constant 0 : i32
        %dma_start3A_132 = tpu.memref_slice %arg6[%add3A_130, %dma_start3A_131] : memref<20000x128xf32, #tpu.memory_space<hbm>> -> memref<80x128xf32, #tpu.memory_space<hbm>>
        %dma_start3A_133 = arith.constant 0 : i32
        %dma_start3A_134 = tpu.memref_slice %arg16[%mul3A_125, %dma_start3A_133] : memref<10000x128xf32, #tpu.memory_space<vmem_shared>> -> memref<80x128xf32, #tpu.memory_space<vmem_shared>>
        tpu.enqueue_dma source(%dma_start3A_134 : memref<80x128xf32, #tpu.memory_space<vmem_shared>>) target(%dma_start3A_132 : memref<80x128xf32, #tpu.memory_space<hbm>>) target_semaphore(%run_scoped3A : memref<!tpu.dma_semaphore, #tpu.memory_space<semaphore_mem>>)
        %dma_wait3A_135 = arith.constant 0 : i32
        %dma_wait3A_136 = tpu.memref_slice %arg6[%add3A_130, %dma_wait3A_135] : memref<20000x128xf32, #tpu.memory_space<hbm>> -> memref<80x128xf32, #tpu.memory_space<hbm>>
        %dma_wait3A_137 = arith.constant 0 : i32
        %dma_wait3A_138 = tpu.memref_slice %arg16[%mul3A_125, %dma_wait3A_137] : memref<10000x128xf32, #tpu.memory_space<vmem_shared>> -> memref<80x128xf32, #tpu.memory_space<vmem_shared>>
        tpu.wait_dma2 semaphore(%run_scoped3A : memref<!tpu.dma_semaphore, #tpu.memory_space<semaphore_mem>>) src(%dma_wait3A_138 : memref<80x128xf32, #tpu.memory_space<vmem_shared>>) dst(%dma_wait3A_136 : memref<80x128xf32, #tpu.memory_space<hbm>>)
        tpu.yield
      }) : () -> ()
    } else {
    }
    %add3A_110 = arith.constant 96 : i32
    %add3A_111 = arith.addi %arg1, %add3A_110 : i32
    %lt3A_112 = arith.constant 125 : i32
    %lt3A_113 = arith.cmpi slt, %add3A_111, %lt3A_112 : i32
    %convert_element_type3A_114 = arith.extui %lt3A_113 : i1 to i32
    %cond3A_115 = arith.constant 0 : i32
    %cond3A_116 = arith.cmpi ne, %convert_element_type3A_114, %cond3A_115 : i32
    scf.if %cond3A_116 {
      %mul3A_124 = arith.constant 80 : i32
      %mul3A_125 = arith.muli %add3A_111, %mul3A_124 : i32
      %mul3A_126 = arith.constant 10000 : i32
      %mul3A_127 = arith.muli %arg0, %mul3A_126 : i32
      %mul3A_128 = arith.constant 80 : i32
      %mul3A_129 = arith.muli %add3A_111, %mul3A_128 : i32
      %add3A_130 = arith.addi %mul3A_127, %mul3A_129 : i32
      "tpu.region"() ({
        %run_scoped3A = tpu.sem_alloc : memref<!tpu.dma_semaphore, #tpu.memory_space<semaphore_mem>>
        %dma_start3A_131 = arith.constant 0 : i32
        %dma_start3A_132 = tpu.memref_slice %arg6[%add3A_130, %dma_start3A_131] : memref<20000x128xf32, #tpu.memory_space<hbm>> -> memref<80x128xf32, #tpu.memory_space<hbm>>
        %dma_start3A_133 = arith.constant 0 : i32
        %dma_start3A_134 = tpu.memref_slice %arg16[%mul3A_125, %dma_start3A_133] : memref<10000x128xf32, #tpu.memory_space<vmem_shared>> -> memref<80x128xf32, #tpu.memory_space<vmem_shared>>
        tpu.enqueue_dma source(%dma_start3A_134 : memref<80x128xf32, #tpu.memory_space<vmem_shared>>) target(%dma_start3A_132 : memref<80x128xf32, #tpu.memory_space<hbm>>) target_semaphore(%run_scoped3A : memref<!tpu.dma_semaphore, #tpu.memory_space<semaphore_mem>>)
        %dma_wait3A_135 = arith.constant 0 : i32
        %dma_wait3A_136 = tpu.memref_slice %arg6[%add3A_130, %dma_wait3A_135] : memref<20000x128xf32, #tpu.memory_space<hbm>> -> memref<80x128xf32, #tpu.memory_space<hbm>>
        %dma_wait3A_137 = arith.constant 0 : i32
        %dma_wait3A_138 = tpu.memref_slice %arg16[%mul3A_125, %dma_wait3A_137] : memref<10000x128xf32, #tpu.memory_space<vmem_shared>> -> memref<80x128xf32, #tpu.memory_space<vmem_shared>>
        tpu.wait_dma2 semaphore(%run_scoped3A : memref<!tpu.dma_semaphore, #tpu.memory_space<semaphore_mem>>) src(%dma_wait3A_138 : memref<80x128xf32, #tpu.memory_space<vmem_shared>>) dst(%dma_wait3A_136 : memref<80x128xf32, #tpu.memory_space<hbm>>)
        tpu.yield
      }) : () -> ()
    } else {
    }
    %add3A_117 = arith.constant 112 : i32
    %add3A_118 = arith.addi %arg1, %add3A_117 : i32
    %lt3A_119 = arith.constant 125 : i32
    %lt3A_120 = arith.cmpi slt, %add3A_118, %lt3A_119 : i32
    %convert_element_type3A_121 = arith.extui %lt3A_120 : i1 to i32
    %cond3A_122 = arith.constant 0 : i32
    %cond3A_123 = arith.cmpi ne, %convert_element_type3A_121, %cond3A_122 : i32
    scf.if %cond3A_123 {
      %mul3A_124 = arith.constant 80 : i32
      %mul3A_125 = arith.muli %add3A_118, %mul3A_124 : i32
      %mul3A_126 = arith.constant 10000 : i32
      %mul3A_127 = arith.muli %arg0, %mul3A_126 : i32
      %mul3A_128 = arith.constant 80 : i32
      %mul3A_129 = arith.muli %add3A_118, %mul3A_128 : i32
      %add3A_130 = arith.addi %mul3A_127, %mul3A_129 : i32
      "tpu.region"() ({
        %run_scoped3A = tpu.sem_alloc : memref<!tpu.dma_semaphore, #tpu.memory_space<semaphore_mem>>
        %dma_start3A_131 = arith.constant 0 : i32
        %dma_start3A_132 = tpu.memref_slice %arg6[%add3A_130, %dma_start3A_131] : memref<20000x128xf32, #tpu.memory_space<hbm>> -> memref<80x128xf32, #tpu.memory_space<hbm>>
        %dma_start3A_133 = arith.constant 0 : i32
        %dma_start3A_134 = tpu.memref_slice %arg16[%mul3A_125, %dma_start3A_133] : memref<10000x128xf32, #tpu.memory_space<vmem_shared>> -> memref<80x128xf32, #tpu.memory_space<vmem_shared>>
        tpu.enqueue_dma source(%dma_start3A_134 : memref<80x128xf32, #tpu.memory_space<vmem_shared>>) target(%dma_start3A_132 : memref<80x128xf32, #tpu.memory_space<hbm>>) target_semaphore(%run_scoped3A : memref<!tpu.dma_semaphore, #tpu.memory_space<semaphore_mem>>)
        %dma_wait3A_135 = arith.constant 0 : i32
        %dma_wait3A_136 = tpu.memref_slice %arg6[%add3A_130, %dma_wait3A_135] : memref<20000x128xf32, #tpu.memory_space<hbm>> -> memref<80x128xf32, #tpu.memory_space<hbm>>
        %dma_wait3A_137 = arith.constant 0 : i32
        %dma_wait3A_138 = tpu.memref_slice %arg16[%mul3A_125, %dma_wait3A_137] : memref<10000x128xf32, #tpu.memory_space<vmem_shared>> -> memref<80x128xf32, #tpu.memory_space<vmem_shared>>
        tpu.wait_dma2 semaphore(%run_scoped3A : memref<!tpu.dma_semaphore, #tpu.memory_space<semaphore_mem>>) src(%dma_wait3A_138 : memref<80x128xf32, #tpu.memory_space<vmem_shared>>) dst(%dma_wait3A_136 : memref<80x128xf32, #tpu.memory_space<hbm>>)
        tpu.yield
      }) : () -> ()
    } else {
    }
    return
  }
}

#map = affine_map<(d0, d1) -> (0, 0)>
#map1 = affine_map<(d0, d1) -> (0)>
#map2 = affine_map<(d0, d1) -> (0, 0, 0)>
module attributes {stable_mosaic.version = 14 : i64} {
  func.func @_sc_pool(%arg0: i32, %arg1: i32, %arg2: memref<20000x128xf32, #tpu.memory_space<hbm>>, %arg3: memref<10000x128xf32, #tpu.memory_space<hbm>>, %arg4: memref<20000x128xf32, #tpu.memory_space<hbm>>, %arg5: memref<400xi32, #tpu.memory_space<hbm>>, %arg6: memref<2x400x128xf32, #tpu.memory_space<hbm>>, %arg7: memref<400x128xf32, #tpu.memory_space<hbm>>, %arg8: memref<2x400x128xf32, #tpu.memory_space<hbm>>, %arg9: memref<16xi32, #tpu.memory_space<vmem>>, %arg10: memref<16x128xf32, #tpu.memory_space<vmem>>, %arg11: memref<16x128xf32, #tpu.memory_space<vmem>>, %arg12: memref<16x128xf32, #tpu.memory_space<vmem>>, %arg13: memref<16x128xf32, #tpu.memory_space<vmem>>, %arg14: memref<16x128xf32, #tpu.memory_space<vmem>>, %arg15: memref<!tpu.dma_semaphore, #tpu.memory_space<semaphore_mem>>, %arg16: memref<!tpu.dma_semaphore, #tpu.memory_space<semaphore_mem>>, %arg17: memref<!tpu.dma_semaphore, #tpu.memory_space<semaphore_mem>>, %arg18: memref<!tpu.dma_semaphore, #tpu.memory_space<semaphore_mem>>, %arg19: memref<!tpu.dma_semaphore, #tpu.memory_space<semaphore_mem>>) attributes {dimension_semantics = [#tpu.dimension_semantics<core_parallel>, #tpu.dimension_semantics<subcore_parallel>], iteration_bounds = array<i64: 2, 16>, scalar_prefetch = 0 : i64, scratch_operands = 11 : i64, tpu.core_type = #tpu.core_type<sc_vector_subcore>, window_params = [{transform_indices = #map}, {transform_indices = #map}, {transform_indices = #map}, {transform_indices = #map1}, {transform_indices = #map2}, {transform_indices = #map}, {transform_indices = #map2}]} {
    %mul3A = arith.constant 2 : i32
    %mul3A_0 = arith.muli %arg1, %mul3A : i32
    %add3A = arith.addi %mul3A_0, %arg0 : i32
    %lt3A = arith.constant 25 : i32
    %lt3A_1 = arith.cmpi slt, %add3A, %lt3A : i32
    %convert_element_type3A = arith.extui %lt3A_1 : i1 to i32
    %cond3A = arith.constant 0 : i32
    %cond3A_2 = arith.cmpi ne, %convert_element_type3A, %cond3A : i32
    scf.if %cond3A_2 {
      %mul3A_3 = arith.constant 16 : i32
      %mul3A_4 = arith.muli %add3A, %mul3A_3 : i32
      "tpu.region"() ({
        %run_scoped3A_70 = tpu.sem_alloc : memref<!tpu.dma_semaphore, #tpu.memory_space<semaphore_mem>>
        %dma_start3A_71 = tpu.memref_slice %arg5[%mul3A_4] : memref<400xi32, #tpu.memory_space<hbm>> -> memref<16xi32, #tpu.memory_space<hbm>>
        %dma_start3A_72 = tpu.memref_slice %arg5[%mul3A_4] : memref<400xi32, #tpu.memory_space<hbm>> -> memref<16xi32, #tpu.memory_space<hbm>>
        tpu.enqueue_dma source(%dma_start3A_72 : memref<16xi32, #tpu.memory_space<hbm>>) target(%arg9 : memref<16xi32, #tpu.memory_space<vmem>>) target_semaphore(%run_scoped3A_70 : memref<!tpu.dma_semaphore, #tpu.memory_space<semaphore_mem>>)
        %dma_wait3A_73 = tpu.memref_slice %arg5[%mul3A_4] : memref<400xi32, #tpu.memory_space<hbm>> -> memref<16xi32, #tpu.memory_space<hbm>>
        %dma_wait3A_74 = tpu.memref_slice %arg5[%mul3A_4] : memref<400xi32, #tpu.memory_space<hbm>> -> memref<16xi32, #tpu.memory_space<hbm>>
        tpu.wait_dma2 semaphore(%run_scoped3A_70 : memref<!tpu.dma_semaphore, #tpu.memory_space<semaphore_mem>>) src(%dma_wait3A_74 : memref<16xi32, #tpu.memory_space<hbm>>) dst(%arg9 : memref<16xi32, #tpu.memory_space<vmem>>)
        tpu.yield
      }) : () -> ()
      %dma_start3A = arith.constant 0 : i32
      %dma_start3A_5 = arith.constant 0 : i32
      %dma_start3A_6 = tpu.memref_slice %arg2[%dma_start3A, %dma_start3A_5] : memref<20000x128xf32, #tpu.memory_space<hbm>> -> memref<10000x128xf32, #tpu.memory_space<hbm>>
      %dma_start3A_7 = arith.constant 0 : i32
      %dma_start3A_8 = arith.constant 0 : i32
      %dma_start3A_9 = tpu.memref_slice %dma_start3A_6[%dma_start3A_7, %dma_start3A_8] : memref<10000x128xf32, #tpu.memory_space<hbm>> -> memref<10000x128xf32, #tpu.memory_space<hbm>>
      tpu.enqueue_indirect_dma source(%dma_start3A_9 : memref<10000x128xf32, #tpu.memory_space<hbm>>) target(%arg10 : memref<16x128xf32, #tpu.memory_space<vmem>>) offsets(%arg9 : memref<16xi32, #tpu.memory_space<vmem>>) semaphore(%arg15 : memref<!tpu.dma_semaphore, #tpu.memory_space<semaphore_mem>>)
      %dma_start3A_10 = arith.constant 0 : i32
      %dma_start3A_11 = arith.constant 0 : i32
      %dma_start3A_12 = tpu.memref_slice %arg4[%dma_start3A_10, %dma_start3A_11] : memref<20000x128xf32, #tpu.memory_space<hbm>> -> memref<10000x128xf32, #tpu.memory_space<hbm>>
      %dma_start3A_13 = arith.constant 0 : i32
      %dma_start3A_14 = arith.constant 0 : i32
      %dma_start3A_15 = tpu.memref_slice %dma_start3A_12[%dma_start3A_13, %dma_start3A_14] : memref<10000x128xf32, #tpu.memory_space<hbm>> -> memref<10000x128xf32, #tpu.memory_space<hbm>>
      tpu.enqueue_indirect_dma source(%dma_start3A_15 : memref<10000x128xf32, #tpu.memory_space<hbm>>) target(%arg12 : memref<16x128xf32, #tpu.memory_space<vmem>>) offsets(%arg9 : memref<16xi32, #tpu.memory_space<vmem>>) semaphore(%arg17 : memref<!tpu.dma_semaphore, #tpu.memory_space<semaphore_mem>>)
      %dma_start3A_16 = arith.constant 10000 : i32
      %dma_start3A_17 = arith.constant 0 : i32
      %dma_start3A_18 = tpu.memref_slice %arg2[%dma_start3A_16, %dma_start3A_17] : memref<20000x128xf32, #tpu.memory_space<hbm>> -> memref<10000x128xf32, #tpu.memory_space<hbm>>
      %dma_start3A_19 = arith.constant 0 : i32
      %dma_start3A_20 = arith.constant 0 : i32
      %dma_start3A_21 = tpu.memref_slice %dma_start3A_18[%dma_start3A_19, %dma_start3A_20] : memref<10000x128xf32, #tpu.memory_space<hbm>> -> memref<10000x128xf32, #tpu.memory_space<hbm>>
      tpu.enqueue_indirect_dma source(%dma_start3A_21 : memref<10000x128xf32, #tpu.memory_space<hbm>>) target(%arg11 : memref<16x128xf32, #tpu.memory_space<vmem>>) offsets(%arg9 : memref<16xi32, #tpu.memory_space<vmem>>) semaphore(%arg16 : memref<!tpu.dma_semaphore, #tpu.memory_space<semaphore_mem>>)
      %dma_start3A_22 = arith.constant 10000 : i32
      %dma_start3A_23 = arith.constant 0 : i32
      %dma_start3A_24 = tpu.memref_slice %arg4[%dma_start3A_22, %dma_start3A_23] : memref<20000x128xf32, #tpu.memory_space<hbm>> -> memref<10000x128xf32, #tpu.memory_space<hbm>>
      %dma_start3A_25 = arith.constant 0 : i32
      %dma_start3A_26 = arith.constant 0 : i32
      %dma_start3A_27 = tpu.memref_slice %dma_start3A_24[%dma_start3A_25, %dma_start3A_26] : memref<10000x128xf32, #tpu.memory_space<hbm>> -> memref<10000x128xf32, #tpu.memory_space<hbm>>
      tpu.enqueue_indirect_dma source(%dma_start3A_27 : memref<10000x128xf32, #tpu.memory_space<hbm>>) target(%arg13 : memref<16x128xf32, #tpu.memory_space<vmem>>) offsets(%arg9 : memref<16xi32, #tpu.memory_space<vmem>>) semaphore(%arg18 : memref<!tpu.dma_semaphore, #tpu.memory_space<semaphore_mem>>)
      %dma_start3A_28 = arith.constant 0 : i32
      %dma_start3A_29 = arith.constant 0 : i32
      %dma_start3A_30 = tpu.memref_slice %arg3[%dma_start3A_28, %dma_start3A_29] : memref<10000x128xf32, #tpu.memory_space<hbm>> -> memref<10000x128xf32, #tpu.memory_space<hbm>>
      tpu.enqueue_indirect_dma source(%dma_start3A_30 : memref<10000x128xf32, #tpu.memory_space<hbm>>) target(%arg14 : memref<16x128xf32, #tpu.memory_space<vmem>>) offsets(%arg9 : memref<16xi32, #tpu.memory_space<vmem>>) semaphore(%arg19 : memref<!tpu.dma_semaphore, #tpu.memory_space<semaphore_mem>>)
      %dma_wait3A = arith.constant 0 : i32
      %dma_wait3A_31 = arith.constant 0 : i32
      %dma_wait3A_32 = tpu.memref_slice %arg2[%dma_wait3A, %dma_wait3A_31] : memref<20000x128xf32, #tpu.memory_space<hbm>> -> memref<10000x128xf32, #tpu.memory_space<hbm>>
      %dma_wait3A_33 = arith.constant 0 : i32
      %dma_wait3A_34 = arith.constant 0 : i32
      %dma_wait3A_35 = tpu.memref_slice %dma_wait3A_32[%dma_wait3A_33, %dma_wait3A_34] : memref<10000x128xf32, #tpu.memory_space<hbm>> -> memref<10000x128xf32, #tpu.memory_space<hbm>>
      tpu.wait_indirect_dma semaphore(%arg15 : memref<!tpu.dma_semaphore, #tpu.memory_space<semaphore_mem>>) src(%dma_wait3A_35 : memref<10000x128xf32, #tpu.memory_space<hbm>>) dst(%arg10 : memref<16x128xf32, #tpu.memory_space<vmem>>)
      %dma_wait3A_36 = arith.constant 0 : i32
      %dma_wait3A_37 = arith.constant 0 : i32
      %dma_wait3A_38 = tpu.memref_slice %arg4[%dma_wait3A_36, %dma_wait3A_37] : memref<20000x128xf32, #tpu.memory_space<hbm>> -> memref<10000x128xf32, #tpu.memory_space<hbm>>
      %dma_wait3A_39 = arith.constant 0 : i32
      %dma_wait3A_40 = arith.constant 0 : i32
      %dma_wait3A_41 = tpu.memref_slice %dma_wait3A_38[%dma_wait3A_39, %dma_wait3A_40] : memref<10000x128xf32, #tpu.memory_space<hbm>> -> memref<10000x128xf32, #tpu.memory_space<hbm>>
      tpu.wait_indirect_dma semaphore(%arg17 : memref<!tpu.dma_semaphore, #tpu.memory_space<semaphore_mem>>) src(%dma_wait3A_41 : memref<10000x128xf32, #tpu.memory_space<hbm>>) dst(%arg12 : memref<16x128xf32, #tpu.memory_space<vmem>>)
      %dma_wait3A_42 = arith.constant 10000 : i32
      %dma_wait3A_43 = arith.constant 0 : i32
      %dma_wait3A_44 = tpu.memref_slice %arg2[%dma_wait3A_42, %dma_wait3A_43] : memref<20000x128xf32, #tpu.memory_space<hbm>> -> memref<10000x128xf32, #tpu.memory_space<hbm>>
      %dma_wait3A_45 = arith.constant 0 : i32
      %dma_wait3A_46 = arith.constant 0 : i32
      %dma_wait3A_47 = tpu.memref_slice %dma_wait3A_44[%dma_wait3A_45, %dma_wait3A_46] : memref<10000x128xf32, #tpu.memory_space<hbm>> -> memref<10000x128xf32, #tpu.memory_space<hbm>>
      tpu.wait_indirect_dma semaphore(%arg16 : memref<!tpu.dma_semaphore, #tpu.memory_space<semaphore_mem>>) src(%dma_wait3A_47 : memref<10000x128xf32, #tpu.memory_space<hbm>>) dst(%arg11 : memref<16x128xf32, #tpu.memory_space<vmem>>)
      %dma_wait3A_48 = arith.constant 10000 : i32
      %dma_wait3A_49 = arith.constant 0 : i32
      %dma_wait3A_50 = tpu.memref_slice %arg4[%dma_wait3A_48, %dma_wait3A_49] : memref<20000x128xf32, #tpu.memory_space<hbm>> -> memref<10000x128xf32, #tpu.memory_space<hbm>>
      %dma_wait3A_51 = arith.constant 0 : i32
      %dma_wait3A_52 = arith.constant 0 : i32
      %dma_wait3A_53 = tpu.memref_slice %dma_wait3A_50[%dma_wait3A_51, %dma_wait3A_52] : memref<10000x128xf32, #tpu.memory_space<hbm>> -> memref<10000x128xf32, #tpu.memory_space<hbm>>
      tpu.wait_indirect_dma semaphore(%arg18 : memref<!tpu.dma_semaphore, #tpu.memory_space<semaphore_mem>>) src(%dma_wait3A_53 : memref<10000x128xf32, #tpu.memory_space<hbm>>) dst(%arg13 : memref<16x128xf32, #tpu.memory_space<vmem>>)
      %dma_wait3A_54 = arith.constant 0 : i32
      %dma_wait3A_55 = arith.constant 0 : i32
      %dma_wait3A_56 = tpu.memref_slice %arg3[%dma_wait3A_54, %dma_wait3A_55] : memref<10000x128xf32, #tpu.memory_space<hbm>> -> memref<10000x128xf32, #tpu.memory_space<hbm>>
      tpu.wait_indirect_dma semaphore(%arg19 : memref<!tpu.dma_semaphore, #tpu.memory_space<semaphore_mem>>) src(%dma_wait3A_56 : memref<10000x128xf32, #tpu.memory_space<hbm>>) dst(%arg14 : memref<16x128xf32, #tpu.memory_space<vmem>>)
      %mul3A_57 = arith.constant 16 : i32
      %mul3A_58 = arith.muli %add3A, %mul3A_57 : i32
      %run_scoped3A = arith.constant 0 : i32
      "tpu.region"() ({
        %run_scoped3A_70 = tpu.sem_alloc : memref<!tpu.dma_semaphore, #tpu.memory_space<semaphore_mem>>
        %dma_start3A_71 = arith.constant 0 : i32
        %dma_start3A_72 = tpu.memref_slice %arg6[%run_scoped3A, %mul3A_58, %dma_start3A_71] : memref<2x400x128xf32, #tpu.memory_space<hbm>> -> memref<1x16x128xf32, #tpu.memory_space<hbm>>
        %dma_start3A_73 = tpu.memref_squeeze %dma_start3A_72 : memref<1x16x128xf32, #tpu.memory_space<hbm>> -> memref<16x128xf32, #tpu.memory_space<hbm>>
        %dma_start3A_74 = arith.constant 0 : i32
        %dma_start3A_75 = tpu.memref_slice %arg6[%run_scoped3A, %mul3A_58, %dma_start3A_74] : memref<2x400x128xf32, #tpu.memory_space<hbm>> -> memref<1x16x128xf32, #tpu.memory_space<hbm>>
        %dma_start3A_76 = tpu.memref_squeeze %dma_start3A_75 : memref<1x16x128xf32, #tpu.memory_space<hbm>> -> memref<16x128xf32, #tpu.memory_space<hbm>>
        tpu.enqueue_dma source(%arg10 : memref<16x128xf32, #tpu.memory_space<vmem>>) target(%dma_start3A_76 : memref<16x128xf32, #tpu.memory_space<hbm>>) target_semaphore(%run_scoped3A_70 : memref<!tpu.dma_semaphore, #tpu.memory_space<semaphore_mem>>)
        %dma_wait3A_77 = arith.constant 0 : i32
        %dma_wait3A_78 = tpu.memref_slice %arg6[%run_scoped3A, %mul3A_58, %dma_wait3A_77] : memref<2x400x128xf32, #tpu.memory_space<hbm>> -> memref<1x16x128xf32, #tpu.memory_space<hbm>>
        %dma_wait3A_79 = tpu.memref_squeeze %dma_wait3A_78 : memref<1x16x128xf32, #tpu.memory_space<hbm>> -> memref<16x128xf32, #tpu.memory_space<hbm>>
        %dma_wait3A_80 = arith.constant 0 : i32
        %dma_wait3A_81 = tpu.memref_slice %arg6[%run_scoped3A, %mul3A_58, %dma_wait3A_80] : memref<2x400x128xf32, #tpu.memory_space<hbm>> -> memref<1x16x128xf32, #tpu.memory_space<hbm>>
        %dma_wait3A_82 = tpu.memref_squeeze %dma_wait3A_81 : memref<1x16x128xf32, #tpu.memory_space<hbm>> -> memref<16x128xf32, #tpu.memory_space<hbm>>
        tpu.wait_dma2 semaphore(%run_scoped3A_70 : memref<!tpu.dma_semaphore, #tpu.memory_space<semaphore_mem>>) src(%arg10 : memref<16x128xf32, #tpu.memory_space<vmem>>) dst(%dma_wait3A_82 : memref<16x128xf32, #tpu.memory_space<hbm>>)
        tpu.yield
      }) : () -> ()
      %mul3A_59 = arith.constant 16 : i32
      %mul3A_60 = arith.muli %add3A, %mul3A_59 : i32
      %run_scoped3A_61 = arith.constant 0 : i32
      "tpu.region"() ({
        %run_scoped3A_70 = tpu.sem_alloc : memref<!tpu.dma_semaphore, #tpu.memory_space<semaphore_mem>>
        %dma_start3A_71 = arith.constant 0 : i32
        %dma_start3A_72 = tpu.memref_slice %arg8[%run_scoped3A_61, %mul3A_60, %dma_start3A_71] : memref<2x400x128xf32, #tpu.memory_space<hbm>> -> memref<1x16x128xf32, #tpu.memory_space<hbm>>
        %dma_start3A_73 = tpu.memref_squeeze %dma_start3A_72 : memref<1x16x128xf32, #tpu.memory_space<hbm>> -> memref<16x128xf32, #tpu.memory_space<hbm>>
        %dma_start3A_74 = arith.constant 0 : i32
        %dma_start3A_75 = tpu.memref_slice %arg8[%run_scoped3A_61, %mul3A_60, %dma_start3A_74] : memref<2x400x128xf32, #tpu.memory_space<hbm>> -> memref<1x16x128xf32, #tpu.memory_space<hbm>>
        %dma_start3A_76 = tpu.memref_squeeze %dma_start3A_75 : memref<1x16x128xf32, #tpu.memory_space<hbm>> -> memref<16x128xf32, #tpu.memory_space<hbm>>
        tpu.enqueue_dma source(%arg12 : memref<16x128xf32, #tpu.memory_space<vmem>>) target(%dma_start3A_76 : memref<16x128xf32, #tpu.memory_space<hbm>>) target_semaphore(%run_scoped3A_70 : memref<!tpu.dma_semaphore, #tpu.memory_space<semaphore_mem>>)
        %dma_wait3A_77 = arith.constant 0 : i32
        %dma_wait3A_78 = tpu.memref_slice %arg8[%run_scoped3A_61, %mul3A_60, %dma_wait3A_77] : memref<2x400x128xf32, #tpu.memory_space<hbm>> -> memref<1x16x128xf32, #tpu.memory_space<hbm>>
        %dma_wait3A_79 = tpu.memref_squeeze %dma_wait3A_78 : memref<1x16x128xf32, #tpu.memory_space<hbm>> -> memref<16x128xf32, #tpu.memory_space<hbm>>
        %dma_wait3A_80 = arith.constant 0 : i32
        %dma_wait3A_81 = tpu.memref_slice %arg8[%run_scoped3A_61, %mul3A_60, %dma_wait3A_80] : memref<2x400x128xf32, #tpu.memory_space<hbm>> -> memref<1x16x128xf32, #tpu.memory_space<hbm>>
        %dma_wait3A_82 = tpu.memref_squeeze %dma_wait3A_81 : memref<1x16x128xf32, #tpu.memory_space<hbm>> -> memref<16x128xf32, #tpu.memory_space<hbm>>
        tpu.wait_dma2 semaphore(%run_scoped3A_70 : memref<!tpu.dma_semaphore, #tpu.memory_space<semaphore_mem>>) src(%arg12 : memref<16x128xf32, #tpu.memory_space<vmem>>) dst(%dma_wait3A_82 : memref<16x128xf32, #tpu.memory_space<hbm>>)
        tpu.yield
      }) : () -> ()
      %mul3A_62 = arith.constant 16 : i32
      %mul3A_63 = arith.muli %add3A, %mul3A_62 : i32
      %run_scoped3A_64 = arith.constant 1 : i32
      "tpu.region"() ({
        %run_scoped3A_70 = tpu.sem_alloc : memref<!tpu.dma_semaphore, #tpu.memory_space<semaphore_mem>>
        %dma_start3A_71 = arith.constant 0 : i32
        %dma_start3A_72 = tpu.memref_slice %arg6[%run_scoped3A_64, %mul3A_63, %dma_start3A_71] : memref<2x400x128xf32, #tpu.memory_space<hbm>> -> memref<1x16x128xf32, #tpu.memory_space<hbm>>
        %dma_start3A_73 = tpu.memref_squeeze %dma_start3A_72 : memref<1x16x128xf32, #tpu.memory_space<hbm>> -> memref<16x128xf32, #tpu.memory_space<hbm>>
        %dma_start3A_74 = arith.constant 0 : i32
        %dma_start3A_75 = tpu.memref_slice %arg6[%run_scoped3A_64, %mul3A_63, %dma_start3A_74] : memref<2x400x128xf32, #tpu.memory_space<hbm>> -> memref<1x16x128xf32, #tpu.memory_space<hbm>>
        %dma_start3A_76 = tpu.memref_squeeze %dma_start3A_75 : memref<1x16x128xf32, #tpu.memory_space<hbm>> -> memref<16x128xf32, #tpu.memory_space<hbm>>
        tpu.enqueue_dma source(%arg11 : memref<16x128xf32, #tpu.memory_space<vmem>>) target(%dma_start3A_76 : memref<16x128xf32, #tpu.memory_space<hbm>>) target_semaphore(%run_scoped3A_70 : memref<!tpu.dma_semaphore, #tpu.memory_space<semaphore_mem>>)
        %dma_wait3A_77 = arith.constant 0 : i32
        %dma_wait3A_78 = tpu.memref_slice %arg6[%run_scoped3A_64, %mul3A_63, %dma_wait3A_77] : memref<2x400x128xf32, #tpu.memory_space<hbm>> -> memref<1x16x128xf32, #tpu.memory_space<hbm>>
        %dma_wait3A_79 = tpu.memref_squeeze %dma_wait3A_78 : memref<1x16x128xf32, #tpu.memory_space<hbm>> -> memref<16x128xf32, #tpu.memory_space<hbm>>
        %dma_wait3A_80 = arith.constant 0 : i32
        %dma_wait3A_81 = tpu.memref_slice %arg6[%run_scoped3A_64, %mul3A_63, %dma_wait3A_80] : memref<2x400x128xf32, #tpu.memory_space<hbm>> -> memref<1x16x128xf32, #tpu.memory_space<hbm>>
        %dma_wait3A_82 = tpu.memref_squeeze %dma_wait3A_81 : memref<1x16x128xf32, #tpu.memory_space<hbm>> -> memref<16x128xf32, #tpu.memory_space<hbm>>
        tpu.wait_dma2 semaphore(%run_scoped3A_70 : memref<!tpu.dma_semaphore, #tpu.memory_space<semaphore_mem>>) src(%arg11 : memref<16x128xf32, #tpu.memory_space<vmem>>) dst(%dma_wait3A_82 : memref<16x128xf32, #tpu.memory_space<hbm>>)
        tpu.yield
      }) : () -> ()
      %mul3A_65 = arith.constant 16 : i32
      %mul3A_66 = arith.muli %add3A, %mul3A_65 : i32
      %run_scoped3A_67 = arith.constant 1 : i32
      "tpu.region"() ({
        %run_scoped3A_70 = tpu.sem_alloc : memref<!tpu.dma_semaphore, #tpu.memory_space<semaphore_mem>>
        %dma_start3A_71 = arith.constant 0 : i32
        %dma_start3A_72 = tpu.memref_slice %arg8[%run_scoped3A_67, %mul3A_66, %dma_start3A_71] : memref<2x400x128xf32, #tpu.memory_space<hbm>> -> memref<1x16x128xf32, #tpu.memory_space<hbm>>
        %dma_start3A_73 = tpu.memref_squeeze %dma_start3A_72 : memref<1x16x128xf32, #tpu.memory_space<hbm>> -> memref<16x128xf32, #tpu.memory_space<hbm>>
        %dma_start3A_74 = arith.constant 0 : i32
        %dma_start3A_75 = tpu.memref_slice %arg8[%run_scoped3A_67, %mul3A_66, %dma_start3A_74] : memref<2x400x128xf32, #tpu.memory_space<hbm>> -> memref<1x16x128xf32, #tpu.memory_space<hbm>>
        %dma_start3A_76 = tpu.memref_squeeze %dma_start3A_75 : memref<1x16x128xf32, #tpu.memory_space<hbm>> -> memref<16x128xf32, #tpu.memory_space<hbm>>
        tpu.enqueue_dma source(%arg13 : memref<16x128xf32, #tpu.memory_space<vmem>>) target(%dma_start3A_76 : memref<16x128xf32, #tpu.memory_space<hbm>>) target_semaphore(%run_scoped3A_70 : memref<!tpu.dma_semaphore, #tpu.memory_space<semaphore_mem>>)
        %dma_wait3A_77 = arith.constant 0 : i32
        %dma_wait3A_78 = tpu.memref_slice %arg8[%run_scoped3A_67, %mul3A_66, %dma_wait3A_77] : memref<2x400x128xf32, #tpu.memory_space<hbm>> -> memref<1x16x128xf32, #tpu.memory_space<hbm>>
        %dma_wait3A_79 = tpu.memref_squeeze %dma_wait3A_78 : memref<1x16x128xf32, #tpu.memory_space<hbm>> -> memref<16x128xf32, #tpu.memory_space<hbm>>
        %dma_wait3A_80 = arith.constant 0 : i32
        %dma_wait3A_81 = tpu.memref_slice %arg8[%run_scoped3A_67, %mul3A_66, %dma_wait3A_80] : memref<2x400x128xf32, #tpu.memory_space<hbm>> -> memref<1x16x128xf32, #tpu.memory_space<hbm>>
        %dma_wait3A_82 = tpu.memref_squeeze %dma_wait3A_81 : memref<1x16x128xf32, #tpu.memory_space<hbm>> -> memref<16x128xf32, #tpu.memory_space<hbm>>
        tpu.wait_dma2 semaphore(%run_scoped3A_70 : memref<!tpu.dma_semaphore, #tpu.memory_space<semaphore_mem>>) src(%arg13 : memref<16x128xf32, #tpu.memory_space<vmem>>) dst(%dma_wait3A_82 : memref<16x128xf32, #tpu.memory_space<hbm>>)
        tpu.yield
      }) : () -> ()
      %mul3A_68 = arith.constant 16 : i32
      %mul3A_69 = arith.muli %add3A, %mul3A_68 : i32
      "tpu.region"() ({
        %run_scoped3A_70 = tpu.sem_alloc : memref<!tpu.dma_semaphore, #tpu.memory_space<semaphore_mem>>
        %dma_start3A_71 = arith.constant 0 : i32
        %dma_start3A_72 = tpu.memref_slice %arg7[%mul3A_69, %dma_start3A_71] : memref<400x128xf32, #tpu.memory_space<hbm>> -> memref<16x128xf32, #tpu.memory_space<hbm>>
        %dma_start3A_73 = arith.constant 0 : i32
        %dma_start3A_74 = tpu.memref_slice %arg7[%mul3A_69, %dma_start3A_73] : memref<400x128xf32, #tpu.memory_space<hbm>> -> memref<16x128xf32, #tpu.memory_space<hbm>>
        tpu.enqueue_dma source(%arg14 : memref<16x128xf32, #tpu.memory_space<vmem>>) target(%dma_start3A_74 : memref<16x128xf32, #tpu.memory_space<hbm>>) target_semaphore(%run_scoped3A_70 : memref<!tpu.dma_semaphore, #tpu.memory_space<semaphore_mem>>)
        %dma_wait3A_75 = arith.constant 0 : i32
        %dma_wait3A_76 = tpu.memref_slice %arg7[%mul3A_69, %dma_wait3A_75] : memref<400x128xf32, #tpu.memory_space<hbm>> -> memref<16x128xf32, #tpu.memory_space<hbm>>
        %dma_wait3A_77 = arith.constant 0 : i32
        %dma_wait3A_78 = tpu.memref_slice %arg7[%mul3A_69, %dma_wait3A_77] : memref<400x128xf32, #tpu.memory_space<hbm>> -> memref<16x128xf32, #tpu.memory_space<hbm>>
        tpu.wait_dma2 semaphore(%run_scoped3A_70 : memref<!tpu.dma_semaphore, #tpu.memory_space<semaphore_mem>>) src(%arg14 : memref<16x128xf32, #tpu.memory_space<vmem>>) dst(%dma_wait3A_78 : memref<16x128xf32, #tpu.memory_space<hbm>>)
        tpu.yield
      }) : () -> ()
    } else {
    }
    return
  }
}

module attributes {stable_mosaic.version = 14 : i64} {
  func.func @_tc_mid_body(%arg0: i32, %arg1: memref<2x1000x128xf32, #tpu.memory_space<vmem>>, %arg2: memref<1000x128xf32, #tpu.memory_space<vmem>>, %arg3: memref<1000x1xf32, #tpu.memory_space<vmem>>, %arg4: memref<1x128xf32, #tpu.memory_space<vmem>>, %arg5: memref<128x128xf32, #tpu.memory_space<vmem>>, %arg6: memref<1000x128xf32, #tpu.memory_space<vmem>>) attributes {dimension_semantics = [#tpu.dimension_semantics<arbitrary>], iteration_bounds = array<i64: 10>, scalar_prefetch = 0 : i64, scratch_operands = 0 : i64, tpu.core_type = #tpu.core_type<tc>, window_params = [{transform_indices = @transform_0, window_bounds = array<i64: 2, 1000, 128>}, {transform_indices = @transform_1, window_bounds = array<i64: 1000, 128>}, {transform_indices = @transform_2, window_bounds = array<i64: 1000, 1>}, {pipeline_mode = #tpu.pipeline_mode<synchronous>, transform_indices = @transform_3, window_bounds = array<i64: 1, 128>}, {pipeline_mode = #tpu.pipeline_mode<synchronous>, transform_indices = @transform_4, window_bounds = array<i64: 128, 128>}, {transform_indices = @transform_5, window_bounds = array<i64: 1000, 128>}]} {
    %get3A = arith.constant 0 : index
    %get3A_0 = arith.constant 0 : index
    %get3A_1 = vector.load %arg3[%get3A, %get3A_0] : memref<1000x1xf32, #tpu.memory_space<vmem>>, vector<1000x1xf32>
    %get3A_2 = arith.constant 0 : index
    %get3A_3 = arith.constant 0 : index
    %get3A_4 = arith.constant 0 : index
    %get3A_5 = vector.load %arg1[%get3A_2, %get3A_3, %get3A_4] : memref<2x1000x128xf32, #tpu.memory_space<vmem>>, vector<1x1000x128xf32>
    %get3A_6 = vector.shape_cast %get3A_5 : vector<1x1000x128xf32> to vector<1000x128xf32>
    %get3A_7 = arith.constant 1 : index
    %get3A_8 = arith.constant 0 : index
    %get3A_9 = arith.constant 0 : index
    %get3A_10 = vector.load %arg1[%get3A_7, %get3A_8, %get3A_9] : memref<2x1000x128xf32, #tpu.memory_space<vmem>>, vector<1x1000x128xf32>
    %get3A_11 = vector.shape_cast %get3A_10 : vector<1x1000x128xf32> to vector<1000x128xf32>
    %add3A = arith.addf %get3A_6, %get3A_11 : vector<1000x128xf32>
    %get3A_12 = arith.constant 0 : index
    %get3A_13 = arith.constant 0 : index
    %get3A_14 = vector.load %arg2[%get3A_12, %get3A_13] : memref<1000x128xf32, #tpu.memory_space<vmem>>, vector<1000x128xf32>
    %add3A_15 = arith.addf %add3A, %get3A_14 : vector<1000x128xf32>
    %mul3A = vector.broadcast %get3A_1 : vector<1000x1xf32> to vector<1000x128xf32>
    %mul3A_16 = arith.mulf %mul3A, %add3A_15 : vector<1000x128xf32>
    %get3A_17 = arith.constant 0 : index
    %get3A_18 = arith.constant 0 : index
    %get3A_19 = vector.load %arg4[%get3A_17, %get3A_18] : memref<1x128xf32, #tpu.memory_space<vmem>>, vector<1x128xf32>
    %add3A_20 = vector.broadcast %get3A_19 : vector<1x128xf32> to vector<1000x128xf32>
    %add3A_21 = arith.addf %mul3A_16, %add3A_20 : vector<1000x128xf32>
    %max3A = arith.constant 0.000000e+00 : f32
    %max3A_22 = vector.broadcast %max3A : f32 to vector<1000x128xf32>
    %max3A_23 = arith.maximumf %add3A_21, %max3A_22 : vector<1000x128xf32>
    %get3A_24 = arith.constant 0 : index
    %get3A_25 = arith.constant 0 : index
    %get3A_26 = vector.load %arg5[%get3A_24, %get3A_25] : memref<128x128xf32, #tpu.memory_space<vmem>>, vector<128x128xf32>
    %dot_general3A = arith.constant dense<0.000000e+00> : vector<1000x128xf32>
    %dot_general3A_27 = tpu.matmul %max3A_23, %get3A_26, %dot_general3A {dimension_numbers = #tpu.dot_dimension_numbers<[1], [0], [0], [1], [0, 0, 1, 1], [], []>, transpose_lhs_hint = false} : vector<1000x128xf32>, vector<128x128xf32>, vector<1000x128xf32> -> vector<1000x128xf32>
    %mul3A_28 = vector.broadcast %get3A_1 : vector<1000x1xf32> to vector<1000x128xf32>
    %mul3A_29 = arith.mulf %mul3A_28, %dot_general3A_27 : vector<1000x128xf32>
    %swap3A = arith.constant 0 : index
    %swap3A_30 = arith.constant 0 : index
    %swap3A_31 = vector.load %arg6[%swap3A, %swap3A_30] : memref<1000x128xf32, #tpu.memory_space<vmem>>, vector<1000x128xf32>
    tpu.vector_store %arg6[%swap3A, %swap3A_30], %mul3A_29 {strides = array<i32>} : memref<1000x128xf32, #tpu.memory_space<vmem>>, vector<1000x128xf32>,
    return
  }
  func.func @transform_0(%arg0: i32) -> (i32, i32, i32) {
    %c0_i32 = arith.constant 0 : i32
    %c0_i32_0 = arith.constant 0 : i32
    %c0_i32_1 = arith.constant 0 : i32
    return %c0_i32, %arg0, %c0_i32_0 : i32, i32, i32
  }
  func.func @transform_1(%arg0: i32) -> (i32, i32) {
    %c0_i32 = arith.constant 0 : i32
    %c0_i32_0 = arith.constant 0 : i32
    return %arg0, %c0_i32 : i32, i32
  }
  func.func @transform_2(%arg0: i32) -> (i32, i32) {
    %c0_i32 = arith.constant 0 : i32
    %c0_i32_0 = arith.constant 0 : i32
    return %arg0, %c0_i32 : i32, i32
  }
  func.func @transform_3(%arg0: i32) -> (i32, i32) {
    %c0_i32 = arith.constant 0 : i32
    %c0_i32_0 = arith.constant 0 : i32
    %c0_i32_1 = arith.constant 0 : i32
    return %c0_i32, %c0_i32_0 : i32, i32
  }
  func.func @transform_4(%arg0: i32) -> (i32, i32) {
    %c0_i32 = arith.constant 0 : i32
    %c0_i32_0 = arith.constant 0 : i32
    %c0_i32_1 = arith.constant 0 : i32
    return %c0_i32, %c0_i32_0 : i32, i32
  }
  func.func @transform_5(%arg0: i32) -> (i32, i32) {
    %c0_i32 = arith.constant 0 : i32
    %c0_i32_0 = arith.constant 0 : i32
    return %arg0, %c0_i32 : i32, i32
  }
}

module attributes {stable_mosaic.version = 14 : i64} {
  func.func @_tc_first_body(%arg0: i32, %arg1: memref<2x1000x128xf32, #tpu.memory_space<vmem>>, %arg2: memref<1000x128xf32, #tpu.memory_space<vmem>>, %arg3: memref<128x128xf32, #tpu.memory_space<vmem>>, %arg4: memref<1000x128xf32, #tpu.memory_space<vmem>>, %arg5: memref<1000x1xf32, #tpu.memory_space<vmem>>) attributes {dimension_semantics = [#tpu.dimension_semantics<arbitrary>], iteration_bounds = array<i64: 10>, scalar_prefetch = 0 : i64, scratch_operands = 0 : i64, tpu.core_type = #tpu.core_type<tc>, window_params = [{transform_indices = @transform_0, window_bounds = array<i64: 2, 1000, 128>}, {transform_indices = @transform_1, window_bounds = array<i64: 1000, 128>}, {pipeline_mode = #tpu.pipeline_mode<synchronous>, transform_indices = @transform_2, window_bounds = array<i64: 128, 128>}, {transform_indices = @transform_3, window_bounds = array<i64: 1000, 128>}, {transform_indices = @transform_4, window_bounds = array<i64: 1000, 1>}]} {
    %get3A = arith.constant 0 : index
    %get3A_0 = arith.constant 0 : index
    %get3A_1 = arith.constant 0 : index
    %get3A_2 = vector.load %arg1[%get3A, %get3A_0, %get3A_1] : memref<2x1000x128xf32, #tpu.memory_space<vmem>>, vector<1x1000x1xf32>
    %get3A_3 = vector.shape_cast %get3A_2 : vector<1x1000x1xf32> to vector<1000x1xf32>
    %get3A_4 = arith.constant 1 : index
    %get3A_5 = arith.constant 0 : index
    %get3A_6 = arith.constant 0 : index
    %get3A_7 = vector.load %arg1[%get3A_4, %get3A_5, %get3A_6] : memref<2x1000x128xf32, #tpu.memory_space<vmem>>, vector<1x1000x1xf32>
    %get3A_8 = vector.shape_cast %get3A_7 : vector<1x1000x1xf32> to vector<1000x1xf32>
    %add3A = arith.addf %get3A_3, %get3A_8 : vector<1000x1xf32>
    %add3A_9 = arith.constant 1.000000e+00 : f32
    %add3A_10 = vector.broadcast %add3A_9 : f32 to vector<1000x1xf32>
    %add3A_11 = arith.addf %add3A, %add3A_10 : vector<1000x1xf32>
    %rsqrt3A = math.rsqrt %add3A_11 : vector<1000x1xf32>
    %swap3A = arith.constant 0 : index
    %swap3A_12 = arith.constant 0 : index
    %swap3A_13 = vector.load %arg5[%swap3A, %swap3A_12] : memref<1000x1xf32, #tpu.memory_space<vmem>>, vector<1000x1xf32>
    tpu.vector_store %arg5[%swap3A, %swap3A_12], %rsqrt3A {strides = array<i32>} : memref<1000x1xf32, #tpu.memory_space<vmem>>, vector<1000x1xf32>,
    %get3A_14 = arith.constant 0 : index
    %get3A_15 = arith.constant 0 : index
    %get3A_16 = vector.load %arg2[%get3A_14, %get3A_15] : memref<1000x128xf32, #tpu.memory_space<vmem>>, vector<1000x128xf32>
    %get3A_17 = arith.constant 0 : index
    %get3A_18 = arith.constant 0 : index
    %get3A_19 = vector.load %arg3[%get3A_17, %get3A_18] : memref<128x128xf32, #tpu.memory_space<vmem>>, vector<128x128xf32>
    %dot_general3A = arith.constant dense<0.000000e+00> : vector<1000x128xf32>
    %dot_general3A_20 = tpu.matmul %get3A_16, %get3A_19, %dot_general3A {dimension_numbers = #tpu.dot_dimension_numbers<[1], [0], [0], [1], [0, 0, 1, 1], [], []>, transpose_lhs_hint = false} : vector<1000x128xf32>, vector<128x128xf32>, vector<1000x128xf32> -> vector<1000x128xf32>
    %mul3A = vector.broadcast %rsqrt3A : vector<1000x1xf32> to vector<1000x128xf32>
    %mul3A_21 = arith.mulf %mul3A, %dot_general3A_20 : vector<1000x128xf32>
    %swap3A_22 = arith.constant 0 : index
    %swap3A_23 = arith.constant 0 : index
    %swap3A_24 = vector.load %arg4[%swap3A_22, %swap3A_23] : memref<1000x128xf32, #tpu.memory_space<vmem>>, vector<1000x128xf32>
    tpu.vector_store %arg4[%swap3A_22, %swap3A_23], %mul3A_21 {strides = array<i32>} : memref<1000x128xf32, #tpu.memory_space<vmem>>, vector<1000x128xf32>,
    return
  }
  func.func @transform_0(%arg0: i32) -> (i32, i32, i32) {
    %c0_i32 = arith.constant 0 : i32
    %c0_i32_0 = arith.constant 0 : i32
    %c0_i32_1 = arith.constant 0 : i32
    return %c0_i32, %arg0, %c0_i32_0 : i32, i32, i32
  }
  func.func @transform_1(%arg0: i32) -> (i32, i32) {
    %c0_i32 = arith.constant 0 : i32
    %c0_i32_0 = arith.constant 0 : i32
    return %arg0, %c0_i32 : i32, i32
  }
  func.func @transform_2(%arg0: i32) -> (i32, i32) {
    %c0_i32 = arith.constant 0 : i32
    %c0_i32_0 = arith.constant 0 : i32
    %c0_i32_1 = arith.constant 0 : i32
    return %c0_i32, %c0_i32_0 : i32, i32
  }
  func.func @transform_3(%arg0: i32) -> (i32, i32) {
    %c0_i32 = arith.constant 0 : i32
    %c0_i32_0 = arith.constant 0 : i32
    return %arg0, %c0_i32 : i32, i32
  }
  func.func @transform_4(%arg0: i32) -> (i32, i32) {
    %c0_i32 = arith.constant 0 : i32
    %c0_i32_0 = arith.constant 0 : i32
    return %arg0, %c0_i32 : i32, i32
  }
}

module attributes {stable_mosaic.version = 14 : i64} {
  func.func @_tc_tail_body(%arg0: memref<2x400x128xf32, #tpu.memory_space<vmem>>, %arg1: memref<400x128xf32, #tpu.memory_space<vmem>>, %arg2: memref<2x400x128xf32, #tpu.memory_space<vmem>>, %arg3: memref<1x128xf32, #tpu.memory_space<vmem>>, %arg4: memref<128x128xf32, #tpu.memory_space<vmem>>, %arg5: memref<1x128xf32, #tpu.memory_space<vmem>>, %arg6: memref<128x1xf32, #tpu.memory_space<vmem>>, %arg7: memref<1x1xf32, #tpu.memory_space<vmem>>, %arg8: memref<200x1xf32, #tpu.memory_space<vmem>>) attributes {dimension_semantics = [], scalar_prefetch = 0 : i64, scratch_operands = 0 : i64, tpu.core_type = #tpu.core_type<tc>} {
    %get3A = arith.constant 0 : index
    %get3A_0 = arith.constant 0 : index
    %get3A_1 = arith.constant 0 : index
    %get3A_2 = vector.load %arg2[%get3A, %get3A_0, %get3A_1] : memref<2x400x128xf32, #tpu.memory_space<vmem>>, vector<1x400x1xf32>
    %get3A_3 = vector.shape_cast %get3A_2 : vector<1x400x1xf32> to vector<400x1xf32>
    %get3A_4 = arith.constant 1 : index
    %get3A_5 = arith.constant 0 : index
    %get3A_6 = arith.constant 0 : index
    %get3A_7 = vector.load %arg2[%get3A_4, %get3A_5, %get3A_6] : memref<2x400x128xf32, #tpu.memory_space<vmem>>, vector<1x400x1xf32>
    %get3A_8 = vector.shape_cast %get3A_7 : vector<1x400x1xf32> to vector<400x1xf32>
    %add3A = arith.addf %get3A_3, %get3A_8 : vector<400x1xf32>
    %add3A_9 = arith.constant 1.000000e+00 : f32
    %add3A_10 = vector.broadcast %add3A_9 : f32 to vector<400x1xf32>
    %add3A_11 = arith.addf %add3A, %add3A_10 : vector<400x1xf32>
    %rsqrt3A = math.rsqrt %add3A_11 : vector<400x1xf32>
    %get3A_12 = arith.constant 0 : index
    %get3A_13 = arith.constant 0 : index
    %get3A_14 = arith.constant 0 : index
    %get3A_15 = vector.load %arg0[%get3A_12, %get3A_13, %get3A_14] : memref<2x400x128xf32, #tpu.memory_space<vmem>>, vector<1x400x128xf32>
    %get3A_16 = vector.shape_cast %get3A_15 : vector<1x400x128xf32> to vector<400x128xf32>
    %get3A_17 = arith.constant 1 : index
    %get3A_18 = arith.constant 0 : index
    %get3A_19 = arith.constant 0 : index
    %get3A_20 = vector.load %arg0[%get3A_17, %get3A_18, %get3A_19] : memref<2x400x128xf32, #tpu.memory_space<vmem>>, vector<1x400x128xf32>
    %get3A_21 = vector.shape_cast %get3A_20 : vector<1x400x128xf32> to vector<400x128xf32>
    %add3A_22 = arith.addf %get3A_16, %get3A_21 : vector<400x128xf32>
    %get3A_23 = arith.constant 0 : index
    %get3A_24 = arith.constant 0 : index
    %get3A_25 = vector.load %arg1[%get3A_23, %get3A_24] : memref<400x128xf32, #tpu.memory_space<vmem>>, vector<400x128xf32>
    %add3A_26 = arith.addf %add3A_22, %get3A_25 : vector<400x128xf32>
    %mul3A = vector.broadcast %rsqrt3A : vector<400x1xf32> to vector<400x128xf32>
    %mul3A_27 = arith.mulf %mul3A, %add3A_26 : vector<400x128xf32>
    %get3A_28 = arith.constant 0 : index
    %get3A_29 = arith.constant 0 : index
    %get3A_30 = vector.load %arg3[%get3A_28, %get3A_29] : memref<1x128xf32, #tpu.memory_space<vmem>>, vector<1x128xf32>
    %add3A_31 = vector.broadcast %get3A_30 : vector<1x128xf32> to vector<400x128xf32>
    %add3A_32 = arith.addf %mul3A_27, %add3A_31 : vector<400x128xf32>
    %slice3A = vector.extract_strided_slice %add3A_32 {offsets = [0, 0], sizes = [200, 128], strides = [1, 1]} : vector<400x128xf32> to vector<200x128xf32>
    %slice3A_33 = vector.extract_strided_slice %add3A_32 {offsets = [200, 0], sizes = [200, 128], strides = [1, 1]} : vector<400x128xf32> to vector<200x128xf32>
    %mul3A_34 = arith.mulf %slice3A, %slice3A_33 : vector<200x128xf32>
    %get3A_35 = arith.constant 0 : index
    %get3A_36 = arith.constant 0 : index
    %get3A_37 = vector.load %arg4[%get3A_35, %get3A_36] : memref<128x128xf32, #tpu.memory_space<vmem>>, vector<128x128xf32>
    %dot_general3A = arith.constant dense<0.000000e+00> : vector<200x128xf32>
    %dot_general3A_38 = tpu.matmul %mul3A_34, %get3A_37, %dot_general3A {dimension_numbers = #tpu.dot_dimension_numbers<[1], [0], [0], [1], [0, 0, 1, 1], [], []>, transpose_lhs_hint = false} : vector<200x128xf32>, vector<128x128xf32>, vector<200x128xf32> -> vector<200x128xf32>
    %get3A_39 = arith.constant 0 : index
    %get3A_40 = arith.constant 0 : index
    %get3A_41 = vector.load %arg5[%get3A_39, %get3A_40] : memref<1x128xf32, #tpu.memory_space<vmem>>, vector<1x128xf32>
    %add3A_42 = vector.broadcast %get3A_41 : vector<1x128xf32> to vector<200x128xf32>
    %add3A_43 = arith.addf %dot_general3A_38, %add3A_42 : vector<200x128xf32>
    %max3A = arith.constant 0.000000e+00 : f32
    %max3A_44 = vector.broadcast %max3A : f32 to vector<200x128xf32>
    %max3A_45 = arith.maximumf %add3A_43, %max3A_44 : vector<200x128xf32>
    %get3A_46 = arith.constant 0 : index
    %get3A_47 = arith.constant 0 : index
    %get3A_48 = vector.load %arg6[%get3A_46, %get3A_47] : memref<128x1xf32, #tpu.memory_space<vmem>>, vector<128x1xf32>
    %dot_general3A_49 = arith.constant dense<0.000000e+00> : vector<200x1xf32>
    %dot_general3A_50 = tpu.matmul %max3A_45, %get3A_48, %dot_general3A_49 {dimension_numbers = #tpu.dot_dimension_numbers<[1], [0], [0], [1], [0, 0, 1, 1], [], []>, transpose_lhs_hint = false} : vector<200x128xf32>, vector<128x1xf32>, vector<200x1xf32> -> vector<200x1xf32>
    %get3A_51 = arith.constant 0 : index
    %get3A_52 = arith.constant 0 : index
    %get3A_53 = vector.load %arg7[%get3A_51, %get3A_52] : memref<1x1xf32, #tpu.memory_space<vmem>>, vector<1x1xf32>
    %add3A_54 = vector.broadcast %get3A_53 : vector<1x1xf32> to vector<200x1xf32>
    %add3A_55 = arith.addf %dot_general3A_50, %add3A_54 : vector<200x1xf32>
    %swap3A = arith.constant 0 : index
    %swap3A_56 = arith.constant 0 : index
    %swap3A_57 = vector.load %arg8[%swap3A, %swap3A_56] : memref<200x1xf32, #tpu.memory_space<vmem>>, vector<200x1xf32>
    tpu.vector_store %arg8[%swap3A, %swap3A_56], %add3A_55 {strides = array<i32>} : memref<200x1xf32, #tpu.memory_space<vmem>>, vector<200x1xf32>,
    return
  }
}

</mosaic_0001>

<sc_bundles>
// kernel: kernel.11.cloned.1.call-start
scs
__scs_entry_jumppad:
0x0: {  	(pc) =	sbr.rel $0x88, $3  }
0x1: {  	(tag) =	ssettag $0x0;
	lr =	simm.s32 $0x1  }
0x2: {  	[smem:$0x3F93] =	sst lr;
	_ =	strace $0xD0000000  }
0x3: {  	_ = 	snop  }
0x4: {  	_ = 	snop  }
0x5: {  	_ = 	snop  }
0x6: {  	_ = 	snop  }
0x7: {  	_ = 	snop  }
__scs_overlays_trampoline_lowered:
0x8: {  	[smem:$0x3FA2] =	sst s0  }
0x9: {  	[smem:$0x3FA3] =	sst s1  }
0xa: {  	[smem:$0x3FA4] =	sst s2  }
0xb: {  	[smem:$0x3FA5] =	sst s3  }
0xc: {  	[smem:$0x3FA6] =	sst s4  }
0xd: {  	[smem:$0x3FA7] =	sst s5  }
0xe: {  	[smem:$0x3FA8] =	sst s6  }
0xf: {  	[smem:$0x3FA9] =	sst s7  }
0x10: {  	[smem:$0x3FAA] =	sst s8  }
0x11: {  	[smem:$0x3FAB] =	sst s9;
	s0 =	simm.s32 @!p0 $0x0  }
0x12: {  	s1 =	sld [smem:$0x3F91];
	s0 =	simm.s32 @p0 $0x1  }
0x13: {  	[smem:$0x3FAC] =	sst s0;
	s0 =	simm.s32 @!p1 $0x0  }
0x14: {  	s2 =	sld [smem:$0x3F90];
	s0 =	simm.s32 @p1 $0x1  }
0x15: {  	[smem:$0x3FAD] =	sst s0;
	s0 =	simm.s32 @!p2 $0x0  }
0x16: {  	s3 =	sld [smem:$0x3FDB];
	s0 =	simm.s32 @p2 $0x1  }
0x17: {  	s4 =	simm.s32 $0x1BF5;
	[smem:$0x3FAF] =	sst s0  }
0x18: {  	s0 =	sld [smem:$0x3F92];
	_ =	swait.ge [sflag:s4], $0x0  }
0x19: {  	s7 =	sld [smem:$0x3F93]  }
0x1a: {  	s8 =	sadd.s32 $0xFFFFE003, lr  }
0x1b: {  	s9 =	sadd.s32 $0xFFFFFEF7, lr;
	s5 =	simm.s32 $0xFFFFFFFF;
	p2 =	slt.u32 s8, $0xFFFFF086  }
0x1c: {  	p1 =	slt.u32 s9, $0xF7A;
	s5 =	simm.s32 @!p2 $0x0  }
0x1d: {  	s5 =	simm.s32 @p1 $0x1;
	p0 =	seq.s32 s7, s2  }
0x1e: {  	s7 =	smul.u32 @!p0 $0xF7A, s2;
	p2 =	seq.s32 @!p0 s5, $0x0  }
0x1f: {  	s9 =	smul.u32 $0xF7A, s1;
	s8 =	simm.s32 @!p0 $0x1BF5;
	p2 =	por !p2, p0  }
0x20: {  	[sflag:s8] =	ssyncset.s32 @!p0 $0xFFFFF086;
	s6 =	sadd.s32 @!p0 s3, s7;
	s7 =	simm.s32 @!p0 $0x108  }
0x21: {  	s3 =	sadd.s32 s3, s9;
	s6 =	sadd.s32 @!p0 $0x88, s6;
	s7 =	simm.s32 @p2 $0x1082  }
0x22: {  	[simem:s7], [sflag:s8] =	dma.local @!p0 [hbm:s6], $0xF7A  }
0x23: {  	s9 =	sor.u32 $0xD0000000, s2;
	s6 =	simm.s32 $0x108;
	_ =	swait.ge @!p0 [sflag:s8], $0x0  }
0x24: {  	s3 =	sadd.s32 $0x88, s3;
	s6 =	simm.s32 @!p1 $0x1082;
	[sflag:s4] =	ssyncset.s32 $0xFFFFF086  }
0x25: {  	[simem:s6], [sflag:s4] =	dma.local [hbm:s3], $0xF7A  }
0x26: {  	[smem:$0x3F93] =	sst s1;
	(tag) =	ssettag s2;
	_ =	strace s9  }
0x27: {  	s1 =	sld [smem:$0x3FA3]  }
0x28: {  	s2 =	sld [smem:$0x3FA4]  }
0x29: {  	s4 =	sld [smem:$0x3FA6]  }
0x2a: {  	p0 =	seq.s32 s5, $0x0;
	s5 =	sld [smem:$0x3FA7]  }
0x2b: {  	s6 =	sld [smem:$0x3FA8]  }
0x2c: {  	s7 =	sld [smem:$0x3FA9]  }
0x2d: {  	s3 =	simm.s32 $0x108;
	s8 =	sld [smem:$0x3FAA]  }
0x2e: {  	s3 =	simm.s32 @!p0 $0x1082;
	s9 =	sld [smem:$0x3FAB]  }
0x2f: {  	lr =	sadd.s32 s0, s3;
	s0 =	sld [smem:$0x3FA2]  }
0x30: {  	s3 =	sld [smem:$0x3FA5]  }
0x31: {  	[smem:$0x3FAE] =	sst s10  }
0x32: {  	s10 =	sld [smem:$0x3FAC];
	_ =	sdelay $0x3  }
0x33: {  	p0 =	seq.s32 s10, $0x1;
	s10 =	sld [smem:$0x3FAE];
	_ =	sdelay $0x3  }
0x34: {  	[smem:$0x3FAE] =	sst s10  }
0x35: {  	s10 =	sld [smem:$0x3FAD];
	_ =	sdelay $0x3  }
0x36: {  	p1 =	seq.s32 s10, $0x1;
	s10 =	sld [smem:$0x3FAE];
	_ =	sdelay $0x3  }
0x37: {  	[smem:$0x3FAE] =	sst s10  }
0x38: {  	s10 =	sld [smem:$0x3FAF]  }
0x39: {  	_ = 	snop;
	(pc) =	sbr.ind lr, $3  }
0x3a: {  	_ = 	snop  }
0x3b: {  	_ = 	snop  }
0x3c: {  	p2 =	seq.s32 s10, $0x1;
	s10 =	sld [smem:$0x3FAE]  }
0x3d: {  	_ =	shalt  }
0x3e: {  	_ =	shalt  }
0x3f: {  	_ =	shalt  }
0x40: {  	_ =	shalt  }
0x41: {  	_ =	shalt  }
0x42: {  	_ =	shalt  }
0x43: {  	_ =	shalt  }
0x44: {  	_ =	shalt  }
0x45: {  	_ =	shalt  }
0x46: {  	_ =	shalt  }
0x47: {  	_ =	shalt  }
0x48: {  	_ =	shalt  }
0x49: {  	_ =	shalt  }
0x4a: {  	_ =	shalt  }
0x4b: {  	_ =	shalt  }
0x4c: {  	_ =	shalt  }
0x4d: {  	_ =	shalt  }
0x4e: {  	_ =	shalt  }
0x4f: {  	_ =	shalt  }
0x50: {  	_ =	shalt  }
0x51: {  	_ =	shalt  }
0x52: {  	_ =	shalt  }
0x53: {  	_ =	shalt  }
0x54: {  	_ =	shalt  }
0x55: {  	_ =	shalt  }
0x56: {  	_ =	shalt  }
0x57: {  	_ =	shalt  }
0x58: {  	_ =	shalt  }
0x59: {  	_ =	shalt  }
0x5a: {  	_ =	shalt  }
0x5b: {  	_ =	shalt  }
0x5c: {  	_ =	shalt  }
0x5d: {  	_ =	shalt  }
0x5e: {  	_ =	shalt  }
0x5f: {  	_ =	shalt  }
0x60: {  	_ =	shalt  }
0x61: {  	_ =	shalt  }
0x62: {  	_ =	shalt  }
0x63: {  	_ =	shalt  }
0x64: {  	_ =	shalt  }
0x65: {  	_ =	shalt  }
0x66: {  	_ =	shalt  }
0x67: {  	_ =	shalt  }
0x68: {  	_ =	shalt  }
0x69: {  	_ =	shalt  }
0x6a: {  	_ =	shalt  }
0x6b: {  	_ =	shalt  }
0x6c: {  	_ =	shalt  }
0x6d: {  	_ =	shalt  }
0x6e: {  	_ =	shalt  }
0x6f: {  	_ =	shalt  }
0x70: {  	_ =	shalt  }
0x71: {  	_ =	shalt  }
0x72: {  	_ =	shalt  }
0x73: {  	_ =	shalt  }
0x74: {  	_ =	shalt  }
0x75: {  	_ =	shalt  }
0x76: {  	_ =	shalt  }
0x77: {  	_ =	shalt  }
0x78: {  	_ =	shalt  }
0x79: {  	_ =	shalt  }
0x7a: {  	_ =	shalt  }
0x7b: {  	_ =	shalt  }
0x7c: {  	_ =	shalt  }
0x7d: {  	_ =	shalt  }
0x7e: {  	_ =	shalt  }
0x7f: {  	_ =	shalt  }
0x80: {  	_ =	shalt  }
0x81: {  	_ =	shalt  }
0x82: {  	_ =	shalt  }
0x83: {  	_ =	shalt  }
0x84: {  	_ =	shalt  }
0x85: {  	_ =	shalt  }
0x86: {  	_ =	shalt  }
0x87: {  	_ =	shalt  }
.Lfunc_end0:
.L_simem_size_0:
called_computation_lowered:
.L_overlay_start_0:
0x88: {  	s2 =	sld [smem:$0x3FD9]  }
0x89: {  	s3 =	sld [smem:$0x3FFE];
	_ =	sdelay $0x1  }
0x8a: {  	s1 =	srdreg.scid  }
0x8b: {  	s0 =	sand.u32 $0x1, s1  }
0x8c: {  	s17 =	sshll.u32 s0, $0xA;
	s2 =	sadd.s32 s3, s2  }
0x8d: {  	s2 =	sadd.s32 s2, s17  }
0x8e: {  	[smem:$0x3FBA] =	sst s2  }
0x8f: {  	_ = 	snop  }
0x90: {  	s2 =	sld [smem:$0x3FC9]  }
0x91: {  	s18 =	sld [smem:$0x3FC6];
	(tm) =	ssettm $0x1  }
0x92: {  	s4 =	sld [smem:$0x3FFB];
	_ =	sdelay $0x3  }
0x93: {  	_ =	strace s4  }
0x94: {  	s4 =	sld [smem:$0x3FFC];
	_ =	sdelay $0x3  }
0x95: {  	_ =	strace s4  }
0x96: {  	s4 =	sld [smem:$0x3FFD];
	_ =	sdelay $0x3  }
0x97: {  	_ =	strace s4  }
0x98: {  	_ =	strace $0x8FFFFFFF  }
0x99: {  	s19 =	sld [smem:$0x3FDB];
	_ =	sdelay $0x1  }
0x9a: {  	s5 =	simm.s32 $_scs_section_size  }
0x9b: {  	s6 =	simm.s32 $_size__tile_overlayer_lowered;
	s7 =	simm.s32 $_tile_overlayer_lowered  }
0x9c: {  	s22 =	simm.s32 $0x1BFF;
	s21 =	sshll.u32 s7, $0x1;
	s4 =	sadd.s32 s5, s19  }
0x9d: {  	s8 =	simm.s32 $0x0;
	s20 =	sshll.u32 s6, $0x1;
	s6 =	sadd.s32 s21, s4  }
0x9e: {  	[timem:s8], [sflag:s22] =	dma.local [hbm:s6], s20  }
0x9f: {  	_ =	swait.ge [sflag:s22], s20  }
0xa0: {  	s5 =	ssub.s32 $0x0, s20;
	[sflag:s22] =	ssyncset.done $0x0  }
0xa1: {  	[sflag:s22] =	ssyncadd.s32 s5;
	_ =	sdelay $0x1  }
0xa2: {  	s23 =	simm.s32 $0x1B8B  }
0xa3: {  	_ =	swait.ge [sflag:s23], $0x1  }
0xa4: {  	[sflag:s23] =	ssyncset.done $0x0  }
0xa5: {  	s25 =	simm.s32 $0x1B8E;
	s24 =	sld [smem:$0x3FFE];
	[sflag:s23] =	ssyncadd.s32 $0xFFFFFFFF  }
0xa6: {  	s26 =	simm.s32 $execute0_lowered;
	[smem:$0x3FD2] =	sst s25  }
0xa7: {  	s6 =	sshll.u32 s26, $0x1;
	_ =	strace $0x80000046;
	[dreg:$0x1] =	wrdreg $0xFFFFFFFF  }
0xa8: {  	s28 =	simm.s32 $_size_execute0_lowered;
	s4 =	sadd.s32 s4, s6;
	[dreg:$0x0] =	wrdreg $0x0  }
0xa9: {  	s6 =	sshll.u32 s28, $0x1;
	[dreg:$0x2] =	wrdreg s4  }
0xaa: {  	[dreg:$0x3] =	wrdreg s6  }
0xab: {  	[dreg:$0x4] =	wrdreg $0xC0  }
0xac: {  	_ =	task [dreg:s8], $0x5FFFF  }
0xad: {  	[dreg:$0x1] =	wrdreg $0xFFFFFFFF  }
0xae: {  	[dreg:$0x0] =	wrdreg $0x60  }
0xaf: {  	[dreg:$0x2] =	wrdreg s2  }
0xb0: {  	[dreg:$0x3] =	wrdreg s24  }
0xb1: {  	[dreg:$0x4] =	wrdreg s18  }
0xb2: {  	[dreg:$0x5] =	wrdreg $0x7A000  }
0xb3: {  	[dreg:$0x6] =	wrdreg $0x9  }
0xb4: {  	_ =	task.clear_ibuf [dreg:s8], $0x7FFFF;
	_ =	strace $0x90000046  }
0xb5: {  	s29 =	simm.s32 $0x9;
	_ =	strace $0x80000048  }
0xb6: {  	_ =	swait.ge [sflag:s29], $0x1  }
0xb7: {  	[sflag:s29] =	ssyncadd.s32 $0xFFFFFFFF  }
0xb8: {  	_ =	strace $0x90000048  }
0xb9: {  	_ =	sfence  }
0xba: {  	s30 =	sld [smem:$0x0];
	_ =	sdelay $0x2  }
0xbb: {  	s31 =	sshll.u32 s1, $0xD;
	s1 =	sshrl.u32 s1, $0x2  }
0xbc: {  	s3 =	sand.u32 $0x4000, s31;
	s1 =	sadd.s32 s1, s30  }
0xbd: {  	s0 =	sor.u32 s3, s0;
	s1 =	sshll.u32 s1, $0x11  }
0xbe: {  	s0 =	sor.u32 s1, s0  }
0xbf: {  	s0 =	sadd.s32 $0x8F2B, s0  }
0xc0: {  	[sflag:s0] =	ssyncadd.remote.s32 $0x1  }
0xc1: {  	_ =	sfence.sel $0xFFFF  }
0xc2: {  	[dreg:$0x0] =	wrdreg $0xFFFFFFFF;
	(pc) =	sbr.abs _section_cstart, $3  }
0xc3: {  	[dreg:$0x1] =	wrdreg $0xFFFFFFFF  }
0xc4: {  	_ =	task.clear_ibuf [dreg:s8], $0x2FFFF;
	_ =	strace $0x9FFFFFFF  }
0xc5: {  	(tm) =	ssettm $0x7FFFFFFF  }
tec
execute0_lowered:
.L_overlay_start_1:
0x0: {  	(tag) =	ssettag $0x1  }
0x1: {  	s23 =	stileid.u32  }
0x2: {  	s0 =	srdreg.scid;
	s17 =	smul.u32 $0x2710, s23  }
0x3: {  	s9 =	sand.u32 $0x1, s0;
	s21 =	smul.u32 $0x50, s23  }
0x4: {  	s3 =	sshll.u32 s23, $0x1;
	s7 =	sor.u32 $0x10, s23;
	s16 =	smul.u32 $0x27100, s9  }
0x5: {  	s1 =	ssub.s32 $0x2, s9;
	s11 =	sor.u32 s9, s3;
	s9 =	smul.u32 $0x2710, s9  }
0x6: {  	s6 =	sor.u32 $0x20, s23;
	s22 =	smul.u32 $0x50, s7  }
0x7: {  	s5 =	sor.u32 $0x30, s23;
	s19 =	smul.u32 $0x50, s6  }
0x8: {  	s24 =	smul.u32 $0x50, s5  }
0x9: {  	s7 =	smul.u32 $0xA000, s7  }
0xa: {  	s8 =	rddreg [dreg:$0x0];
	s6 =	smul.u32 $0xA000, s6  }
0xb: {  	s0 =	rddreg [dreg:$0x1];
	s5 =	smul.u32 $0xA000, s5  }
0xc: {  	s4 =	sor.u32 $0x40, s23;
	s10 =	sadd.s32 $0x18800, s0;
	s12 =	smul.u32 $0x50, s11  }
0xd: {  	s3 =	sor.u32 $0x50, s23;
	s2 =	sshrl.u32 s1, $0x1;
	s13 =	smul.u32 $0xA, s11  }
0xe: {  	s15 =	smul.u32 $0x500, s11;
	p0 =	slt.u32 s11, $0x1D;
	s1 =	ssub.s32 s1, s2  }
0xf: {  	s2 =	sor.u32 $0x60, s23;
	s14 =	sadd.s32 $0xA00, s12;
	s13 =	sadd.s32 s8, s13  }
0x10: {  	s26 =	sadd.s32 $0x1400, s12;
	s15 =	sadd.s32 s10, s15;
	s11 =	sadd.s32 $0x1E00, s12  }
0x11: {  	s12 =	sadd.s32 s21, s9;
	s21 =	sadd.s32 s9, s19;
	[dreg:$0x5] =	wrdreg s13  }
0x12: {  	s1 =	smax.u32 s1, $0x1;
	s25 =	sshrl.u32 s14, $0x3;
	[dreg:$0x7] =	wrdreg s15  }
0x13: {  	s20 =	sshrl.u32 s26, $0x3;
	s11 =	simm.s32 @!p0 $0x0;
	s14 =	sshll.u32 s14, $0x4  }
0x14: {  	s12 =	sshll.u32 s12, $0x4;
	p0 =	sgt.u32 s23, $0xC;
	s13 =	sadd.s32 s8, s25  }
0x15: {  	s15 =	sadd.s32 s8, s20;
	s18 =	sshrl.u32 s11, $0x3;
	s25 =	smul.u32 $0x50, s4  }
0x16: {  	s14 =	sadd.s32 s10, s14;
	s11 =	sshll.u32 s11, $0x4;
	s4 =	smul.u32 $0xA000, s4  }
0x17: {  	[dreg:$0x6] =	wrdreg s13;
	s13 =	sshll.u32 s26, $0x4;
	s26 =	smul.u32 $0x50, s3  }
0x18: {  	[dreg:$0x8] =	wrdreg s15;
	s8 =	sadd.s32 s8, s18;
	s18 =	smul.u32 $0x50, s2  }
0x19: {  	[dreg:$0x9] =	wrdreg s14;
	s15 =	sadd.s32 s9, s22;
	s3 =	smul.u32 $0xA000, s3  }
0x1a: {  	s22 =	sadd.s32 $0x3FA00, s0;
	s2 =	smul.u32 $0xA000, s2;
	[dreg:$0xa] =	wrdreg s8  }
0x1b: {  	s13 =	sadd.s32 s10, s13;
	s10 =	sadd.s32 s10, s11;
	s11 =	sadd.s32 s17, s16  }
0x1c: {  	s8 =	sadd.s32 s9, s24;
	s14 =	sadd.s32 s9, s25;
	s15 =	sshll.u32 s15, $0x4  }
0x1d: {  	s12 =	sadd.s32 s22, s12;
	s25 =	sshll.u32 s21, $0x4;
	[dreg:$0xb] =	wrdreg s13  }
0x1e: {  	s17 =	simm.s32 $0x0;
	[dreg:$0xc] =	wrdreg s10;
	s13 =	sor.u32 $0x70, s23  }
0x1f: {  	s10 =	sadd.s32 s9, s26;
	s16 =	sadd.s32 s9, s18;
	[dreg:$0xd] =	wrdreg s12  }
0x20: {  	s24 =	sadd.s32 s22, s15;
	s12 =	sadd.s32 s22, s25;
	s8 =	sshll.u32 s8, $0x4  }
0x21: {  	s26 =	sshll.u32 s14, $0x4;
	[smem:$0x7FF] =	sst s17;
	s21 =	sadd.s32 $0x50, s11  }
0x22: {  	s25 =	smul.u32 $0xA000, s23;
	s2 =	sshrl.u32 s2, $0x2;
	[dreg:$0xe] =	wrdreg s24  }
0x23: {  	s20 =	smul.u32 $0x50, s13;
	[dreg:$0xf] =	wrdreg s12;
	s8 =	sadd.s32 s22, s8  }
0x24: {  	s14 =	sadd.s32 s22, s26;
	s15 =	sshll.u32 s10, $0x4;
	s18 =	sshll.u32 s16, $0x4  }
0x25: {  	s24 =	sshrl.u32 s21, $0x3;
	s21 =	rddreg [dreg:$0x3];
	s26 =	sadd.s32 $0x17C00, s0  }
0x26: {  	s12 =	sshrl.u32 s6, $0x2;
	s16 =	smul.u32 $0xA000, s13;
	[dreg:$0x10] =	wrdreg s8  }
0x27: {  	s6 =	simm.s32 $0x50;
	s13 =	simm.s32 $0x5;
	[dreg:$0x11] =	wrdreg s14  }
0x28: {  	s8 =	sadd.s32 s22, s15;
	s10 =	sshrl.u32 s25, $0x2;
	s28 =	sadd.s32 s12, s21  }
0x29: {  	s14 =	sshrl.u32 s5, $0x2;
	s15 =	sshrl.u32 s4, $0x2;
	s4 =	simm.s32 $0x6  }
0x2a: {  	s5 =	simm.s32 $0x5200;
	s12 =	simm.s32 $0x5180;
	s9 =	sadd.s32 s9, s20  }
0x2b: {  	[dreg:$0x12] =	wrdreg s8;
	s8 =	sadd.s32 s22, s18;
	s20 =	sshrl.u32 s11, $0x3  }
0x2c: {  	s25 =	sadd.s32 s10, s21;
	s11 =	sshrl.u32 s7, $0x2;
	s29 =	sadd.s32 s14, s21  }
0x2d: {  	s30 =	sadd.s32 s15, s21;
	s18 =	sshrl.u32 s3, $0x2;
	s3 =	simm.s32 $0x100  }
0x2e: {  	s7 =	simm.s32 $0x80;
	s10 =	simm.s32 $0x2;
	s14 =	simm.s32 $0x3  }
0x2f: {  	s15 =	simm.s32 $0x4;
	s9 =	sshll.u32 s9, $0x4;
	[dreg:$0x13] =	wrdreg s8  }
0x30: {  	s31 =	sadd.s32 s18, s21;
	s18 =	sadd.s32 s2, s21;
	s8 =	simm.s32 $0x2900  }
0x31: {  	s19 =	sadd.s32 s22, s9;
	s22 =	sadd.s32 $0xDE00, s0;
	s0 =	sadd.s32 $0x18200, s0  }
0x32: {  	s9 =	simm.s32 $0x1;
	[dreg:$0x14] =	wrdreg s19;
	s20 =	sadd.s32 s20, s22  }
0x33: {  	s22 =	sadd.s32 s24, s22;
	_ =	strace $0x80000047;
	[dreg:$0x15] =	wrdreg s26  }
0x34: {  	s19 =	sshrl.u32 s16, $0x2;
	s16 =	simm.s32 $0x0;
	[dreg:$0x16] =	wrdreg s0  }
0x35: {  	s26 =	sadd.s32 s11, s21;
	[dreg:$0x17] =	wrdreg s1;
	s24 =	sadd.s32 $0x4D8, s20  }
0x36: {  	s0 =	sadd.s32 s19, s21;
	s11 =	simm.s32 $0x5100;
	[dreg:$0x18] =	wrdreg s24  }
.LBB2_1:
0x37: {  	s1 =	rddreg [dreg:$0x15]  }
0x38: {  	[tilespmem:s3], [sflag:$0x6] =	stream.linear.gather [hbm4b:s1+s17], $0x2800, $0x38;
	[tilespmem:$0x1B280] =	vst v63  }
0x39: {  	_ =	swait.ge [sflag:s4], $0x2800  }
0x3a: {  	[sflag:s4] =	ssyncset.done $0x0  }
0x3b: {  	[sflag:s4] =	ssyncadd.s32 $0xFFFFD800  }
0x3c: {  	[spmem:s25] =	stream.linear.scatter [tilespmem:s3], [sflag:$0x6], $0x2800, $0x38;
	[tilespmem:$0x1B280] =	vst v63  }
0x3d: {  	_ =	swait.ge [sflag:s4], $0x2800  }
0x3e: {  	[sflag:s4] =	ssyncset.done $0x0  }
0x3f: {  	[sflag:s4] =	ssyncadd.s32 $0xFFFFD800  }
0x40: {  	[spmem:s26] =	stream.linear.scatter [tilespmem:s3], [sflag:$0x6], $0x2800, $0x38;
	[tilespmem:$0x1B280] =	vst v63  }
0x41: {  	_ =	swait.ge [sflag:s4], $0x2800  }
0x42: {  	[sflag:s4] =	ssyncset.done $0x0  }
0x43: {  	[sflag:s4] =	ssyncadd.s32 $0xFFFFD800  }
0x44: {  	[spmem:s28] =	stream.linear.scatter [tilespmem:s3], [sflag:$0x6], $0x2800, $0x38;
	[tilespmem:$0x1B280] =	vst v63  }
0x45: {  	_ =	swait.ge [sflag:s4], $0x2800  }
0x46: {  	[sflag:s4] =	ssyncset.done $0x0  }
0x47: {  	[sflag:s4] =	ssyncadd.s32 $0xFFFFD800  }
0x48: {  	[spmem:s29] =	stream.linear.scatter [tilespmem:s3], [sflag:$0x6], $0x2800, $0x38;
	[tilespmem:$0x1B280] =	vst v63  }
0x49: {  	_ =	swait.ge [sflag:s4], $0x2800  }
0x4a: {  	[sflag:s4] =	ssyncset.done $0x0  }
0x4b: {  	[sflag:s4] =	ssyncadd.s32 $0xFFFFD800  }
0x4c: {  	[spmem:s30] =	stream.linear.scatter [tilespmem:s3], [sflag:$0x6], $0x2800, $0x38;
	[tilespmem:$0x1B280] =	vst v63  }
0x4d: {  	_ =	swait.ge [sflag:s4], $0x2800  }
0x4e: {  	[sflag:s4] =	ssyncset.done $0x0  }
0x4f: {  	[sflag:s4] =	ssyncadd.s32 $0xFFFFD800  }
0x50: {  	[spmem:s31] =	stream.linear.scatter [tilespmem:s3], [sflag:$0x6], $0x2800, $0x38;
	[tilespmem:$0x1B280] =	vst v63  }
0x51: {  	_ =	swait.ge [sflag:s4], $0x2800  }
0x52: {  	[sflag:s4] =	ssyncset.done $0x0  }
0x53: {  	[sflag:s4] =	ssyncadd.s32 $0xFFFFD800  }
0x54: {  	[spmem:s18] =	stream.linear.scatter [tilespmem:s3], [sflag:$0x6], $0x2800, $0x38;
	[tilespmem:$0x1B280] =	vst v63  }
0x55: {  	_ =	swait.ge [sflag:s4], $0x2800  }
0x56: {  	[sflag:s4] =	ssyncset.done $0x0  }
0x57: {  	s23 =	simm.s32 @!p0 $0x100;
	[sflag:s4] =	ssyncadd.s32 $0xFFFFD800  }
0x58: {  	[spmem:s0] =	stream.linear.scatter @!p0 [tilespmem:s23], [sflag:$0x6], $0x2800, $0x38;
	[tilespmem:$0x1B280] =	vst v63  }
0x59: {  	s23 =	simm.s32 @!p0 $0x6  }
0x5a: {  	_ =	swait.ge @!p0 [sflag:s23], $0x2800  }
0x5b: {  	[sflag:s23] =	ssyncset.done @!p0 $0x0  }
0x5c: {  	s24 =	rddreg [dreg:$0x16];
	[sflag:s23] =	ssyncadd.s32 @!p0 $0xFFFFD800  }
0x5d: {  	[tilespmem:s5], [sflag:$0x6] =	stream.linear.gather [hbm4b:s24+s17], $0x2800, $0x38;
	[tilespmem:$0x1B280] =	vst v63  }
0x5e: {  	_ =	swait.ge [sflag:s4], $0x2800  }
0x5f: {  	[sflag:s4] =	ssyncset.done $0x0  }
0x60: {  	[sflag:s4] =	ssyncadd.s32 $0xFFFFD800  }
0x61: {  	[bflag:$0x0] =	sbarrier.arrive $0xFFFF  }
0x62: {  	s2 =	rddreg [dreg:$0x5]  }
0x63: {  	[tilespmem:s17], [sflag:$0x6] =	stream.linear.gather [hbm4b:s2+s17], $0x50, $0x38;
	[tilespmem:$0x1B280] =	vst v63  }
0x64: {  	_ =	swait.ge [sflag:s4], $0x50  }
0x65: {  	[sflag:s4] =	ssyncset.done $0x0  }
0x66: {  	[sflag:s4] =	ssyncadd.s32 $0xFFFFFFB0  }
0x67: {  	s2 =	rddreg [dreg:$0x2]  }
0x68: {  	[tilespmem:s3], [sflag:$0x1] =	stream.indirect.gather [hbm4b:s2+s6], $0x80, s17, s6, $0xb8;
	[tilespmem:$0x1B280] =	vst v63  }
0x69: {  	s19 =	rddreg [dreg:$0x6]  }
0x6a: {  	[tilespmem:s7], [sflag:$0x6] =	stream.linear.gather [hbm4b:s19+s17], $0x50, $0x38;
	[tilespmem:$0x1B280] =	vst v63  }
0x6b: {  	_ =	swait.ge [sflag:s4], $0x50  }
0x6c: {  	[sflag:s4] =	ssyncset.done $0x0  }
0x6d: {  	[sflag:s4] =	ssyncadd.s32 $0xFFFFFFB0  }
0x6e: {  	[tilespmem:s8], [sflag:$0x2] =	stream.indirect.gather [hbm4b:s2+s6], $0x80, s7, s6, $0xb8;
	[tilespmem:$0x1B280] =	vst v63  }
0x6f: {  	_ =	swait.ge [sflag:s9], $0x2800  }
0x70: {  	[sflag:s9] =	ssyncset.done $0x0  }
0x71: {  	s23 =	rddreg [dreg:$0x7];
	[sflag:s9] =	ssyncadd.s32 $0xFFFFD800  }
0x72: {  	[hbm4b:s23+s17] =	stream.linear.scatter [tilespmem:s3], [sflag:$0x6], $0x2800, $0x38;
	[tilespmem:$0x1B280] =	vst v63  }
0x73: {  	_ =	swait.ge [sflag:s4], $0x2800  }
0x74: {  	[sflag:s4] =	ssyncset.done $0x0  }
0x75: {  	s24 =	rddreg [dreg:$0x8];
	[sflag:s4] =	ssyncadd.s32 $0xFFFFD800  }
0x76: {  	[tilespmem:s17], [sflag:$0x6] =	stream.linear.gather [hbm4b:s24+s17], $0x50, $0x38;
	[tilespmem:$0x1B280] =	vst v63  }
0x77: {  	_ =	swait.ge [sflag:s4], $0x50  }
0x78: {  	[sflag:s4] =	ssyncset.done $0x0  }
0x79: {  	[sflag:s4] =	ssyncadd.s32 $0xFFFFFFB0  }
0x7a: {  	[tilespmem:s3], [sflag:$0x1] =	stream.indirect.gather [hbm4b:s2+s6], $0x80, s17, s6, $0xb8;
	[tilespmem:$0x1B280] =	vst v63  }
0x7b: {  	_ =	swait.ge [sflag:s10], $0x2800  }
0x7c: {  	[sflag:s10] =	ssyncset.done $0x0  }
0x7d: {  	s19 =	rddreg [dreg:$0x9];
	[sflag:s10] =	ssyncadd.s32 $0xFFFFD800  }
0x7e: {  	[hbm4b:s19+s17] =	stream.linear.scatter [tilespmem:s8], [sflag:$0x6], $0x2800, $0x38;
	[tilespmem:$0x1B280] =	vst v63  }
0x7f: {  	_ =	swait.ge [sflag:s4], $0x2800  }
0x80: {  	[sflag:s4] =	ssyncset.done $0x0  }
0x81: {  	s23 =	rddreg [dreg:$0xa];
	[sflag:s4] =	ssyncadd.s32 $0xFFFFD800  }
0x82: {  	[tilespmem:s7], [sflag:$0x6] =	stream.linear.gather [hbm4b:s23+s17], $0x50, $0x38;
	[tilespmem:$0x1B280] =	vst v63  }
0x83: {  	_ =	swait.ge [sflag:s4], $0x50  }
0x84: {  	[sflag:s4] =	ssyncset.done $0x0  }
0x85: {  	[sflag:s4] =	ssyncadd.s32 $0xFFFFFFB0  }
0x86: {  	[tilespmem:s8], [sflag:$0x2] =	stream.indirect.gather [hbm4b:s2+s6], $0x80, s7, s6, $0xb8;
	[tilespmem:$0x1B280] =	vst v63  }
0x87: {  	_ =	swait.ge [sflag:s9], $0x2800  }
0x88: {  	[sflag:s9] =	ssyncset.done $0x0  }
0x89: {  	s24 =	rddreg [dreg:$0xb];
	[sflag:s9] =	ssyncadd.s32 $0xFFFFD800  }
0x8a: {  	[hbm4b:s24+s17] =	stream.linear.scatter [tilespmem:s3], [sflag:$0x6], $0x2800, $0x38;
	[tilespmem:$0x1B280] =	vst v63  }
0x8b: {  	_ =	swait.ge [sflag:s4], $0x2800  }
0x8c: {  	[sflag:s4] =	ssyncset.done $0x0  }
0x8d: {  	[sflag:s4] =	ssyncadd.s32 $0xFFFFD800  }
0x8e: {  	_ =	swait.ge [sflag:s10], $0x2800  }
0x8f: {  	[sflag:s10] =	ssyncset.done $0x0  }
0x90: {  	s2 =	rddreg [dreg:$0xc];
	[sflag:s10] =	ssyncadd.s32 $0xFFFFD800  }
0x91: {  	[hbm4b:s2+s17] =	stream.linear.scatter [tilespmem:s8], [sflag:$0x6], $0x2800, $0x38;
	[tilespmem:$0x1B280] =	vst v63  }
0x92: {  	_ =	swait.ge [sflag:s4], $0x2800  }
0x93: {  	[sflag:s4] =	ssyncset.done $0x0  }
0x94: {  	s19 =	sadd.s32 $0x0, s20;
	[sflag:s4] =	ssyncadd.s32 $0xFFFFD800  }
0x95: {  	[tilespmem:s11], [sflag:$0x5] =	stream.linear.gather [hbm4b:s19+s17], $0x50, $0x38;
	[tilespmem:$0x1B280] =	vst v63  }
0x96: {  	s24 =	sadd.s32 $0x0, s22  }
0x97: {  	[tilespmem:s12], [sflag:$0x5] =	stream.linear.gather [hbm4b:s24+s17], $0x50, $0x38;
	[tilespmem:$0x1B280] =	vst v63  }
0x98: {  	_ =	swait.ge [sflag:s13], $0x50  }
0x99: {  	[sflag:s13] =	ssyncset.done $0x0  }
0x9a: {  	[sflag:s13] =	ssyncadd.s32 $0xFFFFFFB0  }
0x9b: {  	[spmem:s21] =	stream.indirect.scatter.add.f32 [tilespmem:s5], [sflag:$0x3], $0x80, s11, s6, $0xb8;
	[tilespmem:$0x1B280] =	vst v63  }
0x9c: {  	_ =	swait.ge [sflag:s13], $0x50  }
0x9d: {  	[sflag:s13] =	ssyncset.done $0x0  }
0x9e: {  	[sflag:s13] =	ssyncadd.s32 $0xFFFFFFB0  }
0x9f: {  	[spmem:s21] =	stream.indirect.scatter.add.f32 [tilespmem:s5], [sflag:$0x4], $0x80, s12, s6, $0xb8;
	[tilespmem:$0x1B280] =	vst v63  }
0xa0: {  	_ =	swait.ge [sflag:s14], $0x2800  }
0xa1: {  	[sflag:s14] =	ssyncset.done $0x0  }
0xa2: {  	[sflag:s14] =	ssyncadd.s32 $0xFFFFD800  }
0xa3: {  	_ =	swait.ge [sflag:s15], $0x2800  }
0xa4: {  	s23 =	simm.s32 $0x14;
	s24 =	simm.s32 $0x28;
	[sflag:s15] =	ssyncset.done $0x0  }
.LBB2_2:
0xa5: {  	s1 =	sadd.s32 s23, s20  }
0xa6: {  	[sflag:s15] =	ssyncadd.s32 $0xFFFFD800;
	s2 =	smov.u32 s24;
	s19 =	sadd.s32 $0x14, s24  }
0xa7: {  	[tilespmem:s11], [sflag:$0x5] =	stream.linear.gather [hbm4b:s1+s17], $0x50, $0x38;
	[tilespmem:$0x1B280] =	vst v63  }
0xa8: {  	p1 =	sne.s32 s24, $0x4C4;
	s1 =	sadd.s32 s23, s22;
	s23 =	smov.u32 s2  }
0xa9: {  	[tilespmem:s12], [sflag:$0x5] =	stream.linear.gather [hbm4b:s1+s17], $0x50, $0x38;
	[tilespmem:$0x1B280] =	vst v63  }
0xaa: {  	_ =	swait.ge [sflag:s13], $0x50  }
0xab: {  	[sflag:s13] =	ssyncset.done $0x0  }
0xac: {  	[sflag:s13] =	ssyncadd.s32 $0xFFFFFFB0  }
0xad: {  	[spmem:s21] =	stream.indirect.scatter.add.f32 [tilespmem:s5], [sflag:$0x3], $0x80, s11, s6, $0xb8;
	[tilespmem:$0x1B280] =	vst v63  }
0xae: {  	_ =	swait.ge [sflag:s13], $0x50  }
0xaf: {  	[sflag:s13] =	ssyncset.done $0x0  }
0xb0: {  	[sflag:s13] =	ssyncadd.s32 $0xFFFFFFB0  }
0xb1: {  	[spmem:s21] =	stream.indirect.scatter.add.f32 [tilespmem:s5], [sflag:$0x4], $0x80, s12, s6, $0xb8;
	[tilespmem:$0x1B280] =	vst v63  }
.Ltmp0:
0xb2: {  	_ =	swait.ge [sflag:s14], $0x2800;
	(pc) =	sbr.rel @p1 .LBB2_2-.Ltmp0, $4  }
0xb3: {  	[sflag:s14] =	ssyncset.done $0x0  }
0xb4: {  	[sflag:s14] =	ssyncadd.s32 $0xFFFFD800  }
0xb5: {  	_ =	swait.ge [sflag:s15], $0x2800  }
0xb6: {  	s24 =	smov.u32 s19;
	[sflag:s15] =	ssyncset.done $0x0  }
0xb7: {  	s1 =	sadd.s32 s23, s20;
	[sflag:s15] =	ssyncadd.s32 $0xFFFFD800  }
0xb8: {  	[tilespmem:s11], [sflag:$0x5] =	stream.linear.gather [hbm4b:s1+s17], $0x50, $0x38;
	[tilespmem:$0x1B280] =	vst v63  }
0xb9: {  	s24 =	sadd.s32 s23, s22  }
0xba: {  	[tilespmem:s12], [sflag:$0x5] =	stream.linear.gather [hbm4b:s24+s17], $0x50, $0x38;
	[tilespmem:$0x1B280] =	vst v63  }
0xbb: {  	_ =	swait.ge [sflag:s13], $0x50  }
0xbc: {  	[sflag:s13] =	ssyncset.done $0x0  }
0xbd: {  	[sflag:s13] =	ssyncadd.s32 $0xFFFFFFB0  }
0xbe: {  	[spmem:s21] =	stream.indirect.scatter.add.f32 [tilespmem:s5], [sflag:$0x3], $0x80, s11, s6, $0xb8;
	[tilespmem:$0x1B280] =	vst v63  }
0xbf: {  	_ =	swait.ge [sflag:s13], $0x50  }
0xc0: {  	[sflag:s13] =	ssyncset.done $0x0  }
0xc1: {  	[sflag:s13] =	ssyncadd.s32 $0xFFFFFFB0  }
0xc2: {  	[spmem:s21] =	stream.indirect.scatter.add.f32 [tilespmem:s5], [sflag:$0x4], $0x80, s12, s6, $0xb8;
	[tilespmem:$0x1B280] =	vst v63  }
0xc3: {  	_ =	swait.ge [sflag:s14], $0x2800  }
0xc4: {  	[sflag:s14] =	ssyncset.done $0x0  }
0xc5: {  	[sflag:s14] =	ssyncadd.s32 $0xFFFFD800  }
0xc6: {  	_ =	swait.ge [sflag:s15], $0x2800  }
0xc7: {  	[sflag:s15] =	ssyncset.done $0x0  }
0xc8: {  	s2 =	rddreg [dreg:$0x18];
	[sflag:s15] =	ssyncadd.s32 $0xFFFFD800  }
0xc9: {  	[tilespmem:s11], [sflag:$0x6] =	stream.linear.gather [hbm4b:s2+s17], $0x50, $0x38;
	[tilespmem:$0x1B280] =	vst v63  }
0xca: {  	_ =	swait.ge [sflag:s4], $0x50  }
0xcb: {  	[sflag:s4] =	ssyncset.done $0x0  }
0xcc: {  	[sflag:s4] =	ssyncadd.s32 $0xFFFFFFB0  }
0xcd: {  	[spmem:s21] =	stream.indirect.scatter.add.f32 [tilespmem:s5], [sflag:$0x6], $0x80, s11, s6, $0xb8;
	[tilespmem:$0x1B280] =	vst v63  }
0xce: {  	_ =	swait.ge [sflag:s4], $0x2800  }
0xcf: {  	[sflag:s4] =	ssyncset.done $0x0  }
0xd0: {  	s19 =	stileid.u32;
	[sflag:s4] =	ssyncadd.s32 $0xFFFFD800  }
0xd1: {  	s1 =	sshll.u32 s19, $0x6;
	[bflag:$0x0] =	sbarrier.arrive $0xFFFF  }
0xd2: {  	s1 =	sor.u32 $0x1C06, s1;
	s2 =	sshrl.u32 s25, $0x3;
	s19 =	rddreg [dreg:$0xd]  }
0xd3: {  	[hbm:s19], [sflag:s1] =	dma.local [spmem:s2], $0x500  }
0xd4: {  	_ =	swait.ge [sflag:s4], $0x500  }
0xd5: {  	[sflag:s4] =	ssyncset.done $0x0  }
0xd6: {  	s23 =	sshrl.u32 s26, $0x3;
	s24 =	rddreg [dreg:$0xe];
	[sflag:s4] =	ssyncadd.s32 $0xFFFFFB00  }
0xd7: {  	[hbm:s24], [sflag:s1] =	dma.local [spmem:s23], $0x500  }
0xd8: {  	_ =	swait.ge [sflag:s4], $0x500  }
0xd9: {  	[sflag:s4] =	ssyncset.done $0x0  }
0xda: {  	s23 =	sshrl.u32 s28, $0x3;
	s24 =	rddreg [dreg:$0xf];
	[sflag:s4] =	ssyncadd.s32 $0xFFFFFB00  }
0xdb: {  	[hbm:s24], [sflag:s1] =	dma.local [spmem:s23], $0x500  }
0xdc: {  	_ =	swait.ge [sflag:s4], $0x500  }
0xdd: {  	[sflag:s4] =	ssyncset.done $0x0  }
0xde: {  	s23 =	sshrl.u32 s29, $0x3;
	s24 =	rddreg [dreg:$0x10];
	[sflag:s4] =	ssyncadd.s32 $0xFFFFFB00  }
0xdf: {  	[hbm:s24], [sflag:s1] =	dma.local [spmem:s23], $0x500  }
0xe0: {  	_ =	swait.ge [sflag:s4], $0x500  }
0xe1: {  	[sflag:s4] =	ssyncset.done $0x0  }
0xe2: {  	s23 =	sshrl.u32 s30, $0x3;
	s24 =	rddreg [dreg:$0x11];
	[sflag:s4] =	ssyncadd.s32 $0xFFFFFB00  }
0xe3: {  	[hbm:s24], [sflag:s1] =	dma.local [spmem:s23], $0x500  }
0xe4: {  	_ =	swait.ge [sflag:s4], $0x500  }
0xe5: {  	[sflag:s4] =	ssyncset.done $0x0  }
0xe6: {  	s23 =	sshrl.u32 s31, $0x3;
	s24 =	rddreg [dreg:$0x12];
	[sflag:s4] =	ssyncadd.s32 $0xFFFFFB00  }
0xe7: {  	[hbm:s24], [sflag:s1] =	dma.local [spmem:s23], $0x500  }
0xe8: {  	_ =	swait.ge [sflag:s4], $0x500  }
0xe9: {  	[sflag:s4] =	ssyncset.done $0x0  }
0xea: {  	s19 =	sshrl.u32 s18, $0x3;
	s23 =	rddreg [dreg:$0x13];
	[sflag:s4] =	ssyncadd.s32 $0xFFFFFB00  }
0xeb: {  	[hbm:s23], [sflag:s1] =	dma.local [spmem:s19], $0x500  }
0xec: {  	_ =	swait.ge [sflag:s4], $0x500  }
0xed: {  	[sflag:s4] =	ssyncset.done $0x0  }
0xee: {  	s2 =	sshrl.u32 @!p0 s0, $0x3;
	s19 =	rddreg [dreg:$0x14];
	[sflag:s4] =	ssyncadd.s32 $0xFFFFFB00  }
0xef: {  	[hbm:s19], [sflag:s1] =	dma.local @!p0 [spmem:s2], $0x500  }
0xf0: {  	s1 =	simm.s32 @!p0 $0x6  }
0xf1: {  	_ =	swait.ge @!p0 [sflag:s1], $0x500  }
0xf2: {  	s16 =	sadd.s32 $0x1, s16;
	s24 =	rddreg [dreg:$0x17]  }
0xf3: {  	p1 =	sne.s32 s16, s24  }
.Ltmp1:
0xf4: {  	_ = 	snop;
	(pc) =	sbr.rel @p1 .LBB2_1-.Ltmp1, $3  }
0xf5: {  	_ =	sdelay $0x1  }
0xf6: {  	[sflag:s1] =	ssyncset.done @!p0 $0x0  }
0xf7: {  	[sflag:s1] =	ssyncadd.s32 @!p0 $0xFFFFFB00  }
0xf8: {  	_ =	sfence.sel $0x180000  }
0xf9: {  	[bflag:$0x0] =	sbarrier.arrive $0xFFFF  }
0xfa: {  	_ =	strace $0x90000047  }
0xfb: {  	s0 =	stileid.u32;
	[bflag:$0x2] =	sbarrier.arrive $0xFFFF  }
0xfc: {  	p0 =	sne.s32 s0, $0x0;
	s0 =	rddreg [dreg:$0x4]  }
0xfd: {  	s0 =	sadd.s32 @!p0 $0x100000, s0  }
0xfe: {  	[sflag:s0] =	ssyncadd.tile.s32 @!p0 $0x1;
	_ =	shalt  }
.Lfunc_end2:
_tile_overlayer_lowered:
.L_overlay_start_2:
0xff: {  	(tag) =	ssettag $0x2  }
0x100: {  	s0 =	rddreg [dreg:$0x0];
	s2 =	stileid.u32  }
0x101: {  	s1 =	rddreg [dreg:$0x1];
	p0 =	sne.s32 s2, $0x0  }
0x102: {  	s3 =	rddreg [dreg:$0x2];
	[bflag:$0x3] =	sbarrier.arrive $0xFFFF;
	s2 =	simm.s32 @!p0 $0x1C06  }
0x103: {  	[timem:s3], [sflag:s2] =	dma.local @!p0 [hbm:s0], s1  }
0x104: {  	s0 =	simm.s32 @!p0 $0x6  }
0x105: {  	_ =	swait.ge @!p0 [sflag:s0], s1  }
0x106: {  	s1 =	ssub.s32 @!p0 $0x0, s1;
	[sflag:s0] =	ssyncset.done @!p0 $0x0  }
0x107: {  	[sflag:s0] =	ssyncadd.s32 @!p0 s1  }
0x108: {  	[bflag:$0x3] =	sbarrier.arrive $0xFFFF  }
0x109: {  	_ =	shalt  }

// kernel: kernel.14.cloned.1.call-start
scs
__scs_entry_jumppad:
0x0: {  	(pc) =	sbr.rel $0x88, $3  }
0x1: {  	(tag) =	ssettag $0x0;
	lr =	simm.s32 $0x1  }
0x2: {  	[smem:$0x3F93] =	sst lr;
	_ =	strace $0xD0000000  }
0x3: {  	_ = 	snop  }
0x4: {  	_ = 	snop  }
0x5: {  	_ = 	snop  }
0x6: {  	_ = 	snop  }
0x7: {  	_ = 	snop  }
__scs_overlays_trampoline_lowered:
0x8: {  	[smem:$0x3FA2] =	sst s0  }
0x9: {  	[smem:$0x3FA3] =	sst s1  }
0xa: {  	[smem:$0x3FA4] =	sst s2  }
0xb: {  	[smem:$0x3FA5] =	sst s3  }
0xc: {  	[smem:$0x3FA6] =	sst s4  }
0xd: {  	[smem:$0x3FA7] =	sst s5  }
0xe: {  	[smem:$0x3FA8] =	sst s6  }
0xf: {  	[smem:$0x3FA9] =	sst s7  }
0x10: {  	[smem:$0x3FAA] =	sst s8  }
0x11: {  	[smem:$0x3FAB] =	sst s9;
	s0 =	simm.s32 @!p0 $0x0  }
0x12: {  	s1 =	sld [smem:$0x3F91];
	s0 =	simm.s32 @p0 $0x1  }
0x13: {  	[smem:$0x3FAC] =	sst s0;
	s0 =	simm.s32 @!p1 $0x0  }
0x14: {  	s2 =	sld [smem:$0x3F90];
	s0 =	simm.s32 @p1 $0x1  }
0x15: {  	[smem:$0x3FAD] =	sst s0;
	s0 =	simm.s32 @!p2 $0x0  }
0x16: {  	s3 =	sld [smem:$0x3FDB];
	s0 =	simm.s32 @p2 $0x1  }
0x17: {  	s4 =	simm.s32 $0x1BF5;
	[smem:$0x3FAF] =	sst s0  }
0x18: {  	s0 =	sld [smem:$0x3F92];
	_ =	swait.ge [sflag:s4], $0x0  }
0x19: {  	s7 =	sld [smem:$0x3F93]  }
0x1a: {  	s8 =	sadd.s32 $0xFFFFE003, lr  }
0x1b: {  	s9 =	sadd.s32 $0xFFFFFEF7, lr;
	s5 =	simm.s32 $0xFFFFFFFF;
	p2 =	slt.u32 s8, $0xFFFFF086  }
0x1c: {  	p1 =	slt.u32 s9, $0xF7A;
	s5 =	simm.s32 @!p2 $0x0  }
0x1d: {  	s5 =	simm.s32 @p1 $0x1;
	p0 =	seq.s32 s7, s2  }
0x1e: {  	s7 =	smul.u32 @!p0 $0xF7A, s2;
	p2 =	seq.s32 @!p0 s5, $0x0  }
0x1f: {  	s9 =	smul.u32 $0xF7A, s1;
	s8 =	simm.s32 @!p0 $0x1BF5;
	p2 =	por !p2, p0  }
0x20: {  	[sflag:s8] =	ssyncset.s32 @!p0 $0xFFFFF086;
	s6 =	sadd.s32 @!p0 s3, s7;
	s7 =	simm.s32 @!p0 $0x108  }
0x21: {  	s3 =	sadd.s32 s3, s9;
	s6 =	sadd.s32 @!p0 $0x88, s6;
	s7 =	simm.s32 @p2 $0x1082  }
0x22: {  	[simem:s7], [sflag:s8] =	dma.local @!p0 [hbm:s6], $0xF7A  }
0x23: {  	s9 =	sor.u32 $0xD0000000, s2;
	s6 =	simm.s32 $0x108;
	_ =	swait.ge @!p0 [sflag:s8], $0x0  }
0x24: {  	s3 =	sadd.s32 $0x88, s3;
	s6 =	simm.s32 @!p1 $0x1082;
	[sflag:s4] =	ssyncset.s32 $0xFFFFF086  }
0x25: {  	[simem:s6], [sflag:s4] =	dma.local [hbm:s3], $0xF7A  }
0x26: {  	[smem:$0x3F93] =	sst s1;
	(tag) =	ssettag s2;
	_ =	strace s9  }
0x27: {  	s1 =	sld [smem:$0x3FA3]  }
0x28: {  	s2 =	sld [smem:$0x3FA4]  }
0x29: {  	s4 =	sld [smem:$0x3FA6]  }
0x2a: {  	p0 =	seq.s32 s5, $0x0;
	s5 =	sld [smem:$0x3FA7]  }
0x2b: {  	s6 =	sld [smem:$0x3FA8]  }
0x2c: {  	s7 =	sld [smem:$0x3FA9]  }
0x2d: {  	s3 =	simm.s32 $0x108;
	s8 =	sld [smem:$0x3FAA]  }
0x2e: {  	s3 =	simm.s32 @!p0 $0x1082;
	s9 =	sld [smem:$0x3FAB]  }
0x2f: {  	lr =	sadd.s32 s0, s3;
	s0 =	sld [smem:$0x3FA2]  }
0x30: {  	s3 =	sld [smem:$0x3FA5]  }
0x31: {  	[smem:$0x3FAE] =	sst s10  }
0x32: {  	s10 =	sld [smem:$0x3FAC];
	_ =	sdelay $0x3  }
0x33: {  	p0 =	seq.s32 s10, $0x1;
	s10 =	sld [smem:$0x3FAE];
	_ =	sdelay $0x3  }
0x34: {  	[smem:$0x3FAE] =	sst s10  }
0x35: {  	s10 =	sld [smem:$0x3FAD];
	_ =	sdelay $0x3  }
0x36: {  	p1 =	seq.s32 s10, $0x1;
	s10 =	sld [smem:$0x3FAE];
	_ =	sdelay $0x3  }
0x37: {  	[smem:$0x3FAE] =	sst s10  }
0x38: {  	s10 =	sld [smem:$0x3FAF]  }
0x39: {  	_ = 	snop;
	(pc) =	sbr.ind lr, $3  }
0x3a: {  	_ = 	snop  }
0x3b: {  	_ = 	snop  }
0x3c: {  	p2 =	seq.s32 s10, $0x1;
	s10 =	sld [smem:$0x3FAE]  }
0x3d: {  	_ =	shalt  }
0x3e: {  	_ =	shalt  }
0x3f: {  	_ =	shalt  }
0x40: {  	_ =	shalt  }
0x41: {  	_ =	shalt  }
0x42: {  	_ =	shalt  }
0x43: {  	_ =	shalt  }
0x44: {  	_ =	shalt  }
0x45: {  	_ =	shalt  }
0x46: {  	_ =	shalt  }
0x47: {  	_ =	shalt  }
0x48: {  	_ =	shalt  }
0x49: {  	_ =	shalt  }
0x4a: {  	_ =	shalt  }
0x4b: {  	_ =	shalt  }
0x4c: {  	_ =	shalt  }
0x4d: {  	_ =	shalt  }
0x4e: {  	_ =	shalt  }
0x4f: {  	_ =	shalt  }
0x50: {  	_ =	shalt  }
0x51: {  	_ =	shalt  }
0x52: {  	_ =	shalt  }
0x53: {  	_ =	shalt  }
0x54: {  	_ =	shalt  }
0x55: {  	_ =	shalt  }
0x56: {  	_ =	shalt  }
0x57: {  	_ =	shalt  }
0x58: {  	_ =	shalt  }
0x59: {  	_ =	shalt  }
0x5a: {  	_ =	shalt  }
0x5b: {  	_ =	shalt  }
0x5c: {  	_ =	shalt  }
0x5d: {  	_ =	shalt  }
0x5e: {  	_ =	shalt  }
0x5f: {  	_ =	shalt  }
0x60: {  	_ =	shalt  }
0x61: {  	_ =	shalt  }
0x62: {  	_ =	shalt  }
0x63: {  	_ =	shalt  }
0x64: {  	_ =	shalt  }
0x65: {  	_ =	shalt  }
0x66: {  	_ =	shalt  }
0x67: {  	_ =	shalt  }
0x68: {  	_ =	shalt  }
0x69: {  	_ =	shalt  }
0x6a: {  	_ =	shalt  }
0x6b: {  	_ =	shalt  }
0x6c: {  	_ =	shalt  }
0x6d: {  	_ =	shalt  }
0x6e: {  	_ =	shalt  }
0x6f: {  	_ =	shalt  }
0x70: {  	_ =	shalt  }
0x71: {  	_ =	shalt  }
0x72: {  	_ =	shalt  }
0x73: {  	_ =	shalt  }
0x74: {  	_ =	shalt  }
0x75: {  	_ =	shalt  }
0x76: {  	_ =	shalt  }
0x77: {  	_ =	shalt  }
0x78: {  	_ =	shalt  }
0x79: {  	_ =	shalt  }
0x7a: {  	_ =	shalt  }
0x7b: {  	_ =	shalt  }
0x7c: {  	_ =	shalt  }
0x7d: {  	_ =	shalt  }
0x7e: {  	_ =	shalt  }
0x7f: {  	_ =	shalt  }
0x80: {  	_ =	shalt  }
0x81: {  	_ =	shalt  }
0x82: {  	_ =	shalt  }
0x83: {  	_ =	shalt  }
0x84: {  	_ =	shalt  }
0x85: {  	_ =	shalt  }
0x86: {  	_ =	shalt  }
0x87: {  	_ =	shalt  }
.Lfunc_end0:
.L_simem_size_0:
called_computation.1_lowered:
.L_overlay_start_0:
0x88: {  	s2 =	sld [smem:$0x3FD9]  }
0x89: {  	s3 =	sld [smem:$0x3FFE];
	_ =	sdelay $0x1  }
0x8a: {  	s1 =	srdreg.scid  }
0x8b: {  	s0 =	sand.u32 $0x1, s1  }
0x8c: {  	s16 =	sshll.u32 s0, $0xA;
	s2 =	sadd.s32 s3, s2  }
0x8d: {  	s2 =	sadd.s32 s2, s16  }
0x8e: {  	[smem:$0x3FBA] =	sst s2  }
0x8f: {  	_ = 	snop  }
0x90: {  	(tm) =	ssettm $0x1  }
0x91: {  	s17 =	sld [smem:$0x3FFB];
	_ =	sdelay $0x3  }
0x92: {  	_ =	strace s17  }
0x93: {  	s2 =	sld [smem:$0x3FFC];
	_ =	sdelay $0x3  }
0x94: {  	_ =	strace s2  }
0x95: {  	s2 =	sld [smem:$0x3FFD];
	_ =	sdelay $0x3  }
0x96: {  	_ =	strace s2  }
0x97: {  	_ =	strace $0x8FFFFFFF  }
0x98: {  	s18 =	sld [smem:$0x3FDB];
	_ =	sdelay $0x1  }
0x99: {  	s19 =	simm.s32 $_scs_section_size  }
0x9a: {  	s4 =	simm.s32 $_size__tile_overlayer_lowered;
	s5 =	simm.s32 $_tile_overlayer_lowered  }
0x9b: {  	s22 =	simm.s32 $0x1BFF;
	s21 =	sshll.u32 s5, $0x1;
	s2 =	sadd.s32 s19, s18  }
0x9c: {  	s6 =	simm.s32 $0x0;
	s20 =	sshll.u32 s4, $0x1;
	s4 =	sadd.s32 s21, s2  }
0x9d: {  	[timem:s6], [sflag:s22] =	dma.local [hbm:s4], s20  }
0x9e: {  	_ =	swait.ge [sflag:s22], s20  }
0x9f: {  	s3 =	ssub.s32 $0x0, s20;
	[sflag:s22] =	ssyncset.done $0x0  }
0xa0: {  	[sflag:s22] =	ssyncadd.s32 s3;
	_ =	sdelay $0x1  }
0xa1: {  	s23 =	simm.s32 $0x1B8B  }
0xa2: {  	_ =	swait.ge [sflag:s23], $0x1  }
0xa3: {  	[sflag:s23] =	ssyncset.done $0x0  }
0xa4: {  	s25 =	simm.s32 $0x1B8E;
	s24 =	sld [smem:$0x3FFE];
	[sflag:s23] =	ssyncadd.s32 $0xFFFFFFFF  }
0xa5: {  	s26 =	simm.s32 $execute0_lowered;
	[smem:$0x3FD2] =	sst s25  }
0xa6: {  	s4 =	sshll.u32 s26, $0x1;
	_ =	strace $0x80000049;
	[dreg:$0x1] =	wrdreg $0xFFFFFFFF  }
0xa7: {  	s28 =	simm.s32 $_size_execute0_lowered;
	s2 =	sadd.s32 s2, s4;
	[dreg:$0x0] =	wrdreg $0x0  }
0xa8: {  	s4 =	sshll.u32 s28, $0x1;
	[dreg:$0x2] =	wrdreg s2  }
0xa9: {  	[dreg:$0x3] =	wrdreg s4  }
0xaa: {  	[dreg:$0x4] =	wrdreg $0xC0  }
0xab: {  	_ =	task [dreg:s6], $0x5FFFF  }
0xac: {  	[dreg:$0x1] =	wrdreg $0xFFFFFFFF  }
0xad: {  	[dreg:$0x0] =	wrdreg $0x60  }
0xae: {  	[dreg:$0x2] =	wrdreg s24  }
0xaf: {  	[dreg:$0x3] =	wrdreg $0x8B000  }
0xb0: {  	[dreg:$0x4] =	wrdreg $0x9  }
0xb1: {  	_ =	task.clear_ibuf [dreg:s6], $0x5FFFF;
	_ =	strace $0x90000049  }
0xb2: {  	s29 =	simm.s32 $0x9;
	_ =	strace $0x8000004B  }
0xb3: {  	_ =	swait.ge [sflag:s29], $0x1  }
0xb4: {  	[sflag:s29] =	ssyncadd.s32 $0xFFFFFFFF  }
0xb5: {  	_ =	strace $0x9000004B  }
0xb6: {  	_ =	sfence  }
0xb7: {  	s30 =	sld [smem:$0x0];
	_ =	sdelay $0x2  }
0xb8: {  	s31 =	sshll.u32 s1, $0xD;
	s1 =	sshrl.u32 s1, $0x2  }
0xb9: {  	s3 =	sand.u32 $0x4000, s31;
	s1 =	sadd.s32 s1, s30  }
0xba: {  	s0 =	sor.u32 s3, s0;
	s1 =	sshll.u32 s1, $0x11  }
0xbb: {  	s0 =	sor.u32 s1, s0  }
0xbc: {  	s0 =	sadd.s32 $0x8F2B, s0  }
0xbd: {  	[sflag:s0] =	ssyncadd.remote.s32 $0x1  }
0xbe: {  	_ =	sfence.sel $0xFFFF  }
0xbf: {  	[dreg:$0x0] =	wrdreg $0xFFFFFFFF;
	(pc) =	sbr.abs _section_cstart, $3  }
0xc0: {  	[dreg:$0x1] =	wrdreg $0xFFFFFFFF  }
0xc1: {  	_ =	task.clear_ibuf [dreg:s6], $0x2FFFF;
	_ =	strace $0x9FFFFFFF  }
0xc2: {  	(tm) =	ssettm $0x7FFFFFFF  }
0xc3: {  	_ =	shalt  }
tec
execute0_lowered:
.L_overlay_start_1:
0x0: {  	(tag) =	ssettag $0x1  }
0x1: {  	s29 =	stileid.u32  }
0x2: {  	s6 =	smul.u32 $0x2710, s29  }
0x3: {  	s0 =	srdreg.scid;
	s4 =	sor.u32 $0x10, s29;
	s11 =	smul.u32 $0x50, s29  }
0x4: {  	s0 =	sand.u32 $0x1, s0;
	s2 =	smul.u32 $0xA000, s4  }
0x5: {  	s5 =	smul.u32 $0x27100, s0  }
0x6: {  	s3 =	rddreg [dreg:$0x0];
	s8 =	smul.u32 $0x2710, s0  }
0x7: {  	s1 =	simm.s32 $0x0;
	s12 =	sor.u32 $0x20, s29;
	s4 =	smul.u32 $0x50, s4  }
0x8: {  	s30 =	simm.s32 $0x200;
	s19 =	sor.u32 $0x30, s29;
	s14 =	smul.u32 $0x50, s12  }
0x9: {  	s31 =	simm.s32 $0x5;
	s21 =	sor.u32 $0x40, s29;
	s25 =	smul.u32 $0x50, s19  }
0xa: {  	[smem:$0x7FF] =	sst s1;
	s22 =	sor.u32 $0x50, s29;
	s26 =	smul.u32 $0x50, s21  }
0xb: {  	s7 =	sadd.s32 $0x4000, s3;
	s23 =	sor.u32 $0x60, s29;
	s16 =	smul.u32 $0x50, s22  }
0xc: {  	s9 =	sadd.s32 $0xDE00, s3;
	s24 =	sor.u32 $0x70, s29;
	s18 =	smul.u32 $0x50, s23  }
0xd: {  	s10 =	sadd.s32 $0x8DC00, s3;
	s0 =	ssub.s32 $0x2, s0;
	s20 =	smul.u32 $0x50, s24  }
0xe: {  	p0 =	sgt.u32 s29, $0xC;
	s12 =	smul.u32 $0xA000, s12;
	s13 =	sshrl.u32 s0, $0x1  }
0xf: {  	s0 =	ssub.s32 s0, s13;
	s5 =	sadd.s32 s6, s5;
	s11 =	sadd.s32 s11, s8  }
0x10: {  	s4 =	sadd.s32 s8, s4;
	s14 =	sadd.s32 s8, s14;
	s13 =	sadd.s32 s8, s25  }
0x11: {  	s6 =	sadd.s32 s8, s26;
	s16 =	sadd.s32 s8, s16;
	s18 =	sadd.s32 s8, s18  }
0x12: {  	s8 =	sadd.s32 s8, s20;
	s2 =	sshrl.u32 s2, $0x2;
	s15 =	sshrl.u32 s5, $0x3  }
0x13: {  	s11 =	sshll.u32 s11, $0x4;
	s4 =	sshll.u32 s4, $0x4;
	s26 =	sshll.u32 s14, $0x4  }
0x14: {  	s20 =	sshll.u32 s6, $0x4;
	s6 =	sshll.u32 s18, $0x4;
	s8 =	sshll.u32 s8, $0x4  }
0x15: {  	s5 =	sadd.s32 $0x80, s5;
	s18 =	sadd.s32 $0x18200, s3;
	s11 =	sadd.s32 s10, s11  }
0x16: {  	s3 =	sadd.s32 $0x17C00, s3;
	s4 =	sadd.s32 s10, s4;
	[dreg:$0x5] =	wrdreg s11  }
0x17: {  	s17 =	sadd.s32 $0x4E0, s15;
	s14 =	sadd.s32 s10, s26;
	[dreg:$0x6] =	wrdreg s4  }
0x18: {  	s0 =	smax.u32 s0, $0x1;
	s25 =	sadd.s32 s7, s17;
	[dreg:$0x7] =	wrdreg s14  }
0x19: {  	s17 =	sadd.s32 s9, s17;
	s14 =	sadd.s32 s15, s7;
	[dreg:$0x3] =	wrdreg s25  }
0x1a: {  	s11 =	smul.u32 $0xA000, s29;
	[dreg:$0x4] =	wrdreg s17;
	s17 =	sshll.u32 s13, $0x4  }
0x1b: {  	s25 =	sshll.u32 s16, $0x4;
	s16 =	rddreg [dreg:$0x1];
	s4 =	sadd.s32 s10, s17  }
0x1c: {  	s13 =	sadd.s32 s15, s9;
	s26 =	sadd.s32 s10, s25;
	[dreg:$0x8] =	wrdreg s4  }
0x1d: {  	s25 =	smul.u32 $0xA000, s19;
	s4 =	sadd.s32 s10, s20;
	[dreg:$0xa] =	wrdreg s26  }
0x1e: {  	s20 =	sshrl.u32 s11, $0x2;
	s26 =	smul.u32 $0xA000, s21;
	s21 =	sadd.s32 s2, s16  }
0x1f: {  	s11 =	smul.u32 $0xA000, s24;
	s2 =	simm.s32 $0x180;
	[dreg:$0x9] =	wrdreg s4  }
0x20: {  	s4 =	sadd.s32 s10, s6;
	s20 =	sadd.s32 s20, s16;
	s6 =	sshrl.u32 s12, $0x2  }
0x21: {  	[dreg:$0xb] =	wrdreg s4;
	s4 =	sadd.s32 s10, s8;
	s10 =	sshrl.u32 s5, $0x3  }
0x22: {  	s8 =	sshrl.u32 s25, $0x2;
	s19 =	sshrl.u32 s11, $0x2;
	s5 =	simm.s32 $0x1  }
0x23: {  	[dreg:$0xc] =	wrdreg s4;
	s17 =	sadd.s32 s10, s7;
	s7 =	smul.u32 $0xA000, s22  }
0x24: {  	s15 =	sadd.s32 s10, s9;
	s22 =	sadd.s32 s6, s16;
	s9 =	smul.u32 $0xA000, s23  }
0x25: {  	s23 =	sadd.s32 s8, s16;
	s10 =	sshrl.u32 s26, $0x2;
	s28 =	sadd.s32 s19, s16  }
0x26: {  	s6 =	simm.s32 $0x2;
	_ =	strace $0x8000004A;
	[dreg:$0xd] =	wrdreg s3  }
0x27: {  	s19 =	simm.s32 $0x0;
	s24 =	sadd.s32 s10, s16;
	[dreg:$0xe] =	wrdreg s0  }
0x28: {  	s0 =	simm.s32 $0x80;
	s3 =	simm.s32 $0x4;
	s12 =	sshrl.u32 s7, $0x2  }
0x29: {  	s4 =	sshrl.u32 s9, $0x2;
	s7 =	simm.s32 $0x3;
	s25 =	sadd.s32 s12, s16  }
0x2a: {  	s26 =	sadd.s32 s4, s16;
	s12 =	simm.s32 $0x100;
	s4 =	simm.s32 $0x4200  }
.LBB2_1:
0x2b: {  	s8 =	rddreg [dreg:$0xd]  }
0x2c: {  	[tilespmem:s30], [sflag:$0x5] =	stream.linear.gather [hbm4b:s8+s1], $0x2800, $0x38;
	[tilespmem:$0x1C380] =	vst v63  }
0x2d: {  	_ =	swait.ge [sflag:s31], $0x2800  }
0x2e: {  	[sflag:s31] =	ssyncset.done $0x0  }
0x2f: {  	[sflag:s31] =	ssyncadd.s32 $0xFFFFD800  }
0x30: {  	[spmem:s20] =	stream.linear.scatter [tilespmem:s30], [sflag:$0x5], $0x2800, $0x38;
	[tilespmem:$0x1C380] =	vst v63  }
0x31: {  	_ =	swait.ge [sflag:s31], $0x2800  }
0x32: {  	[sflag:s31] =	ssyncset.done $0x0  }
0x33: {  	[sflag:s31] =	ssyncadd.s32 $0xFFFFD800  }
0x34: {  	[spmem:s21] =	stream.linear.scatter [tilespmem:s30], [sflag:$0x5], $0x2800, $0x38;
	[tilespmem:$0x1C380] =	vst v63  }
0x35: {  	_ =	swait.ge [sflag:s31], $0x2800  }
0x36: {  	[sflag:s31] =	ssyncset.done $0x0  }
0x37: {  	[sflag:s31] =	ssyncadd.s32 $0xFFFFD800  }
0x38: {  	[spmem:s22] =	stream.linear.scatter [tilespmem:s30], [sflag:$0x5], $0x2800, $0x38;
	[tilespmem:$0x1C380] =	vst v63  }
0x39: {  	_ =	swait.ge [sflag:s31], $0x2800  }
0x3a: {  	[sflag:s31] =	ssyncset.done $0x0  }
0x3b: {  	[sflag:s31] =	ssyncadd.s32 $0xFFFFD800  }
0x3c: {  	[spmem:s23] =	stream.linear.scatter [tilespmem:s30], [sflag:$0x5], $0x2800, $0x38;
	[tilespmem:$0x1C380] =	vst v63  }
0x3d: {  	_ =	swait.ge [sflag:s31], $0x2800  }
0x3e: {  	[sflag:s31] =	ssyncset.done $0x0  }
0x3f: {  	[sflag:s31] =	ssyncadd.s32 $0xFFFFD800  }
0x40: {  	[spmem:s24] =	stream.linear.scatter [tilespmem:s30], [sflag:$0x5], $0x2800, $0x38;
	[tilespmem:$0x1C380] =	vst v63  }
0x41: {  	_ =	swait.ge [sflag:s31], $0x2800  }
0x42: {  	[sflag:s31] =	ssyncset.done $0x0  }
0x43: {  	[sflag:s31] =	ssyncadd.s32 $0xFFFFD800  }
0x44: {  	[spmem:s25] =	stream.linear.scatter [tilespmem:s30], [sflag:$0x5], $0x2800, $0x38;
	[tilespmem:$0x1C380] =	vst v63  }
0x45: {  	_ =	swait.ge [sflag:s31], $0x2800  }
0x46: {  	[sflag:s31] =	ssyncset.done $0x0  }
0x47: {  	[sflag:s31] =	ssyncadd.s32 $0xFFFFD800  }
0x48: {  	[spmem:s26] =	stream.linear.scatter [tilespmem:s30], [sflag:$0x5], $0x2800, $0x38;
	[tilespmem:$0x1C380] =	vst v63  }
0x49: {  	_ =	swait.ge [sflag:s31], $0x2800  }
0x4a: {  	[sflag:s31] =	ssyncset.done $0x0  }
0x4b: {  	s8 =	simm.s32 @!p0 $0x200;
	[sflag:s31] =	ssyncadd.s32 $0xFFFFD800  }
0x4c: {  	[spmem:s28] =	stream.linear.scatter @!p0 [tilespmem:s8], [sflag:$0x5], $0x2800, $0x38;
	[tilespmem:$0x1C380] =	vst v63  }
0x4d: {  	s8 =	simm.s32 @!p0 $0x5  }
0x4e: {  	_ =	swait.ge @!p0 [sflag:s8], $0x2800  }
0x4f: {  	[sflag:s8] =	ssyncset.done @!p0 $0x0  }
0x50: {  	[sflag:s8] =	ssyncadd.s32 @!p0 $0xFFFFD800  }
0x51: {  	s11 =	sadd.s32 $0x0, s14;
	[bflag:$0x0] =	sbarrier.arrive $0xFFFF  }
0x52: {  	[tilespmem:s1], [sflag:$0x4] =	stream.linear.gather [hbm4b:s11+s1], $0x80, $0x38;
	[tilespmem:$0x1C380] =	vst v63  }
0x53: {  	s9 =	sadd.s32 $0x0, s13  }
0x54: {  	[tilespmem:s12], [sflag:$0x4] =	stream.linear.gather [hbm4b:s9+s1], $0x80, $0x38;
	[tilespmem:$0x1C380] =	vst v63  }
0x55: {  	s10 =	sadd.s32 $0x0, s17  }
0x56: {  	[tilespmem:s0], [sflag:$0x4] =	stream.linear.gather [hbm4b:s10+s1], $0x80, $0x38;
	[tilespmem:$0x1C380] =	vst v63  }
0x57: {  	s11 =	sadd.s32 $0x0, s15  }
0x58: {  	[tilespmem:s2], [sflag:$0x4] =	stream.linear.gather [hbm4b:s11+s1], $0x80, $0x38;
	[tilespmem:$0x1C380] =	vst v63  }
0x59: {  	_ =	swait.ge [sflag:s3], $0x80  }
0x5a: {  	[sflag:s3] =	ssyncset.done $0x0  }
0x5b: {  	[sflag:s3] =	ssyncadd.s32 $0xFFFFFF80  }
0x5c: {  	_ =	swait.ge [sflag:s3], $0x80  }
0x5d: {  	[sflag:s3] =	ssyncset.done $0x0  }
0x5e: {  	[sflag:s3] =	ssyncadd.s32 $0xFFFFFF80  }
0x5f: {  	_ =	swait.ge [sflag:s3], $0x80  }
0x60: {  	[sflag:s3] =	ssyncset.done $0x0  }
0x61: {  	[sflag:s3] =	ssyncadd.s32 $0xFFFFFF80  }
0x62: {  	_ =	swait.ge [sflag:s3], $0x80  }
0x63: {  	[sflag:s3] =	ssyncset.done $0x0  }
0x64: {  	[sflag:s3] =	ssyncadd.s32 $0xFFFFFF80  }
0x65: {  	[tilespmem:s30], [sflag:$0x1] =	stream.indirect.gather [hbm4b:s18+s0], $0x80, s1, s0, $0xb8;
	[tilespmem:$0x1C380] =	vst v63  }
0x66: {  	_ = 	snop  }
0x67: {  	[tilespmem:s4], [sflag:$0x2] =	stream.indirect.gather [hbm4b:s18+s0], $0x80, s0, s0, $0xb8;
	[tilespmem:$0x1C380] =	vst v63  }
0x68: {  	_ =	swait.ge [sflag:s5], $0x4000  }
0x69: {  	[sflag:s5] =	ssyncset.done $0x0  }
0x6a: {  	[sflag:s5] =	ssyncadd.s32 $0xFFFFC000  }
0x6b: {  	[spmem:s16] =	stream.indirect.scatter.add.f32 [tilespmem:s30], [sflag:$0x3], $0x80, s12, s0, $0xb8;
	[tilespmem:$0x1C380] =	vst v63  }
0x6c: {  	_ =	swait.ge [sflag:s6], $0x4000  }
0x6d: {  	[sflag:s6] =	ssyncset.done $0x0  }
0x6e: {  	[sflag:s6] =	ssyncadd.s32 $0xFFFFC000  }
0x6f: {  	[spmem:s16] =	stream.indirect.scatter.add.f32 [tilespmem:s4], [sflag:$0x3], $0x80, s2, s0, $0xb8;
	[tilespmem:$0x1C380] =	vst v63  }
0x70: {  	_ =	swait.ge [sflag:s7], $0x4000  }
0x71: {  	[sflag:s7] =	ssyncset.done $0x0  }
0x72: {  	[sflag:s7] =	ssyncadd.s32 $0xFFFFC000  }
0x73: {  	_ =	swait.ge [sflag:s7], $0x4000  }
0x74: {  	s29 =	simm.s32 $0x20;
	s8 =	simm.s32 $0x40;
	[sflag:s7] =	ssyncset.done $0x0  }
.LBB2_2:
0x75: {  	s10 =	sadd.s32 s29, s14  }
0x76: {  	[sflag:s7] =	ssyncadd.s32 $0xFFFFC000;
	s11 =	smov.u32 s8;
	s9 =	sadd.s32 $0x20, s8  }
0x77: {  	[tilespmem:s1], [sflag:$0x4] =	stream.linear.gather [hbm4b:s10+s1], $0x80, $0x38;
	[tilespmem:$0x1C380] =	vst v63  }
0x78: {  	p1 =	sne.s32 s8, $0x4C0;
	s8 =	sadd.s32 s29, s13  }
0x79: {  	[tilespmem:s12], [sflag:$0x4] =	stream.linear.gather [hbm4b:s8+s1], $0x80, $0x38;
	[tilespmem:$0x1C380] =	vst v63  }
0x7a: {  	s8 =	sadd.s32 s29, s17  }
0x7b: {  	[tilespmem:s0], [sflag:$0x4] =	stream.linear.gather [hbm4b:s8+s1], $0x80, $0x38;
	[tilespmem:$0x1C380] =	vst v63  }
0x7c: {  	s8 =	sadd.s32 s29, s15;
	s29 =	smov.u32 s11  }
0x7d: {  	[tilespmem:s2], [sflag:$0x4] =	stream.linear.gather [hbm4b:s8+s1], $0x80, $0x38;
	[tilespmem:$0x1C380] =	vst v63  }
0x7e: {  	_ =	swait.ge [sflag:s3], $0x80  }
0x7f: {  	[sflag:s3] =	ssyncset.done $0x0  }
0x80: {  	[sflag:s3] =	ssyncadd.s32 $0xFFFFFF80  }
0x81: {  	_ =	swait.ge [sflag:s3], $0x80  }
0x82: {  	[sflag:s3] =	ssyncset.done $0x0  }
0x83: {  	[sflag:s3] =	ssyncadd.s32 $0xFFFFFF80  }
0x84: {  	_ =	swait.ge [sflag:s3], $0x80  }
0x85: {  	[sflag:s3] =	ssyncset.done $0x0  }
0x86: {  	[sflag:s3] =	ssyncadd.s32 $0xFFFFFF80  }
0x87: {  	_ =	swait.ge [sflag:s3], $0x80  }
0x88: {  	[sflag:s3] =	ssyncset.done $0x0  }
0x89: {  	[sflag:s3] =	ssyncadd.s32 $0xFFFFFF80  }
0x8a: {  	[tilespmem:s30], [sflag:$0x1] =	stream.indirect.gather [hbm4b:s18+s0], $0x80, s1, s0, $0xb8;
	[tilespmem:$0x1C380] =	vst v63  }
0x8b: {  	_ = 	snop  }
0x8c: {  	[tilespmem:s4], [sflag:$0x2] =	stream.indirect.gather [hbm4b:s18+s0], $0x80, s0, s0, $0xb8;
	[tilespmem:$0x1C380] =	vst v63  }
0x8d: {  	_ =	swait.ge [sflag:s5], $0x4000  }
0x8e: {  	[sflag:s5] =	ssyncset.done $0x0  }
0x8f: {  	[sflag:s5] =	ssyncadd.s32 $0xFFFFC000  }
0x90: {  	[spmem:s16] =	stream.indirect.scatter.add.f32 [tilespmem:s30], [sflag:$0x3], $0x80, s12, s0, $0xb8;
	[tilespmem:$0x1C380] =	vst v63  }
0x91: {  	_ =	swait.ge [sflag:s6], $0x4000  }
0x92: {  	[sflag:s6] =	ssyncset.done $0x0  }
0x93: {  	[sflag:s6] =	ssyncadd.s32 $0xFFFFC000  }
0x94: {  	[spmem:s16] =	stream.indirect.scatter.add.f32 [tilespmem:s4], [sflag:$0x3], $0x80, s2, s0, $0xb8;
	[tilespmem:$0x1C380] =	vst v63  }
.Ltmp0:
0x95: {  	_ =	swait.ge [sflag:s7], $0x4000;
	(pc) =	sbr.rel @p1 .LBB2_2-.Ltmp0, $4  }
0x96: {  	[sflag:s7] =	ssyncset.done $0x0  }
0x97: {  	[sflag:s7] =	ssyncadd.s32 $0xFFFFC000  }
0x98: {  	_ =	swait.ge [sflag:s7], $0x4000  }
0x99: {  	s8 =	smov.u32 s9;
	[sflag:s7] =	ssyncset.done $0x0  }
0x9a: {  	s8 =	sadd.s32 s29, s14;
	[sflag:s7] =	ssyncadd.s32 $0xFFFFC000  }
0x9b: {  	[tilespmem:s1], [sflag:$0x4] =	stream.linear.gather [hbm4b:s8+s1], $0x80, $0x38;
	[tilespmem:$0x1C380] =	vst v63  }
0x9c: {  	s10 =	sadd.s32 s29, s13  }
0x9d: {  	[tilespmem:s12], [sflag:$0x4] =	stream.linear.gather [hbm4b:s10+s1], $0x80, $0x38;
	[tilespmem:$0x1C380] =	vst v63  }
0x9e: {  	s11 =	sadd.s32 s29, s17  }
0x9f: {  	[tilespmem:s0], [sflag:$0x4] =	stream.linear.gather [hbm4b:s11+s1], $0x80, $0x38;
	[tilespmem:$0x1C380] =	vst v63  }
0xa0: {  	s9 =	sadd.s32 s29, s15  }
0xa1: {  	[tilespmem:s2], [sflag:$0x4] =	stream.linear.gather [hbm4b:s9+s1], $0x80, $0x38;
	[tilespmem:$0x1C380] =	vst v63  }
0xa2: {  	_ =	swait.ge [sflag:s3], $0x80  }
0xa3: {  	[sflag:s3] =	ssyncset.done $0x0  }
0xa4: {  	[sflag:s3] =	ssyncadd.s32 $0xFFFFFF80  }
0xa5: {  	_ =	swait.ge [sflag:s3], $0x80  }
0xa6: {  	[sflag:s3] =	ssyncset.done $0x0  }
0xa7: {  	[sflag:s3] =	ssyncadd.s32 $0xFFFFFF80  }
0xa8: {  	_ =	swait.ge [sflag:s3], $0x80  }
0xa9: {  	[sflag:s3] =	ssyncset.done $0x0  }
0xaa: {  	[sflag:s3] =	ssyncadd.s32 $0xFFFFFF80  }
0xab: {  	_ =	swait.ge [sflag:s3], $0x80  }
0xac: {  	[sflag:s3] =	ssyncset.done $0x0  }
0xad: {  	[sflag:s3] =	ssyncadd.s32 $0xFFFFFF80  }
0xae: {  	[tilespmem:s30], [sflag:$0x1] =	stream.indirect.gather [hbm4b:s18+s0], $0x80, s1, s0, $0xb8;
	[tilespmem:$0x1C380] =	vst v63  }
0xaf: {  	_ = 	snop  }
0xb0: {  	[tilespmem:s4], [sflag:$0x2] =	stream.indirect.gather [hbm4b:s18+s0], $0x80, s0, s0, $0xb8;
	[tilespmem:$0x1C380] =	vst v63  }
0xb1: {  	_ =	swait.ge [sflag:s5], $0x4000  }
0xb2: {  	[sflag:s5] =	ssyncset.done $0x0  }
0xb3: {  	[sflag:s5] =	ssyncadd.s32 $0xFFFFC000  }
0xb4: {  	[spmem:s16] =	stream.indirect.scatter.add.f32 [tilespmem:s30], [sflag:$0x3], $0x80, s12, s0, $0xb8;
	[tilespmem:$0x1C380] =	vst v63  }
0xb5: {  	_ =	swait.ge [sflag:s6], $0x4000  }
0xb6: {  	[sflag:s6] =	ssyncset.done $0x0  }
0xb7: {  	[sflag:s6] =	ssyncadd.s32 $0xFFFFC000  }
0xb8: {  	[spmem:s16] =	stream.indirect.scatter.add.f32 [tilespmem:s4], [sflag:$0x3], $0x80, s2, s0, $0xb8;
	[tilespmem:$0x1C380] =	vst v63  }
0xb9: {  	_ =	swait.ge [sflag:s7], $0x4000  }
0xba: {  	[sflag:s7] =	ssyncset.done $0x0  }
0xbb: {  	[sflag:s7] =	ssyncadd.s32 $0xFFFFC000  }
0xbc: {  	_ =	swait.ge [sflag:s7], $0x4000  }
0xbd: {  	[sflag:s7] =	ssyncset.done $0x0  }
0xbe: {  	s9 =	simm.s32 $0x8200;
	s10 =	rddreg [dreg:$0x3];
	[sflag:s7] =	ssyncadd.s32 $0xFFFFC000  }
0xbf: {  	[tilespmem:s9], [sflag:$0x5] =	stream.linear.gather [hbm4b:s10+s1], $0x10, $0x38;
	[tilespmem:$0x1C380] =	vst v63  }
0xc0: {  	_ =	swait.ge [sflag:s31], $0x10  }
0xc1: {  	[sflag:s31] =	ssyncset.done $0x0  }
0xc2: {  	s10 =	simm.s32 $0x8280;
	s11 =	rddreg [dreg:$0x4];
	[sflag:s31] =	ssyncadd.s32 $0xFFFFFFF0  }
0xc3: {  	[tilespmem:s10], [sflag:$0x5] =	stream.linear.gather [hbm4b:s11+s1], $0x10, $0x38;
	[tilespmem:$0x1C380] =	vst v63  }
0xc4: {  	_ =	swait.ge [sflag:s31], $0x10  }
0xc5: {  	[sflag:s31] =	ssyncset.done $0x0  }
0xc6: {  	s29 =	simm.s32 $0x10;
	s11 =	simm.s32 $0x8300;
	[sflag:s31] =	ssyncadd.s32 $0xFFFFFFF0  }
0xc7: {  	[tilespmem:s11], [sflag:$0x1] =	stream.indirect.gather [hbm4b:s18+s29], $0x80, s9, s29, $0xb8;
	[tilespmem:$0x1C380] =	vst v63  }
0xc8: {  	_ =	swait.ge [sflag:s5], $0x800  }
0xc9: {  	[sflag:s5] =	ssyncset.done $0x0  }
0xca: {  	[sflag:s5] =	ssyncadd.s32 $0xFFFFF800  }
0xcb: {  	[spmem:s16] =	stream.indirect.scatter.add.f32 [tilespmem:s11], [sflag:$0x5], $0x80, s10, s29, $0xb8;
	[tilespmem:$0x1C380] =	vst v63  }
0xcc: {  	_ =	swait.ge [sflag:s31], $0x800  }
0xcd: {  	[sflag:s31] =	ssyncset.done $0x0  }
0xce: {  	s10 =	stileid.u32;
	[sflag:s31] =	ssyncadd.s32 $0xFFFFF800  }
0xcf: {  	s8 =	sshll.u32 s10, $0x6;
	[bflag:$0x0] =	sbarrier.arrive $0xFFFF  }
0xd0: {  	s11 =	sshrl.u32 s20, $0x3;
	s8 =	sor.u32 $0x1C05, s8;
	s29 =	rddreg [dreg:$0x5]  }
0xd1: {  	[hbm:s29], [sflag:s8] =	dma.local [spmem:s11], $0x500  }
0xd2: {  	_ =	swait.ge [sflag:s31], $0x500  }
0xd3: {  	[sflag:s31] =	ssyncset.done $0x0  }
0xd4: {  	s11 =	sshrl.u32 s21, $0x3;
	s29 =	rddreg [dreg:$0x6];
	[sflag:s31] =	ssyncadd.s32 $0xFFFFFB00  }
0xd5: {  	[hbm:s29], [sflag:s8] =	dma.local [spmem:s11], $0x500  }
0xd6: {  	_ =	swait.ge [sflag:s31], $0x500  }
0xd7: {  	[sflag:s31] =	ssyncset.done $0x0  }
0xd8: {  	s11 =	sshrl.u32 s22, $0x3;
	s29 =	rddreg [dreg:$0x7];
	[sflag:s31] =	ssyncadd.s32 $0xFFFFFB00  }
0xd9: {  	[hbm:s29], [sflag:s8] =	dma.local [spmem:s11], $0x500  }
0xda: {  	_ =	swait.ge [sflag:s31], $0x500  }
0xdb: {  	[sflag:s31] =	ssyncset.done $0x0  }
0xdc: {  	s11 =	sshrl.u32 s23, $0x3;
	s29 =	rddreg [dreg:$0x8];
	[sflag:s31] =	ssyncadd.s32 $0xFFFFFB00  }
0xdd: {  	[hbm:s29], [sflag:s8] =	dma.local [spmem:s11], $0x500  }
0xde: {  	_ =	swait.ge [sflag:s31], $0x500  }
0xdf: {  	[sflag:s31] =	ssyncset.done $0x0  }
0xe0: {  	s11 =	sshrl.u32 s24, $0x3;
	s29 =	rddreg [dreg:$0x9];
	[sflag:s31] =	ssyncadd.s32 $0xFFFFFB00  }
0xe1: {  	[hbm:s29], [sflag:s8] =	dma.local [spmem:s11], $0x500  }
0xe2: {  	_ =	swait.ge [sflag:s31], $0x500  }
0xe3: {  	[sflag:s31] =	ssyncset.done $0x0  }
0xe4: {  	s11 =	sshrl.u32 s25, $0x3;
	s29 =	rddreg [dreg:$0xa];
	[sflag:s31] =	ssyncadd.s32 $0xFFFFFB00  }
0xe5: {  	[hbm:s29], [sflag:s8] =	dma.local [spmem:s11], $0x500  }
0xe6: {  	_ =	swait.ge [sflag:s31], $0x500  }
0xe7: {  	[sflag:s31] =	ssyncset.done $0x0  }
0xe8: {  	s10 =	sshrl.u32 s26, $0x3;
	s11 =	rddreg [dreg:$0xb];
	[sflag:s31] =	ssyncadd.s32 $0xFFFFFB00  }
0xe9: {  	[hbm:s11], [sflag:s8] =	dma.local [spmem:s10], $0x500  }
0xea: {  	_ =	swait.ge [sflag:s31], $0x500  }
0xeb: {  	[sflag:s31] =	ssyncset.done $0x0  }
0xec: {  	s9 =	sshrl.u32 @!p0 s28, $0x3;
	s10 =	rddreg [dreg:$0xc];
	[sflag:s31] =	ssyncadd.s32 $0xFFFFFB00  }
0xed: {  	[hbm:s10], [sflag:s8] =	dma.local @!p0 [spmem:s9], $0x500  }
0xee: {  	s8 =	simm.s32 @!p0 $0x5  }
0xef: {  	_ =	swait.ge @!p0 [sflag:s8], $0x500  }
0xf0: {  	s19 =	sadd.s32 $0x1, s19;
	s29 =	rddreg [dreg:$0xe]  }
0xf1: {  	p1 =	sne.s32 s19, s29  }
.Ltmp1:
0xf2: {  	_ = 	snop;
	(pc) =	sbr.rel @p1 .LBB2_1-.Ltmp1, $3  }
0xf3: {  	_ =	sdelay $0x1  }
0xf4: {  	[sflag:s8] =	ssyncset.done @!p0 $0x0  }
0xf5: {  	[sflag:s8] =	ssyncadd.s32 @!p0 $0xFFFFFB00  }
0xf6: {  	_ =	sfence.sel $0x180000  }
0xf7: {  	[bflag:$0x0] =	sbarrier.arrive $0xFFFF  }
0xf8: {  	_ =	strace $0x9000004A  }
0xf9: {  	s0 =	stileid.u32;
	[bflag:$0x2] =	sbarrier.arrive $0xFFFF  }
0xfa: {  	p0 =	sne.s32 s0, $0x0;
	s0 =	rddreg [dreg:$0x2]  }
0xfb: {  	s0 =	sadd.s32 @!p0 $0x100000, s0  }
0xfc: {  	[sflag:s0] =	ssyncadd.tile.s32 @!p0 $0x1;
	_ =	shalt  }
.Lfunc_end2:
_tile_overlayer_lowered:
.L_overlay_start_2:
0xfd: {  	(tag) =	ssettag $0x2  }
0xfe: {  	s0 =	rddreg [dreg:$0x0];
	s2 =	stileid.u32  }
0xff: {  	s1 =	rddreg [dreg:$0x1];
	p0 =	sne.s32 s2, $0x0  }
0x100: {  	s3 =	rddreg [dreg:$0x2];
	[bflag:$0x3] =	sbarrier.arrive $0xFFFF;
	s2 =	simm.s32 @!p0 $0x1C05  }
0x101: {  	[timem:s3], [sflag:s2] =	dma.local @!p0 [hbm:s0], s1  }
0x102: {  	s0 =	simm.s32 @!p0 $0x5  }
0x103: {  	_ =	swait.ge @!p0 [sflag:s0], s1  }
0x104: {  	s1 =	ssub.s32 @!p0 $0x0, s1;
	[sflag:s0] =	ssyncset.done @!p0 $0x0  }
0x105: {  	[sflag:s0] =	ssyncadd.s32 @!p0 s1  }
0x106: {  	[bflag:$0x3] =	sbarrier.arrive $0xFFFF  }
0x107: {  	_ =	shalt  }

// kernel: kernel.17.cloned.1.call-start
scs
__scs_entry_jumppad:
0x0: {  	(pc) =	sbr.rel $0x88, $3  }
0x1: {  	(tag) =	ssettag $0x0;
	lr =	simm.s32 $0x1  }
0x2: {  	[smem:$0x3F93] =	sst lr;
	_ =	strace $0xD0000000  }
0x3: {  	_ = 	snop  }
0x4: {  	_ = 	snop  }
0x5: {  	_ = 	snop  }
0x6: {  	_ = 	snop  }
0x7: {  	_ = 	snop  }
__scs_overlays_trampoline_lowered:
0x8: {  	[smem:$0x3FA2] =	sst s0  }
0x9: {  	[smem:$0x3FA3] =	sst s1  }
0xa: {  	[smem:$0x3FA4] =	sst s2  }
0xb: {  	[smem:$0x3FA5] =	sst s3  }
0xc: {  	[smem:$0x3FA6] =	sst s4  }
0xd: {  	[smem:$0x3FA7] =	sst s5  }
0xe: {  	[smem:$0x3FA8] =	sst s6  }
0xf: {  	[smem:$0x3FA9] =	sst s7  }
0x10: {  	[smem:$0x3FAA] =	sst s8  }
0x11: {  	[smem:$0x3FAB] =	sst s9;
	s0 =	simm.s32 @!p0 $0x0  }
0x12: {  	s1 =	sld [smem:$0x3F91];
	s0 =	simm.s32 @p0 $0x1  }
0x13: {  	[smem:$0x3FAC] =	sst s0;
	s0 =	simm.s32 @!p1 $0x0  }
0x14: {  	s2 =	sld [smem:$0x3F90];
	s0 =	simm.s32 @p1 $0x1  }
0x15: {  	[smem:$0x3FAD] =	sst s0;
	s0 =	simm.s32 @!p2 $0x0  }
0x16: {  	s3 =	sld [smem:$0x3FDB];
	s0 =	simm.s32 @p2 $0x1  }
0x17: {  	s4 =	simm.s32 $0x1BF5;
	[smem:$0x3FAF] =	sst s0  }
0x18: {  	s0 =	sld [smem:$0x3F92];
	_ =	swait.ge [sflag:s4], $0x0  }
0x19: {  	s7 =	sld [smem:$0x3F93]  }
0x1a: {  	s8 =	sadd.s32 $0xFFFFE003, lr  }
0x1b: {  	s9 =	sadd.s32 $0xFFFFFEF7, lr;
	s5 =	simm.s32 $0xFFFFFFFF;
	p2 =	slt.u32 s8, $0xFFFFF086  }
0x1c: {  	p1 =	slt.u32 s9, $0xF7A;
	s5 =	simm.s32 @!p2 $0x0  }
0x1d: {  	s5 =	simm.s32 @p1 $0x1;
	p0 =	seq.s32 s7, s2  }
0x1e: {  	s7 =	smul.u32 @!p0 $0xF7A, s2;
	p2 =	seq.s32 @!p0 s5, $0x0  }
0x1f: {  	s9 =	smul.u32 $0xF7A, s1;
	s8 =	simm.s32 @!p0 $0x1BF5;
	p2 =	por !p2, p0  }
0x20: {  	[sflag:s8] =	ssyncset.s32 @!p0 $0xFFFFF086;
	s6 =	sadd.s32 @!p0 s3, s7;
	s7 =	simm.s32 @!p0 $0x108  }
0x21: {  	s3 =	sadd.s32 s3, s9;
	s6 =	sadd.s32 @!p0 $0x88, s6;
	s7 =	simm.s32 @p2 $0x1082  }
0x22: {  	[simem:s7], [sflag:s8] =	dma.local @!p0 [hbm:s6], $0xF7A  }
0x23: {  	s9 =	sor.u32 $0xD0000000, s2;
	s6 =	simm.s32 $0x108;
	_ =	swait.ge @!p0 [sflag:s8], $0x0  }
0x24: {  	s3 =	sadd.s32 $0x88, s3;
	s6 =	simm.s32 @!p1 $0x1082;
	[sflag:s4] =	ssyncset.s32 $0xFFFFF086  }
0x25: {  	[simem:s6], [sflag:s4] =	dma.local [hbm:s3], $0xF7A  }
0x26: {  	[smem:$0x3F93] =	sst s1;
	(tag) =	ssettag s2;
	_ =	strace s9  }
0x27: {  	s1 =	sld [smem:$0x3FA3]  }
0x28: {  	s2 =	sld [smem:$0x3FA4]  }
0x29: {  	s4 =	sld [smem:$0x3FA6]  }
0x2a: {  	p0 =	seq.s32 s5, $0x0;
	s5 =	sld [smem:$0x3FA7]  }
0x2b: {  	s6 =	sld [smem:$0x3FA8]  }
0x2c: {  	s7 =	sld [smem:$0x3FA9]  }
0x2d: {  	s3 =	simm.s32 $0x108;
	s8 =	sld [smem:$0x3FAA]  }
0x2e: {  	s3 =	simm.s32 @!p0 $0x1082;
	s9 =	sld [smem:$0x3FAB]  }
0x2f: {  	lr =	sadd.s32 s0, s3;
	s0 =	sld [smem:$0x3FA2]  }
0x30: {  	s3 =	sld [smem:$0x3FA5]  }
0x31: {  	[smem:$0x3FAE] =	sst s10  }
0x32: {  	s10 =	sld [smem:$0x3FAC];
	_ =	sdelay $0x3  }
0x33: {  	p0 =	seq.s32 s10, $0x1;
	s10 =	sld [smem:$0x3FAE];
	_ =	sdelay $0x3  }
0x34: {  	[smem:$0x3FAE] =	sst s10  }
0x35: {  	s10 =	sld [smem:$0x3FAD];
	_ =	sdelay $0x3  }
0x36: {  	p1 =	seq.s32 s10, $0x1;
	s10 =	sld [smem:$0x3FAE];
	_ =	sdelay $0x3  }
0x37: {  	[smem:$0x3FAE] =	sst s10  }
0x38: {  	s10 =	sld [smem:$0x3FAF]  }
0x39: {  	_ = 	snop;
	(pc) =	sbr.ind lr, $3  }
0x3a: {  	_ = 	snop  }
0x3b: {  	_ = 	snop  }
0x3c: {  	p2 =	seq.s32 s10, $0x1;
	s10 =	sld [smem:$0x3FAE]  }
0x3d: {  	_ =	shalt  }
0x3e: {  	_ =	shalt  }
0x3f: {  	_ =	shalt  }
0x40: {  	_ =	shalt  }
0x41: {  	_ =	shalt  }
0x42: {  	_ =	shalt  }
0x43: {  	_ =	shalt  }
0x44: {  	_ =	shalt  }
0x45: {  	_ =	shalt  }
0x46: {  	_ =	shalt  }
0x47: {  	_ =	shalt  }
0x48: {  	_ =	shalt  }
0x49: {  	_ =	shalt  }
0x4a: {  	_ =	shalt  }
0x4b: {  	_ =	shalt  }
0x4c: {  	_ =	shalt  }
0x4d: {  	_ =	shalt  }
0x4e: {  	_ =	shalt  }
0x4f: {  	_ =	shalt  }
0x50: {  	_ =	shalt  }
0x51: {  	_ =	shalt  }
0x52: {  	_ =	shalt  }
0x53: {  	_ =	shalt  }
0x54: {  	_ =	shalt  }
0x55: {  	_ =	shalt  }
0x56: {  	_ =	shalt  }
0x57: {  	_ =	shalt  }
0x58: {  	_ =	shalt  }
0x59: {  	_ =	shalt  }
0x5a: {  	_ =	shalt  }
0x5b: {  	_ =	shalt  }
0x5c: {  	_ =	shalt  }
0x5d: {  	_ =	shalt  }
0x5e: {  	_ =	shalt  }
0x5f: {  	_ =	shalt  }
0x60: {  	_ =	shalt  }
0x61: {  	_ =	shalt  }
0x62: {  	_ =	shalt  }
0x63: {  	_ =	shalt  }
0x64: {  	_ =	shalt  }
0x65: {  	_ =	shalt  }
0x66: {  	_ =	shalt  }
0x67: {  	_ =	shalt  }
0x68: {  	_ =	shalt  }
0x69: {  	_ =	shalt  }
0x6a: {  	_ =	shalt  }
0x6b: {  	_ =	shalt  }
0x6c: {  	_ =	shalt  }
0x6d: {  	_ =	shalt  }
0x6e: {  	_ =	shalt  }
0x6f: {  	_ =	shalt  }
0x70: {  	_ =	shalt  }
0x71: {  	_ =	shalt  }
0x72: {  	_ =	shalt  }
0x73: {  	_ =	shalt  }
0x74: {  	_ =	shalt  }
0x75: {  	_ =	shalt  }
0x76: {  	_ =	shalt  }
0x77: {  	_ =	shalt  }
0x78: {  	_ =	shalt  }
0x79: {  	_ =	shalt  }
0x7a: {  	_ =	shalt  }
0x7b: {  	_ =	shalt  }
0x7c: {  	_ =	shalt  }
0x7d: {  	_ =	shalt  }
0x7e: {  	_ =	shalt  }
0x7f: {  	_ =	shalt  }
0x80: {  	_ =	shalt  }
0x81: {  	_ =	shalt  }
0x82: {  	_ =	shalt  }
0x83: {  	_ =	shalt  }
0x84: {  	_ =	shalt  }
0x85: {  	_ =	shalt  }
0x86: {  	_ =	shalt  }
0x87: {  	_ =	shalt  }
.Lfunc_end0:
.L_simem_size_0:
called_computation.2_lowered:
.L_overlay_start_0:
0x88: {  	s2 =	sld [smem:$0x3FD9]  }
0x89: {  	s3 =	sld [smem:$0x3FFE];
	_ =	sdelay $0x1  }
0x8a: {  	s1 =	srdreg.scid  }
0x8b: {  	s0 =	sand.u32 $0x1, s1  }
0x8c: {  	s16 =	sshll.u32 s0, $0xA;
	s2 =	sadd.s32 s3, s2  }
0x8d: {  	s2 =	sadd.s32 s2, s16  }
0x8e: {  	[smem:$0x3FBA] =	sst s2  }
0x8f: {  	_ = 	snop  }
0x90: {  	(tm) =	ssettm $0x1  }
0x91: {  	s17 =	sld [smem:$0x3FFB];
	_ =	sdelay $0x3  }
0x92: {  	_ =	strace s17  }
0x93: {  	s2 =	sld [smem:$0x3FFC];
	_ =	sdelay $0x3  }
0x94: {  	_ =	strace s2  }
0x95: {  	s2 =	sld [smem:$0x3FFD];
	_ =	sdelay $0x3  }
0x96: {  	_ =	strace s2  }
0x97: {  	_ =	strace $0x8FFFFFFF  }
0x98: {  	s18 =	sld [smem:$0x3FDB];
	_ =	sdelay $0x1  }
0x99: {  	s19 =	simm.s32 $_scs_section_size  }
0x9a: {  	s4 =	simm.s32 $_size__tile_overlayer_lowered;
	s5 =	simm.s32 $_tile_overlayer_lowered  }
0x9b: {  	s22 =	simm.s32 $0x1BFF;
	s21 =	sshll.u32 s5, $0x1;
	s2 =	sadd.s32 s19, s18  }
0x9c: {  	s6 =	simm.s32 $0x0;
	s20 =	sshll.u32 s4, $0x1;
	s4 =	sadd.s32 s21, s2  }
0x9d: {  	[timem:s6], [sflag:s22] =	dma.local [hbm:s4], s20  }
0x9e: {  	_ =	swait.ge [sflag:s22], s20  }
0x9f: {  	s3 =	ssub.s32 $0x0, s20;
	[sflag:s22] =	ssyncset.done $0x0  }
0xa0: {  	[sflag:s22] =	ssyncadd.s32 s3;
	_ =	sdelay $0x1  }
0xa1: {  	s23 =	simm.s32 $0x1B8B  }
0xa2: {  	_ =	swait.ge [sflag:s23], $0x1  }
0xa3: {  	[sflag:s23] =	ssyncset.done $0x0  }
0xa4: {  	s25 =	simm.s32 $0x1B8E;
	s24 =	sld [smem:$0x3FFE];
	[sflag:s23] =	ssyncadd.s32 $0xFFFFFFFF  }
0xa5: {  	s26 =	simm.s32 $execute0_lowered;
	[smem:$0x3FD2] =	sst s25  }
0xa6: {  	s4 =	sshll.u32 s26, $0x1;
	_ =	strace $0x8000004C;
	[dreg:$0x1] =	wrdreg $0xFFFFFFFF  }
0xa7: {  	s28 =	simm.s32 $_size_execute0_lowered;
	s2 =	sadd.s32 s2, s4;
	[dreg:$0x0] =	wrdreg $0x0  }
0xa8: {  	s4 =	sshll.u32 s28, $0x1;
	[dreg:$0x2] =	wrdreg s2  }
0xa9: {  	[dreg:$0x3] =	wrdreg s4  }
0xaa: {  	[dreg:$0x4] =	wrdreg $0xC0  }
0xab: {  	_ =	task [dreg:s6], $0x5FFFF  }
0xac: {  	[dreg:$0x1] =	wrdreg $0xFFFFFFFF  }
0xad: {  	[dreg:$0x0] =	wrdreg $0x60  }
0xae: {  	[dreg:$0x2] =	wrdreg s24  }
0xaf: {  	[dreg:$0x3] =	wrdreg $0x8B000  }
0xb0: {  	[dreg:$0x4] =	wrdreg $0x9  }
0xb1: {  	_ =	task.clear_ibuf [dreg:s6], $0x5FFFF;
	_ =	strace $0x9000004C  }
0xb2: {  	s29 =	simm.s32 $0x9;
	_ =	strace $0x8000004E  }
0xb3: {  	_ =	swait.ge [sflag:s29], $0x1  }
0xb4: {  	[sflag:s29] =	ssyncadd.s32 $0xFFFFFFFF  }
0xb5: {  	_ =	strace $0x9000004E  }
0xb6: {  	_ =	sfence  }
0xb7: {  	s30 =	sld [smem:$0x0];
	_ =	sdelay $0x2  }
0xb8: {  	s31 =	sshll.u32 s1, $0xD;
	s1 =	sshrl.u32 s1, $0x2  }
0xb9: {  	s3 =	sand.u32 $0x4000, s31;
	s1 =	sadd.s32 s1, s30  }
0xba: {  	s0 =	sor.u32 s3, s0;
	s1 =	sshll.u32 s1, $0x11  }
0xbb: {  	s0 =	sor.u32 s1, s0  }
0xbc: {  	s0 =	sadd.s32 $0x8F2B, s0  }
0xbd: {  	[sflag:s0] =	ssyncadd.remote.s32 $0x1  }
0xbe: {  	_ =	sfence.sel $0xFFFF  }
0xbf: {  	[dreg:$0x0] =	wrdreg $0xFFFFFFFF;
	(pc) =	sbr.abs _section_cstart, $3  }
0xc0: {  	[dreg:$0x1] =	wrdreg $0xFFFFFFFF  }
0xc1: {  	_ =	task.clear_ibuf [dreg:s6], $0x2FFFF;
	_ =	strace $0x9FFFFFFF  }
0xc2: {  	(tm) =	ssettm $0x7FFFFFFF  }
0xc3: {  	_ =	shalt  }
tec
execute0_lowered:
.L_overlay_start_1:
0x0: {  	(tag) =	ssettag $0x1  }
0x1: {  	s29 =	stileid.u32  }
0x2: {  	s6 =	smul.u32 $0x2710, s29  }
0x3: {  	s0 =	srdreg.scid;
	s4 =	sor.u32 $0x10, s29;
	s11 =	smul.u32 $0x50, s29  }
0x4: {  	s0 =	sand.u32 $0x1, s0;
	s2 =	smul.u32 $0xA000, s4  }
0x5: {  	s5 =	smul.u32 $0x27100, s0  }
0x6: {  	s3 =	rddreg [dreg:$0x0];
	s8 =	smul.u32 $0x2710, s0  }
0x7: {  	s1 =	simm.s32 $0x0;
	s12 =	sor.u32 $0x20, s29;
	s4 =	smul.u32 $0x50, s4  }
0x8: {  	s30 =	simm.s32 $0x200;
	s19 =	sor.u32 $0x30, s29;
	s14 =	smul.u32 $0x50, s12  }
0x9: {  	s31 =	simm.s32 $0x5;
	s21 =	sor.u32 $0x40, s29;
	s25 =	smul.u32 $0x50, s19  }
0xa: {  	[smem:$0x7FF] =	sst s1;
	s22 =	sor.u32 $0x50, s29;
	s26 =	smul.u32 $0x50, s21  }
0xb: {  	s7 =	sadd.s32 $0x4000, s3;
	s23 =	sor.u32 $0x60, s29;
	s16 =	smul.u32 $0x50, s22  }
0xc: {  	s9 =	sadd.s32 $0xDE00, s3;
	s24 =	sor.u32 $0x70, s29;
	s18 =	smul.u32 $0x50, s23  }
0xd: {  	s10 =	sadd.s32 $0x8DC00, s3;
	s0 =	ssub.s32 $0x2, s0;
	s20 =	smul.u32 $0x50, s24  }
0xe: {  	p0 =	sgt.u32 s29, $0xC;
	s12 =	smul.u32 $0xA000, s12;
	s13 =	sshrl.u32 s0, $0x1  }
0xf: {  	s0 =	ssub.s32 s0, s13;
	s5 =	sadd.s32 s6, s5;
	s11 =	sadd.s32 s11, s8  }
0x10: {  	s4 =	sadd.s32 s8, s4;
	s14 =	sadd.s32 s8, s14;
	s13 =	sadd.s32 s8, s25  }
0x11: {  	s6 =	sadd.s32 s8, s26;
	s16 =	sadd.s32 s8, s16;
	s18 =	sadd.s32 s8, s18  }
0x12: {  	s8 =	sadd.s32 s8, s20;
	s2 =	sshrl.u32 s2, $0x2;
	s15 =	sshrl.u32 s5, $0x3  }
0x13: {  	s11 =	sshll.u32 s11, $0x4;
	s4 =	sshll.u32 s4, $0x4;
	s26 =	sshll.u32 s14, $0x4  }
0x14: {  	s20 =	sshll.u32 s6, $0x4;
	s6 =	sshll.u32 s18, $0x4;
	s8 =	sshll.u32 s8, $0x4  }
0x15: {  	s5 =	sadd.s32 $0x80, s5;
	s18 =	sadd.s32 $0x18200, s3;
	s11 =	sadd.s32 s10, s11  }
0x16: {  	s3 =	sadd.s32 $0x17C00, s3;
	s4 =	sadd.s32 s10, s4;
	[dreg:$0x5] =	wrdreg s11  }
0x17: {  	s17 =	sadd.s32 $0x4E0, s15;
	s14 =	sadd.s32 s10, s26;
	[dreg:$0x6] =	wrdreg s4  }
0x18: {  	s0 =	smax.u32 s0, $0x1;
	s25 =	sadd.s32 s7, s17;
	[dreg:$0x7] =	wrdreg s14  }
0x19: {  	s17 =	sadd.s32 s9, s17;
	s14 =	sadd.s32 s15, s7;
	[dreg:$0x3] =	wrdreg s25  }
0x1a: {  	s11 =	smul.u32 $0xA000, s29;
	[dreg:$0x4] =	wrdreg s17;
	s17 =	sshll.u32 s13, $0x4  }
0x1b: {  	s25 =	sshll.u32 s16, $0x4;
	s16 =	rddreg [dreg:$0x1];
	s4 =	sadd.s32 s10, s17  }
0x1c: {  	s13 =	sadd.s32 s15, s9;
	s26 =	sadd.s32 s10, s25;
	[dreg:$0x8] =	wrdreg s4  }
0x1d: {  	s25 =	smul.u32 $0xA000, s19;
	s4 =	sadd.s32 s10, s20;
	[dreg:$0xa] =	wrdreg s26  }
0x1e: {  	s20 =	sshrl.u32 s11, $0x2;
	s26 =	smul.u32 $0xA000, s21;
	s21 =	sadd.s32 s2, s16  }
0x1f: {  	s11 =	smul.u32 $0xA000, s24;
	s2 =	simm.s32 $0x180;
	[dreg:$0x9] =	wrdreg s4  }
0x20: {  	s4 =	sadd.s32 s10, s6;
	s20 =	sadd.s32 s20, s16;
	s6 =	sshrl.u32 s12, $0x2  }
0x21: {  	[dreg:$0xb] =	wrdreg s4;
	s4 =	sadd.s32 s10, s8;
	s10 =	sshrl.u32 s5, $0x3  }
0x22: {  	s8 =	sshrl.u32 s25, $0x2;
	s19 =	sshrl.u32 s11, $0x2;
	s5 =	simm.s32 $0x1  }
0x23: {  	[dreg:$0xc] =	wrdreg s4;
	s17 =	sadd.s32 s10, s7;
	s7 =	smul.u32 $0xA000, s22  }
0x24: {  	s15 =	sadd.s32 s10, s9;
	s22 =	sadd.s32 s6, s16;
	s9 =	smul.u32 $0xA000, s23  }
0x25: {  	s23 =	sadd.s32 s8, s16;
	s10 =	sshrl.u32 s26, $0x2;
	s28 =	sadd.s32 s19, s16  }
0x26: {  	s6 =	simm.s32 $0x2;
	_ =	strace $0x8000004D;
	[dreg:$0xd] =	wrdreg s3  }
0x27: {  	s19 =	simm.s32 $0x0;
	s24 =	sadd.s32 s10, s16;
	[dreg:$0xe] =	wrdreg s0  }
0x28: {  	s0 =	simm.s32 $0x80;
	s3 =	simm.s32 $0x4;
	s12 =	sshrl.u32 s7, $0x2  }
0x29: {  	s4 =	sshrl.u32 s9, $0x2;
	s7 =	simm.s32 $0x3;
	s25 =	sadd.s32 s12, s16  }
0x2a: {  	s26 =	sadd.s32 s4, s16;
	s12 =	simm.s32 $0x100;
	s4 =	simm.s32 $0x4200  }
.LBB2_1:
0x2b: {  	s8 =	rddreg [dreg:$0xd]  }
0x2c: {  	[tilespmem:s30], [sflag:$0x5] =	stream.linear.gather [hbm4b:s8+s1], $0x2800, $0x38;
	[tilespmem:$0x1C380] =	vst v63  }
0x2d: {  	_ =	swait.ge [sflag:s31], $0x2800  }
0x2e: {  	[sflag:s31] =	ssyncset.done $0x0  }
0x2f: {  	[sflag:s31] =	ssyncadd.s32 $0xFFFFD800  }
0x30: {  	[spmem:s20] =	stream.linear.scatter [tilespmem:s30], [sflag:$0x5], $0x2800, $0x38;
	[tilespmem:$0x1C380] =	vst v63  }
0x31: {  	_ =	swait.ge [sflag:s31], $0x2800  }
0x32: {  	[sflag:s31] =	ssyncset.done $0x0  }
0x33: {  	[sflag:s31] =	ssyncadd.s32 $0xFFFFD800  }
0x34: {  	[spmem:s21] =	stream.linear.scatter [tilespmem:s30], [sflag:$0x5], $0x2800, $0x38;
	[tilespmem:$0x1C380] =	vst v63  }
0x35: {  	_ =	swait.ge [sflag:s31], $0x2800  }
0x36: {  	[sflag:s31] =	ssyncset.done $0x0  }
0x37: {  	[sflag:s31] =	ssyncadd.s32 $0xFFFFD800  }
0x38: {  	[spmem:s22] =	stream.linear.scatter [tilespmem:s30], [sflag:$0x5], $0x2800, $0x38;
	[tilespmem:$0x1C380] =	vst v63  }
0x39: {  	_ =	swait.ge [sflag:s31], $0x2800  }
0x3a: {  	[sflag:s31] =	ssyncset.done $0x0  }
0x3b: {  	[sflag:s31] =	ssyncadd.s32 $0xFFFFD800  }
0x3c: {  	[spmem:s23] =	stream.linear.scatter [tilespmem:s30], [sflag:$0x5], $0x2800, $0x38;
	[tilespmem:$0x1C380] =	vst v63  }
0x3d: {  	_ =	swait.ge [sflag:s31], $0x2800  }
0x3e: {  	[sflag:s31] =	ssyncset.done $0x0  }
0x3f: {  	[sflag:s31] =	ssyncadd.s32 $0xFFFFD800  }
0x40: {  	[spmem:s24] =	stream.linear.scatter [tilespmem:s30], [sflag:$0x5], $0x2800, $0x38;
	[tilespmem:$0x1C380] =	vst v63  }
0x41: {  	_ =	swait.ge [sflag:s31], $0x2800  }
0x42: {  	[sflag:s31] =	ssyncset.done $0x0  }
0x43: {  	[sflag:s31] =	ssyncadd.s32 $0xFFFFD800  }
0x44: {  	[spmem:s25] =	stream.linear.scatter [tilespmem:s30], [sflag:$0x5], $0x2800, $0x38;
	[tilespmem:$0x1C380] =	vst v63  }
0x45: {  	_ =	swait.ge [sflag:s31], $0x2800  }
0x46: {  	[sflag:s31] =	ssyncset.done $0x0  }
0x47: {  	[sflag:s31] =	ssyncadd.s32 $0xFFFFD800  }
0x48: {  	[spmem:s26] =	stream.linear.scatter [tilespmem:s30], [sflag:$0x5], $0x2800, $0x38;
	[tilespmem:$0x1C380] =	vst v63  }
0x49: {  	_ =	swait.ge [sflag:s31], $0x2800  }
0x4a: {  	[sflag:s31] =	ssyncset.done $0x0  }
0x4b: {  	s8 =	simm.s32 @!p0 $0x200;
	[sflag:s31] =	ssyncadd.s32 $0xFFFFD800  }
0x4c: {  	[spmem:s28] =	stream.linear.scatter @!p0 [tilespmem:s8], [sflag:$0x5], $0x2800, $0x38;
	[tilespmem:$0x1C380] =	vst v63  }
0x4d: {  	s8 =	simm.s32 @!p0 $0x5  }
0x4e: {  	_ =	swait.ge @!p0 [sflag:s8], $0x2800  }
0x4f: {  	[sflag:s8] =	ssyncset.done @!p0 $0x0  }
0x50: {  	[sflag:s8] =	ssyncadd.s32 @!p0 $0xFFFFD800  }
0x51: {  	s11 =	sadd.s32 $0x0, s14;
	[bflag:$0x0] =	sbarrier.arrive $0xFFFF  }
0x52: {  	[tilespmem:s1], [sflag:$0x4] =	stream.linear.gather [hbm4b:s11+s1], $0x80, $0x38;
	[tilespmem:$0x1C380] =	vst v63  }
0x53: {  	s9 =	sadd.s32 $0x0, s13  }
0x54: {  	[tilespmem:s12], [sflag:$0x4] =	stream.linear.gather [hbm4b:s9+s1], $0x80, $0x38;
	[tilespmem:$0x1C380] =	vst v63  }
0x55: {  	s10 =	sadd.s32 $0x0, s17  }
0x56: {  	[tilespmem:s0], [sflag:$0x4] =	stream.linear.gather [hbm4b:s10+s1], $0x80, $0x38;
	[tilespmem:$0x1C380] =	vst v63  }
0x57: {  	s11 =	sadd.s32 $0x0, s15  }
0x58: {  	[tilespmem:s2], [sflag:$0x4] =	stream.linear.gather [hbm4b:s11+s1], $0x80, $0x38;
	[tilespmem:$0x1C380] =	vst v63  }
0x59: {  	_ =	swait.ge [sflag:s3], $0x80  }
0x5a: {  	[sflag:s3] =	ssyncset.done $0x0  }
0x5b: {  	[sflag:s3] =	ssyncadd.s32 $0xFFFFFF80  }
0x5c: {  	_ =	swait.ge [sflag:s3], $0x80  }
0x5d: {  	[sflag:s3] =	ssyncset.done $0x0  }
0x5e: {  	[sflag:s3] =	ssyncadd.s32 $0xFFFFFF80  }
0x5f: {  	_ =	swait.ge [sflag:s3], $0x80  }
0x60: {  	[sflag:s3] =	ssyncset.done $0x0  }
0x61: {  	[sflag:s3] =	ssyncadd.s32 $0xFFFFFF80  }
0x62: {  	_ =	swait.ge [sflag:s3], $0x80  }
0x63: {  	[sflag:s3] =	ssyncset.done $0x0  }
0x64: {  	[sflag:s3] =	ssyncadd.s32 $0xFFFFFF80  }
0x65: {  	[tilespmem:s30], [sflag:$0x1] =	stream.indirect.gather [hbm4b:s18+s0], $0x80, s1, s0, $0xb8;
	[tilespmem:$0x1C380] =	vst v63  }
0x66: {  	_ = 	snop  }
0x67: {  	[tilespmem:s4], [sflag:$0x2] =	stream.indirect.gather [hbm4b:s18+s0], $0x80, s0, s0, $0xb8;
	[tilespmem:$0x1C380] =	vst v63  }
0x68: {  	_ =	swait.ge [sflag:s5], $0x4000  }
0x69: {  	[sflag:s5] =	ssyncset.done $0x0  }
0x6a: {  	[sflag:s5] =	ssyncadd.s32 $0xFFFFC000  }
0x6b: {  	[spmem:s16] =	stream.indirect.scatter.add.f32 [tilespmem:s30], [sflag:$0x3], $0x80, s12, s0, $0xb8;
	[tilespmem:$0x1C380] =	vst v63  }
0x6c: {  	_ =	swait.ge [sflag:s6], $0x4000  }
0x6d: {  	[sflag:s6] =	ssyncset.done $0x0  }
0x6e: {  	[sflag:s6] =	ssyncadd.s32 $0xFFFFC000  }
0x6f: {  	[spmem:s16] =	stream.indirect.scatter.add.f32 [tilespmem:s4], [sflag:$0x3], $0x80, s2, s0, $0xb8;
	[tilespmem:$0x1C380] =	vst v63  }
0x70: {  	_ =	swait.ge [sflag:s7], $0x4000  }
0x71: {  	[sflag:s7] =	ssyncset.done $0x0  }
0x72: {  	[sflag:s7] =	ssyncadd.s32 $0xFFFFC000  }
0x73: {  	_ =	swait.ge [sflag:s7], $0x4000  }
0x74: {  	s29 =	simm.s32 $0x20;
	s8 =	simm.s32 $0x40;
	[sflag:s7] =	ssyncset.done $0x0  }
.LBB2_2:
0x75: {  	s10 =	sadd.s32 s29, s14  }
0x76: {  	[sflag:s7] =	ssyncadd.s32 $0xFFFFC000;
	s11 =	smov.u32 s8;
	s9 =	sadd.s32 $0x20, s8  }
0x77: {  	[tilespmem:s1], [sflag:$0x4] =	stream.linear.gather [hbm4b:s10+s1], $0x80, $0x38;
	[tilespmem:$0x1C380] =	vst v63  }
0x78: {  	p1 =	sne.s32 s8, $0x4C0;
	s8 =	sadd.s32 s29, s13  }
0x79: {  	[tilespmem:s12], [sflag:$0x4] =	stream.linear.gather [hbm4b:s8+s1], $0x80, $0x38;
	[tilespmem:$0x1C380] =	vst v63  }
0x7a: {  	s8 =	sadd.s32 s29, s17  }
0x7b: {  	[tilespmem:s0], [sflag:$0x4] =	stream.linear.gather [hbm4b:s8+s1], $0x80, $0x38;
	[tilespmem:$0x1C380] =	vst v63  }
0x7c: {  	s8 =	sadd.s32 s29, s15;
	s29 =	smov.u32 s11  }
0x7d: {  	[tilespmem:s2], [sflag:$0x4] =	stream.linear.gather [hbm4b:s8+s1], $0x80, $0x38;
	[tilespmem:$0x1C380] =	vst v63  }
0x7e: {  	_ =	swait.ge [sflag:s3], $0x80  }
0x7f: {  	[sflag:s3] =	ssyncset.done $0x0  }
0x80: {  	[sflag:s3] =	ssyncadd.s32 $0xFFFFFF80  }
0x81: {  	_ =	swait.ge [sflag:s3], $0x80  }
0x82: {  	[sflag:s3] =	ssyncset.done $0x0  }
0x83: {  	[sflag:s3] =	ssyncadd.s32 $0xFFFFFF80  }
0x84: {  	_ =	swait.ge [sflag:s3], $0x80  }
0x85: {  	[sflag:s3] =	ssyncset.done $0x0  }
0x86: {  	[sflag:s3] =	ssyncadd.s32 $0xFFFFFF80  }
0x87: {  	_ =	swait.ge [sflag:s3], $0x80  }
0x88: {  	[sflag:s3] =	ssyncset.done $0x0  }
0x89: {  	[sflag:s3] =	ssyncadd.s32 $0xFFFFFF80  }
0x8a: {  	[tilespmem:s30], [sflag:$0x1] =	stream.indirect.gather [hbm4b:s18+s0], $0x80, s1, s0, $0xb8;
	[tilespmem:$0x1C380] =	vst v63  }
0x8b: {  	_ = 	snop  }
0x8c: {  	[tilespmem:s4], [sflag:$0x2] =	stream.indirect.gather [hbm4b:s18+s0], $0x80, s0, s0, $0xb8;
	[tilespmem:$0x1C380] =	vst v63  }
0x8d: {  	_ =	swait.ge [sflag:s5], $0x4000  }
0x8e: {  	[sflag:s5] =	ssyncset.done $0x0  }
0x8f: {  	[sflag:s5] =	ssyncadd.s32 $0xFFFFC000  }
0x90: {  	[spmem:s16] =	stream.indirect.scatter.add.f32 [tilespmem:s30], [sflag:$0x3], $0x80, s12, s0, $0xb8;
	[tilespmem:$0x1C380] =	vst v63  }
0x91: {  	_ =	swait.ge [sflag:s6], $0x4000  }
0x92: {  	[sflag:s6] =	ssyncset.done $0x0  }
0x93: {  	[sflag:s6] =	ssyncadd.s32 $0xFFFFC000  }
0x94: {  	[spmem:s16] =	stream.indirect.scatter.add.f32 [tilespmem:s4], [sflag:$0x3], $0x80, s2, s0, $0xb8;
	[tilespmem:$0x1C380] =	vst v63  }
.Ltmp0:
0x95: {  	_ =	swait.ge [sflag:s7], $0x4000;
	(pc) =	sbr.rel @p1 .LBB2_2-.Ltmp0, $4  }
0x96: {  	[sflag:s7] =	ssyncset.done $0x0  }
0x97: {  	[sflag:s7] =	ssyncadd.s32 $0xFFFFC000  }
0x98: {  	_ =	swait.ge [sflag:s7], $0x4000  }
0x99: {  	s8 =	smov.u32 s9;
	[sflag:s7] =	ssyncset.done $0x0  }
0x9a: {  	s8 =	sadd.s32 s29, s14;
	[sflag:s7] =	ssyncadd.s32 $0xFFFFC000  }
0x9b: {  	[tilespmem:s1], [sflag:$0x4] =	stream.linear.gather [hbm4b:s8+s1], $0x80, $0x38;
	[tilespmem:$0x1C380] =	vst v63  }
0x9c: {  	s10 =	sadd.s32 s29, s13  }
0x9d: {  	[tilespmem:s12], [sflag:$0x4] =	stream.linear.gather [hbm4b:s10+s1], $0x80, $0x38;
	[tilespmem:$0x1C380] =	vst v63  }
0x9e: {  	s11 =	sadd.s32 s29, s17  }
0x9f: {  	[tilespmem:s0], [sflag:$0x4] =	stream.linear.gather [hbm4b:s11+s1], $0x80, $0x38;
	[tilespmem:$0x1C380] =	vst v63  }
0xa0: {  	s9 =	sadd.s32 s29, s15  }
0xa1: {  	[tilespmem:s2], [sflag:$0x4] =	stream.linear.gather [hbm4b:s9+s1], $0x80, $0x38;
	[tilespmem:$0x1C380] =	vst v63  }
0xa2: {  	_ =	swait.ge [sflag:s3], $0x80  }
0xa3: {  	[sflag:s3] =	ssyncset.done $0x0  }
0xa4: {  	[sflag:s3] =	ssyncadd.s32 $0xFFFFFF80  }
0xa5: {  	_ =	swait.ge [sflag:s3], $0x80  }
0xa6: {  	[sflag:s3] =	ssyncset.done $0x0  }
0xa7: {  	[sflag:s3] =	ssyncadd.s32 $0xFFFFFF80  }
0xa8: {  	_ =	swait.ge [sflag:s3], $0x80  }
0xa9: {  	[sflag:s3] =	ssyncset.done $0x0  }
0xaa: {  	[sflag:s3] =	ssyncadd.s32 $0xFFFFFF80  }
0xab: {  	_ =	swait.ge [sflag:s3], $0x80  }
0xac: {  	[sflag:s3] =	ssyncset.done $0x0  }
0xad: {  	[sflag:s3] =	ssyncadd.s32 $0xFFFFFF80  }
0xae: {  	[tilespmem:s30], [sflag:$0x1] =	stream.indirect.gather [hbm4b:s18+s0], $0x80, s1, s0, $0xb8;
	[tilespmem:$0x1C380] =	vst v63  }
0xaf: {  	_ = 	snop  }
0xb0: {  	[tilespmem:s4], [sflag:$0x2] =	stream.indirect.gather [hbm4b:s18+s0], $0x80, s0, s0, $0xb8;
	[tilespmem:$0x1C380] =	vst v63  }
0xb1: {  	_ =	swait.ge [sflag:s5], $0x4000  }
0xb2: {  	[sflag:s5] =	ssyncset.done $0x0  }
0xb3: {  	[sflag:s5] =	ssyncadd.s32 $0xFFFFC000  }
0xb4: {  	[spmem:s16] =	stream.indirect.scatter.add.f32 [tilespmem:s30], [sflag:$0x3], $0x80, s12, s0, $0xb8;
	[tilespmem:$0x1C380] =	vst v63  }
0xb5: {  	_ =	swait.ge [sflag:s6], $0x4000  }
0xb6: {  	[sflag:s6] =	ssyncset.done $0x0  }
0xb7: {  	[sflag:s6] =	ssyncadd.s32 $0xFFFFC000  }
0xb8: {  	[spmem:s16] =	stream.indirect.scatter.add.f32 [tilespmem:s4], [sflag:$0x3], $0x80, s2, s0, $0xb8;
	[tilespmem:$0x1C380] =	vst v63  }
0xb9: {  	_ =	swait.ge [sflag:s7], $0x4000  }
0xba: {  	[sflag:s7] =	ssyncset.done $0x0  }
0xbb: {  	[sflag:s7] =	ssyncadd.s32 $0xFFFFC000  }
0xbc: {  	_ =	swait.ge [sflag:s7], $0x4000  }
0xbd: {  	[sflag:s7] =	ssyncset.done $0x0  }
0xbe: {  	s9 =	simm.s32 $0x8200;
	s10 =	rddreg [dreg:$0x3];
	[sflag:s7] =	ssyncadd.s32 $0xFFFFC000  }
0xbf: {  	[tilespmem:s9], [sflag:$0x5] =	stream.linear.gather [hbm4b:s10+s1], $0x10, $0x38;
	[tilespmem:$0x1C380] =	vst v63  }
0xc0: {  	_ =	swait.ge [sflag:s31], $0x10  }
0xc1: {  	[sflag:s31] =	ssyncset.done $0x0  }
0xc2: {  	s10 =	simm.s32 $0x8280;
	s11 =	rddreg [dreg:$0x4];
	[sflag:s31] =	ssyncadd.s32 $0xFFFFFFF0  }
0xc3: {  	[tilespmem:s10], [sflag:$0x5] =	stream.linear.gather [hbm4b:s11+s1], $0x10, $0x38;
	[tilespmem:$0x1C380] =	vst v63  }
0xc4: {  	_ =	swait.ge [sflag:s31], $0x10  }
0xc5: {  	[sflag:s31] =	ssyncset.done $0x0  }
0xc6: {  	s29 =	simm.s32 $0x10;
	s11 =	simm.s32 $0x8300;
	[sflag:s31] =	ssyncadd.s32 $0xFFFFFFF0  }
0xc7: {  	[tilespmem:s11], [sflag:$0x1] =	stream.indirect.gather [hbm4b:s18+s29], $0x80, s9, s29, $0xb8;
	[tilespmem:$0x1C380] =	vst v63  }
0xc8: {  	_ =	swait.ge [sflag:s5], $0x800  }
0xc9: {  	[sflag:s5] =	ssyncset.done $0x0  }
0xca: {  	[sflag:s5] =	ssyncadd.s32 $0xFFFFF800  }
0xcb: {  	[spmem:s16] =	stream.indirect.scatter.add.f32 [tilespmem:s11], [sflag:$0x5], $0x80, s10, s29, $0xb8;
	[tilespmem:$0x1C380] =	vst v63  }
0xcc: {  	_ =	swait.ge [sflag:s31], $0x800  }
0xcd: {  	[sflag:s31] =	ssyncset.done $0x0  }
0xce: {  	s10 =	stileid.u32;
	[sflag:s31] =	ssyncadd.s32 $0xFFFFF800  }
0xcf: {  	s8 =	sshll.u32 s10, $0x6;
	[bflag:$0x0] =	sbarrier.arrive $0xFFFF  }
0xd0: {  	s11 =	sshrl.u32 s20, $0x3;
	s8 =	sor.u32 $0x1C05, s8;
	s29 =	rddreg [dreg:$0x5]  }
0xd1: {  	[hbm:s29], [sflag:s8] =	dma.local [spmem:s11], $0x500  }
0xd2: {  	_ =	swait.ge [sflag:s31], $0x500  }
0xd3: {  	[sflag:s31] =	ssyncset.done $0x0  }
0xd4: {  	s11 =	sshrl.u32 s21, $0x3;
	s29 =	rddreg [dreg:$0x6];
	[sflag:s31] =	ssyncadd.s32 $0xFFFFFB00  }
0xd5: {  	[hbm:s29], [sflag:s8] =	dma.local [spmem:s11], $0x500  }
0xd6: {  	_ =	swait.ge [sflag:s31], $0x500  }
0xd7: {  	[sflag:s31] =	ssyncset.done $0x0  }
0xd8: {  	s11 =	sshrl.u32 s22, $0x3;
	s29 =	rddreg [dreg:$0x7];
	[sflag:s31] =	ssyncadd.s32 $0xFFFFFB00  }
0xd9: {  	[hbm:s29], [sflag:s8] =	dma.local [spmem:s11], $0x500  }
0xda: {  	_ =	swait.ge [sflag:s31], $0x500  }
0xdb: {  	[sflag:s31] =	ssyncset.done $0x0  }
0xdc: {  	s11 =	sshrl.u32 s23, $0x3;
	s29 =	rddreg [dreg:$0x8];
	[sflag:s31] =	ssyncadd.s32 $0xFFFFFB00  }
0xdd: {  	[hbm:s29], [sflag:s8] =	dma.local [spmem:s11], $0x500  }
0xde: {  	_ =	swait.ge [sflag:s31], $0x500  }
0xdf: {  	[sflag:s31] =	ssyncset.done $0x0  }
0xe0: {  	s11 =	sshrl.u32 s24, $0x3;
	s29 =	rddreg [dreg:$0x9];
	[sflag:s31] =	ssyncadd.s32 $0xFFFFFB00  }
0xe1: {  	[hbm:s29], [sflag:s8] =	dma.local [spmem:s11], $0x500  }
0xe2: {  	_ =	swait.ge [sflag:s31], $0x500  }
0xe3: {  	[sflag:s31] =	ssyncset.done $0x0  }
0xe4: {  	s11 =	sshrl.u32 s25, $0x3;
	s29 =	rddreg [dreg:$0xa];
	[sflag:s31] =	ssyncadd.s32 $0xFFFFFB00  }
0xe5: {  	[hbm:s29], [sflag:s8] =	dma.local [spmem:s11], $0x500  }
0xe6: {  	_ =	swait.ge [sflag:s31], $0x500  }
0xe7: {  	[sflag:s31] =	ssyncset.done $0x0  }
0xe8: {  	s10 =	sshrl.u32 s26, $0x3;
	s11 =	rddreg [dreg:$0xb];
	[sflag:s31] =	ssyncadd.s32 $0xFFFFFB00  }
0xe9: {  	[hbm:s11], [sflag:s8] =	dma.local [spmem:s10], $0x500  }
0xea: {  	_ =	swait.ge [sflag:s31], $0x500  }
0xeb: {  	[sflag:s31] =	ssyncset.done $0x0  }
0xec: {  	s9 =	sshrl.u32 @!p0 s28, $0x3;
	s10 =	rddreg [dreg:$0xc];
	[sflag:s31] =	ssyncadd.s32 $0xFFFFFB00  }
0xed: {  	[hbm:s10], [sflag:s8] =	dma.local @!p0 [spmem:s9], $0x500  }
0xee: {  	s8 =	simm.s32 @!p0 $0x5  }
0xef: {  	_ =	swait.ge @!p0 [sflag:s8], $0x500  }
0xf0: {  	s19 =	sadd.s32 $0x1, s19;
	s29 =	rddreg [dreg:$0xe]  }
0xf1: {  	p1 =	sne.s32 s19, s29  }
.Ltmp1:
0xf2: {  	_ = 	snop;
	(pc) =	sbr.rel @p1 .LBB2_1-.Ltmp1, $3  }
0xf3: {  	_ =	sdelay $0x1  }
0xf4: {  	[sflag:s8] =	ssyncset.done @!p0 $0x0  }
0xf5: {  	[sflag:s8] =	ssyncadd.s32 @!p0 $0xFFFFFB00  }
0xf6: {  	_ =	sfence.sel $0x180000  }
0xf7: {  	[bflag:$0x0] =	sbarrier.arrive $0xFFFF  }
0xf8: {  	_ =	strace $0x9000004D  }
0xf9: {  	s0 =	stileid.u32;
	[bflag:$0x2] =	sbarrier.arrive $0xFFFF  }
0xfa: {  	p0 =	sne.s32 s0, $0x0;
	s0 =	rddreg [dreg:$0x2]  }
0xfb: {  	s0 =	sadd.s32 @!p0 $0x100000, s0  }
0xfc: {  	[sflag:s0] =	ssyncadd.tile.s32 @!p0 $0x1;
	_ =	shalt  }
.Lfunc_end2:
_tile_overlayer_lowered:
.L_overlay_start_2:
0xfd: {  	(tag) =	ssettag $0x2  }
0xfe: {  	s0 =	rddreg [dreg:$0x0];
	s2 =	stileid.u32  }
0xff: {  	s1 =	rddreg [dreg:$0x1];
	p0 =	sne.s32 s2, $0x0  }
0x100: {  	s3 =	rddreg [dreg:$0x2];
	[bflag:$0x3] =	sbarrier.arrive $0xFFFF;
	s2 =	simm.s32 @!p0 $0x1C05  }
0x101: {  	[timem:s3], [sflag:s2] =	dma.local @!p0 [hbm:s0], s1  }
0x102: {  	s0 =	simm.s32 @!p0 $0x5  }
0x103: {  	_ =	swait.ge @!p0 [sflag:s0], s1  }
0x104: {  	s1 =	ssub.s32 @!p0 $0x0, s1;
	[sflag:s0] =	ssyncset.done @!p0 $0x0  }
0x105: {  	[sflag:s0] =	ssyncadd.s32 @!p0 s1  }
0x106: {  	[bflag:$0x3] =	sbarrier.arrive $0xFFFF  }
0x107: {  	_ =	shalt  }

// kernel: kernel.20.cloned.1.call-start
scs
__scs_entry_jumppad:
0x0: {  	(pc) =	sbr.rel $0x88, $3  }
0x1: {  	(tag) =	ssettag $0x0;
	lr =	simm.s32 $0x1  }
0x2: {  	[smem:$0x3F93] =	sst lr;
	_ =	strace $0xD0000000  }
0x3: {  	_ = 	snop  }
0x4: {  	_ = 	snop  }
0x5: {  	_ = 	snop  }
0x6: {  	_ = 	snop  }
0x7: {  	_ = 	snop  }
__scs_overlays_trampoline_lowered:
0x8: {  	[smem:$0x3FA2] =	sst s0  }
0x9: {  	[smem:$0x3FA3] =	sst s1  }
0xa: {  	[smem:$0x3FA4] =	sst s2  }
0xb: {  	[smem:$0x3FA5] =	sst s3  }
0xc: {  	[smem:$0x3FA6] =	sst s4  }
0xd: {  	[smem:$0x3FA7] =	sst s5  }
0xe: {  	[smem:$0x3FA8] =	sst s6  }
0xf: {  	[smem:$0x3FA9] =	sst s7  }
0x10: {  	[smem:$0x3FAA] =	sst s8  }
0x11: {  	[smem:$0x3FAB] =	sst s9;
	s0 =	simm.s32 @!p0 $0x0  }
0x12: {  	s1 =	sld [smem:$0x3F91];
	s0 =	simm.s32 @p0 $0x1  }
0x13: {  	[smem:$0x3FAC] =	sst s0;
	s0 =	simm.s32 @!p1 $0x0  }
0x14: {  	s2 =	sld [smem:$0x3F90];
	s0 =	simm.s32 @p1 $0x1  }
0x15: {  	[smem:$0x3FAD] =	sst s0;
	s0 =	simm.s32 @!p2 $0x0  }
0x16: {  	s3 =	sld [smem:$0x3FDB];
	s0 =	simm.s32 @p2 $0x1  }
0x17: {  	s4 =	simm.s32 $0x1BF5;
	[smem:$0x3FAF] =	sst s0  }
0x18: {  	s0 =	sld [smem:$0x3F92];
	_ =	swait.ge [sflag:s4], $0x0  }
0x19: {  	s7 =	sld [smem:$0x3F93]  }
0x1a: {  	s8 =	sadd.s32 $0xFFFFE003, lr  }
0x1b: {  	s9 =	sadd.s32 $0xFFFFFEF7, lr;
	s5 =	simm.s32 $0xFFFFFFFF;
	p2 =	slt.u32 s8, $0xFFFFF086  }
0x1c: {  	p1 =	slt.u32 s9, $0xF7A;
	s5 =	simm.s32 @!p2 $0x0  }
0x1d: {  	s5 =	simm.s32 @p1 $0x1;
	p0 =	seq.s32 s7, s2  }
0x1e: {  	s7 =	smul.u32 @!p0 $0xF7A, s2;
	p2 =	seq.s32 @!p0 s5, $0x0  }
0x1f: {  	s9 =	smul.u32 $0xF7A, s1;
	s8 =	simm.s32 @!p0 $0x1BF5;
	p2 =	por !p2, p0  }
0x20: {  	[sflag:s8] =	ssyncset.s32 @!p0 $0xFFFFF086;
	s6 =	sadd.s32 @!p0 s3, s7;
	s7 =	simm.s32 @!p0 $0x108  }
0x21: {  	s3 =	sadd.s32 s3, s9;
	s6 =	sadd.s32 @!p0 $0x88, s6;
	s7 =	simm.s32 @p2 $0x1082  }
0x22: {  	[simem:s7], [sflag:s8] =	dma.local @!p0 [hbm:s6], $0xF7A  }
0x23: {  	s9 =	sor.u32 $0xD0000000, s2;
	s6 =	simm.s32 $0x108;
	_ =	swait.ge @!p0 [sflag:s8], $0x0  }
0x24: {  	s3 =	sadd.s32 $0x88, s3;
	s6 =	simm.s32 @!p1 $0x1082;
	[sflag:s4] =	ssyncset.s32 $0xFFFFF086  }
0x25: {  	[simem:s6], [sflag:s4] =	dma.local [hbm:s3], $0xF7A  }
0x26: {  	[smem:$0x3F93] =	sst s1;
	(tag) =	ssettag s2;
	_ =	strace s9  }
0x27: {  	s1 =	sld [smem:$0x3FA3]  }
0x28: {  	s2 =	sld [smem:$0x3FA4]  }
0x29: {  	s4 =	sld [smem:$0x3FA6]  }
0x2a: {  	p0 =	seq.s32 s5, $0x0;
	s5 =	sld [smem:$0x3FA7]  }
0x2b: {  	s6 =	sld [smem:$0x3FA8]  }
0x2c: {  	s7 =	sld [smem:$0x3FA9]  }
0x2d: {  	s3 =	simm.s32 $0x108;
	s8 =	sld [smem:$0x3FAA]  }
0x2e: {  	s3 =	simm.s32 @!p0 $0x1082;
	s9 =	sld [smem:$0x3FAB]  }
0x2f: {  	lr =	sadd.s32 s0, s3;
	s0 =	sld [smem:$0x3FA2]  }
0x30: {  	s3 =	sld [smem:$0x3FA5]  }
0x31: {  	[smem:$0x3FAE] =	sst s10  }
0x32: {  	s10 =	sld [smem:$0x3FAC];
	_ =	sdelay $0x3  }
0x33: {  	p0 =	seq.s32 s10, $0x1;
	s10 =	sld [smem:$0x3FAE];
	_ =	sdelay $0x3  }
0x34: {  	[smem:$0x3FAE] =	sst s10  }
0x35: {  	s10 =	sld [smem:$0x3FAD];
	_ =	sdelay $0x3  }
0x36: {  	p1 =	seq.s32 s10, $0x1;
	s10 =	sld [smem:$0x3FAE];
	_ =	sdelay $0x3  }
0x37: {  	[smem:$0x3FAE] =	sst s10  }
0x38: {  	s10 =	sld [smem:$0x3FAF]  }
0x39: {  	_ = 	snop;
	(pc) =	sbr.ind lr, $3  }
0x3a: {  	_ = 	snop  }
0x3b: {  	_ = 	snop  }
0x3c: {  	p2 =	seq.s32 s10, $0x1;
	s10 =	sld [smem:$0x3FAE]  }
0x3d: {  	_ =	shalt  }
0x3e: {  	_ =	shalt  }
0x3f: {  	_ =	shalt  }
0x40: {  	_ =	shalt  }
0x41: {  	_ =	shalt  }
0x42: {  	_ =	shalt  }
0x43: {  	_ =	shalt  }
0x44: {  	_ =	shalt  }
0x45: {  	_ =	shalt  }
0x46: {  	_ =	shalt  }
0x47: {  	_ =	shalt  }
0x48: {  	_ =	shalt  }
0x49: {  	_ =	shalt  }
0x4a: {  	_ =	shalt  }
0x4b: {  	_ =	shalt  }
0x4c: {  	_ =	shalt  }
0x4d: {  	_ =	shalt  }
0x4e: {  	_ =	shalt  }
0x4f: {  	_ =	shalt  }
0x50: {  	_ =	shalt  }
0x51: {  	_ =	shalt  }
0x52: {  	_ =	shalt  }
0x53: {  	_ =	shalt  }
0x54: {  	_ =	shalt  }
0x55: {  	_ =	shalt  }
0x56: {  	_ =	shalt  }
0x57: {  	_ =	shalt  }
0x58: {  	_ =	shalt  }
0x59: {  	_ =	shalt  }
0x5a: {  	_ =	shalt  }
0x5b: {  	_ =	shalt  }
0x5c: {  	_ =	shalt  }
0x5d: {  	_ =	shalt  }
0x5e: {  	_ =	shalt  }
0x5f: {  	_ =	shalt  }
0x60: {  	_ =	shalt  }
0x61: {  	_ =	shalt  }
0x62: {  	_ =	shalt  }
0x63: {  	_ =	shalt  }
0x64: {  	_ =	shalt  }
0x65: {  	_ =	shalt  }
0x66: {  	_ =	shalt  }
0x67: {  	_ =	shalt  }
0x68: {  	_ =	shalt  }
0x69: {  	_ =	shalt  }
0x6a: {  	_ =	shalt  }
0x6b: {  	_ =	shalt  }
0x6c: {  	_ =	shalt  }
0x6d: {  	_ =	shalt  }
0x6e: {  	_ =	shalt  }
0x6f: {  	_ =	shalt  }
0x70: {  	_ =	shalt  }
0x71: {  	_ =	shalt  }
0x72: {  	_ =	shalt  }
0x73: {  	_ =	shalt  }
0x74: {  	_ =	shalt  }
0x75: {  	_ =	shalt  }
0x76: {  	_ =	shalt  }
0x77: {  	_ =	shalt  }
0x78: {  	_ =	shalt  }
0x79: {  	_ =	shalt  }
0x7a: {  	_ =	shalt  }
0x7b: {  	_ =	shalt  }
0x7c: {  	_ =	shalt  }
0x7d: {  	_ =	shalt  }
0x7e: {  	_ =	shalt  }
0x7f: {  	_ =	shalt  }
0x80: {  	_ =	shalt  }
0x81: {  	_ =	shalt  }
0x82: {  	_ =	shalt  }
0x83: {  	_ =	shalt  }
0x84: {  	_ =	shalt  }
0x85: {  	_ =	shalt  }
0x86: {  	_ =	shalt  }
0x87: {  	_ =	shalt  }
.Lfunc_end0:
.L_simem_size_0:
called_computation.3_lowered:
.L_overlay_start_0:
0x88: {  	s2 =	sld [smem:$0x3FD9]  }
0x89: {  	s3 =	sld [smem:$0x3FFE];
	_ =	sdelay $0x1  }
0x8a: {  	s1 =	srdreg.scid  }
0x8b: {  	s0 =	sand.u32 $0x1, s1  }
0x8c: {  	s16 =	sshll.u32 s0, $0xA;
	s2 =	sadd.s32 s3, s2  }
0x8d: {  	s2 =	sadd.s32 s2, s16  }
0x8e: {  	[smem:$0x3FBA] =	sst s2  }
0x8f: {  	_ = 	snop  }
0x90: {  	(tm) =	ssettm $0x1  }
0x91: {  	s17 =	sld [smem:$0x3FFB];
	_ =	sdelay $0x3  }
0x92: {  	_ =	strace s17  }
0x93: {  	s2 =	sld [smem:$0x3FFC];
	_ =	sdelay $0x3  }
0x94: {  	_ =	strace s2  }
0x95: {  	s2 =	sld [smem:$0x3FFD];
	_ =	sdelay $0x3  }
0x96: {  	_ =	strace s2  }
0x97: {  	_ =	strace $0x8FFFFFFF  }
0x98: {  	s18 =	sld [smem:$0x3FDB];
	_ =	sdelay $0x1  }
0x99: {  	s19 =	simm.s32 $_scs_section_size  }
0x9a: {  	s4 =	simm.s32 $_size__tile_overlayer_lowered;
	s5 =	simm.s32 $_tile_overlayer_lowered  }
0x9b: {  	s22 =	simm.s32 $0x1BFF;
	s21 =	sshll.u32 s5, $0x1;
	s2 =	sadd.s32 s19, s18  }
0x9c: {  	s6 =	simm.s32 $0x0;
	s20 =	sshll.u32 s4, $0x1;
	s4 =	sadd.s32 s21, s2  }
0x9d: {  	[timem:s6], [sflag:s22] =	dma.local [hbm:s4], s20  }
0x9e: {  	_ =	swait.ge [sflag:s22], s20  }
0x9f: {  	s3 =	ssub.s32 $0x0, s20;
	[sflag:s22] =	ssyncset.done $0x0  }
0xa0: {  	[sflag:s22] =	ssyncadd.s32 s3;
	_ =	sdelay $0x1  }
0xa1: {  	s23 =	simm.s32 $0x1B8B  }
0xa2: {  	_ =	swait.ge [sflag:s23], $0x1  }
0xa3: {  	[sflag:s23] =	ssyncset.done $0x0  }
0xa4: {  	s25 =	simm.s32 $0x1B8E;
	s24 =	sld [smem:$0x3FFE];
	[sflag:s23] =	ssyncadd.s32 $0xFFFFFFFF  }
0xa5: {  	s26 =	simm.s32 $execute0_lowered;
	[smem:$0x3FD2] =	sst s25  }
0xa6: {  	s4 =	sshll.u32 s26, $0x1;
	_ =	strace $0x8000004F;
	[dreg:$0x1] =	wrdreg $0xFFFFFFFF  }
0xa7: {  	s28 =	simm.s32 $_size_execute0_lowered;
	s2 =	sadd.s32 s2, s4;
	[dreg:$0x0] =	wrdreg $0x0  }
0xa8: {  	s4 =	sshll.u32 s28, $0x1;
	[dreg:$0x2] =	wrdreg s2  }
0xa9: {  	[dreg:$0x3] =	wrdreg s4  }
0xaa: {  	[dreg:$0x4] =	wrdreg $0xC0  }
0xab: {  	_ =	task [dreg:s6], $0x5FFFF  }
0xac: {  	[dreg:$0x1] =	wrdreg $0xFFFFFFFF  }
0xad: {  	[dreg:$0x0] =	wrdreg $0x60  }
0xae: {  	[dreg:$0x2] =	wrdreg s24  }
0xaf: {  	[dreg:$0x3] =	wrdreg $0x8B000  }
0xb0: {  	[dreg:$0x4] =	wrdreg $0x9  }
0xb1: {  	_ =	task.clear_ibuf [dreg:s6], $0x5FFFF;
	_ =	strace $0x9000004F  }
0xb2: {  	s29 =	simm.s32 $0x9;
	_ =	strace $0x80000051  }
0xb3: {  	_ =	swait.ge [sflag:s29], $0x1  }
0xb4: {  	[sflag:s29] =	ssyncadd.s32 $0xFFFFFFFF  }
0xb5: {  	_ =	strace $0x90000051  }
0xb6: {  	_ =	sfence  }
0xb7: {  	s30 =	sld [smem:$0x0];
	_ =	sdelay $0x2  }
0xb8: {  	s31 =	sshll.u32 s1, $0xD;
	s1 =	sshrl.u32 s1, $0x2  }
0xb9: {  	s3 =	sand.u32 $0x4000, s31;
	s1 =	sadd.s32 s1, s30  }
0xba: {  	s0 =	sor.u32 s3, s0;
	s1 =	sshll.u32 s1, $0x11  }
0xbb: {  	s0 =	sor.u32 s1, s0  }
0xbc: {  	s0 =	sadd.s32 $0x8F2B, s0  }
0xbd: {  	[sflag:s0] =	ssyncadd.remote.s32 $0x1  }
0xbe: {  	_ =	sfence.sel $0xFFFF  }
0xbf: {  	[dreg:$0x0] =	wrdreg $0xFFFFFFFF;
	(pc) =	sbr.abs _section_cstart, $3  }
0xc0: {  	[dreg:$0x1] =	wrdreg $0xFFFFFFFF  }
0xc1: {  	_ =	task.clear_ibuf [dreg:s6], $0x2FFFF;
	_ =	strace $0x9FFFFFFF  }
0xc2: {  	(tm) =	ssettm $0x7FFFFFFF  }
0xc3: {  	_ =	shalt  }
tec
execute0_lowered:
.L_overlay_start_1:
0x0: {  	(tag) =	ssettag $0x1  }
0x1: {  	s29 =	stileid.u32  }
0x2: {  	s6 =	smul.u32 $0x2710, s29  }
0x3: {  	s0 =	srdreg.scid;
	s4 =	sor.u32 $0x10, s29;
	s11 =	smul.u32 $0x50, s29  }
0x4: {  	s0 =	sand.u32 $0x1, s0;
	s2 =	smul.u32 $0xA000, s4  }
0x5: {  	s5 =	smul.u32 $0x27100, s0  }
0x6: {  	s3 =	rddreg [dreg:$0x0];
	s8 =	smul.u32 $0x2710, s0  }
0x7: {  	s1 =	simm.s32 $0x0;
	s12 =	sor.u32 $0x20, s29;
	s4 =	smul.u32 $0x50, s4  }
0x8: {  	s30 =	simm.s32 $0x200;
	s19 =	sor.u32 $0x30, s29;
	s14 =	smul.u32 $0x50, s12  }
0x9: {  	s31 =	simm.s32 $0x5;
	s21 =	sor.u32 $0x40, s29;
	s25 =	smul.u32 $0x50, s19  }
0xa: {  	[smem:$0x7FF] =	sst s1;
	s22 =	sor.u32 $0x50, s29;
	s26 =	smul.u32 $0x50, s21  }
0xb: {  	s7 =	sadd.s32 $0x4000, s3;
	s23 =	sor.u32 $0x60, s29;
	s16 =	smul.u32 $0x50, s22  }
0xc: {  	s9 =	sadd.s32 $0xDE00, s3;
	s24 =	sor.u32 $0x70, s29;
	s18 =	smul.u32 $0x50, s23  }
0xd: {  	s10 =	sadd.s32 $0x8DC00, s3;
	s0 =	ssub.s32 $0x2, s0;
	s20 =	smul.u32 $0x50, s24  }
0xe: {  	p0 =	sgt.u32 s29, $0xC;
	s12 =	smul.u32 $0xA000, s12;
	s13 =	sshrl.u32 s0, $0x1  }
0xf: {  	s0 =	ssub.s32 s0, s13;
	s5 =	sadd.s32 s6, s5;
	s11 =	sadd.s32 s11, s8  }
0x10: {  	s4 =	sadd.s32 s8, s4;
	s14 =	sadd.s32 s8, s14;
	s13 =	sadd.s32 s8, s25  }
0x11: {  	s6 =	sadd.s32 s8, s26;
	s16 =	sadd.s32 s8, s16;
	s18 =	sadd.s32 s8, s18  }
0x12: {  	s8 =	sadd.s32 s8, s20;
	s2 =	sshrl.u32 s2, $0x2;
	s15 =	sshrl.u32 s5, $0x3  }
0x13: {  	s11 =	sshll.u32 s11, $0x4;
	s4 =	sshll.u32 s4, $0x4;
	s26 =	sshll.u32 s14, $0x4  }
0x14: {  	s20 =	sshll.u32 s6, $0x4;
	s6 =	sshll.u32 s18, $0x4;
	s8 =	sshll.u32 s8, $0x4  }
0x15: {  	s5 =	sadd.s32 $0x80, s5;
	s18 =	sadd.s32 $0x18200, s3;
	s11 =	sadd.s32 s10, s11  }
0x16: {  	s3 =	sadd.s32 $0x17C00, s3;
	s4 =	sadd.s32 s10, s4;
	[dreg:$0x5] =	wrdreg s11  }
0x17: {  	s17 =	sadd.s32 $0x4E0, s15;
	s14 =	sadd.s32 s10, s26;
	[dreg:$0x6] =	wrdreg s4  }
0x18: {  	s0 =	smax.u32 s0, $0x1;
	s25 =	sadd.s32 s7, s17;
	[dreg:$0x7] =	wrdreg s14  }
0x19: {  	s17 =	sadd.s32 s9, s17;
	s14 =	sadd.s32 s15, s7;
	[dreg:$0x3] =	wrdreg s25  }
0x1a: {  	s11 =	smul.u32 $0xA000, s29;
	[dreg:$0x4] =	wrdreg s17;
	s17 =	sshll.u32 s13, $0x4  }
0x1b: {  	s25 =	sshll.u32 s16, $0x4;
	s16 =	rddreg [dreg:$0x1];
	s4 =	sadd.s32 s10, s17  }
0x1c: {  	s13 =	sadd.s32 s15, s9;
	s26 =	sadd.s32 s10, s25;
	[dreg:$0x8] =	wrdreg s4  }
0x1d: {  	s25 =	smul.u32 $0xA000, s19;
	s4 =	sadd.s32 s10, s20;
	[dreg:$0xa] =	wrdreg s26  }
0x1e: {  	s20 =	sshrl.u32 s11, $0x2;
	s26 =	smul.u32 $0xA000, s21;
	s21 =	sadd.s32 s2, s16  }
0x1f: {  	s11 =	smul.u32 $0xA000, s24;
	s2 =	simm.s32 $0x180;
	[dreg:$0x9] =	wrdreg s4  }
0x20: {  	s4 =	sadd.s32 s10, s6;
	s20 =	sadd.s32 s20, s16;
	s6 =	sshrl.u32 s12, $0x2  }
0x21: {  	[dreg:$0xb] =	wrdreg s4;
	s4 =	sadd.s32 s10, s8;
	s10 =	sshrl.u32 s5, $0x3  }
0x22: {  	s8 =	sshrl.u32 s25, $0x2;
	s19 =	sshrl.u32 s11, $0x2;
	s5 =	simm.s32 $0x1  }
0x23: {  	[dreg:$0xc] =	wrdreg s4;
	s17 =	sadd.s32 s10, s7;
	s7 =	smul.u32 $0xA000, s22  }
0x24: {  	s15 =	sadd.s32 s10, s9;
	s22 =	sadd.s32 s6, s16;
	s9 =	smul.u32 $0xA000, s23  }
0x25: {  	s23 =	sadd.s32 s8, s16;
	s10 =	sshrl.u32 s26, $0x2;
	s28 =	sadd.s32 s19, s16  }
0x26: {  	s6 =	simm.s32 $0x2;
	_ =	strace $0x80000050;
	[dreg:$0xd] =	wrdreg s3  }
0x27: {  	s19 =	simm.s32 $0x0;
	s24 =	sadd.s32 s10, s16;
	[dreg:$0xe] =	wrdreg s0  }
0x28: {  	s0 =	simm.s32 $0x80;
	s3 =	simm.s32 $0x4;
	s12 =	sshrl.u32 s7, $0x2  }
0x29: {  	s4 =	sshrl.u32 s9, $0x2;
	s7 =	simm.s32 $0x3;
	s25 =	sadd.s32 s12, s16  }
0x2a: {  	s26 =	sadd.s32 s4, s16;
	s12 =	simm.s32 $0x100;
	s4 =	simm.s32 $0x4200  }
.LBB2_1:
0x2b: {  	s8 =	rddreg [dreg:$0xd]  }
0x2c: {  	[tilespmem:s30], [sflag:$0x5] =	stream.linear.gather [hbm4b:s8+s1], $0x2800, $0x38;
	[tilespmem:$0x1C380] =	vst v63  }
0x2d: {  	_ =	swait.ge [sflag:s31], $0x2800  }
0x2e: {  	[sflag:s31] =	ssyncset.done $0x0  }
0x2f: {  	[sflag:s31] =	ssyncadd.s32 $0xFFFFD800  }
0x30: {  	[spmem:s20] =	stream.linear.scatter [tilespmem:s30], [sflag:$0x5], $0x2800, $0x38;
	[tilespmem:$0x1C380] =	vst v63  }
0x31: {  	_ =	swait.ge [sflag:s31], $0x2800  }
0x32: {  	[sflag:s31] =	ssyncset.done $0x0  }
0x33: {  	[sflag:s31] =	ssyncadd.s32 $0xFFFFD800  }
0x34: {  	[spmem:s21] =	stream.linear.scatter [tilespmem:s30], [sflag:$0x5], $0x2800, $0x38;
	[tilespmem:$0x1C380] =	vst v63  }
0x35: {  	_ =	swait.ge [sflag:s31], $0x2800  }
0x36: {  	[sflag:s31] =	ssyncset.done $0x0  }
0x37: {  	[sflag:s31] =	ssyncadd.s32 $0xFFFFD800  }
0x38: {  	[spmem:s22] =	stream.linear.scatter [tilespmem:s30], [sflag:$0x5], $0x2800, $0x38;
	[tilespmem:$0x1C380] =	vst v63  }
0x39: {  	_ =	swait.ge [sflag:s31], $0x2800  }
0x3a: {  	[sflag:s31] =	ssyncset.done $0x0  }
0x3b: {  	[sflag:s31] =	ssyncadd.s32 $0xFFFFD800  }
0x3c: {  	[spmem:s23] =	stream.linear.scatter [tilespmem:s30], [sflag:$0x5], $0x2800, $0x38;
	[tilespmem:$0x1C380] =	vst v63  }
0x3d: {  	_ =	swait.ge [sflag:s31], $0x2800  }
0x3e: {  	[sflag:s31] =	ssyncset.done $0x0  }
0x3f: {  	[sflag:s31] =	ssyncadd.s32 $0xFFFFD800  }
0x40: {  	[spmem:s24] =	stream.linear.scatter [tilespmem:s30], [sflag:$0x5], $0x2800, $0x38;
	[tilespmem:$0x1C380] =	vst v63  }
0x41: {  	_ =	swait.ge [sflag:s31], $0x2800  }
0x42: {  	[sflag:s31] =	ssyncset.done $0x0  }
0x43: {  	[sflag:s31] =	ssyncadd.s32 $0xFFFFD800  }
0x44: {  	[spmem:s25] =	stream.linear.scatter [tilespmem:s30], [sflag:$0x5], $0x2800, $0x38;
	[tilespmem:$0x1C380] =	vst v63  }
0x45: {  	_ =	swait.ge [sflag:s31], $0x2800  }
0x46: {  	[sflag:s31] =	ssyncset.done $0x0  }
0x47: {  	[sflag:s31] =	ssyncadd.s32 $0xFFFFD800  }
0x48: {  	[spmem:s26] =	stream.linear.scatter [tilespmem:s30], [sflag:$0x5], $0x2800, $0x38;
	[tilespmem:$0x1C380] =	vst v63  }
0x49: {  	_ =	swait.ge [sflag:s31], $0x2800  }
0x4a: {  	[sflag:s31] =	ssyncset.done $0x0  }
0x4b: {  	s8 =	simm.s32 @!p0 $0x200;
	[sflag:s31] =	ssyncadd.s32 $0xFFFFD800  }
0x4c: {  	[spmem:s28] =	stream.linear.scatter @!p0 [tilespmem:s8], [sflag:$0x5], $0x2800, $0x38;
	[tilespmem:$0x1C380] =	vst v63  }
0x4d: {  	s8 =	simm.s32 @!p0 $0x5  }
0x4e: {  	_ =	swait.ge @!p0 [sflag:s8], $0x2800  }
0x4f: {  	[sflag:s8] =	ssyncset.done @!p0 $0x0  }
0x50: {  	[sflag:s8] =	ssyncadd.s32 @!p0 $0xFFFFD800  }
0x51: {  	s11 =	sadd.s32 $0x0, s14;
	[bflag:$0x0] =	sbarrier.arrive $0xFFFF  }
0x52: {  	[tilespmem:s1], [sflag:$0x4] =	stream.linear.gather [hbm4b:s11+s1], $0x80, $0x38;
	[tilespmem:$0x1C380] =	vst v63  }
0x53: {  	s9 =	sadd.s32 $0x0, s13  }
0x54: {  	[tilespmem:s12], [sflag:$0x4] =	stream.linear.gather [hbm4b:s9+s1], $0x80, $0x38;
	[tilespmem:$0x1C380] =	vst v63  }
0x55: {  	s10 =	sadd.s32 $0x0, s17  }
0x56: {  	[tilespmem:s0], [sflag:$0x4] =	stream.linear.gather [hbm4b:s10+s1], $0x80, $0x38;
	[tilespmem:$0x1C380] =	vst v63  }
0x57: {  	s11 =	sadd.s32 $0x0, s15  }
0x58: {  	[tilespmem:s2], [sflag:$0x4] =	stream.linear.gather [hbm4b:s11+s1], $0x80, $0x38;
	[tilespmem:$0x1C380] =	vst v63  }
0x59: {  	_ =	swait.ge [sflag:s3], $0x80  }
0x5a: {  	[sflag:s3] =	ssyncset.done $0x0  }
0x5b: {  	[sflag:s3] =	ssyncadd.s32 $0xFFFFFF80  }
0x5c: {  	_ =	swait.ge [sflag:s3], $0x80  }
0x5d: {  	[sflag:s3] =	ssyncset.done $0x0  }
0x5e: {  	[sflag:s3] =	ssyncadd.s32 $0xFFFFFF80  }
0x5f: {  	_ =	swait.ge [sflag:s3], $0x80  }
0x60: {  	[sflag:s3] =	ssyncset.done $0x0  }
0x61: {  	[sflag:s3] =	ssyncadd.s32 $0xFFFFFF80  }
0x62: {  	_ =	swait.ge [sflag:s3], $0x80  }
0x63: {  	[sflag:s3] =	ssyncset.done $0x0  }
0x64: {  	[sflag:s3] =	ssyncadd.s32 $0xFFFFFF80  }
0x65: {  	[tilespmem:s30], [sflag:$0x1] =	stream.indirect.gather [hbm4b:s18+s0], $0x80, s1, s0, $0xb8;
	[tilespmem:$0x1C380] =	vst v63  }
0x66: {  	_ = 	snop  }
0x67: {  	[tilespmem:s4], [sflag:$0x2] =	stream.indirect.gather [hbm4b:s18+s0], $0x80, s0, s0, $0xb8;
	[tilespmem:$0x1C380] =	vst v63  }
0x68: {  	_ =	swait.ge [sflag:s5], $0x4000  }
0x69: {  	[sflag:s5] =	ssyncset.done $0x0  }
0x6a: {  	[sflag:s5] =	ssyncadd.s32 $0xFFFFC000  }
0x6b: {  	[spmem:s16] =	stream.indirect.scatter.add.f32 [tilespmem:s30], [sflag:$0x3], $0x80, s12, s0, $0xb8;
	[tilespmem:$0x1C380] =	vst v63  }
0x6c: {  	_ =	swait.ge [sflag:s6], $0x4000  }
0x6d: {  	[sflag:s6] =	ssyncset.done $0x0  }
0x6e: {  	[sflag:s6] =	ssyncadd.s32 $0xFFFFC000  }
0x6f: {  	[spmem:s16] =	stream.indirect.scatter.add.f32 [tilespmem:s4], [sflag:$0x3], $0x80, s2, s0, $0xb8;
	[tilespmem:$0x1C380] =	vst v63  }
0x70: {  	_ =	swait.ge [sflag:s7], $0x4000  }
0x71: {  	[sflag:s7] =	ssyncset.done $0x0  }
0x72: {  	[sflag:s7] =	ssyncadd.s32 $0xFFFFC000  }
0x73: {  	_ =	swait.ge [sflag:s7], $0x4000  }
0x74: {  	s29 =	simm.s32 $0x20;
	s8 =	simm.s32 $0x40;
	[sflag:s7] =	ssyncset.done $0x0  }
.LBB2_2:
0x75: {  	s10 =	sadd.s32 s29, s14  }
0x76: {  	[sflag:s7] =	ssyncadd.s32 $0xFFFFC000;
	s11 =	smov.u32 s8;
	s9 =	sadd.s32 $0x20, s8  }
0x77: {  	[tilespmem:s1], [sflag:$0x4] =	stream.linear.gather [hbm4b:s10+s1], $0x80, $0x38;
	[tilespmem:$0x1C380] =	vst v63  }
0x78: {  	p1 =	sne.s32 s8, $0x4C0;
	s8 =	sadd.s32 s29, s13  }
0x79: {  	[tilespmem:s12], [sflag:$0x4] =	stream.linear.gather [hbm4b:s8+s1], $0x80, $0x38;
	[tilespmem:$0x1C380] =	vst v63  }
0x7a: {  	s8 =	sadd.s32 s29, s17  }
0x7b: {  	[tilespmem:s0], [sflag:$0x4] =	stream.linear.gather [hbm4b:s8+s1], $0x80, $0x38;
	[tilespmem:$0x1C380] =	vst v63  }
0x7c: {  	s8 =	sadd.s32 s29, s15;
	s29 =	smov.u32 s11  }
0x7d: {  	[tilespmem:s2], [sflag:$0x4] =	stream.linear.gather [hbm4b:s8+s1], $0x80, $0x38;
	[tilespmem:$0x1C380] =	vst v63  }
0x7e: {  	_ =	swait.ge [sflag:s3], $0x80  }
0x7f: {  	[sflag:s3] =	ssyncset.done $0x0  }
0x80: {  	[sflag:s3] =	ssyncadd.s32 $0xFFFFFF80  }
0x81: {  	_ =	swait.ge [sflag:s3], $0x80  }
0x82: {  	[sflag:s3] =	ssyncset.done $0x0  }
0x83: {  	[sflag:s3] =	ssyncadd.s32 $0xFFFFFF80  }
0x84: {  	_ =	swait.ge [sflag:s3], $0x80  }
0x85: {  	[sflag:s3] =	ssyncset.done $0x0  }
0x86: {  	[sflag:s3] =	ssyncadd.s32 $0xFFFFFF80  }
0x87: {  	_ =	swait.ge [sflag:s3], $0x80  }
0x88: {  	[sflag:s3] =	ssyncset.done $0x0  }
0x89: {  	[sflag:s3] =	ssyncadd.s32 $0xFFFFFF80  }
0x8a: {  	[tilespmem:s30], [sflag:$0x1] =	stream.indirect.gather [hbm4b:s18+s0], $0x80, s1, s0, $0xb8;
	[tilespmem:$0x1C380] =	vst v63  }
0x8b: {  	_ = 	snop  }
0x8c: {  	[tilespmem:s4], [sflag:$0x2] =	stream.indirect.gather [hbm4b:s18+s0], $0x80, s0, s0, $0xb8;
	[tilespmem:$0x1C380] =	vst v63  }
0x8d: {  	_ =	swait.ge [sflag:s5], $0x4000  }
0x8e: {  	[sflag:s5] =	ssyncset.done $0x0  }
0x8f: {  	[sflag:s5] =	ssyncadd.s32 $0xFFFFC000  }
0x90: {  	[spmem:s16] =	stream.indirect.scatter.add.f32 [tilespmem:s30], [sflag:$0x3], $0x80, s12, s0, $0xb8;
	[tilespmem:$0x1C380] =	vst v63  }
0x91: {  	_ =	swait.ge [sflag:s6], $0x4000  }
0x92: {  	[sflag:s6] =	ssyncset.done $0x0  }
0x93: {  	[sflag:s6] =	ssyncadd.s32 $0xFFFFC000  }
0x94: {  	[spmem:s16] =	stream.indirect.scatter.add.f32 [tilespmem:s4], [sflag:$0x3], $0x80, s2, s0, $0xb8;
	[tilespmem:$0x1C380] =	vst v63  }
.Ltmp0:
0x95: {  	_ =	swait.ge [sflag:s7], $0x4000;
	(pc) =	sbr.rel @p1 .LBB2_2-.Ltmp0, $4  }
0x96: {  	[sflag:s7] =	ssyncset.done $0x0  }
0x97: {  	[sflag:s7] =	ssyncadd.s32 $0xFFFFC000  }
0x98: {  	_ =	swait.ge [sflag:s7], $0x4000  }
0x99: {  	s8 =	smov.u32 s9;
	[sflag:s7] =	ssyncset.done $0x0  }
0x9a: {  	s8 =	sadd.s32 s29, s14;
	[sflag:s7] =	ssyncadd.s32 $0xFFFFC000  }
0x9b: {  	[tilespmem:s1], [sflag:$0x4] =	stream.linear.gather [hbm4b:s8+s1], $0x80, $0x38;
	[tilespmem:$0x1C380] =	vst v63  }
0x9c: {  	s10 =	sadd.s32 s29, s13  }
0x9d: {  	[tilespmem:s12], [sflag:$0x4] =	stream.linear.gather [hbm4b:s10+s1], $0x80, $0x38;
	[tilespmem:$0x1C380] =	vst v63  }
0x9e: {  	s11 =	sadd.s32 s29, s17  }
0x9f: {  	[tilespmem:s0], [sflag:$0x4] =	stream.linear.gather [hbm4b:s11+s1], $0x80, $0x38;
	[tilespmem:$0x1C380] =	vst v63  }
0xa0: {  	s9 =	sadd.s32 s29, s15  }
0xa1: {  	[tilespmem:s2], [sflag:$0x4] =	stream.linear.gather [hbm4b:s9+s1], $0x80, $0x38;
	[tilespmem:$0x1C380] =	vst v63  }
0xa2: {  	_ =	swait.ge [sflag:s3], $0x80  }
0xa3: {  	[sflag:s3] =	ssyncset.done $0x0  }
0xa4: {  	[sflag:s3] =	ssyncadd.s32 $0xFFFFFF80  }
0xa5: {  	_ =	swait.ge [sflag:s3], $0x80  }
0xa6: {  	[sflag:s3] =	ssyncset.done $0x0  }
0xa7: {  	[sflag:s3] =	ssyncadd.s32 $0xFFFFFF80  }
0xa8: {  	_ =	swait.ge [sflag:s3], $0x80  }
0xa9: {  	[sflag:s3] =	ssyncset.done $0x0  }
0xaa: {  	[sflag:s3] =	ssyncadd.s32 $0xFFFFFF80  }
0xab: {  	_ =	swait.ge [sflag:s3], $0x80  }
0xac: {  	[sflag:s3] =	ssyncset.done $0x0  }
0xad: {  	[sflag:s3] =	ssyncadd.s32 $0xFFFFFF80  }
0xae: {  	[tilespmem:s30], [sflag:$0x1] =	stream.indirect.gather [hbm4b:s18+s0], $0x80, s1, s0, $0xb8;
	[tilespmem:$0x1C380] =	vst v63  }
0xaf: {  	_ = 	snop  }
0xb0: {  	[tilespmem:s4], [sflag:$0x2] =	stream.indirect.gather [hbm4b:s18+s0], $0x80, s0, s0, $0xb8;
	[tilespmem:$0x1C380] =	vst v63  }
0xb1: {  	_ =	swait.ge [sflag:s5], $0x4000  }
0xb2: {  	[sflag:s5] =	ssyncset.done $0x0  }
0xb3: {  	[sflag:s5] =	ssyncadd.s32 $0xFFFFC000  }
0xb4: {  	[spmem:s16] =	stream.indirect.scatter.add.f32 [tilespmem:s30], [sflag:$0x3], $0x80, s12, s0, $0xb8;
	[tilespmem:$0x1C380] =	vst v63  }
0xb5: {  	_ =	swait.ge [sflag:s6], $0x4000  }
0xb6: {  	[sflag:s6] =	ssyncset.done $0x0  }
0xb7: {  	[sflag:s6] =	ssyncadd.s32 $0xFFFFC000  }
0xb8: {  	[spmem:s16] =	stream.indirect.scatter.add.f32 [tilespmem:s4], [sflag:$0x3], $0x80, s2, s0, $0xb8;
	[tilespmem:$0x1C380] =	vst v63  }
0xb9: {  	_ =	swait.ge [sflag:s7], $0x4000  }
0xba: {  	[sflag:s7] =	ssyncset.done $0x0  }
0xbb: {  	[sflag:s7] =	ssyncadd.s32 $0xFFFFC000  }
0xbc: {  	_ =	swait.ge [sflag:s7], $0x4000  }
0xbd: {  	[sflag:s7] =	ssyncset.done $0x0  }
0xbe: {  	s9 =	simm.s32 $0x8200;
	s10 =	rddreg [dreg:$0x3];
	[sflag:s7] =	ssyncadd.s32 $0xFFFFC000  }
0xbf: {  	[tilespmem:s9], [sflag:$0x5] =	stream.linear.gather [hbm4b:s10+s1], $0x10, $0x38;
	[tilespmem:$0x1C380] =	vst v63  }
0xc0: {  	_ =	swait.ge [sflag:s31], $0x10  }
0xc1: {  	[sflag:s31] =	ssyncset.done $0x0  }
0xc2: {  	s10 =	simm.s32 $0x8280;
	s11 =	rddreg [dreg:$0x4];
	[sflag:s31] =	ssyncadd.s32 $0xFFFFFFF0  }
0xc3: {  	[tilespmem:s10], [sflag:$0x5] =	stream.linear.gather [hbm4b:s11+s1], $0x10, $0x38;
	[tilespmem:$0x1C380] =	vst v63  }
0xc4: {  	_ =	swait.ge [sflag:s31], $0x10  }
0xc5: {  	[sflag:s31] =	ssyncset.done $0x0  }
0xc6: {  	s29 =	simm.s32 $0x10;
	s11 =	simm.s32 $0x8300;
	[sflag:s31] =	ssyncadd.s32 $0xFFFFFFF0  }
0xc7: {  	[tilespmem:s11], [sflag:$0x1] =	stream.indirect.gather [hbm4b:s18+s29], $0x80, s9, s29, $0xb8;
	[tilespmem:$0x1C380] =	vst v63  }
0xc8: {  	_ =	swait.ge [sflag:s5], $0x800  }
0xc9: {  	[sflag:s5] =	ssyncset.done $0x0  }
0xca: {  	[sflag:s5] =	ssyncadd.s32 $0xFFFFF800  }
0xcb: {  	[spmem:s16] =	stream.indirect.scatter.add.f32 [tilespmem:s11], [sflag:$0x5], $0x80, s10, s29, $0xb8;
	[tilespmem:$0x1C380] =	vst v63  }
0xcc: {  	_ =	swait.ge [sflag:s31], $0x800  }
0xcd: {  	[sflag:s31] =	ssyncset.done $0x0  }
0xce: {  	s10 =	stileid.u32;
	[sflag:s31] =	ssyncadd.s32 $0xFFFFF800  }
0xcf: {  	s8 =	sshll.u32 s10, $0x6;
	[bflag:$0x0] =	sbarrier.arrive $0xFFFF  }
0xd0: {  	s11 =	sshrl.u32 s20, $0x3;
	s8 =	sor.u32 $0x1C05, s8;
	s29 =	rddreg [dreg:$0x5]  }
0xd1: {  	[hbm:s29], [sflag:s8] =	dma.local [spmem:s11], $0x500  }
0xd2: {  	_ =	swait.ge [sflag:s31], $0x500  }
0xd3: {  	[sflag:s31] =	ssyncset.done $0x0  }
0xd4: {  	s11 =	sshrl.u32 s21, $0x3;
	s29 =	rddreg [dreg:$0x6];
	[sflag:s31] =	ssyncadd.s32 $0xFFFFFB00  }
0xd5: {  	[hbm:s29], [sflag:s8] =	dma.local [spmem:s11], $0x500  }
0xd6: {  	_ =	swait.ge [sflag:s31], $0x500  }
0xd7: {  	[sflag:s31] =	ssyncset.done $0x0  }
0xd8: {  	s11 =	sshrl.u32 s22, $0x3;
	s29 =	rddreg [dreg:$0x7];
	[sflag:s31] =	ssyncadd.s32 $0xFFFFFB00  }
0xd9: {  	[hbm:s29], [sflag:s8] =	dma.local [spmem:s11], $0x500  }
0xda: {  	_ =	swait.ge [sflag:s31], $0x500  }
0xdb: {  	[sflag:s31] =	ssyncset.done $0x0  }
0xdc: {  	s11 =	sshrl.u32 s23, $0x3;
	s29 =	rddreg [dreg:$0x8];
	[sflag:s31] =	ssyncadd.s32 $0xFFFFFB00  }
0xdd: {  	[hbm:s29], [sflag:s8] =	dma.local [spmem:s11], $0x500  }
0xde: {  	_ =	swait.ge [sflag:s31], $0x500  }
0xdf: {  	[sflag:s31] =	ssyncset.done $0x0  }
0xe0: {  	s11 =	sshrl.u32 s24, $0x3;
	s29 =	rddreg [dreg:$0x9];
	[sflag:s31] =	ssyncadd.s32 $0xFFFFFB00  }
0xe1: {  	[hbm:s29], [sflag:s8] =	dma.local [spmem:s11], $0x500  }
0xe2: {  	_ =	swait.ge [sflag:s31], $0x500  }
0xe3: {  	[sflag:s31] =	ssyncset.done $0x0  }
0xe4: {  	s11 =	sshrl.u32 s25, $0x3;
	s29 =	rddreg [dreg:$0xa];
	[sflag:s31] =	ssyncadd.s32 $0xFFFFFB00  }
0xe5: {  	[hbm:s29], [sflag:s8] =	dma.local [spmem:s11], $0x500  }
0xe6: {  	_ =	swait.ge [sflag:s31], $0x500  }
0xe7: {  	[sflag:s31] =	ssyncset.done $0x0  }
0xe8: {  	s10 =	sshrl.u32 s26, $0x3;
	s11 =	rddreg [dreg:$0xb];
	[sflag:s31] =	ssyncadd.s32 $0xFFFFFB00  }
0xe9: {  	[hbm:s11], [sflag:s8] =	dma.local [spmem:s10], $0x500  }
0xea: {  	_ =	swait.ge [sflag:s31], $0x500  }
0xeb: {  	[sflag:s31] =	ssyncset.done $0x0  }
0xec: {  	s9 =	sshrl.u32 @!p0 s28, $0x3;
	s10 =	rddreg [dreg:$0xc];
	[sflag:s31] =	ssyncadd.s32 $0xFFFFFB00  }
0xed: {  	[hbm:s10], [sflag:s8] =	dma.local @!p0 [spmem:s9], $0x500  }
0xee: {  	s8 =	simm.s32 @!p0 $0x5  }
0xef: {  	_ =	swait.ge @!p0 [sflag:s8], $0x500  }
0xf0: {  	s19 =	sadd.s32 $0x1, s19;
	s29 =	rddreg [dreg:$0xe]  }
0xf1: {  	p1 =	sne.s32 s19, s29  }
.Ltmp1:
0xf2: {  	_ = 	snop;
	(pc) =	sbr.rel @p1 .LBB2_1-.Ltmp1, $3  }
0xf3: {  	_ =	sdelay $0x1  }
0xf4: {  	[sflag:s8] =	ssyncset.done @!p0 $0x0  }
0xf5: {  	[sflag:s8] =	ssyncadd.s32 @!p0 $0xFFFFFB00  }
0xf6: {  	_ =	sfence.sel $0x180000  }
0xf7: {  	[bflag:$0x0] =	sbarrier.arrive $0xFFFF  }
0xf8: {  	_ =	strace $0x90000050  }
0xf9: {  	s0 =	stileid.u32;
	[bflag:$0x2] =	sbarrier.arrive $0xFFFF  }
0xfa: {  	p0 =	sne.s32 s0, $0x0;
	s0 =	rddreg [dreg:$0x2]  }
0xfb: {  	s0 =	sadd.s32 @!p0 $0x100000, s0  }
0xfc: {  	[sflag:s0] =	ssyncadd.tile.s32 @!p0 $0x1;
	_ =	shalt  }
.Lfunc_end2:
_tile_overlayer_lowered:
.L_overlay_start_2:
0xfd: {  	(tag) =	ssettag $0x2  }
0xfe: {  	s0 =	rddreg [dreg:$0x0];
	s2 =	stileid.u32  }
0xff: {  	s1 =	rddreg [dreg:$0x1];
	p0 =	sne.s32 s2, $0x0  }
0x100: {  	s3 =	rddreg [dreg:$0x2];
	[bflag:$0x3] =	sbarrier.arrive $0xFFFF;
	s2 =	simm.s32 @!p0 $0x1C05  }
0x101: {  	[timem:s3], [sflag:s2] =	dma.local @!p0 [hbm:s0], s1  }
0x102: {  	s0 =	simm.s32 @!p0 $0x5  }
0x103: {  	_ =	swait.ge @!p0 [sflag:s0], s1  }
0x104: {  	s1 =	ssub.s32 @!p0 $0x0, s1;
	[sflag:s0] =	ssyncset.done @!p0 $0x0  }
0x105: {  	[sflag:s0] =	ssyncadd.s32 @!p0 s1  }
0x106: {  	[bflag:$0x3] =	sbarrier.arrive $0xFFFF  }
0x107: {  	_ =	shalt  }

// kernel: kernel.23.cloned.1.call-start
scs
__scs_entry_jumppad:
0x0: {  	(pc) =	sbr.rel $0x88, $3  }
0x1: {  	(tag) =	ssettag $0x0;
	lr =	simm.s32 $0x1  }
0x2: {  	[smem:$0x3F93] =	sst lr;
	_ =	strace $0xD0000000  }
0x3: {  	_ = 	snop  }
0x4: {  	_ = 	snop  }
0x5: {  	_ = 	snop  }
0x6: {  	_ = 	snop  }
0x7: {  	_ = 	snop  }
__scs_overlays_trampoline_lowered:
0x8: {  	[smem:$0x3FA2] =	sst s0  }
0x9: {  	[smem:$0x3FA3] =	sst s1  }
0xa: {  	[smem:$0x3FA4] =	sst s2  }
0xb: {  	[smem:$0x3FA5] =	sst s3  }
0xc: {  	[smem:$0x3FA6] =	sst s4  }
0xd: {  	[smem:$0x3FA7] =	sst s5  }
0xe: {  	[smem:$0x3FA8] =	sst s6  }
0xf: {  	[smem:$0x3FA9] =	sst s7  }
0x10: {  	[smem:$0x3FAA] =	sst s8  }
0x11: {  	[smem:$0x3FAB] =	sst s9;
	s0 =	simm.s32 @!p0 $0x0  }
0x12: {  	s1 =	sld [smem:$0x3F91];
	s0 =	simm.s32 @p0 $0x1  }
0x13: {  	[smem:$0x3FAC] =	sst s0;
	s0 =	simm.s32 @!p1 $0x0  }
0x14: {  	s2 =	sld [smem:$0x3F90];
	s0 =	simm.s32 @p1 $0x1  }
0x15: {  	[smem:$0x3FAD] =	sst s0;
	s0 =	simm.s32 @!p2 $0x0  }
0x16: {  	s3 =	sld [smem:$0x3FDB];
	s0 =	simm.s32 @p2 $0x1  }
0x17: {  	s4 =	simm.s32 $0x1BF5;
	[smem:$0x3FAF] =	sst s0  }
0x18: {  	s0 =	sld [smem:$0x3F92];
	_ =	swait.ge [sflag:s4], $0x0  }
0x19: {  	s7 =	sld [smem:$0x3F93]  }
0x1a: {  	s8 =	sadd.s32 $0xFFFFE003, lr  }
0x1b: {  	s9 =	sadd.s32 $0xFFFFFEF7, lr;
	s5 =	simm.s32 $0xFFFFFFFF;
	p2 =	slt.u32 s8, $0xFFFFF086  }
0x1c: {  	p1 =	slt.u32 s9, $0xF7A;
	s5 =	simm.s32 @!p2 $0x0  }
0x1d: {  	s5 =	simm.s32 @p1 $0x1;
	p0 =	seq.s32 s7, s2  }
0x1e: {  	s7 =	smul.u32 @!p0 $0xF7A, s2;
	p2 =	seq.s32 @!p0 s5, $0x0  }
0x1f: {  	s9 =	smul.u32 $0xF7A, s1;
	s8 =	simm.s32 @!p0 $0x1BF5;
	p2 =	por !p2, p0  }
0x20: {  	[sflag:s8] =	ssyncset.s32 @!p0 $0xFFFFF086;
	s6 =	sadd.s32 @!p0 s3, s7;
	s7 =	simm.s32 @!p0 $0x108  }
0x21: {  	s3 =	sadd.s32 s3, s9;
	s6 =	sadd.s32 @!p0 $0x88, s6;
	s7 =	simm.s32 @p2 $0x1082  }
0x22: {  	[simem:s7], [sflag:s8] =	dma.local @!p0 [hbm:s6], $0xF7A  }
0x23: {  	s9 =	sor.u32 $0xD0000000, s2;
	s6 =	simm.s32 $0x108;
	_ =	swait.ge @!p0 [sflag:s8], $0x0  }
0x24: {  	s3 =	sadd.s32 $0x88, s3;
	s6 =	simm.s32 @!p1 $0x1082;
	[sflag:s4] =	ssyncset.s32 $0xFFFFF086  }
0x25: {  	[simem:s6], [sflag:s4] =	dma.local [hbm:s3], $0xF7A  }
0x26: {  	[smem:$0x3F93] =	sst s1;
	(tag) =	ssettag s2;
	_ =	strace s9  }
0x27: {  	s1 =	sld [smem:$0x3FA3]  }
0x28: {  	s2 =	sld [smem:$0x3FA4]  }
0x29: {  	s4 =	sld [smem:$0x3FA6]  }
0x2a: {  	p0 =	seq.s32 s5, $0x0;
	s5 =	sld [smem:$0x3FA7]  }
0x2b: {  	s6 =	sld [smem:$0x3FA8]  }
0x2c: {  	s7 =	sld [smem:$0x3FA9]  }
0x2d: {  	s3 =	simm.s32 $0x108;
	s8 =	sld [smem:$0x3FAA]  }
0x2e: {  	s3 =	simm.s32 @!p0 $0x1082;
	s9 =	sld [smem:$0x3FAB]  }
0x2f: {  	lr =	sadd.s32 s0, s3;
	s0 =	sld [smem:$0x3FA2]  }
0x30: {  	s3 =	sld [smem:$0x3FA5]  }
0x31: {  	[smem:$0x3FAE] =	sst s10  }
0x32: {  	s10 =	sld [smem:$0x3FAC];
	_ =	sdelay $0x3  }
0x33: {  	p0 =	seq.s32 s10, $0x1;
	s10 =	sld [smem:$0x3FAE];
	_ =	sdelay $0x3  }
0x34: {  	[smem:$0x3FAE] =	sst s10  }
0x35: {  	s10 =	sld [smem:$0x3FAD];
	_ =	sdelay $0x3  }
0x36: {  	p1 =	seq.s32 s10, $0x1;
	s10 =	sld [smem:$0x3FAE];
	_ =	sdelay $0x3  }
0x37: {  	[smem:$0x3FAE] =	sst s10  }
0x38: {  	s10 =	sld [smem:$0x3FAF]  }
0x39: {  	_ = 	snop;
	(pc) =	sbr.ind lr, $3  }
0x3a: {  	_ = 	snop  }
0x3b: {  	_ = 	snop  }
0x3c: {  	p2 =	seq.s32 s10, $0x1;
	s10 =	sld [smem:$0x3FAE]  }
0x3d: {  	_ =	shalt  }
0x3e: {  	_ =	shalt  }
0x3f: {  	_ =	shalt  }
0x40: {  	_ =	shalt  }
0x41: {  	_ =	shalt  }
0x42: {  	_ =	shalt  }
0x43: {  	_ =	shalt  }
0x44: {  	_ =	shalt  }
0x45: {  	_ =	shalt  }
0x46: {  	_ =	shalt  }
0x47: {  	_ =	shalt  }
0x48: {  	_ =	shalt  }
0x49: {  	_ =	shalt  }
0x4a: {  	_ =	shalt  }
0x4b: {  	_ =	shalt  }
0x4c: {  	_ =	shalt  }
0x4d: {  	_ =	shalt  }
0x4e: {  	_ =	shalt  }
0x4f: {  	_ =	shalt  }
0x50: {  	_ =	shalt  }
0x51: {  	_ =	shalt  }
0x52: {  	_ =	shalt  }
0x53: {  	_ =	shalt  }
0x54: {  	_ =	shalt  }
0x55: {  	_ =	shalt  }
0x56: {  	_ =	shalt  }
0x57: {  	_ =	shalt  }
0x58: {  	_ =	shalt  }
0x59: {  	_ =	shalt  }
0x5a: {  	_ =	shalt  }
0x5b: {  	_ =	shalt  }
0x5c: {  	_ =	shalt  }
0x5d: {  	_ =	shalt  }
0x5e: {  	_ =	shalt  }
0x5f: {  	_ =	shalt  }
0x60: {  	_ =	shalt  }
0x61: {  	_ =	shalt  }
0x62: {  	_ =	shalt  }
0x63: {  	_ =	shalt  }
0x64: {  	_ =	shalt  }
0x65: {  	_ =	shalt  }
0x66: {  	_ =	shalt  }
0x67: {  	_ =	shalt  }
0x68: {  	_ =	shalt  }
0x69: {  	_ =	shalt  }
0x6a: {  	_ =	shalt  }
0x6b: {  	_ =	shalt  }
0x6c: {  	_ =	shalt  }
0x6d: {  	_ =	shalt  }
0x6e: {  	_ =	shalt  }
0x6f: {  	_ =	shalt  }
0x70: {  	_ =	shalt  }
0x71: {  	_ =	shalt  }
0x72: {  	_ =	shalt  }
0x73: {  	_ =	shalt  }
0x74: {  	_ =	shalt  }
0x75: {  	_ =	shalt  }
0x76: {  	_ =	shalt  }
0x77: {  	_ =	shalt  }
0x78: {  	_ =	shalt  }
0x79: {  	_ =	shalt  }
0x7a: {  	_ =	shalt  }
0x7b: {  	_ =	shalt  }
0x7c: {  	_ =	shalt  }
0x7d: {  	_ =	shalt  }
0x7e: {  	_ =	shalt  }
0x7f: {  	_ =	shalt  }
0x80: {  	_ =	shalt  }
0x81: {  	_ =	shalt  }
0x82: {  	_ =	shalt  }
0x83: {  	_ =	shalt  }
0x84: {  	_ =	shalt  }
0x85: {  	_ =	shalt  }
0x86: {  	_ =	shalt  }
0x87: {  	_ =	shalt  }
.Lfunc_end0:
.L_simem_size_0:
called_computation.4_lowered:
.L_overlay_start_0:
0x88: {  	s2 =	sld [smem:$0x3FD9]  }
0x89: {  	s3 =	sld [smem:$0x3FFE];
	_ =	sdelay $0x1  }
0x8a: {  	s1 =	srdreg.scid  }
0x8b: {  	s0 =	sand.u32 $0x1, s1  }
0x8c: {  	s16 =	sshll.u32 s0, $0xA;
	s2 =	sadd.s32 s3, s2  }
0x8d: {  	s2 =	sadd.s32 s2, s16  }
0x8e: {  	[smem:$0x3FBA] =	sst s2  }
0x8f: {  	_ = 	snop  }
0x90: {  	(tm) =	ssettm $0x1  }
0x91: {  	s17 =	sld [smem:$0x3FFB];
	_ =	sdelay $0x3  }
0x92: {  	_ =	strace s17  }
0x93: {  	s2 =	sld [smem:$0x3FFC];
	_ =	sdelay $0x3  }
0x94: {  	_ =	strace s2  }
0x95: {  	s2 =	sld [smem:$0x3FFD];
	_ =	sdelay $0x3  }
0x96: {  	_ =	strace s2  }
0x97: {  	_ =	strace $0x8FFFFFFF  }
0x98: {  	s18 =	sld [smem:$0x3FDB];
	_ =	sdelay $0x1  }
0x99: {  	s19 =	simm.s32 $_scs_section_size  }
0x9a: {  	s4 =	simm.s32 $_size__tile_overlayer_lowered;
	s5 =	simm.s32 $_tile_overlayer_lowered  }
0x9b: {  	s22 =	simm.s32 $0x1BFF;
	s21 =	sshll.u32 s5, $0x1;
	s2 =	sadd.s32 s19, s18  }
0x9c: {  	s6 =	simm.s32 $0x0;
	s20 =	sshll.u32 s4, $0x1;
	s4 =	sadd.s32 s21, s2  }
0x9d: {  	[timem:s6], [sflag:s22] =	dma.local [hbm:s4], s20  }
0x9e: {  	_ =	swait.ge [sflag:s22], s20  }
0x9f: {  	s3 =	ssub.s32 $0x0, s20;
	[sflag:s22] =	ssyncset.done $0x0  }
0xa0: {  	[sflag:s22] =	ssyncadd.s32 s3;
	_ =	sdelay $0x1  }
0xa1: {  	s23 =	simm.s32 $0x1B8B  }
0xa2: {  	_ =	swait.ge [sflag:s23], $0x1  }
0xa3: {  	[sflag:s23] =	ssyncset.done $0x0  }
0xa4: {  	s25 =	simm.s32 $0x1B8E;
	s24 =	sld [smem:$0x3FFE];
	[sflag:s23] =	ssyncadd.s32 $0xFFFFFFFF  }
0xa5: {  	s26 =	simm.s32 $execute0_lowered;
	[smem:$0x3FD2] =	sst s25  }
0xa6: {  	s4 =	sshll.u32 s26, $0x1;
	_ =	strace $0x80000052;
	[dreg:$0x1] =	wrdreg $0xFFFFFFFF  }
0xa7: {  	s28 =	simm.s32 $_size_execute0_lowered;
	s2 =	sadd.s32 s2, s4;
	[dreg:$0x0] =	wrdreg $0x0  }
0xa8: {  	s4 =	sshll.u32 s28, $0x1;
	[dreg:$0x2] =	wrdreg s2  }
0xa9: {  	[dreg:$0x3] =	wrdreg s4  }
0xaa: {  	[dreg:$0x4] =	wrdreg $0xC0  }
0xab: {  	_ =	task [dreg:s6], $0x5FFFF  }
0xac: {  	[dreg:$0x1] =	wrdreg $0xFFFFFFFF  }
0xad: {  	[dreg:$0x0] =	wrdreg $0x60  }
0xae: {  	[dreg:$0x2] =	wrdreg s24  }
0xaf: {  	[dreg:$0x3] =	wrdreg $0x9  }
0xb0: {  	_ =	task.clear_ibuf [dreg:s6], $0x4FFFF;
	_ =	strace $0x90000052  }
0xb1: {  	s29 =	simm.s32 $0x9;
	_ =	strace $0x80000054  }
0xb2: {  	_ =	swait.ge [sflag:s29], $0x1  }
0xb3: {  	[sflag:s29] =	ssyncadd.s32 $0xFFFFFFFF  }
0xb4: {  	_ =	strace $0x90000054  }
0xb5: {  	_ =	sfence  }
0xb6: {  	s30 =	sld [smem:$0x0];
	_ =	sdelay $0x2  }
0xb7: {  	s31 =	sshll.u32 s1, $0xD;
	s1 =	sshrl.u32 s1, $0x2  }
0xb8: {  	s3 =	sand.u32 $0x4000, s31;
	s1 =	sadd.s32 s1, s30  }
0xb9: {  	s0 =	sor.u32 s3, s0;
	s1 =	sshll.u32 s1, $0x11  }
0xba: {  	s0 =	sor.u32 s1, s0  }
0xbb: {  	s0 =	sadd.s32 $0x8F2B, s0  }
0xbc: {  	[sflag:s0] =	ssyncadd.remote.s32 $0x1  }
0xbd: {  	_ =	sfence.sel $0xFFFF  }
0xbe: {  	[dreg:$0x0] =	wrdreg $0xFFFFFFFF;
	(pc) =	sbr.abs _section_cstart, $3  }
0xbf: {  	[dreg:$0x1] =	wrdreg $0xFFFFFFFF  }
0xc0: {  	_ =	task.clear_ibuf [dreg:s6], $0x2FFFF;
	_ =	strace $0x9FFFFFFF  }
0xc1: {  	(tm) =	ssettm $0x7FFFFFFF  }
tec
execute0_lowered:
.L_overlay_start_1:
0x0: {  	(tag) =	ssettag $0x1  }
0x1: {  	s1 =	srdreg.scid;
	s0 =	stileid.u32  }
0x2: {  	s26 =	sand.u32 $0x1, s1;
	s3 =	sshll.u32 s0, $0x1  }
0x3: {  	s21 =	sor.u32 s26, s3  }
0x4: {  	p0 =	sgt.u32 s21, $0x18  }
.Ltmp0:
0x5: {  	_ = 	snop;
	(pc) =	sbr.rel @p0 .LBB2_4-.Ltmp0, $4  }
0x6: {  	_ = 	snop  }
0x7: {  	s25 =	rddreg [dreg:$0x0];
	s2 =	simm.s32 $0x0  }
0x8: {  	[smem:$0x7FF] =	sst s2  }
0x9: {  	s1 =	rddreg [dreg:$0x1];
	_ =	strace $0x80000053  }
0xa: {  	s3 =	sadd.s32 $0x3F400, s25;
	s4 =	sshll.u32 s21, $0x1  }
0xb: {  	s4 =	sadd.s32 s3, s4;
	s3 =	simm.s32 $0x6  }
0xc: {  	[tilespmem:s2], [sflag:$0x6] =	stream.linear.gather [hbm4b:s4+s2], $0x10, $0x38;
	[tilespmem:$0x2880] =	vst v63  }
0xd: {  	_ =	swait.ge [sflag:s3], $0x10  }
0xe: {  	s5 =	sadd.s32 $0x8DC00, s25;
	[sflag:s3] =	ssyncset.done $0x0  }
0xf: {  	s6 =	simm.s32 $0x10;
	s7 =	simm.s32 $0x80;
	[sflag:s3] =	ssyncadd.s32 $0xFFFFFFF0  }
0x10: {  	[tilespmem:s7], [sflag:$0x1] =	stream.indirect.gather [hbm4b:s5+s6], $0x80, s2, s6, $0xb8;
	[tilespmem:$0x2880] =	vst v63  }
0x11: {  	s8 =	sadd.s32 $0x3FA00, s25;
	s9 =	simm.s32 $0x1080  }
0x12: {  	[tilespmem:s9], [sflag:$0x3] =	stream.indirect.gather [hbm4b:s8+s6], $0x80, s2, s6, $0xb8;
	[tilespmem:$0x2880] =	vst v63  }
0x13: {  	s10 =	sadd.s32 $0xB4D00, s25;
	s11 =	simm.s32 $0x880  }
0x14: {  	[tilespmem:s11], [sflag:$0x2] =	stream.indirect.gather [hbm4b:s10+s6], $0x80, s2, s6, $0xb8;
	[tilespmem:$0x2880] =	vst v63  }
0x15: {  	s12 =	sadd.s32 $0x66B00, s25;
	s13 =	simm.s32 $0x1880  }
0x16: {  	[tilespmem:s13], [sflag:$0x4] =	stream.indirect.gather [hbm4b:s12+s6], $0x80, s2, s6, $0xb8;
	[tilespmem:$0x2880] =	vst v63  }
0x17: {  	s14 =	sadd.s32 $0x18200, s25;
	s15 =	simm.s32 $0x2080;
	s16 =	simm.s32 $0x1  }
0x18: {  	[tilespmem:s15], [sflag:$0x5] =	stream.indirect.gather [hbm4b:s14+s6], $0x80, s2, s6, $0xb8;
	[tilespmem:$0x2880] =	vst v63  }
0x19: {  	_ =	swait.ge [sflag:s16], $0x800  }
0x1a: {  	[sflag:s16] =	ssyncset.done $0x0  }
0x1b: {  	s17 =	simm.s32 $0x3;
	[sflag:s16] =	ssyncadd.s32 $0xFFFFF800  }
0x1c: {  	_ =	swait.ge [sflag:s17], $0x800  }
0x1d: {  	[sflag:s17] =	ssyncset.done $0x0  }
0x1e: {  	s18 =	simm.s32 $0x2;
	[sflag:s17] =	ssyncadd.s32 $0xFFFFF800  }
0x1f: {  	_ =	swait.ge [sflag:s18], $0x800  }
0x20: {  	[sflag:s18] =	ssyncset.done $0x0  }
0x21: {  	s19 =	simm.s32 $0x4;
	[sflag:s18] =	ssyncadd.s32 $0xFFFFF800  }
0x22: {  	_ =	swait.ge [sflag:s19], $0x800  }
0x23: {  	[sflag:s19] =	ssyncset.done $0x0  }
0x24: {  	s20 =	simm.s32 $0x5;
	[sflag:s19] =	ssyncadd.s32 $0xFFFFF800  }
0x25: {  	_ =	swait.ge [sflag:s20], $0x800  }
0x26: {  	s23 =	sadd.s32 $0x4000, s25;
	s28 =	sshll.u32 s21, $0x8;
	[sflag:s20] =	ssyncset.done $0x0  }
0x27: {  	s21 =	sadd.s32 s23, s28;
	[sflag:s20] =	ssyncadd.s32 $0xFFFFF800  }
0x28: {  	[hbm4b:s21+s2] =	stream.linear.scatter [tilespmem:s7], [sflag:$0x6], $0x800, $0x38;
	[tilespmem:$0x2880] =	vst v63  }
0x29: {  	_ =	swait.ge [sflag:s3], $0x800  }
0x2a: {  	s24 =	sadd.s32 $0x7200, s25;
	[sflag:s3] =	ssyncset.done $0x0  }
0x2b: {  	s22 =	sadd.s32 s24, s28;
	[sflag:s3] =	ssyncadd.s32 $0xFFFFF800  }
0x2c: {  	[hbm4b:s22+s2] =	stream.linear.scatter [tilespmem:s9], [sflag:$0x6], $0x800, $0x38;
	[tilespmem:$0x2880] =	vst v63  }
0x2d: {  	_ =	swait.ge [sflag:s3], $0x800  }
0x2e: {  	s29 =	sadd.s32 $0x1900, s28;
	[sflag:s3] =	ssyncset.done $0x0  }
0x2f: {  	s26 =	ssub.s32 $0x2, s26;
	s23 =	sadd.s32 s23, s29;
	[sflag:s3] =	ssyncadd.s32 $0xFFFFF800  }
0x30: {  	[hbm4b:s23+s2] =	stream.linear.scatter [tilespmem:s11], [sflag:$0x6], $0x800, $0x38;
	[tilespmem:$0x2880] =	vst v63  }
0x31: {  	s30 =	sshrl.u32 s26, $0x1;
	_ =	swait.ge [sflag:s3], $0x800  }
0x32: {  	s26 =	ssub.s32 s26, s30;
	[sflag:s3] =	ssyncset.done $0x0  }
0x33: {  	s24 =	sadd.s32 s24, s29;
	s26 =	smax.u32 s26, $0x1;
	[sflag:s3] =	ssyncadd.s32 $0xFFFFF800  }
0x34: {  	[hbm4b:s24+s2] =	stream.linear.scatter [tilespmem:s13], [sflag:$0x6], $0x800, $0x38;
	[tilespmem:$0x2880] =	vst v63  }
0x35: {  	p0 =	sne.s32 s26, $0x1;
	_ =	swait.ge [sflag:s3], $0x800  }
.Ltmp1:
0x36: {  	s31 =	sadd.s32 s28, s25;
	[sflag:s3] =	ssyncset.done $0x0;
	(pc) =	sbr.rel @!p0 .LBB2_3-.Ltmp1, $4  }
0x37: {  	s25 =	sadd.s32 $0xA400, s31;
	[sflag:s3] =	ssyncadd.s32 $0xFFFFF800  }
0x38: {  	[hbm4b:s25+s2] =	stream.linear.scatter [tilespmem:s15], [sflag:$0x6], $0x800, $0x38;
	[tilespmem:$0x2880] =	vst v63  }
0x39: {  	_ =	swait.ge [sflag:s3], $0x800  }
0x3a: {  	s26 =	sadd.s32 $0xFFFFFFFF, s26;
	[sflag:s3] =	ssyncset.done $0x0  }
.LBB2_2:
0x3b: {  	p0 =	sne.s32 s26, $0x1;
	s26 =	sadd.s32 $0xFFFFFFFF, s26;
	[sflag:s3] =	ssyncadd.s32 $0xFFFFF800  }
0x3c: {  	[tilespmem:s2], [sflag:$0x6] =	stream.linear.gather [hbm4b:s4+s2], $0x10, $0x38;
	[tilespmem:$0x2880] =	vst v63  }
0x3d: {  	_ =	swait.ge [sflag:s3], $0x10  }
0x3e: {  	[sflag:s3] =	ssyncset.done $0x0  }
0x3f: {  	[sflag:s3] =	ssyncadd.s32 $0xFFFFFFF0  }
0x40: {  	[tilespmem:s7], [sflag:$0x1] =	stream.indirect.gather [hbm4b:s5+s6], $0x80, s2, s6, $0xb8;
	[tilespmem:$0x2880] =	vst v63  }
0x41: {  	_ = 	snop  }
0x42: {  	[tilespmem:s9], [sflag:$0x3] =	stream.indirect.gather [hbm4b:s8+s6], $0x80, s2, s6, $0xb8;
	[tilespmem:$0x2880] =	vst v63  }
0x43: {  	_ = 	snop  }
0x44: {  	[tilespmem:s11], [sflag:$0x2] =	stream.indirect.gather [hbm4b:s10+s6], $0x80, s2, s6, $0xb8;
	[tilespmem:$0x2880] =	vst v63  }
0x45: {  	_ = 	snop  }
0x46: {  	[tilespmem:s13], [sflag:$0x4] =	stream.indirect.gather [hbm4b:s12+s6], $0x80, s2, s6, $0xb8;
	[tilespmem:$0x2880] =	vst v63  }
0x47: {  	_ = 	snop  }
0x48: {  	[tilespmem:s15], [sflag:$0x5] =	stream.indirect.gather [hbm4b:s14+s6], $0x80, s2, s6, $0xb8;
	[tilespmem:$0x2880] =	vst v63  }
0x49: {  	_ =	swait.ge [sflag:s16], $0x800  }
0x4a: {  	[sflag:s16] =	ssyncset.done $0x0  }
0x4b: {  	[sflag:s16] =	ssyncadd.s32 $0xFFFFF800  }
0x4c: {  	_ =	swait.ge [sflag:s17], $0x800  }
0x4d: {  	[sflag:s17] =	ssyncset.done $0x0  }
0x4e: {  	[sflag:s17] =	ssyncadd.s32 $0xFFFFF800  }
0x4f: {  	_ =	swait.ge [sflag:s18], $0x800  }
0x50: {  	[sflag:s18] =	ssyncset.done $0x0  }
0x51: {  	[sflag:s18] =	ssyncadd.s32 $0xFFFFF800  }
0x52: {  	_ =	swait.ge [sflag:s19], $0x800  }
0x53: {  	[sflag:s19] =	ssyncset.done $0x0  }
0x54: {  	[sflag:s19] =	ssyncadd.s32 $0xFFFFF800  }
0x55: {  	_ =	swait.ge [sflag:s20], $0x800  }
0x56: {  	[sflag:s20] =	ssyncset.done $0x0  }
0x57: {  	[sflag:s20] =	ssyncadd.s32 $0xFFFFF800  }
0x58: {  	[hbm4b:s21+s2] =	stream.linear.scatter [tilespmem:s7], [sflag:$0x6], $0x800, $0x38;
	[tilespmem:$0x2880] =	vst v63  }
0x59: {  	_ =	swait.ge [sflag:s3], $0x800  }
0x5a: {  	[sflag:s3] =	ssyncset.done $0x0  }
0x5b: {  	[sflag:s3] =	ssyncadd.s32 $0xFFFFF800  }
0x5c: {  	[hbm4b:s22+s2] =	stream.linear.scatter [tilespmem:s9], [sflag:$0x6], $0x800, $0x38;
	[tilespmem:$0x2880] =	vst v63  }
0x5d: {  	_ =	swait.ge [sflag:s3], $0x800  }
0x5e: {  	[sflag:s3] =	ssyncset.done $0x0  }
0x5f: {  	[sflag:s3] =	ssyncadd.s32 $0xFFFFF800  }
0x60: {  	[hbm4b:s23+s2] =	stream.linear.scatter [tilespmem:s11], [sflag:$0x6], $0x800, $0x38;
	[tilespmem:$0x2880] =	vst v63  }
0x61: {  	_ =	swait.ge [sflag:s3], $0x800  }
0x62: {  	[sflag:s3] =	ssyncset.done $0x0  }
0x63: {  	[sflag:s3] =	ssyncadd.s32 $0xFFFFF800  }
0x64: {  	[hbm4b:s24+s2] =	stream.linear.scatter [tilespmem:s13], [sflag:$0x6], $0x800, $0x38;
	[tilespmem:$0x2880] =	vst v63  }
0x65: {  	_ =	swait.ge [sflag:s3], $0x800  }
.Ltmp2:
0x66: {  	[sflag:s3] =	ssyncset.done $0x0;
	(pc) =	sbr.rel @p0 .LBB2_2-.Ltmp2, $4  }
0x67: {  	[sflag:s3] =	ssyncadd.s32 $0xFFFFF800  }
0x68: {  	[hbm4b:s25+s2] =	stream.linear.scatter [tilespmem:s15], [sflag:$0x6], $0x800, $0x38;
	[tilespmem:$0x2880] =	vst v63  }
0x69: {  	_ =	swait.ge [sflag:s3], $0x800  }
0x6a: {  	[sflag:s3] =	ssyncset.done $0x0  }
.LBB2_3:
0x6b: {  	[sflag:s3] =	ssyncadd.s32 $0xFFFFF800  }
.LBB2_4:
0x6c: {  	_ =	sfence.sel $0x180000  }
0x6d: {  	[bflag:$0x0] =	sbarrier.arrive $0xFFFF  }
0x6e: {  	p0 =	sne.s32 s0, $0x0;
	_ =	strace $0x90000053  }
0x6f: {  	s0 =	sadd.s32 @!p0 $0x100000, s1;
	[bflag:$0x2] =	sbarrier.arrive $0xFFFF  }
0x70: {  	[sflag:s0] =	ssyncadd.tile.s32 @!p0 $0x1;
	_ =	shalt  }
.Lfunc_end2:
_tile_overlayer_lowered:
.L_overlay_start_2:
0x71: {  	(tag) =	ssettag $0x2  }
0x72: {  	s0 =	rddreg [dreg:$0x0];
	s2 =	stileid.u32  }
0x73: {  	s1 =	rddreg [dreg:$0x1];
	p0 =	sne.s32 s2, $0x0  }
0x74: {  	s3 =	rddreg [dreg:$0x2];
	[bflag:$0x3] =	sbarrier.arrive $0xFFFF;
	s2 =	simm.s32 @!p0 $0x1C06  }
0x75: {  	[timem:s3], [sflag:s2] =	dma.local @!p0 [hbm:s0], s1  }
0x76: {  	s0 =	simm.s32 @!p0 $0x6  }
0x77: {  	_ =	swait.ge @!p0 [sflag:s0], s1  }
0x78: {  	s1 =	ssub.s32 @!p0 $0x0, s1;
	[sflag:s0] =	ssyncset.done @!p0 $0x0  }
0x79: {  	[sflag:s0] =	ssyncadd.s32 @!p0 s1  }
0x7a: {  	[bflag:$0x3] =	sbarrier.arrive $0xFFFF  }
0x7b: {  	_ =	shalt  }

</sc_bundles>
